<compile_context>
chip_gen: v7x
topology: tpu7x:2x2x1
jax: 0.10.2.dev20260603
libtpu: 0.0.44.dev20260713+nightly
codegen_flags: <defaults>
</compile_context>

<pallas_src>
import functools

import jax
import jax.numpy as jnp
from jax import lax
from jax.experimental import pallas as pl
from jax.experimental.pallas import tpu as pltpu
from jax.experimental.pallas import tpu_sc as plsc

N_LAYERS = 10
C = 128
N_NODES = 10000
N_EDGES = 320000

NW = 32
CH = 128
NCH = 80
EPW = NCH * CH
E_PAD = NW * EPW
ROWS_PAD = 10240
RPT = ROWS_PAD // 16

BR = 2000
GRID = N_NODES // BR



def _sc_agg_body(m_hbm, src_hbm, dst_hbm, zeros_hbm, out_hbm,
                 srcb, dstb, rows, agg_s, sem):
    c = lax.axis_index("c")
    s = lax.axis_index("s")
    wid = s * 2 + c

    pltpu.sync_copy(zeros_hbm, agg_s.at[pl.ds(s * RPT, RPT)])
    plsc.subcore_barrier()

    pltpu.sync_copy(src_hbm.at[wid], srcb)
    pltpu.sync_copy(dst_hbm.at[wid], dstb)

    def chunk(j, carry):
        pltpu.async_copy(m_hbm.at[srcb.at[j]], rows, sem).wait()
        pltpu.sync_copy(rows, agg_s.at[dstb.at[j]], add=True)
        return carry

    lax.fori_loop(0, NCH, chunk, 0)

    plsc.subcore_barrier()
    pltpu.sync_copy(agg_s.at[pl.ds(s * RPT, RPT)],
                    out_hbm.at[c, pl.ds(s * RPT, RPT)])


@functools.cache
def _get_sc_agg():
    return functools.partial(
        pl.kernel,
        out_type=jax.ShapeDtypeStruct((2, ROWS_PAD, C), jnp.float32),
        mesh=plsc.VectorSubcoreMesh(core_axis_name="c", subcore_axis_name="s"),
        scratch_types=[
            pltpu.VMEM((NCH, CH), jnp.int32),
            pltpu.VMEM((NCH, CH), jnp.int32),
            pltpu.VMEM((CH, C), jnp.float32),
            pltpu.VMEM_SHARED((ROWS_PAD, C), jnp.float32),
            pltpu.SemaphoreType.DMA,
        ],
    )(_sc_agg_body)



def _mm_body(x_ref, w_ref, o_ref):
    o_ref[...] = jnp.dot(x_ref[...], w_ref[...],
                         preferred_element_type=jnp.float32)


_mm = pl.pallas_call(
    _mm_body,
    grid=(GRID,),
    in_specs=[pl.BlockSpec((BR, C), lambda i: (i, 0)),
              pl.BlockSpec((C, C), lambda i: (0, 0))],
    out_specs=pl.BlockSpec((BR, C), lambda i: (i, 0)),
    out_shape=jax.ShapeDtypeStruct((N_NODES, C), jnp.float32),
)


def _gru_math(p_ref, h_ref, wihT_ref, whhT_ref, bih_ref, bhh_ref):
    agg = p_ref[0] + p_ref[1]
    h = h_ref[...]
    gi = jnp.dot(agg, wihT_ref[...], preferred_element_type=jnp.float32)
    gi = gi + bih_ref[...]
    gh = jnp.dot(h, whhT_ref[...], preferred_element_type=jnp.float32)
    gh = gh + bhh_ref[...]
    r = jax.nn.sigmoid(gi[:, :C] + gh[:, :C])
    z = jax.nn.sigmoid(gi[:, C:2 * C] + gh[:, C:2 * C])
    n = jnp.tanh(gi[:, 2 * C:] + r * gh[:, 2 * C:])
    return (1.0 - z) * n + z * h


def _step_body(p_ref, h_ref, wihT_ref, whhT_ref, bih_ref, bhh_ref, wn_ref,
               h_out, m_out):
    hn = _gru_math(p_ref, h_ref, wihT_ref, whhT_ref, bih_ref, bhh_ref)
    h_out[...] = hn
    m_out[...] = jnp.dot(hn, wn_ref[...], preferred_element_type=jnp.float32)


def _final_body(p_ref, h_ref, wihT_ref, whhT_ref, bih_ref, bhh_ref, o_ref):
    hn = _gru_math(p_ref, h_ref, wihT_ref, whhT_ref, bih_ref, bhh_ref)
    o_ref[...] = jnp.maximum(hn, 0.0)


_COMMON_SPECS = [
    pl.BlockSpec((2, BR, C), lambda i: (0, i, 0)),
    pl.BlockSpec((BR, C), lambda i: (i, 0)),
    pl.BlockSpec((C, 3 * C), lambda i: (0, 0)),
    pl.BlockSpec((C, 3 * C), lambda i: (0, 0)),
    pl.BlockSpec((1, 3 * C), lambda i: (0, 0)),
    pl.BlockSpec((1, 3 * C), lambda i: (0, 0)),
]

_step = pl.pallas_call(
    _step_body,
    grid=(GRID,),
    in_specs=_COMMON_SPECS + [pl.BlockSpec((C, C), lambda i: (0, 0))],
    out_specs=[pl.BlockSpec((BR, C), lambda i: (i, 0)),
               pl.BlockSpec((BR, C), lambda i: (i, 0))],
    out_shape=[jax.ShapeDtypeStruct((N_NODES, C), jnp.float32),
               jax.ShapeDtypeStruct((N_NODES, C), jnp.float32)],
)

_final = pl.pallas_call(
    _final_body,
    grid=(GRID,),
    in_specs=_COMMON_SPECS,
    out_specs=pl.BlockSpec((BR, C), lambda i: (i, 0)),
    out_shape=jax.ShapeDtypeStruct((N_NODES, C), jnp.float32),
)



def kernel(x, edge_index, weight, w_ih, w_hh, b_ih, b_hh):
    src = edge_index[0].astype(jnp.int32)
    dst = edge_index[1].astype(jnp.int32)
    pad = E_PAD - N_EDGES
    src_p = jnp.concatenate([src, jnp.zeros((pad,), jnp.int32)])
    dst_p = jnp.concatenate([dst, jnp.full((pad,), N_NODES, jnp.int32)])
    src_p = src_p.reshape(NW, NCH, CH)
    dst_p = dst_p.reshape(NW, NCH, CH)
    zeros = jnp.zeros((RPT, C), jnp.float32)

    wihT = w_ih.T
    whhT = w_hh.T
    bih2 = b_ih.reshape(1, 3 * C)
    bhh2 = b_hh.reshape(1, 3 * C)

    sc_agg = _get_sc_agg()
    h = x
    m = _mm(h, weight[0])
    for i in range(N_LAYERS):
        p = sc_agg(m, src_p, dst_p, zeros)
        if i + 1 < N_LAYERS:
            h, m = _step(p, h, wihT, whhT, bih2, bhh2, weight[i + 1])
        else:
            h = _final(p, h, wihT, whhT, bih2, bhh2)
    return h

# --- scband reference (transcript-rebuilt; emitter-appended) ---
"""Pipeline reference for scband-grumodel-48103633715439 (READ-ONLY COPY).

The authoritative reference and input builder live on the scoring server;
editing this copy changes nothing except your own understanding.
"""

import jax, jax.numpy as jnp
import numpy as np

NUM_LAYERS = 10
CHANNELS = 128
N_NODES = 10000
N_EDGES = 320000


def setup_inputs(seed: int = 0) -> dict:
    key = jax.random.key(seed)
    k1, k2, k3, k4, k5, k6, k7 = jax.random.split(key, 7)
    x = jax.random.normal(k1, (N_NODES, CHANNELS), dtype=jnp.float32)
    edge_index = jax.random.randint(k2, (2, N_EDGES), 0, N_NODES, dtype=jnp.int64)
    # GatedGraphConv propagation weight: [num_layers, channels, channels]
    weight = jax.random.normal(k3, (NUM_LAYERS, CHANNELS, CHANNELS), dtype=jnp.float32) * (1.0 / np.sqrt(CHANNELS))
    # GRUCell params (PyTorch layout): weight_ih [3H, H], weight_hh [3H, H], biases [3H]
    bound = 1.0 / np.sqrt(CHANNELS)
    w_ih = jax.random.uniform(k4, (3 * CHANNELS, CHANNELS), dtype=jnp.float32, minval=-bound, maxval=bound)
    w_hh = jax.random.uniform(k5, (3 * CHANNELS, CHANNELS), dtype=jnp.float32, minval=-bound, maxval=bound)
    b_ih = jax.random.uniform(k6, (3 * CHANNELS,), dtype=jnp.float32, minval=-bound, maxval=bound)
    b_hh = jax.random.uniform(k7, (3 * CHANNELS,), dtype=jnp.float32, minval=-bound, maxval=bound)
    return {"x": x, "edge_index": edge_index, "weight": weight, "w_ih": w_ih, "w_hh": w_hh, "b_ih": b_ih, "b_hh": b_hh}


def _gru_cell(inp, h, w_ih, w_hh, b_ih, b_hh):
    gi = inp @ w_ih.T + b_ih
    gh = h @ w_hh.T + b_hh
    i_r, i_z, i_n = jnp.split(gi, 3, axis=-1)
    h_r, h_z, h_n = jnp.split(gh, 3, axis=-1)
    r = jax.nn.sigmoid(i_r + h_r)
    z = jax.nn.sigmoid(i_z + h_z)
    n = jnp.tanh(i_n + r * h_n)
    return (1.0 - z) * n + z * h


def reference(x, edge_index, weight, w_ih, w_hh, b_ih, b_hh):
    src = edge_index[0]
    dst = edge_index[1]
    n_nodes = x.shape[0]
    h = x
    for i in range(NUM_LAYERS):
        m = h @ weight[i]
        # message = m[src], aggregate sum at dst (scatter-add)
        agg = jax.ops.segment_sum(jnp.take(m, src, axis=0), dst, num_segments=n_nodes)
        h = _gru_cell(agg, h, w_ih, w_hh, b_ih, b_hh)
    return jax.nn.relu(h)

if __name__ == "__main__":
    import jax
    _d = setup_inputs()
    print(jax.jit(kernel)(*tuple(_d.values())))

</pallas_src>

<mosaic_0001>
#map = affine_map<(d0, d1) -> (0, 0)>
#map1 = affine_map<(d0, d1) -> (0, 0, 0)>
module attributes {stable_mosaic.version = 14 : i64} {
  func.func @_sc_agg_body(%arg0: i32, %arg1: i32, %arg2: memref<10000x128xf32, #tpu.memory_space<hbm>>, %arg3: memref<32x80x128xi32, #tpu.memory_space<hbm>>, %arg4: memref<32x80x128xi32, #tpu.memory_space<hbm>>, %arg5: memref<640x128xf32, #tpu.memory_space<hbm>>, %arg6: memref<2x10240x128xf32, #tpu.memory_space<hbm>>, %arg7: memref<80x128xi32, #tpu.memory_space<vmem>>, %arg8: memref<80x128xi32, #tpu.memory_space<vmem>>, %arg9: memref<128x128xf32, #tpu.memory_space<vmem>>, %arg10: memref<10240x128xf32, #tpu.memory_space<vmem_shared>>, %arg11: memref<!tpu.dma_semaphore, #tpu.memory_space<semaphore_mem>>) attributes {dimension_semantics = [#tpu.dimension_semantics<core_parallel>, #tpu.dimension_semantics<subcore_parallel>], iteration_bounds = array<i64: 2, 16>, scalar_prefetch = 0 : i64, scratch_operands = 5 : i64, tpu.core_type = #tpu.core_type<sc_vector_subcore>, window_params = [{transform_indices = #map}, {transform_indices = #map1}, {transform_indices = #map1}, {transform_indices = #map}, {transform_indices = #map1}]} {
    %mul3A = arith.constant 2 : i32
    %mul3A_0 = arith.muli %arg1, %mul3A : i32
    %add3A = arith.addi %mul3A_0, %arg0 : i32
    %mul3A_1 = arith.constant 640 : i32
    %mul3A_2 = arith.muli %arg1, %mul3A_1 : i32
    "tpu.region"() ({
      %run_scoped3A = tpu.sem_alloc : memref<!tpu.dma_semaphore, #tpu.memory_space<semaphore_mem>>
      %dma_start3A = arith.constant 0 : i32
      %dma_start3A_13 = tpu.memref_slice %arg10[%mul3A_2, %dma_start3A] : memref<10240x128xf32, #tpu.memory_space<vmem_shared>> -> memref<640x128xf32, #tpu.memory_space<vmem_shared>>
      tpu.enqueue_dma source(%arg5 : memref<640x128xf32, #tpu.memory_space<hbm>>) target(%dma_start3A_13 : memref<640x128xf32, #tpu.memory_space<vmem_shared>>) target_semaphore(%run_scoped3A : memref<!tpu.dma_semaphore, #tpu.memory_space<semaphore_mem>>)
      %dma_wait3A = arith.constant 0 : i32
      %dma_wait3A_14 = tpu.memref_slice %arg10[%mul3A_2, %dma_wait3A] : memref<10240x128xf32, #tpu.memory_space<vmem_shared>> -> memref<640x128xf32, #tpu.memory_space<vmem_shared>>
      tpu.wait_dma2 semaphore(%run_scoped3A : memref<!tpu.dma_semaphore, #tpu.memory_space<semaphore_mem>>) src(%arg5 : memref<640x128xf32, #tpu.memory_space<hbm>>) dst(%dma_wait3A_14 : memref<640x128xf32, #tpu.memory_space<vmem_shared>>)
      tpu.yield
    }) : () -> ()
    %barrier3A = arith.constant 0 : index
    tpu.barrier barrier_id(%barrier3A)
    "tpu.region"() ({
      %run_scoped3A = tpu.sem_alloc : memref<!tpu.dma_semaphore, #tpu.memory_space<semaphore_mem>>
      %dma_start3A = arith.constant 0 : i32
      %dma_start3A_13 = arith.constant 0 : i32
      %dma_start3A_14 = tpu.memref_slice %arg3[%add3A, %dma_start3A, %dma_start3A_13] : memref<32x80x128xi32, #tpu.memory_space<hbm>> -> memref<1x80x128xi32, #tpu.memory_space<hbm>>
      %dma_start3A_15 = tpu.memref_squeeze %dma_start3A_14 : memref<1x80x128xi32, #tpu.memory_space<hbm>> -> memref<80x128xi32, #tpu.memory_space<hbm>>
      %dma_start3A_16 = arith.constant 0 : i32
      %dma_start3A_17 = arith.constant 0 : i32
      %dma_start3A_18 = tpu.memref_slice %arg3[%add3A, %dma_start3A_16, %dma_start3A_17] : memref<32x80x128xi32, #tpu.memory_space<hbm>> -> memref<1x80x128xi32, #tpu.memory_space<hbm>>
      %dma_start3A_19 = tpu.memref_squeeze %dma_start3A_18 : memref<1x80x128xi32, #tpu.memory_space<hbm>> -> memref<80x128xi32, #tpu.memory_space<hbm>>
      tpu.enqueue_dma source(%dma_start3A_19 : memref<80x128xi32, #tpu.memory_space<hbm>>) target(%arg7 : memref<80x128xi32, #tpu.memory_space<vmem>>) target_semaphore(%run_scoped3A : memref<!tpu.dma_semaphore, #tpu.memory_space<semaphore_mem>>)
      %dma_wait3A = arith.constant 0 : i32
      %dma_wait3A_20 = arith.constant 0 : i32
      %dma_wait3A_21 = tpu.memref_slice %arg3[%add3A, %dma_wait3A, %dma_wait3A_20] : memref<32x80x128xi32, #tpu.memory_space<hbm>> -> memref<1x80x128xi32, #tpu.memory_space<hbm>>
      %dma_wait3A_22 = tpu.memref_squeeze %dma_wait3A_21 : memref<1x80x128xi32, #tpu.memory_space<hbm>> -> memref<80x128xi32, #tpu.memory_space<hbm>>
      %dma_wait3A_23 = arith.constant 0 : i32
      %dma_wait3A_24 = arith.constant 0 : i32
      %dma_wait3A_25 = tpu.memref_slice %arg3[%add3A, %dma_wait3A_23, %dma_wait3A_24] : memref<32x80x128xi32, #tpu.memory_space<hbm>> -> memref<1x80x128xi32, #tpu.memory_space<hbm>>
      %dma_wait3A_26 = tpu.memref_squeeze %dma_wait3A_25 : memref<1x80x128xi32, #tpu.memory_space<hbm>> -> memref<80x128xi32, #tpu.memory_space<hbm>>
      tpu.wait_dma2 semaphore(%run_scoped3A : memref<!tpu.dma_semaphore, #tpu.memory_space<semaphore_mem>>) src(%dma_wait3A_26 : memref<80x128xi32, #tpu.memory_space<hbm>>) dst(%arg7 : memref<80x128xi32, #tpu.memory_space<vmem>>)
      tpu.yield
    }) : () -> ()
    "tpu.region"() ({
      %run_scoped3A = tpu.sem_alloc : memref<!tpu.dma_semaphore, #tpu.memory_space<semaphore_mem>>
      %dma_start3A = arith.constant 0 : i32
      %dma_start3A_13 = arith.constant 0 : i32
      %dma_start3A_14 = tpu.memref_slice %arg4[%add3A, %dma_start3A, %dma_start3A_13] : memref<32x80x128xi32, #tpu.memory_space<hbm>> -> memref<1x80x128xi32, #tpu.memory_space<hbm>>
      %dma_start3A_15 = tpu.memref_squeeze %dma_start3A_14 : memref<1x80x128xi32, #tpu.memory_space<hbm>> -> memref<80x128xi32, #tpu.memory_space<hbm>>
      %dma_start3A_16 = arith.constant 0 : i32
      %dma_start3A_17 = arith.constant 0 : i32
      %dma_start3A_18 = tpu.memref_slice %arg4[%add3A, %dma_start3A_16, %dma_start3A_17] : memref<32x80x128xi32, #tpu.memory_space<hbm>> -> memref<1x80x128xi32, #tpu.memory_space<hbm>>
      %dma_start3A_19 = tpu.memref_squeeze %dma_start3A_18 : memref<1x80x128xi32, #tpu.memory_space<hbm>> -> memref<80x128xi32, #tpu.memory_space<hbm>>
      tpu.enqueue_dma source(%dma_start3A_19 : memref<80x128xi32, #tpu.memory_space<hbm>>) target(%arg8 : memref<80x128xi32, #tpu.memory_space<vmem>>) target_semaphore(%run_scoped3A : memref<!tpu.dma_semaphore, #tpu.memory_space<semaphore_mem>>)
      %dma_wait3A = arith.constant 0 : i32
      %dma_wait3A_20 = arith.constant 0 : i32
      %dma_wait3A_21 = tpu.memref_slice %arg4[%add3A, %dma_wait3A, %dma_wait3A_20] : memref<32x80x128xi32, #tpu.memory_space<hbm>> -> memref<1x80x128xi32, #tpu.memory_space<hbm>>
      %dma_wait3A_22 = tpu.memref_squeeze %dma_wait3A_21 : memref<1x80x128xi32, #tpu.memory_space<hbm>> -> memref<80x128xi32, #tpu.memory_space<hbm>>
      %dma_wait3A_23 = arith.constant 0 : i32
      %dma_wait3A_24 = arith.constant 0 : i32
      %dma_wait3A_25 = tpu.memref_slice %arg4[%add3A, %dma_wait3A_23, %dma_wait3A_24] : memref<32x80x128xi32, #tpu.memory_space<hbm>> -> memref<1x80x128xi32, #tpu.memory_space<hbm>>
      %dma_wait3A_26 = tpu.memref_squeeze %dma_wait3A_25 : memref<1x80x128xi32, #tpu.memory_space<hbm>> -> memref<80x128xi32, #tpu.memory_space<hbm>>
      tpu.wait_dma2 semaphore(%run_scoped3A : memref<!tpu.dma_semaphore, #tpu.memory_space<semaphore_mem>>) src(%dma_wait3A_26 : memref<80x128xi32, #tpu.memory_space<hbm>>) dst(%arg8 : memref<80x128xi32, #tpu.memory_space<vmem>>)
      tpu.yield
    }) : () -> ()
    %scan3A = arith.constant 0 : i32
    %scan3A_3 = arith.constant 0 : i32
    %scan3A_4 = arith.constant 80 : i32
    %scan3A_5 = arith.addi %scan3A_3, %scan3A_4 : i32
    %scan3A_6 = arith.constant 1 : i32
    scf.for %scan3A_13 = %scan3A_3 to %scan3A_5 step %scan3A_6  : i32 {
      %dma_start3A = arith.constant 0 : i32
      %dma_start3A_14 = tpu.memref_slice %arg7[%scan3A_13, %dma_start3A] : memref<80x128xi32, #tpu.memory_space<vmem>> -> memref<1x128xi32, #tpu.memory_space<vmem>>
      %dma_start3A_15 = tpu.memref_squeeze %dma_start3A_14 : memref<1x128xi32, #tpu.memory_space<vmem>> -> memref<128xi32, #tpu.memory_space<vmem>>
      %dma_start3A_16 = arith.constant 0 : i32
      %dma_start3A_17 = arith.constant 0 : i32
      %dma_start3A_18 = tpu.memref_slice %arg2[%dma_start3A_16, %dma_start3A_17] : memref<10000x128xf32, #tpu.memory_space<hbm>> -> memref<10000x128xf32, #tpu.memory_space<hbm>>
      tpu.enqueue_indirect_dma source(%dma_start3A_18 : memref<10000x128xf32, #tpu.memory_space<hbm>>) target(%arg9 : memref<128x128xf32, #tpu.memory_space<vmem>>) offsets(%dma_start3A_15 : memref<128xi32, #tpu.memory_space<vmem>>) semaphore(%arg11 : memref<!tpu.dma_semaphore, #tpu.memory_space<semaphore_mem>>)
      %dma_wait3A = arith.constant 0 : i32
      %dma_wait3A_19 = tpu.memref_slice %arg7[%scan3A_13, %dma_wait3A] : memref<80x128xi32, #tpu.memory_space<vmem>> -> memref<1x128xi32, #tpu.memory_space<vmem>>
      %dma_wait3A_20 = tpu.memref_squeeze %dma_wait3A_19 : memref<1x128xi32, #tpu.memory_space<vmem>> -> memref<128xi32, #tpu.memory_space<vmem>>
      %dma_wait3A_21 = arith.constant 0 : i32
      %dma_wait3A_22 = arith.constant 0 : i32
      %dma_wait3A_23 = tpu.memref_slice %arg2[%dma_wait3A_21, %dma_wait3A_22] : memref<10000x128xf32, #tpu.memory_space<hbm>> -> memref<10000x128xf32, #tpu.memory_space<hbm>>
      tpu.wait_indirect_dma semaphore(%arg11 : memref<!tpu.dma_semaphore, #tpu.memory_space<semaphore_mem>>) src(%dma_wait3A_23 : memref<10000x128xf32, #tpu.memory_space<hbm>>) dst(%arg9 : memref<128x128xf32, #tpu.memory_space<vmem>>)
      "tpu.region"() ({
        %run_scoped3A = tpu.sem_alloc : memref<!tpu.dma_semaphore, #tpu.memory_space<semaphore_mem>>
        %dma_start3A_24 = arith.constant 0 : i32
        %dma_start3A_25 = tpu.memref_slice %arg8[%scan3A_13, %dma_start3A_24] : memref<80x128xi32, #tpu.memory_space<vmem>> -> memref<1x128xi32, #tpu.memory_space<vmem>>
        %dma_start3A_26 = tpu.memref_squeeze %dma_start3A_25 : memref<1x128xi32, #tpu.memory_space<vmem>> -> memref<128xi32, #tpu.memory_space<vmem>>
        %dma_start3A_27 = arith.constant 0 : i32
        %dma_start3A_28 = arith.constant 0 : i32
        %dma_start3A_29 = tpu.memref_slice %arg10[%dma_start3A_27, %dma_start3A_28] : memref<10240x128xf32, #tpu.memory_space<vmem_shared>> -> memref<10240x128xf32, #tpu.memory_space<vmem_shared>>
        tpu.enqueue_indirect_dma source(%arg9 : memref<128x128xf32, #tpu.memory_space<vmem>>) target(%dma_start3A_29 : memref<10240x128xf32, #tpu.memory_space<vmem_shared>>) offsets(%dma_start3A_26 : memref<128xi32, #tpu.memory_space<vmem>>) semaphore(%run_scoped3A : memref<!tpu.dma_semaphore, #tpu.memory_space<semaphore_mem>>) {add = true}
        %dma_wait3A_30 = arith.constant 0 : i32
        %dma_wait3A_31 = tpu.memref_slice %arg8[%scan3A_13, %dma_wait3A_30] : memref<80x128xi32, #tpu.memory_space<vmem>> -> memref<1x128xi32, #tpu.memory_space<vmem>>
        %dma_wait3A_32 = tpu.memref_squeeze %dma_wait3A_31 : memref<1x128xi32, #tpu.memory_space<vmem>> -> memref<128xi32, #tpu.memory_space<vmem>>
        %dma_wait3A_33 = arith.constant 0 : i32
        %dma_wait3A_34 = arith.constant 0 : i32
        %dma_wait3A_35 = tpu.memref_slice %arg10[%dma_wait3A_33, %dma_wait3A_34] : memref<10240x128xf32, #tpu.memory_space<vmem_shared>> -> memref<10240x128xf32, #tpu.memory_space<vmem_shared>>
        tpu.wait_indirect_dma semaphore(%run_scoped3A : memref<!tpu.dma_semaphore, #tpu.memory_space<semaphore_mem>>) src(%arg9 : memref<128x128xf32, #tpu.memory_space<vmem>>) dst(%dma_wait3A_35 : memref<10240x128xf32, #tpu.memory_space<vmem_shared>>)
        tpu.yield
      }) : () -> ()
    }
    %scan3A_7 = arith.constant 80 : i32
    %barrier3A_8 = arith.constant 0 : index
    tpu.barrier barrier_id(%barrier3A_8)
    %mul3A_9 = arith.constant 640 : i32
    %mul3A_10 = arith.muli %arg1, %mul3A_9 : i32
    %mul3A_11 = arith.constant 640 : i32
    %mul3A_12 = arith.muli %arg1, %mul3A_11 : i32
    "tpu.region"() ({
      %run_scoped3A = tpu.sem_alloc : memref<!tpu.dma_semaphore, #tpu.memory_space<semaphore_mem>>
      %dma_start3A = arith.constant 0 : i32
      %dma_start3A_13 = tpu.memref_slice %arg6[%arg0, %mul3A_12, %dma_start3A] : memref<2x10240x128xf32, #tpu.memory_space<hbm>> -> memref<1x640x128xf32, #tpu.memory_space<hbm>>
      %dma_start3A_14 = tpu.memref_squeeze %dma_start3A_13 : memref<1x640x128xf32, #tpu.memory_space<hbm>> -> memref<640x128xf32, #tpu.memory_space<hbm>>
      %dma_start3A_15 = arith.constant 0 : i32
      %dma_start3A_16 = tpu.memref_slice %arg10[%mul3A_10, %dma_start3A_15] : memref<10240x128xf32, #tpu.memory_space<vmem_shared>> -> memref<640x128xf32, #tpu.memory_space<vmem_shared>>
      tpu.enqueue_dma source(%dma_start3A_16 : memref<640x128xf32, #tpu.memory_space<vmem_shared>>) target(%dma_start3A_14 : memref<640x128xf32, #tpu.memory_space<hbm>>) target_semaphore(%run_scoped3A : memref<!tpu.dma_semaphore, #tpu.memory_space<semaphore_mem>>)
      %dma_wait3A = arith.constant 0 : i32
      %dma_wait3A_17 = tpu.memref_slice %arg6[%arg0, %mul3A_12, %dma_wait3A] : memref<2x10240x128xf32, #tpu.memory_space<hbm>> -> memref<1x640x128xf32, #tpu.memory_space<hbm>>
      %dma_wait3A_18 = tpu.memref_squeeze %dma_wait3A_17 : memref<1x640x128xf32, #tpu.memory_space<hbm>> -> memref<640x128xf32, #tpu.memory_space<hbm>>
      %dma_wait3A_19 = arith.constant 0 : i32
      %dma_wait3A_20 = tpu.memref_slice %arg10[%mul3A_10, %dma_wait3A_19] : memref<10240x128xf32, #tpu.memory_space<vmem_shared>> -> memref<640x128xf32, #tpu.memory_space<vmem_shared>>
      tpu.wait_dma2 semaphore(%run_scoped3A : memref<!tpu.dma_semaphore, #tpu.memory_space<semaphore_mem>>) src(%dma_wait3A_20 : memref<640x128xf32, #tpu.memory_space<vmem_shared>>) dst(%dma_wait3A_18 : memref<640x128xf32, #tpu.memory_space<hbm>>)
      tpu.yield
    }) : () -> ()
    return
  }
}

#map = affine_map<(d0, d1) -> (0, 0)>
#map1 = affine_map<(d0, d1) -> (0, 0, 0)>
module attributes {stable_mosaic.version = 14 : i64} {
  func.func @_sc_agg_body(%arg0: i32, %arg1: i32, %arg2: memref<10000x128xf32, #tpu.memory_space<hbm>>, %arg3: memref<32x80x128xi32, #tpu.memory_space<hbm>>, %arg4: memref<32x80x128xi32, #tpu.memory_space<hbm>>, %arg5: memref<640x128xf32, #tpu.memory_space<hbm>>, %arg6: memref<2x10240x128xf32, #tpu.memory_space<hbm>>, %arg7: memref<80x128xi32, #tpu.memory_space<vmem>>, %arg8: memref<80x128xi32, #tpu.memory_space<vmem>>, %arg9: memref<128x128xf32, #tpu.memory_space<vmem>>, %arg10: memref<10240x128xf32, #tpu.memory_space<vmem_shared>>, %arg11: memref<!tpu.dma_semaphore, #tpu.memory_space<semaphore_mem>>) attributes {dimension_semantics = [#tpu.dimension_semantics<core_parallel>, #tpu.dimension_semantics<subcore_parallel>], iteration_bounds = array<i64: 2, 16>, scalar_prefetch = 0 : i64, scratch_operands = 5 : i64, tpu.core_type = #tpu.core_type<sc_vector_subcore>, window_params = [{transform_indices = #map}, {transform_indices = #map1}, {transform_indices = #map1}, {transform_indices = #map}, {transform_indices = #map1}]} {
    %mul3A = arith.constant 2 : i32
    %mul3A_0 = arith.muli %arg1, %mul3A : i32
    %add3A = arith.addi %mul3A_0, %arg0 : i32
    %mul3A_1 = arith.constant 640 : i32
    %mul3A_2 = arith.muli %arg1, %mul3A_1 : i32
    "tpu.region"() ({
      %run_scoped3A = tpu.sem_alloc : memref<!tpu.dma_semaphore, #tpu.memory_space<semaphore_mem>>
      %dma_start3A = arith.constant 0 : i32
      %dma_start3A_13 = tpu.memref_slice %arg10[%mul3A_2, %dma_start3A] : memref<10240x128xf32, #tpu.memory_space<vmem_shared>> -> memref<640x128xf32, #tpu.memory_space<vmem_shared>>
      tpu.enqueue_dma source(%arg5 : memref<640x128xf32, #tpu.memory_space<hbm>>) target(%dma_start3A_13 : memref<640x128xf32, #tpu.memory_space<vmem_shared>>) target_semaphore(%run_scoped3A : memref<!tpu.dma_semaphore, #tpu.memory_space<semaphore_mem>>)
      %dma_wait3A = arith.constant 0 : i32
      %dma_wait3A_14 = tpu.memref_slice %arg10[%mul3A_2, %dma_wait3A] : memref<10240x128xf32, #tpu.memory_space<vmem_shared>> -> memref<640x128xf32, #tpu.memory_space<vmem_shared>>
      tpu.wait_dma2 semaphore(%run_scoped3A : memref<!tpu.dma_semaphore, #tpu.memory_space<semaphore_mem>>) src(%arg5 : memref<640x128xf32, #tpu.memory_space<hbm>>) dst(%dma_wait3A_14 : memref<640x128xf32, #tpu.memory_space<vmem_shared>>)
      tpu.yield
    }) : () -> ()
    %barrier3A = arith.constant 0 : index
    tpu.barrier barrier_id(%barrier3A)
    "tpu.region"() ({
      %run_scoped3A = tpu.sem_alloc : memref<!tpu.dma_semaphore, #tpu.memory_space<semaphore_mem>>
      %dma_start3A = arith.constant 0 : i32
      %dma_start3A_13 = arith.constant 0 : i32
      %dma_start3A_14 = tpu.memref_slice %arg3[%add3A, %dma_start3A, %dma_start3A_13] : memref<32x80x128xi32, #tpu.memory_space<hbm>> -> memref<1x80x128xi32, #tpu.memory_space<hbm>>
      %dma_start3A_15 = tpu.memref_squeeze %dma_start3A_14 : memref<1x80x128xi32, #tpu.memory_space<hbm>> -> memref<80x128xi32, #tpu.memory_space<hbm>>
      %dma_start3A_16 = arith.constant 0 : i32
      %dma_start3A_17 = arith.constant 0 : i32
      %dma_start3A_18 = tpu.memref_slice %arg3[%add3A, %dma_start3A_16, %dma_start3A_17] : memref<32x80x128xi32, #tpu.memory_space<hbm>> -> memref<1x80x128xi32, #tpu.memory_space<hbm>>
      %dma_start3A_19 = tpu.memref_squeeze %dma_start3A_18 : memref<1x80x128xi32, #tpu.memory_space<hbm>> -> memref<80x128xi32, #tpu.memory_space<hbm>>
      tpu.enqueue_dma source(%dma_start3A_19 : memref<80x128xi32, #tpu.memory_space<hbm>>) target(%arg7 : memref<80x128xi32, #tpu.memory_space<vmem>>) target_semaphore(%run_scoped3A : memref<!tpu.dma_semaphore, #tpu.memory_space<semaphore_mem>>)
      %dma_wait3A = arith.constant 0 : i32
      %dma_wait3A_20 = arith.constant 0 : i32
      %dma_wait3A_21 = tpu.memref_slice %arg3[%add3A, %dma_wait3A, %dma_wait3A_20] : memref<32x80x128xi32, #tpu.memory_space<hbm>> -> memref<1x80x128xi32, #tpu.memory_space<hbm>>
      %dma_wait3A_22 = tpu.memref_squeeze %dma_wait3A_21 : memref<1x80x128xi32, #tpu.memory_space<hbm>> -> memref<80x128xi32, #tpu.memory_space<hbm>>
      %dma_wait3A_23 = arith.constant 0 : i32
      %dma_wait3A_24 = arith.constant 0 : i32
      %dma_wait3A_25 = tpu.memref_slice %arg3[%add3A, %dma_wait3A_23, %dma_wait3A_24] : memref<32x80x128xi32, #tpu.memory_space<hbm>> -> memref<1x80x128xi32, #tpu.memory_space<hbm>>
      %dma_wait3A_26 = tpu.memref_squeeze %dma_wait3A_25 : memref<1x80x128xi32, #tpu.memory_space<hbm>> -> memref<80x128xi32, #tpu.memory_space<hbm>>
      tpu.wait_dma2 semaphore(%run_scoped3A : memref<!tpu.dma_semaphore, #tpu.memory_space<semaphore_mem>>) src(%dma_wait3A_26 : memref<80x128xi32, #tpu.memory_space<hbm>>) dst(%arg7 : memref<80x128xi32, #tpu.memory_space<vmem>>)
      tpu.yield
    }) : () -> ()
    "tpu.region"() ({
      %run_scoped3A = tpu.sem_alloc : memref<!tpu.dma_semaphore, #tpu.memory_space<semaphore_mem>>
      %dma_start3A = arith.constant 0 : i32
      %dma_start3A_13 = arith.constant 0 : i32
      %dma_start3A_14 = tpu.memref_slice %arg4[%add3A, %dma_start3A, %dma_start3A_13] : memref<32x80x128xi32, #tpu.memory_space<hbm>> -> memref<1x80x128xi32, #tpu.memory_space<hbm>>
      %dma_start3A_15 = tpu.memref_squeeze %dma_start3A_14 : memref<1x80x128xi32, #tpu.memory_space<hbm>> -> memref<80x128xi32, #tpu.memory_space<hbm>>
      %dma_start3A_16 = arith.constant 0 : i32
      %dma_start3A_17 = arith.constant 0 : i32
      %dma_start3A_18 = tpu.memref_slice %arg4[%add3A, %dma_start3A_16, %dma_start3A_17] : memref<32x80x128xi32, #tpu.memory_space<hbm>> -> memref<1x80x128xi32, #tpu.memory_space<hbm>>
      %dma_start3A_19 = tpu.memref_squeeze %dma_start3A_18 : memref<1x80x128xi32, #tpu.memory_space<hbm>> -> memref<80x128xi32, #tpu.memory_space<hbm>>
      tpu.enqueue_dma source(%dma_start3A_19 : memref<80x128xi32, #tpu.memory_space<hbm>>) target(%arg8 : memref<80x128xi32, #tpu.memory_space<vmem>>) target_semaphore(%run_scoped3A : memref<!tpu.dma_semaphore, #tpu.memory_space<semaphore_mem>>)
      %dma_wait3A = arith.constant 0 : i32
      %dma_wait3A_20 = arith.constant 0 : i32
      %dma_wait3A_21 = tpu.memref_slice %arg4[%add3A, %dma_wait3A, %dma_wait3A_20] : memref<32x80x128xi32, #tpu.memory_space<hbm>> -> memref<1x80x128xi32, #tpu.memory_space<hbm>>
      %dma_wait3A_22 = tpu.memref_squeeze %dma_wait3A_21 : memref<1x80x128xi32, #tpu.memory_space<hbm>> -> memref<80x128xi32, #tpu.memory_space<hbm>>
      %dma_wait3A_23 = arith.constant 0 : i32
      %dma_wait3A_24 = arith.constant 0 : i32
      %dma_wait3A_25 = tpu.memref_slice %arg4[%add3A, %dma_wait3A_23, %dma_wait3A_24] : memref<32x80x128xi32, #tpu.memory_space<hbm>> -> memref<1x80x128xi32, #tpu.memory_space<hbm>>
      %dma_wait3A_26 = tpu.memref_squeeze %dma_wait3A_25 : memref<1x80x128xi32, #tpu.memory_space<hbm>> -> memref<80x128xi32, #tpu.memory_space<hbm>>
      tpu.wait_dma2 semaphore(%run_scoped3A : memref<!tpu.dma_semaphore, #tpu.memory_space<semaphore_mem>>) src(%dma_wait3A_26 : memref<80x128xi32, #tpu.memory_space<hbm>>) dst(%arg8 : memref<80x128xi32, #tpu.memory_space<vmem>>)
      tpu.yield
    }) : () -> ()
    %scan3A = arith.constant 0 : i32
    %scan3A_3 = arith.constant 0 : i32
    %scan3A_4 = arith.constant 80 : i32
    %scan3A_5 = arith.addi %scan3A_3, %scan3A_4 : i32
    %scan3A_6 = arith.constant 1 : i32
    scf.for %scan3A_13 = %scan3A_3 to %scan3A_5 step %scan3A_6  : i32 {
      %dma_start3A = arith.constant 0 : i32
      %dma_start3A_14 = tpu.memref_slice %arg7[%scan3A_13, %dma_start3A] : memref<80x128xi32, #tpu.memory_space<vmem>> -> memref<1x128xi32, #tpu.memory_space<vmem>>
      %dma_start3A_15 = tpu.memref_squeeze %dma_start3A_14 : memref<1x128xi32, #tpu.memory_space<vmem>> -> memref<128xi32, #tpu.memory_space<vmem>>
      %dma_start3A_16 = arith.constant 0 : i32
      %dma_start3A_17 = arith.constant 0 : i32
      %dma_start3A_18 = tpu.memref_slice %arg2[%dma_start3A_16, %dma_start3A_17] : memref<10000x128xf32, #tpu.memory_space<hbm>> -> memref<10000x128xf32, #tpu.memory_space<hbm>>
      tpu.enqueue_indirect_dma source(%dma_start3A_18 : memref<10000x128xf32, #tpu.memory_space<hbm>>) target(%arg9 : memref<128x128xf32, #tpu.memory_space<vmem>>) offsets(%dma_start3A_15 : memref<128xi32, #tpu.memory_space<vmem>>) semaphore(%arg11 : memref<!tpu.dma_semaphore, #tpu.memory_space<semaphore_mem>>)
      %dma_wait3A = arith.constant 0 : i32
      %dma_wait3A_19 = tpu.memref_slice %arg7[%scan3A_13, %dma_wait3A] : memref<80x128xi32, #tpu.memory_space<vmem>> -> memref<1x128xi32, #tpu.memory_space<vmem>>
      %dma_wait3A_20 = tpu.memref_squeeze %dma_wait3A_19 : memref<1x128xi32, #tpu.memory_space<vmem>> -> memref<128xi32, #tpu.memory_space<vmem>>
      %dma_wait3A_21 = arith.constant 0 : i32
      %dma_wait3A_22 = arith.constant 0 : i32
      %dma_wait3A_23 = tpu.memref_slice %arg2[%dma_wait3A_21, %dma_wait3A_22] : memref<10000x128xf32, #tpu.memory_space<hbm>> -> memref<10000x128xf32, #tpu.memory_space<hbm>>
      tpu.wait_indirect_dma semaphore(%arg11 : memref<!tpu.dma_semaphore, #tpu.memory_space<semaphore_mem>>) src(%dma_wait3A_23 : memref<10000x128xf32, #tpu.memory_space<hbm>>) dst(%arg9 : memref<128x128xf32, #tpu.memory_space<vmem>>)
      "tpu.region"() ({
        %run_scoped3A = tpu.sem_alloc : memref<!tpu.dma_semaphore, #tpu.memory_space<semaphore_mem>>
        %dma_start3A_24 = arith.constant 0 : i32
        %dma_start3A_25 = tpu.memref_slice %arg8[%scan3A_13, %dma_start3A_24] : memref<80x128xi32, #tpu.memory_space<vmem>> -> memref<1x128xi32, #tpu.memory_space<vmem>>
        %dma_start3A_26 = tpu.memref_squeeze %dma_start3A_25 : memref<1x128xi32, #tpu.memory_space<vmem>> -> memref<128xi32, #tpu.memory_space<vmem>>
        %dma_start3A_27 = arith.constant 0 : i32
        %dma_start3A_28 = arith.constant 0 : i32
        %dma_start3A_29 = tpu.memref_slice %arg10[%dma_start3A_27, %dma_start3A_28] : memref<10240x128xf32, #tpu.memory_space<vmem_shared>> -> memref<10240x128xf32, #tpu.memory_space<vmem_shared>>
        tpu.enqueue_indirect_dma source(%arg9 : memref<128x128xf32, #tpu.memory_space<vmem>>) target(%dma_start3A_29 : memref<10240x128xf32, #tpu.memory_space<vmem_shared>>) offsets(%dma_start3A_26 : memref<128xi32, #tpu.memory_space<vmem>>) semaphore(%run_scoped3A : memref<!tpu.dma_semaphore, #tpu.memory_space<semaphore_mem>>) {add = true}
        %dma_wait3A_30 = arith.constant 0 : i32
        %dma_wait3A_31 = tpu.memref_slice %arg8[%scan3A_13, %dma_wait3A_30] : memref<80x128xi32, #tpu.memory_space<vmem>> -> memref<1x128xi32, #tpu.memory_space<vmem>>
        %dma_wait3A_32 = tpu.memref_squeeze %dma_wait3A_31 : memref<1x128xi32, #tpu.memory_space<vmem>> -> memref<128xi32, #tpu.memory_space<vmem>>
        %dma_wait3A_33 = arith.constant 0 : i32
        %dma_wait3A_34 = arith.constant 0 : i32
        %dma_wait3A_35 = tpu.memref_slice %arg10[%dma_wait3A_33, %dma_wait3A_34] : memref<10240x128xf32, #tpu.memory_space<vmem_shared>> -> memref<10240x128xf32, #tpu.memory_space<vmem_shared>>
        tpu.wait_indirect_dma semaphore(%run_scoped3A : memref<!tpu.dma_semaphore, #tpu.memory_space<semaphore_mem>>) src(%arg9 : memref<128x128xf32, #tpu.memory_space<vmem>>) dst(%dma_wait3A_35 : memref<10240x128xf32, #tpu.memory_space<vmem_shared>>)
        tpu.yield
      }) : () -> ()
    }
    %scan3A_7 = arith.constant 80 : i32
    %barrier3A_8 = arith.constant 0 : index
    tpu.barrier barrier_id(%barrier3A_8)
    %mul3A_9 = arith.constant 640 : i32
    %mul3A_10 = arith.muli %arg1, %mul3A_9 : i32
    %mul3A_11 = arith.constant 640 : i32
    %mul3A_12 = arith.muli %arg1, %mul3A_11 : i32
    "tpu.region"() ({
      %run_scoped3A = tpu.sem_alloc : memref<!tpu.dma_semaphore, #tpu.memory_space<semaphore_mem>>
      %dma_start3A = arith.constant 0 : i32
      %dma_start3A_13 = tpu.memref_slice %arg6[%arg0, %mul3A_12, %dma_start3A] : memref<2x10240x128xf32, #tpu.memory_space<hbm>> -> memref<1x640x128xf32, #tpu.memory_space<hbm>>
      %dma_start3A_14 = tpu.memref_squeeze %dma_start3A_13 : memref<1x640x128xf32, #tpu.memory_space<hbm>> -> memref<640x128xf32, #tpu.memory_space<hbm>>
      %dma_start3A_15 = arith.constant 0 : i32
      %dma_start3A_16 = tpu.memref_slice %arg10[%mul3A_10, %dma_start3A_15] : memref<10240x128xf32, #tpu.memory_space<vmem_shared>> -> memref<640x128xf32, #tpu.memory_space<vmem_shared>>
      tpu.enqueue_dma source(%dma_start3A_16 : memref<640x128xf32, #tpu.memory_space<vmem_shared>>) target(%dma_start3A_14 : memref<640x128xf32, #tpu.memory_space<hbm>>) target_semaphore(%run_scoped3A : memref<!tpu.dma_semaphore, #tpu.memory_space<semaphore_mem>>)
      %dma_wait3A = arith.constant 0 : i32
      %dma_wait3A_17 = tpu.memref_slice %arg6[%arg0, %mul3A_12, %dma_wait3A] : memref<2x10240x128xf32, #tpu.memory_space<hbm>> -> memref<1x640x128xf32, #tpu.memory_space<hbm>>
      %dma_wait3A_18 = tpu.memref_squeeze %dma_wait3A_17 : memref<1x640x128xf32, #tpu.memory_space<hbm>> -> memref<640x128xf32, #tpu.memory_space<hbm>>
      %dma_wait3A_19 = arith.constant 0 : i32
      %dma_wait3A_20 = tpu.memref_slice %arg10[%mul3A_10, %dma_wait3A_19] : memref<10240x128xf32, #tpu.memory_space<vmem_shared>> -> memref<640x128xf32, #tpu.memory_space<vmem_shared>>
      tpu.wait_dma2 semaphore(%run_scoped3A : memref<!tpu.dma_semaphore, #tpu.memory_space<semaphore_mem>>) src(%dma_wait3A_20 : memref<640x128xf32, #tpu.memory_space<vmem_shared>>) dst(%dma_wait3A_18 : memref<640x128xf32, #tpu.memory_space<hbm>>)
      tpu.yield
    }) : () -> ()
    return
  }
}

#map = affine_map<(d0, d1) -> (0, 0)>
#map1 = affine_map<(d0, d1) -> (0, 0, 0)>
module attributes {stable_mosaic.version = 14 : i64} {
  func.func @_sc_agg_body(%arg0: i32, %arg1: i32, %arg2: memref<10000x128xf32, #tpu.memory_space<hbm>>, %arg3: memref<32x80x128xi32, #tpu.memory_space<hbm>>, %arg4: memref<32x80x128xi32, #tpu.memory_space<hbm>>, %arg5: memref<640x128xf32, #tpu.memory_space<hbm>>, %arg6: memref<2x10240x128xf32, #tpu.memory_space<hbm>>, %arg7: memref<80x128xi32, #tpu.memory_space<vmem>>, %arg8: memref<80x128xi32, #tpu.memory_space<vmem>>, %arg9: memref<128x128xf32, #tpu.memory_space<vmem>>, %arg10: memref<10240x128xf32, #tpu.memory_space<vmem_shared>>, %arg11: memref<!tpu.dma_semaphore, #tpu.memory_space<semaphore_mem>>) attributes {dimension_semantics = [#tpu.dimension_semantics<core_parallel>, #tpu.dimension_semantics<subcore_parallel>], iteration_bounds = array<i64: 2, 16>, scalar_prefetch = 0 : i64, scratch_operands = 5 : i64, tpu.core_type = #tpu.core_type<sc_vector_subcore>, window_params = [{transform_indices = #map}, {transform_indices = #map1}, {transform_indices = #map1}, {transform_indices = #map}, {transform_indices = #map1}]} {
    %mul3A = arith.constant 2 : i32
    %mul3A_0 = arith.muli %arg1, %mul3A : i32
    %add3A = arith.addi %mul3A_0, %arg0 : i32
    %mul3A_1 = arith.constant 640 : i32
    %mul3A_2 = arith.muli %arg1, %mul3A_1 : i32
    "tpu.region"() ({
      %run_scoped3A = tpu.sem_alloc : memref<!tpu.dma_semaphore, #tpu.memory_space<semaphore_mem>>
      %dma_start3A = arith.constant 0 : i32
      %dma_start3A_13 = tpu.memref_slice %arg10[%mul3A_2, %dma_start3A] : memref<10240x128xf32, #tpu.memory_space<vmem_shared>> -> memref<640x128xf32, #tpu.memory_space<vmem_shared>>
      tpu.enqueue_dma source(%arg5 : memref<640x128xf32, #tpu.memory_space<hbm>>) target(%dma_start3A_13 : memref<640x128xf32, #tpu.memory_space<vmem_shared>>) target_semaphore(%run_scoped3A : memref<!tpu.dma_semaphore, #tpu.memory_space<semaphore_mem>>)
      %dma_wait3A = arith.constant 0 : i32
      %dma_wait3A_14 = tpu.memref_slice %arg10[%mul3A_2, %dma_wait3A] : memref<10240x128xf32, #tpu.memory_space<vmem_shared>> -> memref<640x128xf32, #tpu.memory_space<vmem_shared>>
      tpu.wait_dma2 semaphore(%run_scoped3A : memref<!tpu.dma_semaphore, #tpu.memory_space<semaphore_mem>>) src(%arg5 : memref<640x128xf32, #tpu.memory_space<hbm>>) dst(%dma_wait3A_14 : memref<640x128xf32, #tpu.memory_space<vmem_shared>>)
      tpu.yield
    }) : () -> ()
    %barrier3A = arith.constant 0 : index
    tpu.barrier barrier_id(%barrier3A)
    "tpu.region"() ({
      %run_scoped3A = tpu.sem_alloc : memref<!tpu.dma_semaphore, #tpu.memory_space<semaphore_mem>>
      %dma_start3A = arith.constant 0 : i32
      %dma_start3A_13 = arith.constant 0 : i32
      %dma_start3A_14 = tpu.memref_slice %arg3[%add3A, %dma_start3A, %dma_start3A_13] : memref<32x80x128xi32, #tpu.memory_space<hbm>> -> memref<1x80x128xi32, #tpu.memory_space<hbm>>
      %dma_start3A_15 = tpu.memref_squeeze %dma_start3A_14 : memref<1x80x128xi32, #tpu.memory_space<hbm>> -> memref<80x128xi32, #tpu.memory_space<hbm>>
      %dma_start3A_16 = arith.constant 0 : i32
      %dma_start3A_17 = arith.constant 0 : i32
      %dma_start3A_18 = tpu.memref_slice %arg3[%add3A, %dma_start3A_16, %dma_start3A_17] : memref<32x80x128xi32, #tpu.memory_space<hbm>> -> memref<1x80x128xi32, #tpu.memory_space<hbm>>
      %dma_start3A_19 = tpu.memref_squeeze %dma_start3A_18 : memref<1x80x128xi32, #tpu.memory_space<hbm>> -> memref<80x128xi32, #tpu.memory_space<hbm>>
      tpu.enqueue_dma source(%dma_start3A_19 : memref<80x128xi32, #tpu.memory_space<hbm>>) target(%arg7 : memref<80x128xi32, #tpu.memory_space<vmem>>) target_semaphore(%run_scoped3A : memref<!tpu.dma_semaphore, #tpu.memory_space<semaphore_mem>>)
      %dma_wait3A = arith.constant 0 : i32
      %dma_wait3A_20 = arith.constant 0 : i32
      %dma_wait3A_21 = tpu.memref_slice %arg3[%add3A, %dma_wait3A, %dma_wait3A_20] : memref<32x80x128xi32, #tpu.memory_space<hbm>> -> memref<1x80x128xi32, #tpu.memory_space<hbm>>
      %dma_wait3A_22 = tpu.memref_squeeze %dma_wait3A_21 : memref<1x80x128xi32, #tpu.memory_space<hbm>> -> memref<80x128xi32, #tpu.memory_space<hbm>>
      %dma_wait3A_23 = arith.constant 0 : i32
      %dma_wait3A_24 = arith.constant 0 : i32
      %dma_wait3A_25 = tpu.memref_slice %arg3[%add3A, %dma_wait3A_23, %dma_wait3A_24] : memref<32x80x128xi32, #tpu.memory_space<hbm>> -> memref<1x80x128xi32, #tpu.memory_space<hbm>>
      %dma_wait3A_26 = tpu.memref_squeeze %dma_wait3A_25 : memref<1x80x128xi32, #tpu.memory_space<hbm>> -> memref<80x128xi32, #tpu.memory_space<hbm>>
      tpu.wait_dma2 semaphore(%run_scoped3A : memref<!tpu.dma_semaphore, #tpu.memory_space<semaphore_mem>>) src(%dma_wait3A_26 : memref<80x128xi32, #tpu.memory_space<hbm>>) dst(%arg7 : memref<80x128xi32, #tpu.memory_space<vmem>>)
      tpu.yield
    }) : () -> ()
    "tpu.region"() ({
      %run_scoped3A = tpu.sem_alloc : memref<!tpu.dma_semaphore, #tpu.memory_space<semaphore_mem>>
      %dma_start3A = arith.constant 0 : i32
      %dma_start3A_13 = arith.constant 0 : i32
      %dma_start3A_14 = tpu.memref_slice %arg4[%add3A, %dma_start3A, %dma_start3A_13] : memref<32x80x128xi32, #tpu.memory_space<hbm>> -> memref<1x80x128xi32, #tpu.memory_space<hbm>>
      %dma_start3A_15 = tpu.memref_squeeze %dma_start3A_14 : memref<1x80x128xi32, #tpu.memory_space<hbm>> -> memref<80x128xi32, #tpu.memory_space<hbm>>
      %dma_start3A_16 = arith.constant 0 : i32
      %dma_start3A_17 = arith.constant 0 : i32
      %dma_start3A_18 = tpu.memref_slice %arg4[%add3A, %dma_start3A_16, %dma_start3A_17] : memref<32x80x128xi32, #tpu.memory_space<hbm>> -> memref<1x80x128xi32, #tpu.memory_space<hbm>>
      %dma_start3A_19 = tpu.memref_squeeze %dma_start3A_18 : memref<1x80x128xi32, #tpu.memory_space<hbm>> -> memref<80x128xi32, #tpu.memory_space<hbm>>
      tpu.enqueue_dma source(%dma_start3A_19 : memref<80x128xi32, #tpu.memory_space<hbm>>) target(%arg8 : memref<80x128xi32, #tpu.memory_space<vmem>>) target_semaphore(%run_scoped3A : memref<!tpu.dma_semaphore, #tpu.memory_space<semaphore_mem>>)
      %dma_wait3A = arith.constant 0 : i32
      %dma_wait3A_20 = arith.constant 0 : i32
      %dma_wait3A_21 = tpu.memref_slice %arg4[%add3A, %dma_wait3A, %dma_wait3A_20] : memref<32x80x128xi32, #tpu.memory_space<hbm>> -> memref<1x80x128xi32, #tpu.memory_space<hbm>>
      %dma_wait3A_22 = tpu.memref_squeeze %dma_wait3A_21 : memref<1x80x128xi32, #tpu.memory_space<hbm>> -> memref<80x128xi32, #tpu.memory_space<hbm>>
      %dma_wait3A_23 = arith.constant 0 : i32
      %dma_wait3A_24 = arith.constant 0 : i32
      %dma_wait3A_25 = tpu.memref_slice %arg4[%add3A, %dma_wait3A_23, %dma_wait3A_24] : memref<32x80x128xi32, #tpu.memory_space<hbm>> -> memref<1x80x128xi32, #tpu.memory_space<hbm>>
      %dma_wait3A_26 = tpu.memref_squeeze %dma_wait3A_25 : memref<1x80x128xi32, #tpu.memory_space<hbm>> -> memref<80x128xi32, #tpu.memory_space<hbm>>
      tpu.wait_dma2 semaphore(%run_scoped3A : memref<!tpu.dma_semaphore, #tpu.memory_space<semaphore_mem>>) src(%dma_wait3A_26 : memref<80x128xi32, #tpu.memory_space<hbm>>) dst(%arg8 : memref<80x128xi32, #tpu.memory_space<vmem>>)
      tpu.yield
    }) : () -> ()
    %scan3A = arith.constant 0 : i32
    %scan3A_3 = arith.constant 0 : i32
    %scan3A_4 = arith.constant 80 : i32
    %scan3A_5 = arith.addi %scan3A_3, %scan3A_4 : i32
    %scan3A_6 = arith.constant 1 : i32
    scf.for %scan3A_13 = %scan3A_3 to %scan3A_5 step %scan3A_6  : i32 {
      %dma_start3A = arith.constant 0 : i32
      %dma_start3A_14 = tpu.memref_slice %arg7[%scan3A_13, %dma_start3A] : memref<80x128xi32, #tpu.memory_space<vmem>> -> memref<1x128xi32, #tpu.memory_space<vmem>>
      %dma_start3A_15 = tpu.memref_squeeze %dma_start3A_14 : memref<1x128xi32, #tpu.memory_space<vmem>> -> memref<128xi32, #tpu.memory_space<vmem>>
      %dma_start3A_16 = arith.constant 0 : i32
      %dma_start3A_17 = arith.constant 0 : i32
      %dma_start3A_18 = tpu.memref_slice %arg2[%dma_start3A_16, %dma_start3A_17] : memref<10000x128xf32, #tpu.memory_space<hbm>> -> memref<10000x128xf32, #tpu.memory_space<hbm>>
      tpu.enqueue_indirect_dma source(%dma_start3A_18 : memref<10000x128xf32, #tpu.memory_space<hbm>>) target(%arg9 : memref<128x128xf32, #tpu.memory_space<vmem>>) offsets(%dma_start3A_15 : memref<128xi32, #tpu.memory_space<vmem>>) semaphore(%arg11 : memref<!tpu.dma_semaphore, #tpu.memory_space<semaphore_mem>>)
      %dma_wait3A = arith.constant 0 : i32
      %dma_wait3A_19 = tpu.memref_slice %arg7[%scan3A_13, %dma_wait3A] : memref<80x128xi32, #tpu.memory_space<vmem>> -> memref<1x128xi32, #tpu.memory_space<vmem>>
      %dma_wait3A_20 = tpu.memref_squeeze %dma_wait3A_19 : memref<1x128xi32, #tpu.memory_space<vmem>> -> memref<128xi32, #tpu.memory_space<vmem>>
      %dma_wait3A_21 = arith.constant 0 : i32
      %dma_wait3A_22 = arith.constant 0 : i32
      %dma_wait3A_23 = tpu.memref_slice %arg2[%dma_wait3A_21, %dma_wait3A_22] : memref<10000x128xf32, #tpu.memory_space<hbm>> -> memref<10000x128xf32, #tpu.memory_space<hbm>>
      tpu.wait_indirect_dma semaphore(%arg11 : memref<!tpu.dma_semaphore, #tpu.memory_space<semaphore_mem>>) src(%dma_wait3A_23 : memref<10000x128xf32, #tpu.memory_space<hbm>>) dst(%arg9 : memref<128x128xf32, #tpu.memory_space<vmem>>)
      "tpu.region"() ({
        %run_scoped3A = tpu.sem_alloc : memref<!tpu.dma_semaphore, #tpu.memory_space<semaphore_mem>>
        %dma_start3A_24 = arith.constant 0 : i32
        %dma_start3A_25 = tpu.memref_slice %arg8[%scan3A_13, %dma_start3A_24] : memref<80x128xi32, #tpu.memory_space<vmem>> -> memref<1x128xi32, #tpu.memory_space<vmem>>
        %dma_start3A_26 = tpu.memref_squeeze %dma_start3A_25 : memref<1x128xi32, #tpu.memory_space<vmem>> -> memref<128xi32, #tpu.memory_space<vmem>>
        %dma_start3A_27 = arith.constant 0 : i32
        %dma_start3A_28 = arith.constant 0 : i32
        %dma_start3A_29 = tpu.memref_slice %arg10[%dma_start3A_27, %dma_start3A_28] : memref<10240x128xf32, #tpu.memory_space<vmem_shared>> -> memref<10240x128xf32, #tpu.memory_space<vmem_shared>>
        tpu.enqueue_indirect_dma source(%arg9 : memref<128x128xf32, #tpu.memory_space<vmem>>) target(%dma_start3A_29 : memref<10240x128xf32, #tpu.memory_space<vmem_shared>>) offsets(%dma_start3A_26 : memref<128xi32, #tpu.memory_space<vmem>>) semaphore(%run_scoped3A : memref<!tpu.dma_semaphore, #tpu.memory_space<semaphore_mem>>) {add = true}
        %dma_wait3A_30 = arith.constant 0 : i32
        %dma_wait3A_31 = tpu.memref_slice %arg8[%scan3A_13, %dma_wait3A_30] : memref<80x128xi32, #tpu.memory_space<vmem>> -> memref<1x128xi32, #tpu.memory_space<vmem>>
        %dma_wait3A_32 = tpu.memref_squeeze %dma_wait3A_31 : memref<1x128xi32, #tpu.memory_space<vmem>> -> memref<128xi32, #tpu.memory_space<vmem>>
        %dma_wait3A_33 = arith.constant 0 : i32
        %dma_wait3A_34 = arith.constant 0 : i32
        %dma_wait3A_35 = tpu.memref_slice %arg10[%dma_wait3A_33, %dma_wait3A_34] : memref<10240x128xf32, #tpu.memory_space<vmem_shared>> -> memref<10240x128xf32, #tpu.memory_space<vmem_shared>>
        tpu.wait_indirect_dma semaphore(%run_scoped3A : memref<!tpu.dma_semaphore, #tpu.memory_space<semaphore_mem>>) src(%arg9 : memref<128x128xf32, #tpu.memory_space<vmem>>) dst(%dma_wait3A_35 : memref<10240x128xf32, #tpu.memory_space<vmem_shared>>)
        tpu.yield
      }) : () -> ()
    }
    %scan3A_7 = arith.constant 80 : i32
    %barrier3A_8 = arith.constant 0 : index
    tpu.barrier barrier_id(%barrier3A_8)
    %mul3A_9 = arith.constant 640 : i32
    %mul3A_10 = arith.muli %arg1, %mul3A_9 : i32
    %mul3A_11 = arith.constant 640 : i32
    %mul3A_12 = arith.muli %arg1, %mul3A_11 : i32
    "tpu.region"() ({
      %run_scoped3A = tpu.sem_alloc : memref<!tpu.dma_semaphore, #tpu.memory_space<semaphore_mem>>
      %dma_start3A = arith.constant 0 : i32
      %dma_start3A_13 = tpu.memref_slice %arg6[%arg0, %mul3A_12, %dma_start3A] : memref<2x10240x128xf32, #tpu.memory_space<hbm>> -> memref<1x640x128xf32, #tpu.memory_space<hbm>>
      %dma_start3A_14 = tpu.memref_squeeze %dma_start3A_13 : memref<1x640x128xf32, #tpu.memory_space<hbm>> -> memref<640x128xf32, #tpu.memory_space<hbm>>
      %dma_start3A_15 = arith.constant 0 : i32
      %dma_start3A_16 = tpu.memref_slice %arg10[%mul3A_10, %dma_start3A_15] : memref<10240x128xf32, #tpu.memory_space<vmem_shared>> -> memref<640x128xf32, #tpu.memory_space<vmem_shared>>
      tpu.enqueue_dma source(%dma_start3A_16 : memref<640x128xf32, #tpu.memory_space<vmem_shared>>) target(%dma_start3A_14 : memref<640x128xf32, #tpu.memory_space<hbm>>) target_semaphore(%run_scoped3A : memref<!tpu.dma_semaphore, #tpu.memory_space<semaphore_mem>>)
      %dma_wait3A = arith.constant 0 : i32
      %dma_wait3A_17 = tpu.memref_slice %arg6[%arg0, %mul3A_12, %dma_wait3A] : memref<2x10240x128xf32, #tpu.memory_space<hbm>> -> memref<1x640x128xf32, #tpu.memory_space<hbm>>
      %dma_wait3A_18 = tpu.memref_squeeze %dma_wait3A_17 : memref<1x640x128xf32, #tpu.memory_space<hbm>> -> memref<640x128xf32, #tpu.memory_space<hbm>>
      %dma_wait3A_19 = arith.constant 0 : i32
      %dma_wait3A_20 = tpu.memref_slice %arg10[%mul3A_10, %dma_wait3A_19] : memref<10240x128xf32, #tpu.memory_space<vmem_shared>> -> memref<640x128xf32, #tpu.memory_space<vmem_shared>>
      tpu.wait_dma2 semaphore(%run_scoped3A : memref<!tpu.dma_semaphore, #tpu.memory_space<semaphore_mem>>) src(%dma_wait3A_20 : memref<640x128xf32, #tpu.memory_space<vmem_shared>>) dst(%dma_wait3A_18 : memref<640x128xf32, #tpu.memory_space<hbm>>)
      tpu.yield
    }) : () -> ()
    return
  }
}

#map = affine_map<(d0, d1) -> (0, 0)>
#map1 = affine_map<(d0, d1) -> (0, 0, 0)>
module attributes {stable_mosaic.version = 14 : i64} {
  func.func @_sc_agg_body(%arg0: i32, %arg1: i32, %arg2: memref<10000x128xf32, #tpu.memory_space<hbm>>, %arg3: memref<32x80x128xi32, #tpu.memory_space<hbm>>, %arg4: memref<32x80x128xi32, #tpu.memory_space<hbm>>, %arg5: memref<640x128xf32, #tpu.memory_space<hbm>>, %arg6: memref<2x10240x128xf32, #tpu.memory_space<hbm>>, %arg7: memref<80x128xi32, #tpu.memory_space<vmem>>, %arg8: memref<80x128xi32, #tpu.memory_space<vmem>>, %arg9: memref<128x128xf32, #tpu.memory_space<vmem>>, %arg10: memref<10240x128xf32, #tpu.memory_space<vmem_shared>>, %arg11: memref<!tpu.dma_semaphore, #tpu.memory_space<semaphore_mem>>) attributes {dimension_semantics = [#tpu.dimension_semantics<core_parallel>, #tpu.dimension_semantics<subcore_parallel>], iteration_bounds = array<i64: 2, 16>, scalar_prefetch = 0 : i64, scratch_operands = 5 : i64, tpu.core_type = #tpu.core_type<sc_vector_subcore>, window_params = [{transform_indices = #map}, {transform_indices = #map1}, {transform_indices = #map1}, {transform_indices = #map}, {transform_indices = #map1}]} {
    %mul3A = arith.constant 2 : i32
    %mul3A_0 = arith.muli %arg1, %mul3A : i32
    %add3A = arith.addi %mul3A_0, %arg0 : i32
    %mul3A_1 = arith.constant 640 : i32
    %mul3A_2 = arith.muli %arg1, %mul3A_1 : i32
    "tpu.region"() ({
      %run_scoped3A = tpu.sem_alloc : memref<!tpu.dma_semaphore, #tpu.memory_space<semaphore_mem>>
      %dma_start3A = arith.constant 0 : i32
      %dma_start3A_13 = tpu.memref_slice %arg10[%mul3A_2, %dma_start3A] : memref<10240x128xf32, #tpu.memory_space<vmem_shared>> -> memref<640x128xf32, #tpu.memory_space<vmem_shared>>
      tpu.enqueue_dma source(%arg5 : memref<640x128xf32, #tpu.memory_space<hbm>>) target(%dma_start3A_13 : memref<640x128xf32, #tpu.memory_space<vmem_shared>>) target_semaphore(%run_scoped3A : memref<!tpu.dma_semaphore, #tpu.memory_space<semaphore_mem>>)
      %dma_wait3A = arith.constant 0 : i32
      %dma_wait3A_14 = tpu.memref_slice %arg10[%mul3A_2, %dma_wait3A] : memref<10240x128xf32, #tpu.memory_space<vmem_shared>> -> memref<640x128xf32, #tpu.memory_space<vmem_shared>>
      tpu.wait_dma2 semaphore(%run_scoped3A : memref<!tpu.dma_semaphore, #tpu.memory_space<semaphore_mem>>) src(%arg5 : memref<640x128xf32, #tpu.memory_space<hbm>>) dst(%dma_wait3A_14 : memref<640x128xf32, #tpu.memory_space<vmem_shared>>)
      tpu.yield
    }) : () -> ()
    %barrier3A = arith.constant 0 : index
    tpu.barrier barrier_id(%barrier3A)
    "tpu.region"() ({
      %run_scoped3A = tpu.sem_alloc : memref<!tpu.dma_semaphore, #tpu.memory_space<semaphore_mem>>
      %dma_start3A = arith.constant 0 : i32
      %dma_start3A_13 = arith.constant 0 : i32
      %dma_start3A_14 = tpu.memref_slice %arg3[%add3A, %dma_start3A, %dma_start3A_13] : memref<32x80x128xi32, #tpu.memory_space<hbm>> -> memref<1x80x128xi32, #tpu.memory_space<hbm>>
      %dma_start3A_15 = tpu.memref_squeeze %dma_start3A_14 : memref<1x80x128xi32, #tpu.memory_space<hbm>> -> memref<80x128xi32, #tpu.memory_space<hbm>>
      %dma_start3A_16 = arith.constant 0 : i32
      %dma_start3A_17 = arith.constant 0 : i32
      %dma_start3A_18 = tpu.memref_slice %arg3[%add3A, %dma_start3A_16, %dma_start3A_17] : memref<32x80x128xi32, #tpu.memory_space<hbm>> -> memref<1x80x128xi32, #tpu.memory_space<hbm>>
      %dma_start3A_19 = tpu.memref_squeeze %dma_start3A_18 : memref<1x80x128xi32, #tpu.memory_space<hbm>> -> memref<80x128xi32, #tpu.memory_space<hbm>>
      tpu.enqueue_dma source(%dma_start3A_19 : memref<80x128xi32, #tpu.memory_space<hbm>>) target(%arg7 : memref<80x128xi32, #tpu.memory_space<vmem>>) target_semaphore(%run_scoped3A : memref<!tpu.dma_semaphore, #tpu.memory_space<semaphore_mem>>)
      %dma_wait3A = arith.constant 0 : i32
      %dma_wait3A_20 = arith.constant 0 : i32
      %dma_wait3A_21 = tpu.memref_slice %arg3[%add3A, %dma_wait3A, %dma_wait3A_20] : memref<32x80x128xi32, #tpu.memory_space<hbm>> -> memref<1x80x128xi32, #tpu.memory_space<hbm>>
      %dma_wait3A_22 = tpu.memref_squeeze %dma_wait3A_21 : memref<1x80x128xi32, #tpu.memory_space<hbm>> -> memref<80x128xi32, #tpu.memory_space<hbm>>
      %dma_wait3A_23 = arith.constant 0 : i32
      %dma_wait3A_24 = arith.constant 0 : i32
      %dma_wait3A_25 = tpu.memref_slice %arg3[%add3A, %dma_wait3A_23, %dma_wait3A_24] : memref<32x80x128xi32, #tpu.memory_space<hbm>> -> memref<1x80x128xi32, #tpu.memory_space<hbm>>
      %dma_wait3A_26 = tpu.memref_squeeze %dma_wait3A_25 : memref<1x80x128xi32, #tpu.memory_space<hbm>> -> memref<80x128xi32, #tpu.memory_space<hbm>>
      tpu.wait_dma2 semaphore(%run_scoped3A : memref<!tpu.dma_semaphore, #tpu.memory_space<semaphore_mem>>) src(%dma_wait3A_26 : memref<80x128xi32, #tpu.memory_space<hbm>>) dst(%arg7 : memref<80x128xi32, #tpu.memory_space<vmem>>)
      tpu.yield
    }) : () -> ()
    "tpu.region"() ({
      %run_scoped3A = tpu.sem_alloc : memref<!tpu.dma_semaphore, #tpu.memory_space<semaphore_mem>>
      %dma_start3A = arith.constant 0 : i32
      %dma_start3A_13 = arith.constant 0 : i32
      %dma_start3A_14 = tpu.memref_slice %arg4[%add3A, %dma_start3A, %dma_start3A_13] : memref<32x80x128xi32, #tpu.memory_space<hbm>> -> memref<1x80x128xi32, #tpu.memory_space<hbm>>
      %dma_start3A_15 = tpu.memref_squeeze %dma_start3A_14 : memref<1x80x128xi32, #tpu.memory_space<hbm>> -> memref<80x128xi32, #tpu.memory_space<hbm>>
      %dma_start3A_16 = arith.constant 0 : i32
      %dma_start3A_17 = arith.constant 0 : i32
      %dma_start3A_18 = tpu.memref_slice %arg4[%add3A, %dma_start3A_16, %dma_start3A_17] : memref<32x80x128xi32, #tpu.memory_space<hbm>> -> memref<1x80x128xi32, #tpu.memory_space<hbm>>
      %dma_start3A_19 = tpu.memref_squeeze %dma_start3A_18 : memref<1x80x128xi32, #tpu.memory_space<hbm>> -> memref<80x128xi32, #tpu.memory_space<hbm>>
      tpu.enqueue_dma source(%dma_start3A_19 : memref<80x128xi32, #tpu.memory_space<hbm>>) target(%arg8 : memref<80x128xi32, #tpu.memory_space<vmem>>) target_semaphore(%run_scoped3A : memref<!tpu.dma_semaphore, #tpu.memory_space<semaphore_mem>>)
      %dma_wait3A = arith.constant 0 : i32
      %dma_wait3A_20 = arith.constant 0 : i32
      %dma_wait3A_21 = tpu.memref_slice %arg4[%add3A, %dma_wait3A, %dma_wait3A_20] : memref<32x80x128xi32, #tpu.memory_space<hbm>> -> memref<1x80x128xi32, #tpu.memory_space<hbm>>
      %dma_wait3A_22 = tpu.memref_squeeze %dma_wait3A_21 : memref<1x80x128xi32, #tpu.memory_space<hbm>> -> memref<80x128xi32, #tpu.memory_space<hbm>>
      %dma_wait3A_23 = arith.constant 0 : i32
      %dma_wait3A_24 = arith.constant 0 : i32
      %dma_wait3A_25 = tpu.memref_slice %arg4[%add3A, %dma_wait3A_23, %dma_wait3A_24] : memref<32x80x128xi32, #tpu.memory_space<hbm>> -> memref<1x80x128xi32, #tpu.memory_space<hbm>>
      %dma_wait3A_26 = tpu.memref_squeeze %dma_wait3A_25 : memref<1x80x128xi32, #tpu.memory_space<hbm>> -> memref<80x128xi32, #tpu.memory_space<hbm>>
      tpu.wait_dma2 semaphore(%run_scoped3A : memref<!tpu.dma_semaphore, #tpu.memory_space<semaphore_mem>>) src(%dma_wait3A_26 : memref<80x128xi32, #tpu.memory_space<hbm>>) dst(%arg8 : memref<80x128xi32, #tpu.memory_space<vmem>>)
      tpu.yield
    }) : () -> ()
    %scan3A = arith.constant 0 : i32
    %scan3A_3 = arith.constant 0 : i32
    %scan3A_4 = arith.constant 80 : i32
    %scan3A_5 = arith.addi %scan3A_3, %scan3A_4 : i32
    %scan3A_6 = arith.constant 1 : i32
    scf.for %scan3A_13 = %scan3A_3 to %scan3A_5 step %scan3A_6  : i32 {
      %dma_start3A = arith.constant 0 : i32
      %dma_start3A_14 = tpu.memref_slice %arg7[%scan3A_13, %dma_start3A] : memref<80x128xi32, #tpu.memory_space<vmem>> -> memref<1x128xi32, #tpu.memory_space<vmem>>
      %dma_start3A_15 = tpu.memref_squeeze %dma_start3A_14 : memref<1x128xi32, #tpu.memory_space<vmem>> -> memref<128xi32, #tpu.memory_space<vmem>>
      %dma_start3A_16 = arith.constant 0 : i32
      %dma_start3A_17 = arith.constant 0 : i32
      %dma_start3A_18 = tpu.memref_slice %arg2[%dma_start3A_16, %dma_start3A_17] : memref<10000x128xf32, #tpu.memory_space<hbm>> -> memref<10000x128xf32, #tpu.memory_space<hbm>>
      tpu.enqueue_indirect_dma source(%dma_start3A_18 : memref<10000x128xf32, #tpu.memory_space<hbm>>) target(%arg9 : memref<128x128xf32, #tpu.memory_space<vmem>>) offsets(%dma_start3A_15 : memref<128xi32, #tpu.memory_space<vmem>>) semaphore(%arg11 : memref<!tpu.dma_semaphore, #tpu.memory_space<semaphore_mem>>)
      %dma_wait3A = arith.constant 0 : i32
      %dma_wait3A_19 = tpu.memref_slice %arg7[%scan3A_13, %dma_wait3A] : memref<80x128xi32, #tpu.memory_space<vmem>> -> memref<1x128xi32, #tpu.memory_space<vmem>>
      %dma_wait3A_20 = tpu.memref_squeeze %dma_wait3A_19 : memref<1x128xi32, #tpu.memory_space<vmem>> -> memref<128xi32, #tpu.memory_space<vmem>>
      %dma_wait3A_21 = arith.constant 0 : i32
      %dma_wait3A_22 = arith.constant 0 : i32
      %dma_wait3A_23 = tpu.memref_slice %arg2[%dma_wait3A_21, %dma_wait3A_22] : memref<10000x128xf32, #tpu.memory_space<hbm>> -> memref<10000x128xf32, #tpu.memory_space<hbm>>
      tpu.wait_indirect_dma semaphore(%arg11 : memref<!tpu.dma_semaphore, #tpu.memory_space<semaphore_mem>>) src(%dma_wait3A_23 : memref<10000x128xf32, #tpu.memory_space<hbm>>) dst(%arg9 : memref<128x128xf32, #tpu.memory_space<vmem>>)
      "tpu.region"() ({
        %run_scoped3A = tpu.sem_alloc : memref<!tpu.dma_semaphore, #tpu.memory_space<semaphore_mem>>
        %dma_start3A_24 = arith.constant 0 : i32
        %dma_start3A_25 = tpu.memref_slice %arg8[%scan3A_13, %dma_start3A_24] : memref<80x128xi32, #tpu.memory_space<vmem>> -> memref<1x128xi32, #tpu.memory_space<vmem>>
        %dma_start3A_26 = tpu.memref_squeeze %dma_start3A_25 : memref<1x128xi32, #tpu.memory_space<vmem>> -> memref<128xi32, #tpu.memory_space<vmem>>
        %dma_start3A_27 = arith.constant 0 : i32
        %dma_start3A_28 = arith.constant 0 : i32
        %dma_start3A_29 = tpu.memref_slice %arg10[%dma_start3A_27, %dma_start3A_28] : memref<10240x128xf32, #tpu.memory_space<vmem_shared>> -> memref<10240x128xf32, #tpu.memory_space<vmem_shared>>
        tpu.enqueue_indirect_dma source(%arg9 : memref<128x128xf32, #tpu.memory_space<vmem>>) target(%dma_start3A_29 : memref<10240x128xf32, #tpu.memory_space<vmem_shared>>) offsets(%dma_start3A_26 : memref<128xi32, #tpu.memory_space<vmem>>) semaphore(%run_scoped3A : memref<!tpu.dma_semaphore, #tpu.memory_space<semaphore_mem>>) {add = true}
        %dma_wait3A_30 = arith.constant 0 : i32
        %dma_wait3A_31 = tpu.memref_slice %arg8[%scan3A_13, %dma_wait3A_30] : memref<80x128xi32, #tpu.memory_space<vmem>> -> memref<1x128xi32, #tpu.memory_space<vmem>>
        %dma_wait3A_32 = tpu.memref_squeeze %dma_wait3A_31 : memref<1x128xi32, #tpu.memory_space<vmem>> -> memref<128xi32, #tpu.memory_space<vmem>>
        %dma_wait3A_33 = arith.constant 0 : i32
        %dma_wait3A_34 = arith.constant 0 : i32
        %dma_wait3A_35 = tpu.memref_slice %arg10[%dma_wait3A_33, %dma_wait3A_34] : memref<10240x128xf32, #tpu.memory_space<vmem_shared>> -> memref<10240x128xf32, #tpu.memory_space<vmem_shared>>
        tpu.wait_indirect_dma semaphore(%run_scoped3A : memref<!tpu.dma_semaphore, #tpu.memory_space<semaphore_mem>>) src(%arg9 : memref<128x128xf32, #tpu.memory_space<vmem>>) dst(%dma_wait3A_35 : memref<10240x128xf32, #tpu.memory_space<vmem_shared>>)
        tpu.yield
      }) : () -> ()
    }
    %scan3A_7 = arith.constant 80 : i32
    %barrier3A_8 = arith.constant 0 : index
    tpu.barrier barrier_id(%barrier3A_8)
    %mul3A_9 = arith.constant 640 : i32
    %mul3A_10 = arith.muli %arg1, %mul3A_9 : i32
    %mul3A_11 = arith.constant 640 : i32
    %mul3A_12 = arith.muli %arg1, %mul3A_11 : i32
    "tpu.region"() ({
      %run_scoped3A = tpu.sem_alloc : memref<!tpu.dma_semaphore, #tpu.memory_space<semaphore_mem>>
      %dma_start3A = arith.constant 0 : i32
      %dma_start3A_13 = tpu.memref_slice %arg6[%arg0, %mul3A_12, %dma_start3A] : memref<2x10240x128xf32, #tpu.memory_space<hbm>> -> memref<1x640x128xf32, #tpu.memory_space<hbm>>
      %dma_start3A_14 = tpu.memref_squeeze %dma_start3A_13 : memref<1x640x128xf32, #tpu.memory_space<hbm>> -> memref<640x128xf32, #tpu.memory_space<hbm>>
      %dma_start3A_15 = arith.constant 0 : i32
      %dma_start3A_16 = tpu.memref_slice %arg10[%mul3A_10, %dma_start3A_15] : memref<10240x128xf32, #tpu.memory_space<vmem_shared>> -> memref<640x128xf32, #tpu.memory_space<vmem_shared>>
      tpu.enqueue_dma source(%dma_start3A_16 : memref<640x128xf32, #tpu.memory_space<vmem_shared>>) target(%dma_start3A_14 : memref<640x128xf32, #tpu.memory_space<hbm>>) target_semaphore(%run_scoped3A : memref<!tpu.dma_semaphore, #tpu.memory_space<semaphore_mem>>)
      %dma_wait3A = arith.constant 0 : i32
      %dma_wait3A_17 = tpu.memref_slice %arg6[%arg0, %mul3A_12, %dma_wait3A] : memref<2x10240x128xf32, #tpu.memory_space<hbm>> -> memref<1x640x128xf32, #tpu.memory_space<hbm>>
      %dma_wait3A_18 = tpu.memref_squeeze %dma_wait3A_17 : memref<1x640x128xf32, #tpu.memory_space<hbm>> -> memref<640x128xf32, #tpu.memory_space<hbm>>
      %dma_wait3A_19 = arith.constant 0 : i32
      %dma_wait3A_20 = tpu.memref_slice %arg10[%mul3A_10, %dma_wait3A_19] : memref<10240x128xf32, #tpu.memory_space<vmem_shared>> -> memref<640x128xf32, #tpu.memory_space<vmem_shared>>
      tpu.wait_dma2 semaphore(%run_scoped3A : memref<!tpu.dma_semaphore, #tpu.memory_space<semaphore_mem>>) src(%dma_wait3A_20 : memref<640x128xf32, #tpu.memory_space<vmem_shared>>) dst(%dma_wait3A_18 : memref<640x128xf32, #tpu.memory_space<hbm>>)
      tpu.yield
    }) : () -> ()
    return
  }
}

#map = affine_map<(d0, d1) -> (0, 0)>
#map1 = affine_map<(d0, d1) -> (0, 0, 0)>
module attributes {stable_mosaic.version = 14 : i64} {
  func.func @_sc_agg_body(%arg0: i32, %arg1: i32, %arg2: memref<10000x128xf32, #tpu.memory_space<hbm>>, %arg3: memref<32x80x128xi32, #tpu.memory_space<hbm>>, %arg4: memref<32x80x128xi32, #tpu.memory_space<hbm>>, %arg5: memref<640x128xf32, #tpu.memory_space<hbm>>, %arg6: memref<2x10240x128xf32, #tpu.memory_space<hbm>>, %arg7: memref<80x128xi32, #tpu.memory_space<vmem>>, %arg8: memref<80x128xi32, #tpu.memory_space<vmem>>, %arg9: memref<128x128xf32, #tpu.memory_space<vmem>>, %arg10: memref<10240x128xf32, #tpu.memory_space<vmem_shared>>, %arg11: memref<!tpu.dma_semaphore, #tpu.memory_space<semaphore_mem>>) attributes {dimension_semantics = [#tpu.dimension_semantics<core_parallel>, #tpu.dimension_semantics<subcore_parallel>], iteration_bounds = array<i64: 2, 16>, scalar_prefetch = 0 : i64, scratch_operands = 5 : i64, tpu.core_type = #tpu.core_type<sc_vector_subcore>, window_params = [{transform_indices = #map}, {transform_indices = #map1}, {transform_indices = #map1}, {transform_indices = #map}, {transform_indices = #map1}]} {
    %mul3A = arith.constant 2 : i32
    %mul3A_0 = arith.muli %arg1, %mul3A : i32
    %add3A = arith.addi %mul3A_0, %arg0 : i32
    %mul3A_1 = arith.constant 640 : i32
    %mul3A_2 = arith.muli %arg1, %mul3A_1 : i32
    "tpu.region"() ({
      %run_scoped3A = tpu.sem_alloc : memref<!tpu.dma_semaphore, #tpu.memory_space<semaphore_mem>>
      %dma_start3A = arith.constant 0 : i32
      %dma_start3A_13 = tpu.memref_slice %arg10[%mul3A_2, %dma_start3A] : memref<10240x128xf32, #tpu.memory_space<vmem_shared>> -> memref<640x128xf32, #tpu.memory_space<vmem_shared>>
      tpu.enqueue_dma source(%arg5 : memref<640x128xf32, #tpu.memory_space<hbm>>) target(%dma_start3A_13 : memref<640x128xf32, #tpu.memory_space<vmem_shared>>) target_semaphore(%run_scoped3A : memref<!tpu.dma_semaphore, #tpu.memory_space<semaphore_mem>>)
      %dma_wait3A = arith.constant 0 : i32
      %dma_wait3A_14 = tpu.memref_slice %arg10[%mul3A_2, %dma_wait3A] : memref<10240x128xf32, #tpu.memory_space<vmem_shared>> -> memref<640x128xf32, #tpu.memory_space<vmem_shared>>
      tpu.wait_dma2 semaphore(%run_scoped3A : memref<!tpu.dma_semaphore, #tpu.memory_space<semaphore_mem>>) src(%arg5 : memref<640x128xf32, #tpu.memory_space<hbm>>) dst(%dma_wait3A_14 : memref<640x128xf32, #tpu.memory_space<vmem_shared>>)
      tpu.yield
    }) : () -> ()
    %barrier3A = arith.constant 0 : index
    tpu.barrier barrier_id(%barrier3A)
    "tpu.region"() ({
      %run_scoped3A = tpu.sem_alloc : memref<!tpu.dma_semaphore, #tpu.memory_space<semaphore_mem>>
      %dma_start3A = arith.constant 0 : i32
      %dma_start3A_13 = arith.constant 0 : i32
      %dma_start3A_14 = tpu.memref_slice %arg3[%add3A, %dma_start3A, %dma_start3A_13] : memref<32x80x128xi32, #tpu.memory_space<hbm>> -> memref<1x80x128xi32, #tpu.memory_space<hbm>>
      %dma_start3A_15 = tpu.memref_squeeze %dma_start3A_14 : memref<1x80x128xi32, #tpu.memory_space<hbm>> -> memref<80x128xi32, #tpu.memory_space<hbm>>
      %dma_start3A_16 = arith.constant 0 : i32
      %dma_start3A_17 = arith.constant 0 : i32
      %dma_start3A_18 = tpu.memref_slice %arg3[%add3A, %dma_start3A_16, %dma_start3A_17] : memref<32x80x128xi32, #tpu.memory_space<hbm>> -> memref<1x80x128xi32, #tpu.memory_space<hbm>>
      %dma_start3A_19 = tpu.memref_squeeze %dma_start3A_18 : memref<1x80x128xi32, #tpu.memory_space<hbm>> -> memref<80x128xi32, #tpu.memory_space<hbm>>
      tpu.enqueue_dma source(%dma_start3A_19 : memref<80x128xi32, #tpu.memory_space<hbm>>) target(%arg7 : memref<80x128xi32, #tpu.memory_space<vmem>>) target_semaphore(%run_scoped3A : memref<!tpu.dma_semaphore, #tpu.memory_space<semaphore_mem>>)
      %dma_wait3A = arith.constant 0 : i32
      %dma_wait3A_20 = arith.constant 0 : i32
      %dma_wait3A_21 = tpu.memref_slice %arg3[%add3A, %dma_wait3A, %dma_wait3A_20] : memref<32x80x128xi32, #tpu.memory_space<hbm>> -> memref<1x80x128xi32, #tpu.memory_space<hbm>>
      %dma_wait3A_22 = tpu.memref_squeeze %dma_wait3A_21 : memref<1x80x128xi32, #tpu.memory_space<hbm>> -> memref<80x128xi32, #tpu.memory_space<hbm>>
      %dma_wait3A_23 = arith.constant 0 : i32
      %dma_wait3A_24 = arith.constant 0 : i32
      %dma_wait3A_25 = tpu.memref_slice %arg3[%add3A, %dma_wait3A_23, %dma_wait3A_24] : memref<32x80x128xi32, #tpu.memory_space<hbm>> -> memref<1x80x128xi32, #tpu.memory_space<hbm>>
      %dma_wait3A_26 = tpu.memref_squeeze %dma_wait3A_25 : memref<1x80x128xi32, #tpu.memory_space<hbm>> -> memref<80x128xi32, #tpu.memory_space<hbm>>
      tpu.wait_dma2 semaphore(%run_scoped3A : memref<!tpu.dma_semaphore, #tpu.memory_space<semaphore_mem>>) src(%dma_wait3A_26 : memref<80x128xi32, #tpu.memory_space<hbm>>) dst(%arg7 : memref<80x128xi32, #tpu.memory_space<vmem>>)
      tpu.yield
    }) : () -> ()
    "tpu.region"() ({
      %run_scoped3A = tpu.sem_alloc : memref<!tpu.dma_semaphore, #tpu.memory_space<semaphore_mem>>
      %dma_start3A = arith.constant 0 : i32
      %dma_start3A_13 = arith.constant 0 : i32
      %dma_start3A_14 = tpu.memref_slice %arg4[%add3A, %dma_start3A, %dma_start3A_13] : memref<32x80x128xi32, #tpu.memory_space<hbm>> -> memref<1x80x128xi32, #tpu.memory_space<hbm>>
      %dma_start3A_15 = tpu.memref_squeeze %dma_start3A_14 : memref<1x80x128xi32, #tpu.memory_space<hbm>> -> memref<80x128xi32, #tpu.memory_space<hbm>>
      %dma_start3A_16 = arith.constant 0 : i32
      %dma_start3A_17 = arith.constant 0 : i32
      %dma_start3A_18 = tpu.memref_slice %arg4[%add3A, %dma_start3A_16, %dma_start3A_17] : memref<32x80x128xi32, #tpu.memory_space<hbm>> -> memref<1x80x128xi32, #tpu.memory_space<hbm>>
      %dma_start3A_19 = tpu.memref_squeeze %dma_start3A_18 : memref<1x80x128xi32, #tpu.memory_space<hbm>> -> memref<80x128xi32, #tpu.memory_space<hbm>>
      tpu.enqueue_dma source(%dma_start3A_19 : memref<80x128xi32, #tpu.memory_space<hbm>>) target(%arg8 : memref<80x128xi32, #tpu.memory_space<vmem>>) target_semaphore(%run_scoped3A : memref<!tpu.dma_semaphore, #tpu.memory_space<semaphore_mem>>)
      %dma_wait3A = arith.constant 0 : i32
      %dma_wait3A_20 = arith.constant 0 : i32
      %dma_wait3A_21 = tpu.memref_slice %arg4[%add3A, %dma_wait3A, %dma_wait3A_20] : memref<32x80x128xi32, #tpu.memory_space<hbm>> -> memref<1x80x128xi32, #tpu.memory_space<hbm>>
      %dma_wait3A_22 = tpu.memref_squeeze %dma_wait3A_21 : memref<1x80x128xi32, #tpu.memory_space<hbm>> -> memref<80x128xi32, #tpu.memory_space<hbm>>
      %dma_wait3A_23 = arith.constant 0 : i32
      %dma_wait3A_24 = arith.constant 0 : i32
      %dma_wait3A_25 = tpu.memref_slice %arg4[%add3A, %dma_wait3A_23, %dma_wait3A_24] : memref<32x80x128xi32, #tpu.memory_space<hbm>> -> memref<1x80x128xi32, #tpu.memory_space<hbm>>
      %dma_wait3A_26 = tpu.memref_squeeze %dma_wait3A_25 : memref<1x80x128xi32, #tpu.memory_space<hbm>> -> memref<80x128xi32, #tpu.memory_space<hbm>>
      tpu.wait_dma2 semaphore(%run_scoped3A : memref<!tpu.dma_semaphore, #tpu.memory_space<semaphore_mem>>) src(%dma_wait3A_26 : memref<80x128xi32, #tpu.memory_space<hbm>>) dst(%arg8 : memref<80x128xi32, #tpu.memory_space<vmem>>)
      tpu.yield
    }) : () -> ()
    %scan3A = arith.constant 0 : i32
    %scan3A_3 = arith.constant 0 : i32
    %scan3A_4 = arith.constant 80 : i32
    %scan3A_5 = arith.addi %scan3A_3, %scan3A_4 : i32
    %scan3A_6 = arith.constant 1 : i32
    scf.for %scan3A_13 = %scan3A_3 to %scan3A_5 step %scan3A_6  : i32 {
      %dma_start3A = arith.constant 0 : i32
      %dma_start3A_14 = tpu.memref_slice %arg7[%scan3A_13, %dma_start3A] : memref<80x128xi32, #tpu.memory_space<vmem>> -> memref<1x128xi32, #tpu.memory_space<vmem>>
      %dma_start3A_15 = tpu.memref_squeeze %dma_start3A_14 : memref<1x128xi32, #tpu.memory_space<vmem>> -> memref<128xi32, #tpu.memory_space<vmem>>
      %dma_start3A_16 = arith.constant 0 : i32
      %dma_start3A_17 = arith.constant 0 : i32
      %dma_start3A_18 = tpu.memref_slice %arg2[%dma_start3A_16, %dma_start3A_17] : memref<10000x128xf32, #tpu.memory_space<hbm>> -> memref<10000x128xf32, #tpu.memory_space<hbm>>
      tpu.enqueue_indirect_dma source(%dma_start3A_18 : memref<10000x128xf32, #tpu.memory_space<hbm>>) target(%arg9 : memref<128x128xf32, #tpu.memory_space<vmem>>) offsets(%dma_start3A_15 : memref<128xi32, #tpu.memory_space<vmem>>) semaphore(%arg11 : memref<!tpu.dma_semaphore, #tpu.memory_space<semaphore_mem>>)
      %dma_wait3A = arith.constant 0 : i32
      %dma_wait3A_19 = tpu.memref_slice %arg7[%scan3A_13, %dma_wait3A] : memref<80x128xi32, #tpu.memory_space<vmem>> -> memref<1x128xi32, #tpu.memory_space<vmem>>
      %dma_wait3A_20 = tpu.memref_squeeze %dma_wait3A_19 : memref<1x128xi32, #tpu.memory_space<vmem>> -> memref<128xi32, #tpu.memory_space<vmem>>
      %dma_wait3A_21 = arith.constant 0 : i32
      %dma_wait3A_22 = arith.constant 0 : i32
      %dma_wait3A_23 = tpu.memref_slice %arg2[%dma_wait3A_21, %dma_wait3A_22] : memref<10000x128xf32, #tpu.memory_space<hbm>> -> memref<10000x128xf32, #tpu.memory_space<hbm>>
      tpu.wait_indirect_dma semaphore(%arg11 : memref<!tpu.dma_semaphore, #tpu.memory_space<semaphore_mem>>) src(%dma_wait3A_23 : memref<10000x128xf32, #tpu.memory_space<hbm>>) dst(%arg9 : memref<128x128xf32, #tpu.memory_space<vmem>>)
      "tpu.region"() ({
        %run_scoped3A = tpu.sem_alloc : memref<!tpu.dma_semaphore, #tpu.memory_space<semaphore_mem>>
        %dma_start3A_24 = arith.constant 0 : i32
        %dma_start3A_25 = tpu.memref_slice %arg8[%scan3A_13, %dma_start3A_24] : memref<80x128xi32, #tpu.memory_space<vmem>> -> memref<1x128xi32, #tpu.memory_space<vmem>>
        %dma_start3A_26 = tpu.memref_squeeze %dma_start3A_25 : memref<1x128xi32, #tpu.memory_space<vmem>> -> memref<128xi32, #tpu.memory_space<vmem>>
        %dma_start3A_27 = arith.constant 0 : i32
        %dma_start3A_28 = arith.constant 0 : i32
        %dma_start3A_29 = tpu.memref_slice %arg10[%dma_start3A_27, %dma_start3A_28] : memref<10240x128xf32, #tpu.memory_space<vmem_shared>> -> memref<10240x128xf32, #tpu.memory_space<vmem_shared>>
        tpu.enqueue_indirect_dma source(%arg9 : memref<128x128xf32, #tpu.memory_space<vmem>>) target(%dma_start3A_29 : memref<10240x128xf32, #tpu.memory_space<vmem_shared>>) offsets(%dma_start3A_26 : memref<128xi32, #tpu.memory_space<vmem>>) semaphore(%run_scoped3A : memref<!tpu.dma_semaphore, #tpu.memory_space<semaphore_mem>>) {add = true}
        %dma_wait3A_30 = arith.constant 0 : i32
        %dma_wait3A_31 = tpu.memref_slice %arg8[%scan3A_13, %dma_wait3A_30] : memref<80x128xi32, #tpu.memory_space<vmem>> -> memref<1x128xi32, #tpu.memory_space<vmem>>
        %dma_wait3A_32 = tpu.memref_squeeze %dma_wait3A_31 : memref<1x128xi32, #tpu.memory_space<vmem>> -> memref<128xi32, #tpu.memory_space<vmem>>
        %dma_wait3A_33 = arith.constant 0 : i32
        %dma_wait3A_34 = arith.constant 0 : i32
        %dma_wait3A_35 = tpu.memref_slice %arg10[%dma_wait3A_33, %dma_wait3A_34] : memref<10240x128xf32, #tpu.memory_space<vmem_shared>> -> memref<10240x128xf32, #tpu.memory_space<vmem_shared>>
        tpu.wait_indirect_dma semaphore(%run_scoped3A : memref<!tpu.dma_semaphore, #tpu.memory_space<semaphore_mem>>) src(%arg9 : memref<128x128xf32, #tpu.memory_space<vmem>>) dst(%dma_wait3A_35 : memref<10240x128xf32, #tpu.memory_space<vmem_shared>>)
        tpu.yield
      }) : () -> ()
    }
    %scan3A_7 = arith.constant 80 : i32
    %barrier3A_8 = arith.constant 0 : index
    tpu.barrier barrier_id(%barrier3A_8)
    %mul3A_9 = arith.constant 640 : i32
    %mul3A_10 = arith.muli %arg1, %mul3A_9 : i32
    %mul3A_11 = arith.constant 640 : i32
    %mul3A_12 = arith.muli %arg1, %mul3A_11 : i32
    "tpu.region"() ({
      %run_scoped3A = tpu.sem_alloc : memref<!tpu.dma_semaphore, #tpu.memory_space<semaphore_mem>>
      %dma_start3A = arith.constant 0 : i32
      %dma_start3A_13 = tpu.memref_slice %arg6[%arg0, %mul3A_12, %dma_start3A] : memref<2x10240x128xf32, #tpu.memory_space<hbm>> -> memref<1x640x128xf32, #tpu.memory_space<hbm>>
      %dma_start3A_14 = tpu.memref_squeeze %dma_start3A_13 : memref<1x640x128xf32, #tpu.memory_space<hbm>> -> memref<640x128xf32, #tpu.memory_space<hbm>>
      %dma_start3A_15 = arith.constant 0 : i32
      %dma_start3A_16 = tpu.memref_slice %arg10[%mul3A_10, %dma_start3A_15] : memref<10240x128xf32, #tpu.memory_space<vmem_shared>> -> memref<640x128xf32, #tpu.memory_space<vmem_shared>>
      tpu.enqueue_dma source(%dma_start3A_16 : memref<640x128xf32, #tpu.memory_space<vmem_shared>>) target(%dma_start3A_14 : memref<640x128xf32, #tpu.memory_space<hbm>>) target_semaphore(%run_scoped3A : memref<!tpu.dma_semaphore, #tpu.memory_space<semaphore_mem>>)
      %dma_wait3A = arith.constant 0 : i32
      %dma_wait3A_17 = tpu.memref_slice %arg6[%arg0, %mul3A_12, %dma_wait3A] : memref<2x10240x128xf32, #tpu.memory_space<hbm>> -> memref<1x640x128xf32, #tpu.memory_space<hbm>>
      %dma_wait3A_18 = tpu.memref_squeeze %dma_wait3A_17 : memref<1x640x128xf32, #tpu.memory_space<hbm>> -> memref<640x128xf32, #tpu.memory_space<hbm>>
      %dma_wait3A_19 = arith.constant 0 : i32
      %dma_wait3A_20 = tpu.memref_slice %arg10[%mul3A_10, %dma_wait3A_19] : memref<10240x128xf32, #tpu.memory_space<vmem_shared>> -> memref<640x128xf32, #tpu.memory_space<vmem_shared>>
      tpu.wait_dma2 semaphore(%run_scoped3A : memref<!tpu.dma_semaphore, #tpu.memory_space<semaphore_mem>>) src(%dma_wait3A_20 : memref<640x128xf32, #tpu.memory_space<vmem_shared>>) dst(%dma_wait3A_18 : memref<640x128xf32, #tpu.memory_space<hbm>>)
      tpu.yield
    }) : () -> ()
    return
  }
}

#map = affine_map<(d0, d1) -> (0, 0)>
#map1 = affine_map<(d0, d1) -> (0, 0, 0)>
module attributes {stable_mosaic.version = 14 : i64} {
  func.func @_sc_agg_body(%arg0: i32, %arg1: i32, %arg2: memref<10000x128xf32, #tpu.memory_space<hbm>>, %arg3: memref<32x80x128xi32, #tpu.memory_space<hbm>>, %arg4: memref<32x80x128xi32, #tpu.memory_space<hbm>>, %arg5: memref<640x128xf32, #tpu.memory_space<hbm>>, %arg6: memref<2x10240x128xf32, #tpu.memory_space<hbm>>, %arg7: memref<80x128xi32, #tpu.memory_space<vmem>>, %arg8: memref<80x128xi32, #tpu.memory_space<vmem>>, %arg9: memref<128x128xf32, #tpu.memory_space<vmem>>, %arg10: memref<10240x128xf32, #tpu.memory_space<vmem_shared>>, %arg11: memref<!tpu.dma_semaphore, #tpu.memory_space<semaphore_mem>>) attributes {dimension_semantics = [#tpu.dimension_semantics<core_parallel>, #tpu.dimension_semantics<subcore_parallel>], iteration_bounds = array<i64: 2, 16>, scalar_prefetch = 0 : i64, scratch_operands = 5 : i64, tpu.core_type = #tpu.core_type<sc_vector_subcore>, window_params = [{transform_indices = #map}, {transform_indices = #map1}, {transform_indices = #map1}, {transform_indices = #map}, {transform_indices = #map1}]} {
    %mul3A = arith.constant 2 : i32
    %mul3A_0 = arith.muli %arg1, %mul3A : i32
    %add3A = arith.addi %mul3A_0, %arg0 : i32
    %mul3A_1 = arith.constant 640 : i32
    %mul3A_2 = arith.muli %arg1, %mul3A_1 : i32
    "tpu.region"() ({
      %run_scoped3A = tpu.sem_alloc : memref<!tpu.dma_semaphore, #tpu.memory_space<semaphore_mem>>
      %dma_start3A = arith.constant 0 : i32
      %dma_start3A_13 = tpu.memref_slice %arg10[%mul3A_2, %dma_start3A] : memref<10240x128xf32, #tpu.memory_space<vmem_shared>> -> memref<640x128xf32, #tpu.memory_space<vmem_shared>>
      tpu.enqueue_dma source(%arg5 : memref<640x128xf32, #tpu.memory_space<hbm>>) target(%dma_start3A_13 : memref<640x128xf32, #tpu.memory_space<vmem_shared>>) target_semaphore(%run_scoped3A : memref<!tpu.dma_semaphore, #tpu.memory_space<semaphore_mem>>)
      %dma_wait3A = arith.constant 0 : i32
      %dma_wait3A_14 = tpu.memref_slice %arg10[%mul3A_2, %dma_wait3A] : memref<10240x128xf32, #tpu.memory_space<vmem_shared>> -> memref<640x128xf32, #tpu.memory_space<vmem_shared>>
      tpu.wait_dma2 semaphore(%run_scoped3A : memref<!tpu.dma_semaphore, #tpu.memory_space<semaphore_mem>>) src(%arg5 : memref<640x128xf32, #tpu.memory_space<hbm>>) dst(%dma_wait3A_14 : memref<640x128xf32, #tpu.memory_space<vmem_shared>>)
      tpu.yield
    }) : () -> ()
    %barrier3A = arith.constant 0 : index
    tpu.barrier barrier_id(%barrier3A)
    "tpu.region"() ({
      %run_scoped3A = tpu.sem_alloc : memref<!tpu.dma_semaphore, #tpu.memory_space<semaphore_mem>>
      %dma_start3A = arith.constant 0 : i32
      %dma_start3A_13 = arith.constant 0 : i32
      %dma_start3A_14 = tpu.memref_slice %arg3[%add3A, %dma_start3A, %dma_start3A_13] : memref<32x80x128xi32, #tpu.memory_space<hbm>> -> memref<1x80x128xi32, #tpu.memory_space<hbm>>
      %dma_start3A_15 = tpu.memref_squeeze %dma_start3A_14 : memref<1x80x128xi32, #tpu.memory_space<hbm>> -> memref<80x128xi32, #tpu.memory_space<hbm>>
      %dma_start3A_16 = arith.constant 0 : i32
      %dma_start3A_17 = arith.constant 0 : i32
      %dma_start3A_18 = tpu.memref_slice %arg3[%add3A, %dma_start3A_16, %dma_start3A_17] : memref<32x80x128xi32, #tpu.memory_space<hbm>> -> memref<1x80x128xi32, #tpu.memory_space<hbm>>
      %dma_start3A_19 = tpu.memref_squeeze %dma_start3A_18 : memref<1x80x128xi32, #tpu.memory_space<hbm>> -> memref<80x128xi32, #tpu.memory_space<hbm>>
      tpu.enqueue_dma source(%dma_start3A_19 : memref<80x128xi32, #tpu.memory_space<hbm>>) target(%arg7 : memref<80x128xi32, #tpu.memory_space<vmem>>) target_semaphore(%run_scoped3A : memref<!tpu.dma_semaphore, #tpu.memory_space<semaphore_mem>>)
      %dma_wait3A = arith.constant 0 : i32
      %dma_wait3A_20 = arith.constant 0 : i32
      %dma_wait3A_21 = tpu.memref_slice %arg3[%add3A, %dma_wait3A, %dma_wait3A_20] : memref<32x80x128xi32, #tpu.memory_space<hbm>> -> memref<1x80x128xi32, #tpu.memory_space<hbm>>
      %dma_wait3A_22 = tpu.memref_squeeze %dma_wait3A_21 : memref<1x80x128xi32, #tpu.memory_space<hbm>> -> memref<80x128xi32, #tpu.memory_space<hbm>>
      %dma_wait3A_23 = arith.constant 0 : i32
      %dma_wait3A_24 = arith.constant 0 : i32
      %dma_wait3A_25 = tpu.memref_slice %arg3[%add3A, %dma_wait3A_23, %dma_wait3A_24] : memref<32x80x128xi32, #tpu.memory_space<hbm>> -> memref<1x80x128xi32, #tpu.memory_space<hbm>>
      %dma_wait3A_26 = tpu.memref_squeeze %dma_wait3A_25 : memref<1x80x128xi32, #tpu.memory_space<hbm>> -> memref<80x128xi32, #tpu.memory_space<hbm>>
      tpu.wait_dma2 semaphore(%run_scoped3A : memref<!tpu.dma_semaphore, #tpu.memory_space<semaphore_mem>>) src(%dma_wait3A_26 : memref<80x128xi32, #tpu.memory_space<hbm>>) dst(%arg7 : memref<80x128xi32, #tpu.memory_space<vmem>>)
      tpu.yield
    }) : () -> ()
    "tpu.region"() ({
      %run_scoped3A = tpu.sem_alloc : memref<!tpu.dma_semaphore, #tpu.memory_space<semaphore_mem>>
      %dma_start3A = arith.constant 0 : i32
      %dma_start3A_13 = arith.constant 0 : i32
      %dma_start3A_14 = tpu.memref_slice %arg4[%add3A, %dma_start3A, %dma_start3A_13] : memref<32x80x128xi32, #tpu.memory_space<hbm>> -> memref<1x80x128xi32, #tpu.memory_space<hbm>>
      %dma_start3A_15 = tpu.memref_squeeze %dma_start3A_14 : memref<1x80x128xi32, #tpu.memory_space<hbm>> -> memref<80x128xi32, #tpu.memory_space<hbm>>
      %dma_start3A_16 = arith.constant 0 : i32
      %dma_start3A_17 = arith.constant 0 : i32
      %dma_start3A_18 = tpu.memref_slice %arg4[%add3A, %dma_start3A_16, %dma_start3A_17] : memref<32x80x128xi32, #tpu.memory_space<hbm>> -> memref<1x80x128xi32, #tpu.memory_space<hbm>>
      %dma_start3A_19 = tpu.memref_squeeze %dma_start3A_18 : memref<1x80x128xi32, #tpu.memory_space<hbm>> -> memref<80x128xi32, #tpu.memory_space<hbm>>
      tpu.enqueue_dma source(%dma_start3A_19 : memref<80x128xi32, #tpu.memory_space<hbm>>) target(%arg8 : memref<80x128xi32, #tpu.memory_space<vmem>>) target_semaphore(%run_scoped3A : memref<!tpu.dma_semaphore, #tpu.memory_space<semaphore_mem>>)
      %dma_wait3A = arith.constant 0 : i32
      %dma_wait3A_20 = arith.constant 0 : i32
      %dma_wait3A_21 = tpu.memref_slice %arg4[%add3A, %dma_wait3A, %dma_wait3A_20] : memref<32x80x128xi32, #tpu.memory_space<hbm>> -> memref<1x80x128xi32, #tpu.memory_space<hbm>>
      %dma_wait3A_22 = tpu.memref_squeeze %dma_wait3A_21 : memref<1x80x128xi32, #tpu.memory_space<hbm>> -> memref<80x128xi32, #tpu.memory_space<hbm>>
      %dma_wait3A_23 = arith.constant 0 : i32
      %dma_wait3A_24 = arith.constant 0 : i32
      %dma_wait3A_25 = tpu.memref_slice %arg4[%add3A, %dma_wait3A_23, %dma_wait3A_24] : memref<32x80x128xi32, #tpu.memory_space<hbm>> -> memref<1x80x128xi32, #tpu.memory_space<hbm>>
      %dma_wait3A_26 = tpu.memref_squeeze %dma_wait3A_25 : memref<1x80x128xi32, #tpu.memory_space<hbm>> -> memref<80x128xi32, #tpu.memory_space<hbm>>
      tpu.wait_dma2 semaphore(%run_scoped3A : memref<!tpu.dma_semaphore, #tpu.memory_space<semaphore_mem>>) src(%dma_wait3A_26 : memref<80x128xi32, #tpu.memory_space<hbm>>) dst(%arg8 : memref<80x128xi32, #tpu.memory_space<vmem>>)
      tpu.yield
    }) : () -> ()
    %scan3A = arith.constant 0 : i32
    %scan3A_3 = arith.constant 0 : i32
    %scan3A_4 = arith.constant 80 : i32
    %scan3A_5 = arith.addi %scan3A_3, %scan3A_4 : i32
    %scan3A_6 = arith.constant 1 : i32
    scf.for %scan3A_13 = %scan3A_3 to %scan3A_5 step %scan3A_6  : i32 {
      %dma_start3A = arith.constant 0 : i32
      %dma_start3A_14 = tpu.memref_slice %arg7[%scan3A_13, %dma_start3A] : memref<80x128xi32, #tpu.memory_space<vmem>> -> memref<1x128xi32, #tpu.memory_space<vmem>>
      %dma_start3A_15 = tpu.memref_squeeze %dma_start3A_14 : memref<1x128xi32, #tpu.memory_space<vmem>> -> memref<128xi32, #tpu.memory_space<vmem>>
      %dma_start3A_16 = arith.constant 0 : i32
      %dma_start3A_17 = arith.constant 0 : i32
      %dma_start3A_18 = tpu.memref_slice %arg2[%dma_start3A_16, %dma_start3A_17] : memref<10000x128xf32, #tpu.memory_space<hbm>> -> memref<10000x128xf32, #tpu.memory_space<hbm>>
      tpu.enqueue_indirect_dma source(%dma_start3A_18 : memref<10000x128xf32, #tpu.memory_space<hbm>>) target(%arg9 : memref<128x128xf32, #tpu.memory_space<vmem>>) offsets(%dma_start3A_15 : memref<128xi32, #tpu.memory_space<vmem>>) semaphore(%arg11 : memref<!tpu.dma_semaphore, #tpu.memory_space<semaphore_mem>>)
      %dma_wait3A = arith.constant 0 : i32
      %dma_wait3A_19 = tpu.memref_slice %arg7[%scan3A_13, %dma_wait3A] : memref<80x128xi32, #tpu.memory_space<vmem>> -> memref<1x128xi32, #tpu.memory_space<vmem>>
      %dma_wait3A_20 = tpu.memref_squeeze %dma_wait3A_19 : memref<1x128xi32, #tpu.memory_space<vmem>> -> memref<128xi32, #tpu.memory_space<vmem>>
      %dma_wait3A_21 = arith.constant 0 : i32
      %dma_wait3A_22 = arith.constant 0 : i32
      %dma_wait3A_23 = tpu.memref_slice %arg2[%dma_wait3A_21, %dma_wait3A_22] : memref<10000x128xf32, #tpu.memory_space<hbm>> -> memref<10000x128xf32, #tpu.memory_space<hbm>>
      tpu.wait_indirect_dma semaphore(%arg11 : memref<!tpu.dma_semaphore, #tpu.memory_space<semaphore_mem>>) src(%dma_wait3A_23 : memref<10000x128xf32, #tpu.memory_space<hbm>>) dst(%arg9 : memref<128x128xf32, #tpu.memory_space<vmem>>)
      "tpu.region"() ({
        %run_scoped3A = tpu.sem_alloc : memref<!tpu.dma_semaphore, #tpu.memory_space<semaphore_mem>>
        %dma_start3A_24 = arith.constant 0 : i32
        %dma_start3A_25 = tpu.memref_slice %arg8[%scan3A_13, %dma_start3A_24] : memref<80x128xi32, #tpu.memory_space<vmem>> -> memref<1x128xi32, #tpu.memory_space<vmem>>
        %dma_start3A_26 = tpu.memref_squeeze %dma_start3A_25 : memref<1x128xi32, #tpu.memory_space<vmem>> -> memref<128xi32, #tpu.memory_space<vmem>>
        %dma_start3A_27 = arith.constant 0 : i32
        %dma_start3A_28 = arith.constant 0 : i32
        %dma_start3A_29 = tpu.memref_slice %arg10[%dma_start3A_27, %dma_start3A_28] : memref<10240x128xf32, #tpu.memory_space<vmem_shared>> -> memref<10240x128xf32, #tpu.memory_space<vmem_shared>>
        tpu.enqueue_indirect_dma source(%arg9 : memref<128x128xf32, #tpu.memory_space<vmem>>) target(%dma_start3A_29 : memref<10240x128xf32, #tpu.memory_space<vmem_shared>>) offsets(%dma_start3A_26 : memref<128xi32, #tpu.memory_space<vmem>>) semaphore(%run_scoped3A : memref<!tpu.dma_semaphore, #tpu.memory_space<semaphore_mem>>) {add = true}
        %dma_wait3A_30 = arith.constant 0 : i32
        %dma_wait3A_31 = tpu.memref_slice %arg8[%scan3A_13, %dma_wait3A_30] : memref<80x128xi32, #tpu.memory_space<vmem>> -> memref<1x128xi32, #tpu.memory_space<vmem>>
        %dma_wait3A_32 = tpu.memref_squeeze %dma_wait3A_31 : memref<1x128xi32, #tpu.memory_space<vmem>> -> memref<128xi32, #tpu.memory_space<vmem>>
        %dma_wait3A_33 = arith.constant 0 : i32
        %dma_wait3A_34 = arith.constant 0 : i32
        %dma_wait3A_35 = tpu.memref_slice %arg10[%dma_wait3A_33, %dma_wait3A_34] : memref<10240x128xf32, #tpu.memory_space<vmem_shared>> -> memref<10240x128xf32, #tpu.memory_space<vmem_shared>>
        tpu.wait_indirect_dma semaphore(%run_scoped3A : memref<!tpu.dma_semaphore, #tpu.memory_space<semaphore_mem>>) src(%arg9 : memref<128x128xf32, #tpu.memory_space<vmem>>) dst(%dma_wait3A_35 : memref<10240x128xf32, #tpu.memory_space<vmem_shared>>)
        tpu.yield
      }) : () -> ()
    }
    %scan3A_7 = arith.constant 80 : i32
    %barrier3A_8 = arith.constant 0 : index
    tpu.barrier barrier_id(%barrier3A_8)
    %mul3A_9 = arith.constant 640 : i32
    %mul3A_10 = arith.muli %arg1, %mul3A_9 : i32
    %mul3A_11 = arith.constant 640 : i32
    %mul3A_12 = arith.muli %arg1, %mul3A_11 : i32
    "tpu.region"() ({
      %run_scoped3A = tpu.sem_alloc : memref<!tpu.dma_semaphore, #tpu.memory_space<semaphore_mem>>
      %dma_start3A = arith.constant 0 : i32
      %dma_start3A_13 = tpu.memref_slice %arg6[%arg0, %mul3A_12, %dma_start3A] : memref<2x10240x128xf32, #tpu.memory_space<hbm>> -> memref<1x640x128xf32, #tpu.memory_space<hbm>>
      %dma_start3A_14 = tpu.memref_squeeze %dma_start3A_13 : memref<1x640x128xf32, #tpu.memory_space<hbm>> -> memref<640x128xf32, #tpu.memory_space<hbm>>
      %dma_start3A_15 = arith.constant 0 : i32
      %dma_start3A_16 = tpu.memref_slice %arg10[%mul3A_10, %dma_start3A_15] : memref<10240x128xf32, #tpu.memory_space<vmem_shared>> -> memref<640x128xf32, #tpu.memory_space<vmem_shared>>
      tpu.enqueue_dma source(%dma_start3A_16 : memref<640x128xf32, #tpu.memory_space<vmem_shared>>) target(%dma_start3A_14 : memref<640x128xf32, #tpu.memory_space<hbm>>) target_semaphore(%run_scoped3A : memref<!tpu.dma_semaphore, #tpu.memory_space<semaphore_mem>>)
      %dma_wait3A = arith.constant 0 : i32
      %dma_wait3A_17 = tpu.memref_slice %arg6[%arg0, %mul3A_12, %dma_wait3A] : memref<2x10240x128xf32, #tpu.memory_space<hbm>> -> memref<1x640x128xf32, #tpu.memory_space<hbm>>
      %dma_wait3A_18 = tpu.memref_squeeze %dma_wait3A_17 : memref<1x640x128xf32, #tpu.memory_space<hbm>> -> memref<640x128xf32, #tpu.memory_space<hbm>>
      %dma_wait3A_19 = arith.constant 0 : i32
      %dma_wait3A_20 = tpu.memref_slice %arg10[%mul3A_10, %dma_wait3A_19] : memref<10240x128xf32, #tpu.memory_space<vmem_shared>> -> memref<640x128xf32, #tpu.memory_space<vmem_shared>>
      tpu.wait_dma2 semaphore(%run_scoped3A : memref<!tpu.dma_semaphore, #tpu.memory_space<semaphore_mem>>) src(%dma_wait3A_20 : memref<640x128xf32, #tpu.memory_space<vmem_shared>>) dst(%dma_wait3A_18 : memref<640x128xf32, #tpu.memory_space<hbm>>)
      tpu.yield
    }) : () -> ()
    return
  }
}

#map = affine_map<(d0, d1) -> (0, 0)>
#map1 = affine_map<(d0, d1) -> (0, 0, 0)>
module attributes {stable_mosaic.version = 14 : i64} {
  func.func @_sc_agg_body(%arg0: i32, %arg1: i32, %arg2: memref<10000x128xf32, #tpu.memory_space<hbm>>, %arg3: memref<32x80x128xi32, #tpu.memory_space<hbm>>, %arg4: memref<32x80x128xi32, #tpu.memory_space<hbm>>, %arg5: memref<640x128xf32, #tpu.memory_space<hbm>>, %arg6: memref<2x10240x128xf32, #tpu.memory_space<hbm>>, %arg7: memref<80x128xi32, #tpu.memory_space<vmem>>, %arg8: memref<80x128xi32, #tpu.memory_space<vmem>>, %arg9: memref<128x128xf32, #tpu.memory_space<vmem>>, %arg10: memref<10240x128xf32, #tpu.memory_space<vmem_shared>>, %arg11: memref<!tpu.dma_semaphore, #tpu.memory_space<semaphore_mem>>) attributes {dimension_semantics = [#tpu.dimension_semantics<core_parallel>, #tpu.dimension_semantics<subcore_parallel>], iteration_bounds = array<i64: 2, 16>, scalar_prefetch = 0 : i64, scratch_operands = 5 : i64, tpu.core_type = #tpu.core_type<sc_vector_subcore>, window_params = [{transform_indices = #map}, {transform_indices = #map1}, {transform_indices = #map1}, {transform_indices = #map}, {transform_indices = #map1}]} {
    %mul3A = arith.constant 2 : i32
    %mul3A_0 = arith.muli %arg1, %mul3A : i32
    %add3A = arith.addi %mul3A_0, %arg0 : i32
    %mul3A_1 = arith.constant 640 : i32
    %mul3A_2 = arith.muli %arg1, %mul3A_1 : i32
    "tpu.region"() ({
      %run_scoped3A = tpu.sem_alloc : memref<!tpu.dma_semaphore, #tpu.memory_space<semaphore_mem>>
      %dma_start3A = arith.constant 0 : i32
      %dma_start3A_13 = tpu.memref_slice %arg10[%mul3A_2, %dma_start3A] : memref<10240x128xf32, #tpu.memory_space<vmem_shared>> -> memref<640x128xf32, #tpu.memory_space<vmem_shared>>
      tpu.enqueue_dma source(%arg5 : memref<640x128xf32, #tpu.memory_space<hbm>>) target(%dma_start3A_13 : memref<640x128xf32, #tpu.memory_space<vmem_shared>>) target_semaphore(%run_scoped3A : memref<!tpu.dma_semaphore, #tpu.memory_space<semaphore_mem>>)
      %dma_wait3A = arith.constant 0 : i32
      %dma_wait3A_14 = tpu.memref_slice %arg10[%mul3A_2, %dma_wait3A] : memref<10240x128xf32, #tpu.memory_space<vmem_shared>> -> memref<640x128xf32, #tpu.memory_space<vmem_shared>>
      tpu.wait_dma2 semaphore(%run_scoped3A : memref<!tpu.dma_semaphore, #tpu.memory_space<semaphore_mem>>) src(%arg5 : memref<640x128xf32, #tpu.memory_space<hbm>>) dst(%dma_wait3A_14 : memref<640x128xf32, #tpu.memory_space<vmem_shared>>)
      tpu.yield
    }) : () -> ()
    %barrier3A = arith.constant 0 : index
    tpu.barrier barrier_id(%barrier3A)
    "tpu.region"() ({
      %run_scoped3A = tpu.sem_alloc : memref<!tpu.dma_semaphore, #tpu.memory_space<semaphore_mem>>
      %dma_start3A = arith.constant 0 : i32
      %dma_start3A_13 = arith.constant 0 : i32
      %dma_start3A_14 = tpu.memref_slice %arg3[%add3A, %dma_start3A, %dma_start3A_13] : memref<32x80x128xi32, #tpu.memory_space<hbm>> -> memref<1x80x128xi32, #tpu.memory_space<hbm>>
      %dma_start3A_15 = tpu.memref_squeeze %dma_start3A_14 : memref<1x80x128xi32, #tpu.memory_space<hbm>> -> memref<80x128xi32, #tpu.memory_space<hbm>>
      %dma_start3A_16 = arith.constant 0 : i32
      %dma_start3A_17 = arith.constant 0 : i32
      %dma_start3A_18 = tpu.memref_slice %arg3[%add3A, %dma_start3A_16, %dma_start3A_17] : memref<32x80x128xi32, #tpu.memory_space<hbm>> -> memref<1x80x128xi32, #tpu.memory_space<hbm>>
      %dma_start3A_19 = tpu.memref_squeeze %dma_start3A_18 : memref<1x80x128xi32, #tpu.memory_space<hbm>> -> memref<80x128xi32, #tpu.memory_space<hbm>>
      tpu.enqueue_dma source(%dma_start3A_19 : memref<80x128xi32, #tpu.memory_space<hbm>>) target(%arg7 : memref<80x128xi32, #tpu.memory_space<vmem>>) target_semaphore(%run_scoped3A : memref<!tpu.dma_semaphore, #tpu.memory_space<semaphore_mem>>)
      %dma_wait3A = arith.constant 0 : i32
      %dma_wait3A_20 = arith.constant 0 : i32
      %dma_wait3A_21 = tpu.memref_slice %arg3[%add3A, %dma_wait3A, %dma_wait3A_20] : memref<32x80x128xi32, #tpu.memory_space<hbm>> -> memref<1x80x128xi32, #tpu.memory_space<hbm>>
      %dma_wait3A_22 = tpu.memref_squeeze %dma_wait3A_21 : memref<1x80x128xi32, #tpu.memory_space<hbm>> -> memref<80x128xi32, #tpu.memory_space<hbm>>
      %dma_wait3A_23 = arith.constant 0 : i32
      %dma_wait3A_24 = arith.constant 0 : i32
      %dma_wait3A_25 = tpu.memref_slice %arg3[%add3A, %dma_wait3A_23, %dma_wait3A_24] : memref<32x80x128xi32, #tpu.memory_space<hbm>> -> memref<1x80x128xi32, #tpu.memory_space<hbm>>
      %dma_wait3A_26 = tpu.memref_squeeze %dma_wait3A_25 : memref<1x80x128xi32, #tpu.memory_space<hbm>> -> memref<80x128xi32, #tpu.memory_space<hbm>>
      tpu.wait_dma2 semaphore(%run_scoped3A : memref<!tpu.dma_semaphore, #tpu.memory_space<semaphore_mem>>) src(%dma_wait3A_26 : memref<80x128xi32, #tpu.memory_space<hbm>>) dst(%arg7 : memref<80x128xi32, #tpu.memory_space<vmem>>)
      tpu.yield
    }) : () -> ()
    "tpu.region"() ({
      %run_scoped3A = tpu.sem_alloc : memref<!tpu.dma_semaphore, #tpu.memory_space<semaphore_mem>>
      %dma_start3A = arith.constant 0 : i32
      %dma_start3A_13 = arith.constant 0 : i32
      %dma_start3A_14 = tpu.memref_slice %arg4[%add3A, %dma_start3A, %dma_start3A_13] : memref<32x80x128xi32, #tpu.memory_space<hbm>> -> memref<1x80x128xi32, #tpu.memory_space<hbm>>
      %dma_start3A_15 = tpu.memref_squeeze %dma_start3A_14 : memref<1x80x128xi32, #tpu.memory_space<hbm>> -> memref<80x128xi32, #tpu.memory_space<hbm>>
      %dma_start3A_16 = arith.constant 0 : i32
      %dma_start3A_17 = arith.constant 0 : i32
      %dma_start3A_18 = tpu.memref_slice %arg4[%add3A, %dma_start3A_16, %dma_start3A_17] : memref<32x80x128xi32, #tpu.memory_space<hbm>> -> memref<1x80x128xi32, #tpu.memory_space<hbm>>
      %dma_start3A_19 = tpu.memref_squeeze %dma_start3A_18 : memref<1x80x128xi32, #tpu.memory_space<hbm>> -> memref<80x128xi32, #tpu.memory_space<hbm>>
      tpu.enqueue_dma source(%dma_start3A_19 : memref<80x128xi32, #tpu.memory_space<hbm>>) target(%arg8 : memref<80x128xi32, #tpu.memory_space<vmem>>) target_semaphore(%run_scoped3A : memref<!tpu.dma_semaphore, #tpu.memory_space<semaphore_mem>>)
      %dma_wait3A = arith.constant 0 : i32
      %dma_wait3A_20 = arith.constant 0 : i32
      %dma_wait3A_21 = tpu.memref_slice %arg4[%add3A, %dma_wait3A, %dma_wait3A_20] : memref<32x80x128xi32, #tpu.memory_space<hbm>> -> memref<1x80x128xi32, #tpu.memory_space<hbm>>
      %dma_wait3A_22 = tpu.memref_squeeze %dma_wait3A_21 : memref<1x80x128xi32, #tpu.memory_space<hbm>> -> memref<80x128xi32, #tpu.memory_space<hbm>>
      %dma_wait3A_23 = arith.constant 0 : i32
      %dma_wait3A_24 = arith.constant 0 : i32
      %dma_wait3A_25 = tpu.memref_slice %arg4[%add3A, %dma_wait3A_23, %dma_wait3A_24] : memref<32x80x128xi32, #tpu.memory_space<hbm>> -> memref<1x80x128xi32, #tpu.memory_space<hbm>>
      %dma_wait3A_26 = tpu.memref_squeeze %dma_wait3A_25 : memref<1x80x128xi32, #tpu.memory_space<hbm>> -> memref<80x128xi32, #tpu.memory_space<hbm>>
      tpu.wait_dma2 semaphore(%run_scoped3A : memref<!tpu.dma_semaphore, #tpu.memory_space<semaphore_mem>>) src(%dma_wait3A_26 : memref<80x128xi32, #tpu.memory_space<hbm>>) dst(%arg8 : memref<80x128xi32, #tpu.memory_space<vmem>>)
      tpu.yield
    }) : () -> ()
    %scan3A = arith.constant 0 : i32
    %scan3A_3 = arith.constant 0 : i32
    %scan3A_4 = arith.constant 80 : i32
    %scan3A_5 = arith.addi %scan3A_3, %scan3A_4 : i32
    %scan3A_6 = arith.constant 1 : i32
    scf.for %scan3A_13 = %scan3A_3 to %scan3A_5 step %scan3A_6  : i32 {
      %dma_start3A = arith.constant 0 : i32
      %dma_start3A_14 = tpu.memref_slice %arg7[%scan3A_13, %dma_start3A] : memref<80x128xi32, #tpu.memory_space<vmem>> -> memref<1x128xi32, #tpu.memory_space<vmem>>
      %dma_start3A_15 = tpu.memref_squeeze %dma_start3A_14 : memref<1x128xi32, #tpu.memory_space<vmem>> -> memref<128xi32, #tpu.memory_space<vmem>>
      %dma_start3A_16 = arith.constant 0 : i32
      %dma_start3A_17 = arith.constant 0 : i32
      %dma_start3A_18 = tpu.memref_slice %arg2[%dma_start3A_16, %dma_start3A_17] : memref<10000x128xf32, #tpu.memory_space<hbm>> -> memref<10000x128xf32, #tpu.memory_space<hbm>>
      tpu.enqueue_indirect_dma source(%dma_start3A_18 : memref<10000x128xf32, #tpu.memory_space<hbm>>) target(%arg9 : memref<128x128xf32, #tpu.memory_space<vmem>>) offsets(%dma_start3A_15 : memref<128xi32, #tpu.memory_space<vmem>>) semaphore(%arg11 : memref<!tpu.dma_semaphore, #tpu.memory_space<semaphore_mem>>)
      %dma_wait3A = arith.constant 0 : i32
      %dma_wait3A_19 = tpu.memref_slice %arg7[%scan3A_13, %dma_wait3A] : memref<80x128xi32, #tpu.memory_space<vmem>> -> memref<1x128xi32, #tpu.memory_space<vmem>>
      %dma_wait3A_20 = tpu.memref_squeeze %dma_wait3A_19 : memref<1x128xi32, #tpu.memory_space<vmem>> -> memref<128xi32, #tpu.memory_space<vmem>>
      %dma_wait3A_21 = arith.constant 0 : i32
      %dma_wait3A_22 = arith.constant 0 : i32
      %dma_wait3A_23 = tpu.memref_slice %arg2[%dma_wait3A_21, %dma_wait3A_22] : memref<10000x128xf32, #tpu.memory_space<hbm>> -> memref<10000x128xf32, #tpu.memory_space<hbm>>
      tpu.wait_indirect_dma semaphore(%arg11 : memref<!tpu.dma_semaphore, #tpu.memory_space<semaphore_mem>>) src(%dma_wait3A_23 : memref<10000x128xf32, #tpu.memory_space<hbm>>) dst(%arg9 : memref<128x128xf32, #tpu.memory_space<vmem>>)
      "tpu.region"() ({
        %run_scoped3A = tpu.sem_alloc : memref<!tpu.dma_semaphore, #tpu.memory_space<semaphore_mem>>
        %dma_start3A_24 = arith.constant 0 : i32
        %dma_start3A_25 = tpu.memref_slice %arg8[%scan3A_13, %dma_start3A_24] : memref<80x128xi32, #tpu.memory_space<vmem>> -> memref<1x128xi32, #tpu.memory_space<vmem>>
        %dma_start3A_26 = tpu.memref_squeeze %dma_start3A_25 : memref<1x128xi32, #tpu.memory_space<vmem>> -> memref<128xi32, #tpu.memory_space<vmem>>
        %dma_start3A_27 = arith.constant 0 : i32
        %dma_start3A_28 = arith.constant 0 : i32
        %dma_start3A_29 = tpu.memref_slice %arg10[%dma_start3A_27, %dma_start3A_28] : memref<10240x128xf32, #tpu.memory_space<vmem_shared>> -> memref<10240x128xf32, #tpu.memory_space<vmem_shared>>
        tpu.enqueue_indirect_dma source(%arg9 : memref<128x128xf32, #tpu.memory_space<vmem>>) target(%dma_start3A_29 : memref<10240x128xf32, #tpu.memory_space<vmem_shared>>) offsets(%dma_start3A_26 : memref<128xi32, #tpu.memory_space<vmem>>) semaphore(%run_scoped3A : memref<!tpu.dma_semaphore, #tpu.memory_space<semaphore_mem>>) {add = true}
        %dma_wait3A_30 = arith.constant 0 : i32
        %dma_wait3A_31 = tpu.memref_slice %arg8[%scan3A_13, %dma_wait3A_30] : memref<80x128xi32, #tpu.memory_space<vmem>> -> memref<1x128xi32, #tpu.memory_space<vmem>>
        %dma_wait3A_32 = tpu.memref_squeeze %dma_wait3A_31 : memref<1x128xi32, #tpu.memory_space<vmem>> -> memref<128xi32, #tpu.memory_space<vmem>>
        %dma_wait3A_33 = arith.constant 0 : i32
        %dma_wait3A_34 = arith.constant 0 : i32
        %dma_wait3A_35 = tpu.memref_slice %arg10[%dma_wait3A_33, %dma_wait3A_34] : memref<10240x128xf32, #tpu.memory_space<vmem_shared>> -> memref<10240x128xf32, #tpu.memory_space<vmem_shared>>
        tpu.wait_indirect_dma semaphore(%run_scoped3A : memref<!tpu.dma_semaphore, #tpu.memory_space<semaphore_mem>>) src(%arg9 : memref<128x128xf32, #tpu.memory_space<vmem>>) dst(%dma_wait3A_35 : memref<10240x128xf32, #tpu.memory_space<vmem_shared>>)
        tpu.yield
      }) : () -> ()
    }
    %scan3A_7 = arith.constant 80 : i32
    %barrier3A_8 = arith.constant 0 : index
    tpu.barrier barrier_id(%barrier3A_8)
    %mul3A_9 = arith.constant 640 : i32
    %mul3A_10 = arith.muli %arg1, %mul3A_9 : i32
    %mul3A_11 = arith.constant 640 : i32
    %mul3A_12 = arith.muli %arg1, %mul3A_11 : i32
    "tpu.region"() ({
      %run_scoped3A = tpu.sem_alloc : memref<!tpu.dma_semaphore, #tpu.memory_space<semaphore_mem>>
      %dma_start3A = arith.constant 0 : i32
      %dma_start3A_13 = tpu.memref_slice %arg6[%arg0, %mul3A_12, %dma_start3A] : memref<2x10240x128xf32, #tpu.memory_space<hbm>> -> memref<1x640x128xf32, #tpu.memory_space<hbm>>
      %dma_start3A_14 = tpu.memref_squeeze %dma_start3A_13 : memref<1x640x128xf32, #tpu.memory_space<hbm>> -> memref<640x128xf32, #tpu.memory_space<hbm>>
      %dma_start3A_15 = arith.constant 0 : i32
      %dma_start3A_16 = tpu.memref_slice %arg10[%mul3A_10, %dma_start3A_15] : memref<10240x128xf32, #tpu.memory_space<vmem_shared>> -> memref<640x128xf32, #tpu.memory_space<vmem_shared>>
      tpu.enqueue_dma source(%dma_start3A_16 : memref<640x128xf32, #tpu.memory_space<vmem_shared>>) target(%dma_start3A_14 : memref<640x128xf32, #tpu.memory_space<hbm>>) target_semaphore(%run_scoped3A : memref<!tpu.dma_semaphore, #tpu.memory_space<semaphore_mem>>)
      %dma_wait3A = arith.constant 0 : i32
      %dma_wait3A_17 = tpu.memref_slice %arg6[%arg0, %mul3A_12, %dma_wait3A] : memref<2x10240x128xf32, #tpu.memory_space<hbm>> -> memref<1x640x128xf32, #tpu.memory_space<hbm>>
      %dma_wait3A_18 = tpu.memref_squeeze %dma_wait3A_17 : memref<1x640x128xf32, #tpu.memory_space<hbm>> -> memref<640x128xf32, #tpu.memory_space<hbm>>
      %dma_wait3A_19 = arith.constant 0 : i32
      %dma_wait3A_20 = tpu.memref_slice %arg10[%mul3A_10, %dma_wait3A_19] : memref<10240x128xf32, #tpu.memory_space<vmem_shared>> -> memref<640x128xf32, #tpu.memory_space<vmem_shared>>
      tpu.wait_dma2 semaphore(%run_scoped3A : memref<!tpu.dma_semaphore, #tpu.memory_space<semaphore_mem>>) src(%dma_wait3A_20 : memref<640x128xf32, #tpu.memory_space<vmem_shared>>) dst(%dma_wait3A_18 : memref<640x128xf32, #tpu.memory_space<hbm>>)
      tpu.yield
    }) : () -> ()
    return
  }
}

#map = affine_map<(d0, d1) -> (0, 0)>
#map1 = affine_map<(d0, d1) -> (0, 0, 0)>
module attributes {stable_mosaic.version = 14 : i64} {
  func.func @_sc_agg_body(%arg0: i32, %arg1: i32, %arg2: memref<10000x128xf32, #tpu.memory_space<hbm>>, %arg3: memref<32x80x128xi32, #tpu.memory_space<hbm>>, %arg4: memref<32x80x128xi32, #tpu.memory_space<hbm>>, %arg5: memref<640x128xf32, #tpu.memory_space<hbm>>, %arg6: memref<2x10240x128xf32, #tpu.memory_space<hbm>>, %arg7: memref<80x128xi32, #tpu.memory_space<vmem>>, %arg8: memref<80x128xi32, #tpu.memory_space<vmem>>, %arg9: memref<128x128xf32, #tpu.memory_space<vmem>>, %arg10: memref<10240x128xf32, #tpu.memory_space<vmem_shared>>, %arg11: memref<!tpu.dma_semaphore, #tpu.memory_space<semaphore_mem>>) attributes {dimension_semantics = [#tpu.dimension_semantics<core_parallel>, #tpu.dimension_semantics<subcore_parallel>], iteration_bounds = array<i64: 2, 16>, scalar_prefetch = 0 : i64, scratch_operands = 5 : i64, tpu.core_type = #tpu.core_type<sc_vector_subcore>, window_params = [{transform_indices = #map}, {transform_indices = #map1}, {transform_indices = #map1}, {transform_indices = #map}, {transform_indices = #map1}]} {
    %mul3A = arith.constant 2 : i32
    %mul3A_0 = arith.muli %arg1, %mul3A : i32
    %add3A = arith.addi %mul3A_0, %arg0 : i32
    %mul3A_1 = arith.constant 640 : i32
    %mul3A_2 = arith.muli %arg1, %mul3A_1 : i32
    "tpu.region"() ({
      %run_scoped3A = tpu.sem_alloc : memref<!tpu.dma_semaphore, #tpu.memory_space<semaphore_mem>>
      %dma_start3A = arith.constant 0 : i32
      %dma_start3A_13 = tpu.memref_slice %arg10[%mul3A_2, %dma_start3A] : memref<10240x128xf32, #tpu.memory_space<vmem_shared>> -> memref<640x128xf32, #tpu.memory_space<vmem_shared>>
      tpu.enqueue_dma source(%arg5 : memref<640x128xf32, #tpu.memory_space<hbm>>) target(%dma_start3A_13 : memref<640x128xf32, #tpu.memory_space<vmem_shared>>) target_semaphore(%run_scoped3A : memref<!tpu.dma_semaphore, #tpu.memory_space<semaphore_mem>>)
      %dma_wait3A = arith.constant 0 : i32
      %dma_wait3A_14 = tpu.memref_slice %arg10[%mul3A_2, %dma_wait3A] : memref<10240x128xf32, #tpu.memory_space<vmem_shared>> -> memref<640x128xf32, #tpu.memory_space<vmem_shared>>
      tpu.wait_dma2 semaphore(%run_scoped3A : memref<!tpu.dma_semaphore, #tpu.memory_space<semaphore_mem>>) src(%arg5 : memref<640x128xf32, #tpu.memory_space<hbm>>) dst(%dma_wait3A_14 : memref<640x128xf32, #tpu.memory_space<vmem_shared>>)
      tpu.yield
    }) : () -> ()
    %barrier3A = arith.constant 0 : index
    tpu.barrier barrier_id(%barrier3A)
    "tpu.region"() ({
      %run_scoped3A = tpu.sem_alloc : memref<!tpu.dma_semaphore, #tpu.memory_space<semaphore_mem>>
      %dma_start3A = arith.constant 0 : i32
      %dma_start3A_13 = arith.constant 0 : i32
      %dma_start3A_14 = tpu.memref_slice %arg3[%add3A, %dma_start3A, %dma_start3A_13] : memref<32x80x128xi32, #tpu.memory_space<hbm>> -> memref<1x80x128xi32, #tpu.memory_space<hbm>>
      %dma_start3A_15 = tpu.memref_squeeze %dma_start3A_14 : memref<1x80x128xi32, #tpu.memory_space<hbm>> -> memref<80x128xi32, #tpu.memory_space<hbm>>
      %dma_start3A_16 = arith.constant 0 : i32
      %dma_start3A_17 = arith.constant 0 : i32
      %dma_start3A_18 = tpu.memref_slice %arg3[%add3A, %dma_start3A_16, %dma_start3A_17] : memref<32x80x128xi32, #tpu.memory_space<hbm>> -> memref<1x80x128xi32, #tpu.memory_space<hbm>>
      %dma_start3A_19 = tpu.memref_squeeze %dma_start3A_18 : memref<1x80x128xi32, #tpu.memory_space<hbm>> -> memref<80x128xi32, #tpu.memory_space<hbm>>
      tpu.enqueue_dma source(%dma_start3A_19 : memref<80x128xi32, #tpu.memory_space<hbm>>) target(%arg7 : memref<80x128xi32, #tpu.memory_space<vmem>>) target_semaphore(%run_scoped3A : memref<!tpu.dma_semaphore, #tpu.memory_space<semaphore_mem>>)
      %dma_wait3A = arith.constant 0 : i32
      %dma_wait3A_20 = arith.constant 0 : i32
      %dma_wait3A_21 = tpu.memref_slice %arg3[%add3A, %dma_wait3A, %dma_wait3A_20] : memref<32x80x128xi32, #tpu.memory_space<hbm>> -> memref<1x80x128xi32, #tpu.memory_space<hbm>>
      %dma_wait3A_22 = tpu.memref_squeeze %dma_wait3A_21 : memref<1x80x128xi32, #tpu.memory_space<hbm>> -> memref<80x128xi32, #tpu.memory_space<hbm>>
      %dma_wait3A_23 = arith.constant 0 : i32
      %dma_wait3A_24 = arith.constant 0 : i32
      %dma_wait3A_25 = tpu.memref_slice %arg3[%add3A, %dma_wait3A_23, %dma_wait3A_24] : memref<32x80x128xi32, #tpu.memory_space<hbm>> -> memref<1x80x128xi32, #tpu.memory_space<hbm>>
      %dma_wait3A_26 = tpu.memref_squeeze %dma_wait3A_25 : memref<1x80x128xi32, #tpu.memory_space<hbm>> -> memref<80x128xi32, #tpu.memory_space<hbm>>
      tpu.wait_dma2 semaphore(%run_scoped3A : memref<!tpu.dma_semaphore, #tpu.memory_space<semaphore_mem>>) src(%dma_wait3A_26 : memref<80x128xi32, #tpu.memory_space<hbm>>) dst(%arg7 : memref<80x128xi32, #tpu.memory_space<vmem>>)
      tpu.yield
    }) : () -> ()
    "tpu.region"() ({
      %run_scoped3A = tpu.sem_alloc : memref<!tpu.dma_semaphore, #tpu.memory_space<semaphore_mem>>
      %dma_start3A = arith.constant 0 : i32
      %dma_start3A_13 = arith.constant 0 : i32
      %dma_start3A_14 = tpu.memref_slice %arg4[%add3A, %dma_start3A, %dma_start3A_13] : memref<32x80x128xi32, #tpu.memory_space<hbm>> -> memref<1x80x128xi32, #tpu.memory_space<hbm>>
      %dma_start3A_15 = tpu.memref_squeeze %dma_start3A_14 : memref<1x80x128xi32, #tpu.memory_space<hbm>> -> memref<80x128xi32, #tpu.memory_space<hbm>>
      %dma_start3A_16 = arith.constant 0 : i32
      %dma_start3A_17 = arith.constant 0 : i32
      %dma_start3A_18 = tpu.memref_slice %arg4[%add3A, %dma_start3A_16, %dma_start3A_17] : memref<32x80x128xi32, #tpu.memory_space<hbm>> -> memref<1x80x128xi32, #tpu.memory_space<hbm>>
      %dma_start3A_19 = tpu.memref_squeeze %dma_start3A_18 : memref<1x80x128xi32, #tpu.memory_space<hbm>> -> memref<80x128xi32, #tpu.memory_space<hbm>>
      tpu.enqueue_dma source(%dma_start3A_19 : memref<80x128xi32, #tpu.memory_space<hbm>>) target(%arg8 : memref<80x128xi32, #tpu.memory_space<vmem>>) target_semaphore(%run_scoped3A : memref<!tpu.dma_semaphore, #tpu.memory_space<semaphore_mem>>)
      %dma_wait3A = arith.constant 0 : i32
      %dma_wait3A_20 = arith.constant 0 : i32
      %dma_wait3A_21 = tpu.memref_slice %arg4[%add3A, %dma_wait3A, %dma_wait3A_20] : memref<32x80x128xi32, #tpu.memory_space<hbm>> -> memref<1x80x128xi32, #tpu.memory_space<hbm>>
      %dma_wait3A_22 = tpu.memref_squeeze %dma_wait3A_21 : memref<1x80x128xi32, #tpu.memory_space<hbm>> -> memref<80x128xi32, #tpu.memory_space<hbm>>
      %dma_wait3A_23 = arith.constant 0 : i32
      %dma_wait3A_24 = arith.constant 0 : i32
      %dma_wait3A_25 = tpu.memref_slice %arg4[%add3A, %dma_wait3A_23, %dma_wait3A_24] : memref<32x80x128xi32, #tpu.memory_space<hbm>> -> memref<1x80x128xi32, #tpu.memory_space<hbm>>
      %dma_wait3A_26 = tpu.memref_squeeze %dma_wait3A_25 : memref<1x80x128xi32, #tpu.memory_space<hbm>> -> memref<80x128xi32, #tpu.memory_space<hbm>>
      tpu.wait_dma2 semaphore(%run_scoped3A : memref<!tpu.dma_semaphore, #tpu.memory_space<semaphore_mem>>) src(%dma_wait3A_26 : memref<80x128xi32, #tpu.memory_space<hbm>>) dst(%arg8 : memref<80x128xi32, #tpu.memory_space<vmem>>)
      tpu.yield
    }) : () -> ()
    %scan3A = arith.constant 0 : i32
    %scan3A_3 = arith.constant 0 : i32
    %scan3A_4 = arith.constant 80 : i32
    %scan3A_5 = arith.addi %scan3A_3, %scan3A_4 : i32
    %scan3A_6 = arith.constant 1 : i32
    scf.for %scan3A_13 = %scan3A_3 to %scan3A_5 step %scan3A_6  : i32 {
      %dma_start3A = arith.constant 0 : i32
      %dma_start3A_14 = tpu.memref_slice %arg7[%scan3A_13, %dma_start3A] : memref<80x128xi32, #tpu.memory_space<vmem>> -> memref<1x128xi32, #tpu.memory_space<vmem>>
      %dma_start3A_15 = tpu.memref_squeeze %dma_start3A_14 : memref<1x128xi32, #tpu.memory_space<vmem>> -> memref<128xi32, #tpu.memory_space<vmem>>
      %dma_start3A_16 = arith.constant 0 : i32
      %dma_start3A_17 = arith.constant 0 : i32
      %dma_start3A_18 = tpu.memref_slice %arg2[%dma_start3A_16, %dma_start3A_17] : memref<10000x128xf32, #tpu.memory_space<hbm>> -> memref<10000x128xf32, #tpu.memory_space<hbm>>
      tpu.enqueue_indirect_dma source(%dma_start3A_18 : memref<10000x128xf32, #tpu.memory_space<hbm>>) target(%arg9 : memref<128x128xf32, #tpu.memory_space<vmem>>) offsets(%dma_start3A_15 : memref<128xi32, #tpu.memory_space<vmem>>) semaphore(%arg11 : memref<!tpu.dma_semaphore, #tpu.memory_space<semaphore_mem>>)
      %dma_wait3A = arith.constant 0 : i32
      %dma_wait3A_19 = tpu.memref_slice %arg7[%scan3A_13, %dma_wait3A] : memref<80x128xi32, #tpu.memory_space<vmem>> -> memref<1x128xi32, #tpu.memory_space<vmem>>
      %dma_wait3A_20 = tpu.memref_squeeze %dma_wait3A_19 : memref<1x128xi32, #tpu.memory_space<vmem>> -> memref<128xi32, #tpu.memory_space<vmem>>
      %dma_wait3A_21 = arith.constant 0 : i32
      %dma_wait3A_22 = arith.constant 0 : i32
      %dma_wait3A_23 = tpu.memref_slice %arg2[%dma_wait3A_21, %dma_wait3A_22] : memref<10000x128xf32, #tpu.memory_space<hbm>> -> memref<10000x128xf32, #tpu.memory_space<hbm>>
      tpu.wait_indirect_dma semaphore(%arg11 : memref<!tpu.dma_semaphore, #tpu.memory_space<semaphore_mem>>) src(%dma_wait3A_23 : memref<10000x128xf32, #tpu.memory_space<hbm>>) dst(%arg9 : memref<128x128xf32, #tpu.memory_space<vmem>>)
      "tpu.region"() ({
        %run_scoped3A = tpu.sem_alloc : memref<!tpu.dma_semaphore, #tpu.memory_space<semaphore_mem>>
        %dma_start3A_24 = arith.constant 0 : i32
        %dma_start3A_25 = tpu.memref_slice %arg8[%scan3A_13, %dma_start3A_24] : memref<80x128xi32, #tpu.memory_space<vmem>> -> memref<1x128xi32, #tpu.memory_space<vmem>>
        %dma_start3A_26 = tpu.memref_squeeze %dma_start3A_25 : memref<1x128xi32, #tpu.memory_space<vmem>> -> memref<128xi32, #tpu.memory_space<vmem>>
        %dma_start3A_27 = arith.constant 0 : i32
        %dma_start3A_28 = arith.constant 0 : i32
        %dma_start3A_29 = tpu.memref_slice %arg10[%dma_start3A_27, %dma_start3A_28] : memref<10240x128xf32, #tpu.memory_space<vmem_shared>> -> memref<10240x128xf32, #tpu.memory_space<vmem_shared>>
        tpu.enqueue_indirect_dma source(%arg9 : memref<128x128xf32, #tpu.memory_space<vmem>>) target(%dma_start3A_29 : memref<10240x128xf32, #tpu.memory_space<vmem_shared>>) offsets(%dma_start3A_26 : memref<128xi32, #tpu.memory_space<vmem>>) semaphore(%run_scoped3A : memref<!tpu.dma_semaphore, #tpu.memory_space<semaphore_mem>>) {add = true}
        %dma_wait3A_30 = arith.constant 0 : i32
        %dma_wait3A_31 = tpu.memref_slice %arg8[%scan3A_13, %dma_wait3A_30] : memref<80x128xi32, #tpu.memory_space<vmem>> -> memref<1x128xi32, #tpu.memory_space<vmem>>
        %dma_wait3A_32 = tpu.memref_squeeze %dma_wait3A_31 : memref<1x128xi32, #tpu.memory_space<vmem>> -> memref<128xi32, #tpu.memory_space<vmem>>
        %dma_wait3A_33 = arith.constant 0 : i32
        %dma_wait3A_34 = arith.constant 0 : i32
        %dma_wait3A_35 = tpu.memref_slice %arg10[%dma_wait3A_33, %dma_wait3A_34] : memref<10240x128xf32, #tpu.memory_space<vmem_shared>> -> memref<10240x128xf32, #tpu.memory_space<vmem_shared>>
        tpu.wait_indirect_dma semaphore(%run_scoped3A : memref<!tpu.dma_semaphore, #tpu.memory_space<semaphore_mem>>) src(%arg9 : memref<128x128xf32, #tpu.memory_space<vmem>>) dst(%dma_wait3A_35 : memref<10240x128xf32, #tpu.memory_space<vmem_shared>>)
        tpu.yield
      }) : () -> ()
    }
    %scan3A_7 = arith.constant 80 : i32
    %barrier3A_8 = arith.constant 0 : index
    tpu.barrier barrier_id(%barrier3A_8)
    %mul3A_9 = arith.constant 640 : i32
    %mul3A_10 = arith.muli %arg1, %mul3A_9 : i32
    %mul3A_11 = arith.constant 640 : i32
    %mul3A_12 = arith.muli %arg1, %mul3A_11 : i32
    "tpu.region"() ({
      %run_scoped3A = tpu.sem_alloc : memref<!tpu.dma_semaphore, #tpu.memory_space<semaphore_mem>>
      %dma_start3A = arith.constant 0 : i32
      %dma_start3A_13 = tpu.memref_slice %arg6[%arg0, %mul3A_12, %dma_start3A] : memref<2x10240x128xf32, #tpu.memory_space<hbm>> -> memref<1x640x128xf32, #tpu.memory_space<hbm>>
      %dma_start3A_14 = tpu.memref_squeeze %dma_start3A_13 : memref<1x640x128xf32, #tpu.memory_space<hbm>> -> memref<640x128xf32, #tpu.memory_space<hbm>>
      %dma_start3A_15 = arith.constant 0 : i32
      %dma_start3A_16 = tpu.memref_slice %arg10[%mul3A_10, %dma_start3A_15] : memref<10240x128xf32, #tpu.memory_space<vmem_shared>> -> memref<640x128xf32, #tpu.memory_space<vmem_shared>>
      tpu.enqueue_dma source(%dma_start3A_16 : memref<640x128xf32, #tpu.memory_space<vmem_shared>>) target(%dma_start3A_14 : memref<640x128xf32, #tpu.memory_space<hbm>>) target_semaphore(%run_scoped3A : memref<!tpu.dma_semaphore, #tpu.memory_space<semaphore_mem>>)
      %dma_wait3A = arith.constant 0 : i32
      %dma_wait3A_17 = tpu.memref_slice %arg6[%arg0, %mul3A_12, %dma_wait3A] : memref<2x10240x128xf32, #tpu.memory_space<hbm>> -> memref<1x640x128xf32, #tpu.memory_space<hbm>>
      %dma_wait3A_18 = tpu.memref_squeeze %dma_wait3A_17 : memref<1x640x128xf32, #tpu.memory_space<hbm>> -> memref<640x128xf32, #tpu.memory_space<hbm>>
      %dma_wait3A_19 = arith.constant 0 : i32
      %dma_wait3A_20 = tpu.memref_slice %arg10[%mul3A_10, %dma_wait3A_19] : memref<10240x128xf32, #tpu.memory_space<vmem_shared>> -> memref<640x128xf32, #tpu.memory_space<vmem_shared>>
      tpu.wait_dma2 semaphore(%run_scoped3A : memref<!tpu.dma_semaphore, #tpu.memory_space<semaphore_mem>>) src(%dma_wait3A_20 : memref<640x128xf32, #tpu.memory_space<vmem_shared>>) dst(%dma_wait3A_18 : memref<640x128xf32, #tpu.memory_space<hbm>>)
      tpu.yield
    }) : () -> ()
    return
  }
}

#map = affine_map<(d0, d1) -> (0, 0)>
#map1 = affine_map<(d0, d1) -> (0, 0, 0)>
module attributes {stable_mosaic.version = 14 : i64} {
  func.func @_sc_agg_body(%arg0: i32, %arg1: i32, %arg2: memref<10000x128xf32, #tpu.memory_space<hbm>>, %arg3: memref<32x80x128xi32, #tpu.memory_space<hbm>>, %arg4: memref<32x80x128xi32, #tpu.memory_space<hbm>>, %arg5: memref<640x128xf32, #tpu.memory_space<hbm>>, %arg6: memref<2x10240x128xf32, #tpu.memory_space<hbm>>, %arg7: memref<80x128xi32, #tpu.memory_space<vmem>>, %arg8: memref<80x128xi32, #tpu.memory_space<vmem>>, %arg9: memref<128x128xf32, #tpu.memory_space<vmem>>, %arg10: memref<10240x128xf32, #tpu.memory_space<vmem_shared>>, %arg11: memref<!tpu.dma_semaphore, #tpu.memory_space<semaphore_mem>>) attributes {dimension_semantics = [#tpu.dimension_semantics<core_parallel>, #tpu.dimension_semantics<subcore_parallel>], iteration_bounds = array<i64: 2, 16>, scalar_prefetch = 0 : i64, scratch_operands = 5 : i64, tpu.core_type = #tpu.core_type<sc_vector_subcore>, window_params = [{transform_indices = #map}, {transform_indices = #map1}, {transform_indices = #map1}, {transform_indices = #map}, {transform_indices = #map1}]} {
    %mul3A = arith.constant 2 : i32
    %mul3A_0 = arith.muli %arg1, %mul3A : i32
    %add3A = arith.addi %mul3A_0, %arg0 : i32
    %mul3A_1 = arith.constant 640 : i32
    %mul3A_2 = arith.muli %arg1, %mul3A_1 : i32
    "tpu.region"() ({
      %run_scoped3A = tpu.sem_alloc : memref<!tpu.dma_semaphore, #tpu.memory_space<semaphore_mem>>
      %dma_start3A = arith.constant 0 : i32
      %dma_start3A_13 = tpu.memref_slice %arg10[%mul3A_2, %dma_start3A] : memref<10240x128xf32, #tpu.memory_space<vmem_shared>> -> memref<640x128xf32, #tpu.memory_space<vmem_shared>>
      tpu.enqueue_dma source(%arg5 : memref<640x128xf32, #tpu.memory_space<hbm>>) target(%dma_start3A_13 : memref<640x128xf32, #tpu.memory_space<vmem_shared>>) target_semaphore(%run_scoped3A : memref<!tpu.dma_semaphore, #tpu.memory_space<semaphore_mem>>)
      %dma_wait3A = arith.constant 0 : i32
      %dma_wait3A_14 = tpu.memref_slice %arg10[%mul3A_2, %dma_wait3A] : memref<10240x128xf32, #tpu.memory_space<vmem_shared>> -> memref<640x128xf32, #tpu.memory_space<vmem_shared>>
      tpu.wait_dma2 semaphore(%run_scoped3A : memref<!tpu.dma_semaphore, #tpu.memory_space<semaphore_mem>>) src(%arg5 : memref<640x128xf32, #tpu.memory_space<hbm>>) dst(%dma_wait3A_14 : memref<640x128xf32, #tpu.memory_space<vmem_shared>>)
      tpu.yield
    }) : () -> ()
    %barrier3A = arith.constant 0 : index
    tpu.barrier barrier_id(%barrier3A)
    "tpu.region"() ({
      %run_scoped3A = tpu.sem_alloc : memref<!tpu.dma_semaphore, #tpu.memory_space<semaphore_mem>>
      %dma_start3A = arith.constant 0 : i32
      %dma_start3A_13 = arith.constant 0 : i32
      %dma_start3A_14 = tpu.memref_slice %arg3[%add3A, %dma_start3A, %dma_start3A_13] : memref<32x80x128xi32, #tpu.memory_space<hbm>> -> memref<1x80x128xi32, #tpu.memory_space<hbm>>
      %dma_start3A_15 = tpu.memref_squeeze %dma_start3A_14 : memref<1x80x128xi32, #tpu.memory_space<hbm>> -> memref<80x128xi32, #tpu.memory_space<hbm>>
      %dma_start3A_16 = arith.constant 0 : i32
      %dma_start3A_17 = arith.constant 0 : i32
      %dma_start3A_18 = tpu.memref_slice %arg3[%add3A, %dma_start3A_16, %dma_start3A_17] : memref<32x80x128xi32, #tpu.memory_space<hbm>> -> memref<1x80x128xi32, #tpu.memory_space<hbm>>
      %dma_start3A_19 = tpu.memref_squeeze %dma_start3A_18 : memref<1x80x128xi32, #tpu.memory_space<hbm>> -> memref<80x128xi32, #tpu.memory_space<hbm>>
      tpu.enqueue_dma source(%dma_start3A_19 : memref<80x128xi32, #tpu.memory_space<hbm>>) target(%arg7 : memref<80x128xi32, #tpu.memory_space<vmem>>) target_semaphore(%run_scoped3A : memref<!tpu.dma_semaphore, #tpu.memory_space<semaphore_mem>>)
      %dma_wait3A = arith.constant 0 : i32
      %dma_wait3A_20 = arith.constant 0 : i32
      %dma_wait3A_21 = tpu.memref_slice %arg3[%add3A, %dma_wait3A, %dma_wait3A_20] : memref<32x80x128xi32, #tpu.memory_space<hbm>> -> memref<1x80x128xi32, #tpu.memory_space<hbm>>
      %dma_wait3A_22 = tpu.memref_squeeze %dma_wait3A_21 : memref<1x80x128xi32, #tpu.memory_space<hbm>> -> memref<80x128xi32, #tpu.memory_space<hbm>>
      %dma_wait3A_23 = arith.constant 0 : i32
      %dma_wait3A_24 = arith.constant 0 : i32
      %dma_wait3A_25 = tpu.memref_slice %arg3[%add3A, %dma_wait3A_23, %dma_wait3A_24] : memref<32x80x128xi32, #tpu.memory_space<hbm>> -> memref<1x80x128xi32, #tpu.memory_space<hbm>>
      %dma_wait3A_26 = tpu.memref_squeeze %dma_wait3A_25 : memref<1x80x128xi32, #tpu.memory_space<hbm>> -> memref<80x128xi32, #tpu.memory_space<hbm>>
      tpu.wait_dma2 semaphore(%run_scoped3A : memref<!tpu.dma_semaphore, #tpu.memory_space<semaphore_mem>>) src(%dma_wait3A_26 : memref<80x128xi32, #tpu.memory_space<hbm>>) dst(%arg7 : memref<80x128xi32, #tpu.memory_space<vmem>>)
      tpu.yield
    }) : () -> ()
    "tpu.region"() ({
      %run_scoped3A = tpu.sem_alloc : memref<!tpu.dma_semaphore, #tpu.memory_space<semaphore_mem>>
      %dma_start3A = arith.constant 0 : i32
      %dma_start3A_13 = arith.constant 0 : i32
      %dma_start3A_14 = tpu.memref_slice %arg4[%add3A, %dma_start3A, %dma_start3A_13] : memref<32x80x128xi32, #tpu.memory_space<hbm>> -> memref<1x80x128xi32, #tpu.memory_space<hbm>>
      %dma_start3A_15 = tpu.memref_squeeze %dma_start3A_14 : memref<1x80x128xi32, #tpu.memory_space<hbm>> -> memref<80x128xi32, #tpu.memory_space<hbm>>
      %dma_start3A_16 = arith.constant 0 : i32
      %dma_start3A_17 = arith.constant 0 : i32
      %dma_start3A_18 = tpu.memref_slice %arg4[%add3A, %dma_start3A_16, %dma_start3A_17] : memref<32x80x128xi32, #tpu.memory_space<hbm>> -> memref<1x80x128xi32, #tpu.memory_space<hbm>>
      %dma_start3A_19 = tpu.memref_squeeze %dma_start3A_18 : memref<1x80x128xi32, #tpu.memory_space<hbm>> -> memref<80x128xi32, #tpu.memory_space<hbm>>
      tpu.enqueue_dma source(%dma_start3A_19 : memref<80x128xi32, #tpu.memory_space<hbm>>) target(%arg8 : memref<80x128xi32, #tpu.memory_space<vmem>>) target_semaphore(%run_scoped3A : memref<!tpu.dma_semaphore, #tpu.memory_space<semaphore_mem>>)
      %dma_wait3A = arith.constant 0 : i32
      %dma_wait3A_20 = arith.constant 0 : i32
      %dma_wait3A_21 = tpu.memref_slice %arg4[%add3A, %dma_wait3A, %dma_wait3A_20] : memref<32x80x128xi32, #tpu.memory_space<hbm>> -> memref<1x80x128xi32, #tpu.memory_space<hbm>>
      %dma_wait3A_22 = tpu.memref_squeeze %dma_wait3A_21 : memref<1x80x128xi32, #tpu.memory_space<hbm>> -> memref<80x128xi32, #tpu.memory_space<hbm>>
      %dma_wait3A_23 = arith.constant 0 : i32
      %dma_wait3A_24 = arith.constant 0 : i32
      %dma_wait3A_25 = tpu.memref_slice %arg4[%add3A, %dma_wait3A_23, %dma_wait3A_24] : memref<32x80x128xi32, #tpu.memory_space<hbm>> -> memref<1x80x128xi32, #tpu.memory_space<hbm>>
      %dma_wait3A_26 = tpu.memref_squeeze %dma_wait3A_25 : memref<1x80x128xi32, #tpu.memory_space<hbm>> -> memref<80x128xi32, #tpu.memory_space<hbm>>
      tpu.wait_dma2 semaphore(%run_scoped3A : memref<!tpu.dma_semaphore, #tpu.memory_space<semaphore_mem>>) src(%dma_wait3A_26 : memref<80x128xi32, #tpu.memory_space<hbm>>) dst(%arg8 : memref<80x128xi32, #tpu.memory_space<vmem>>)
      tpu.yield
    }) : () -> ()
    %scan3A = arith.constant 0 : i32
    %scan3A_3 = arith.constant 0 : i32
    %scan3A_4 = arith.constant 80 : i32
    %scan3A_5 = arith.addi %scan3A_3, %scan3A_4 : i32
    %scan3A_6 = arith.constant 1 : i32
    scf.for %scan3A_13 = %scan3A_3 to %scan3A_5 step %scan3A_6  : i32 {
      %dma_start3A = arith.constant 0 : i32
      %dma_start3A_14 = tpu.memref_slice %arg7[%scan3A_13, %dma_start3A] : memref<80x128xi32, #tpu.memory_space<vmem>> -> memref<1x128xi32, #tpu.memory_space<vmem>>
      %dma_start3A_15 = tpu.memref_squeeze %dma_start3A_14 : memref<1x128xi32, #tpu.memory_space<vmem>> -> memref<128xi32, #tpu.memory_space<vmem>>
      %dma_start3A_16 = arith.constant 0 : i32
      %dma_start3A_17 = arith.constant 0 : i32
      %dma_start3A_18 = tpu.memref_slice %arg2[%dma_start3A_16, %dma_start3A_17] : memref<10000x128xf32, #tpu.memory_space<hbm>> -> memref<10000x128xf32, #tpu.memory_space<hbm>>
      tpu.enqueue_indirect_dma source(%dma_start3A_18 : memref<10000x128xf32, #tpu.memory_space<hbm>>) target(%arg9 : memref<128x128xf32, #tpu.memory_space<vmem>>) offsets(%dma_start3A_15 : memref<128xi32, #tpu.memory_space<vmem>>) semaphore(%arg11 : memref<!tpu.dma_semaphore, #tpu.memory_space<semaphore_mem>>)
      %dma_wait3A = arith.constant 0 : i32
      %dma_wait3A_19 = tpu.memref_slice %arg7[%scan3A_13, %dma_wait3A] : memref<80x128xi32, #tpu.memory_space<vmem>> -> memref<1x128xi32, #tpu.memory_space<vmem>>
      %dma_wait3A_20 = tpu.memref_squeeze %dma_wait3A_19 : memref<1x128xi32, #tpu.memory_space<vmem>> -> memref<128xi32, #tpu.memory_space<vmem>>
      %dma_wait3A_21 = arith.constant 0 : i32
      %dma_wait3A_22 = arith.constant 0 : i32
      %dma_wait3A_23 = tpu.memref_slice %arg2[%dma_wait3A_21, %dma_wait3A_22] : memref<10000x128xf32, #tpu.memory_space<hbm>> -> memref<10000x128xf32, #tpu.memory_space<hbm>>
      tpu.wait_indirect_dma semaphore(%arg11 : memref<!tpu.dma_semaphore, #tpu.memory_space<semaphore_mem>>) src(%dma_wait3A_23 : memref<10000x128xf32, #tpu.memory_space<hbm>>) dst(%arg9 : memref<128x128xf32, #tpu.memory_space<vmem>>)
      "tpu.region"() ({
        %run_scoped3A = tpu.sem_alloc : memref<!tpu.dma_semaphore, #tpu.memory_space<semaphore_mem>>
        %dma_start3A_24 = arith.constant 0 : i32
        %dma_start3A_25 = tpu.memref_slice %arg8[%scan3A_13, %dma_start3A_24] : memref<80x128xi32, #tpu.memory_space<vmem>> -> memref<1x128xi32, #tpu.memory_space<vmem>>
        %dma_start3A_26 = tpu.memref_squeeze %dma_start3A_25 : memref<1x128xi32, #tpu.memory_space<vmem>> -> memref<128xi32, #tpu.memory_space<vmem>>
        %dma_start3A_27 = arith.constant 0 : i32
        %dma_start3A_28 = arith.constant 0 : i32
        %dma_start3A_29 = tpu.memref_slice %arg10[%dma_start3A_27, %dma_start3A_28] : memref<10240x128xf32, #tpu.memory_space<vmem_shared>> -> memref<10240x128xf32, #tpu.memory_space<vmem_shared>>
        tpu.enqueue_indirect_dma source(%arg9 : memref<128x128xf32, #tpu.memory_space<vmem>>) target(%dma_start3A_29 : memref<10240x128xf32, #tpu.memory_space<vmem_shared>>) offsets(%dma_start3A_26 : memref<128xi32, #tpu.memory_space<vmem>>) semaphore(%run_scoped3A : memref<!tpu.dma_semaphore, #tpu.memory_space<semaphore_mem>>) {add = true}
        %dma_wait3A_30 = arith.constant 0 : i32
        %dma_wait3A_31 = tpu.memref_slice %arg8[%scan3A_13, %dma_wait3A_30] : memref<80x128xi32, #tpu.memory_space<vmem>> -> memref<1x128xi32, #tpu.memory_space<vmem>>
        %dma_wait3A_32 = tpu.memref_squeeze %dma_wait3A_31 : memref<1x128xi32, #tpu.memory_space<vmem>> -> memref<128xi32, #tpu.memory_space<vmem>>
        %dma_wait3A_33 = arith.constant 0 : i32
        %dma_wait3A_34 = arith.constant 0 : i32
        %dma_wait3A_35 = tpu.memref_slice %arg10[%dma_wait3A_33, %dma_wait3A_34] : memref<10240x128xf32, #tpu.memory_space<vmem_shared>> -> memref<10240x128xf32, #tpu.memory_space<vmem_shared>>
        tpu.wait_indirect_dma semaphore(%run_scoped3A : memref<!tpu.dma_semaphore, #tpu.memory_space<semaphore_mem>>) src(%arg9 : memref<128x128xf32, #tpu.memory_space<vmem>>) dst(%dma_wait3A_35 : memref<10240x128xf32, #tpu.memory_space<vmem_shared>>)
        tpu.yield
      }) : () -> ()
    }
    %scan3A_7 = arith.constant 80 : i32
    %barrier3A_8 = arith.constant 0 : index
    tpu.barrier barrier_id(%barrier3A_8)
    %mul3A_9 = arith.constant 640 : i32
    %mul3A_10 = arith.muli %arg1, %mul3A_9 : i32
    %mul3A_11 = arith.constant 640 : i32
    %mul3A_12 = arith.muli %arg1, %mul3A_11 : i32
    "tpu.region"() ({
      %run_scoped3A = tpu.sem_alloc : memref<!tpu.dma_semaphore, #tpu.memory_space<semaphore_mem>>
      %dma_start3A = arith.constant 0 : i32
      %dma_start3A_13 = tpu.memref_slice %arg6[%arg0, %mul3A_12, %dma_start3A] : memref<2x10240x128xf32, #tpu.memory_space<hbm>> -> memref<1x640x128xf32, #tpu.memory_space<hbm>>
      %dma_start3A_14 = tpu.memref_squeeze %dma_start3A_13 : memref<1x640x128xf32, #tpu.memory_space<hbm>> -> memref<640x128xf32, #tpu.memory_space<hbm>>
      %dma_start3A_15 = arith.constant 0 : i32
      %dma_start3A_16 = tpu.memref_slice %arg10[%mul3A_10, %dma_start3A_15] : memref<10240x128xf32, #tpu.memory_space<vmem_shared>> -> memref<640x128xf32, #tpu.memory_space<vmem_shared>>
      tpu.enqueue_dma source(%dma_start3A_16 : memref<640x128xf32, #tpu.memory_space<vmem_shared>>) target(%dma_start3A_14 : memref<640x128xf32, #tpu.memory_space<hbm>>) target_semaphore(%run_scoped3A : memref<!tpu.dma_semaphore, #tpu.memory_space<semaphore_mem>>)
      %dma_wait3A = arith.constant 0 : i32
      %dma_wait3A_17 = tpu.memref_slice %arg6[%arg0, %mul3A_12, %dma_wait3A] : memref<2x10240x128xf32, #tpu.memory_space<hbm>> -> memref<1x640x128xf32, #tpu.memory_space<hbm>>
      %dma_wait3A_18 = tpu.memref_squeeze %dma_wait3A_17 : memref<1x640x128xf32, #tpu.memory_space<hbm>> -> memref<640x128xf32, #tpu.memory_space<hbm>>
      %dma_wait3A_19 = arith.constant 0 : i32
      %dma_wait3A_20 = tpu.memref_slice %arg10[%mul3A_10, %dma_wait3A_19] : memref<10240x128xf32, #tpu.memory_space<vmem_shared>> -> memref<640x128xf32, #tpu.memory_space<vmem_shared>>
      tpu.wait_dma2 semaphore(%run_scoped3A : memref<!tpu.dma_semaphore, #tpu.memory_space<semaphore_mem>>) src(%dma_wait3A_20 : memref<640x128xf32, #tpu.memory_space<vmem_shared>>) dst(%dma_wait3A_18 : memref<640x128xf32, #tpu.memory_space<hbm>>)
      tpu.yield
    }) : () -> ()
    return
  }
}

#map = affine_map<(d0, d1) -> (0, 0)>
#map1 = affine_map<(d0, d1) -> (0, 0, 0)>
module attributes {stable_mosaic.version = 14 : i64} {
  func.func @_sc_agg_body(%arg0: i32, %arg1: i32, %arg2: memref<10000x128xf32, #tpu.memory_space<hbm>>, %arg3: memref<32x80x128xi32, #tpu.memory_space<hbm>>, %arg4: memref<32x80x128xi32, #tpu.memory_space<hbm>>, %arg5: memref<640x128xf32, #tpu.memory_space<hbm>>, %arg6: memref<2x10240x128xf32, #tpu.memory_space<hbm>>, %arg7: memref<80x128xi32, #tpu.memory_space<vmem>>, %arg8: memref<80x128xi32, #tpu.memory_space<vmem>>, %arg9: memref<128x128xf32, #tpu.memory_space<vmem>>, %arg10: memref<10240x128xf32, #tpu.memory_space<vmem_shared>>, %arg11: memref<!tpu.dma_semaphore, #tpu.memory_space<semaphore_mem>>) attributes {dimension_semantics = [#tpu.dimension_semantics<core_parallel>, #tpu.dimension_semantics<subcore_parallel>], iteration_bounds = array<i64: 2, 16>, scalar_prefetch = 0 : i64, scratch_operands = 5 : i64, tpu.core_type = #tpu.core_type<sc_vector_subcore>, window_params = [{transform_indices = #map}, {transform_indices = #map1}, {transform_indices = #map1}, {transform_indices = #map}, {transform_indices = #map1}]} {
    %mul3A = arith.constant 2 : i32
    %mul3A_0 = arith.muli %arg1, %mul3A : i32
    %add3A = arith.addi %mul3A_0, %arg0 : i32
    %mul3A_1 = arith.constant 640 : i32
    %mul3A_2 = arith.muli %arg1, %mul3A_1 : i32
    "tpu.region"() ({
      %run_scoped3A = tpu.sem_alloc : memref<!tpu.dma_semaphore, #tpu.memory_space<semaphore_mem>>
      %dma_start3A = arith.constant 0 : i32
      %dma_start3A_13 = tpu.memref_slice %arg10[%mul3A_2, %dma_start3A] : memref<10240x128xf32, #tpu.memory_space<vmem_shared>> -> memref<640x128xf32, #tpu.memory_space<vmem_shared>>
      tpu.enqueue_dma source(%arg5 : memref<640x128xf32, #tpu.memory_space<hbm>>) target(%dma_start3A_13 : memref<640x128xf32, #tpu.memory_space<vmem_shared>>) target_semaphore(%run_scoped3A : memref<!tpu.dma_semaphore, #tpu.memory_space<semaphore_mem>>)
      %dma_wait3A = arith.constant 0 : i32
      %dma_wait3A_14 = tpu.memref_slice %arg10[%mul3A_2, %dma_wait3A] : memref<10240x128xf32, #tpu.memory_space<vmem_shared>> -> memref<640x128xf32, #tpu.memory_space<vmem_shared>>
      tpu.wait_dma2 semaphore(%run_scoped3A : memref<!tpu.dma_semaphore, #tpu.memory_space<semaphore_mem>>) src(%arg5 : memref<640x128xf32, #tpu.memory_space<hbm>>) dst(%dma_wait3A_14 : memref<640x128xf32, #tpu.memory_space<vmem_shared>>)
      tpu.yield
    }) : () -> ()
    %barrier3A = arith.constant 0 : index
    tpu.barrier barrier_id(%barrier3A)
    "tpu.region"() ({
      %run_scoped3A = tpu.sem_alloc : memref<!tpu.dma_semaphore, #tpu.memory_space<semaphore_mem>>
      %dma_start3A = arith.constant 0 : i32
      %dma_start3A_13 = arith.constant 0 : i32
      %dma_start3A_14 = tpu.memref_slice %arg3[%add3A, %dma_start3A, %dma_start3A_13] : memref<32x80x128xi32, #tpu.memory_space<hbm>> -> memref<1x80x128xi32, #tpu.memory_space<hbm>>
      %dma_start3A_15 = tpu.memref_squeeze %dma_start3A_14 : memref<1x80x128xi32, #tpu.memory_space<hbm>> -> memref<80x128xi32, #tpu.memory_space<hbm>>
      %dma_start3A_16 = arith.constant 0 : i32
      %dma_start3A_17 = arith.constant 0 : i32
      %dma_start3A_18 = tpu.memref_slice %arg3[%add3A, %dma_start3A_16, %dma_start3A_17] : memref<32x80x128xi32, #tpu.memory_space<hbm>> -> memref<1x80x128xi32, #tpu.memory_space<hbm>>
      %dma_start3A_19 = tpu.memref_squeeze %dma_start3A_18 : memref<1x80x128xi32, #tpu.memory_space<hbm>> -> memref<80x128xi32, #tpu.memory_space<hbm>>
      tpu.enqueue_dma source(%dma_start3A_19 : memref<80x128xi32, #tpu.memory_space<hbm>>) target(%arg7 : memref<80x128xi32, #tpu.memory_space<vmem>>) target_semaphore(%run_scoped3A : memref<!tpu.dma_semaphore, #tpu.memory_space<semaphore_mem>>)
      %dma_wait3A = arith.constant 0 : i32
      %dma_wait3A_20 = arith.constant 0 : i32
      %dma_wait3A_21 = tpu.memref_slice %arg3[%add3A, %dma_wait3A, %dma_wait3A_20] : memref<32x80x128xi32, #tpu.memory_space<hbm>> -> memref<1x80x128xi32, #tpu.memory_space<hbm>>
      %dma_wait3A_22 = tpu.memref_squeeze %dma_wait3A_21 : memref<1x80x128xi32, #tpu.memory_space<hbm>> -> memref<80x128xi32, #tpu.memory_space<hbm>>
      %dma_wait3A_23 = arith.constant 0 : i32
      %dma_wait3A_24 = arith.constant 0 : i32
      %dma_wait3A_25 = tpu.memref_slice %arg3[%add3A, %dma_wait3A_23, %dma_wait3A_24] : memref<32x80x128xi32, #tpu.memory_space<hbm>> -> memref<1x80x128xi32, #tpu.memory_space<hbm>>
      %dma_wait3A_26 = tpu.memref_squeeze %dma_wait3A_25 : memref<1x80x128xi32, #tpu.memory_space<hbm>> -> memref<80x128xi32, #tpu.memory_space<hbm>>
      tpu.wait_dma2 semaphore(%run_scoped3A : memref<!tpu.dma_semaphore, #tpu.memory_space<semaphore_mem>>) src(%dma_wait3A_26 : memref<80x128xi32, #tpu.memory_space<hbm>>) dst(%arg7 : memref<80x128xi32, #tpu.memory_space<vmem>>)
      tpu.yield
    }) : () -> ()
    "tpu.region"() ({
      %run_scoped3A = tpu.sem_alloc : memref<!tpu.dma_semaphore, #tpu.memory_space<semaphore_mem>>
      %dma_start3A = arith.constant 0 : i32
      %dma_start3A_13 = arith.constant 0 : i32
      %dma_start3A_14 = tpu.memref_slice %arg4[%add3A, %dma_start3A, %dma_start3A_13] : memref<32x80x128xi32, #tpu.memory_space<hbm>> -> memref<1x80x128xi32, #tpu.memory_space<hbm>>
      %dma_start3A_15 = tpu.memref_squeeze %dma_start3A_14 : memref<1x80x128xi32, #tpu.memory_space<hbm>> -> memref<80x128xi32, #tpu.memory_space<hbm>>
      %dma_start3A_16 = arith.constant 0 : i32
      %dma_start3A_17 = arith.constant 0 : i32
      %dma_start3A_18 = tpu.memref_slice %arg4[%add3A, %dma_start3A_16, %dma_start3A_17] : memref<32x80x128xi32, #tpu.memory_space<hbm>> -> memref<1x80x128xi32, #tpu.memory_space<hbm>>
      %dma_start3A_19 = tpu.memref_squeeze %dma_start3A_18 : memref<1x80x128xi32, #tpu.memory_space<hbm>> -> memref<80x128xi32, #tpu.memory_space<hbm>>
      tpu.enqueue_dma source(%dma_start3A_19 : memref<80x128xi32, #tpu.memory_space<hbm>>) target(%arg8 : memref<80x128xi32, #tpu.memory_space<vmem>>) target_semaphore(%run_scoped3A : memref<!tpu.dma_semaphore, #tpu.memory_space<semaphore_mem>>)
      %dma_wait3A = arith.constant 0 : i32
      %dma_wait3A_20 = arith.constant 0 : i32
      %dma_wait3A_21 = tpu.memref_slice %arg4[%add3A, %dma_wait3A, %dma_wait3A_20] : memref<32x80x128xi32, #tpu.memory_space<hbm>> -> memref<1x80x128xi32, #tpu.memory_space<hbm>>
      %dma_wait3A_22 = tpu.memref_squeeze %dma_wait3A_21 : memref<1x80x128xi32, #tpu.memory_space<hbm>> -> memref<80x128xi32, #tpu.memory_space<hbm>>
      %dma_wait3A_23 = arith.constant 0 : i32
      %dma_wait3A_24 = arith.constant 0 : i32
      %dma_wait3A_25 = tpu.memref_slice %arg4[%add3A, %dma_wait3A_23, %dma_wait3A_24] : memref<32x80x128xi32, #tpu.memory_space<hbm>> -> memref<1x80x128xi32, #tpu.memory_space<hbm>>
      %dma_wait3A_26 = tpu.memref_squeeze %dma_wait3A_25 : memref<1x80x128xi32, #tpu.memory_space<hbm>> -> memref<80x128xi32, #tpu.memory_space<hbm>>
      tpu.wait_dma2 semaphore(%run_scoped3A : memref<!tpu.dma_semaphore, #tpu.memory_space<semaphore_mem>>) src(%dma_wait3A_26 : memref<80x128xi32, #tpu.memory_space<hbm>>) dst(%arg8 : memref<80x128xi32, #tpu.memory_space<vmem>>)
      tpu.yield
    }) : () -> ()
    %scan3A = arith.constant 0 : i32
    %scan3A_3 = arith.constant 0 : i32
    %scan3A_4 = arith.constant 80 : i32
    %scan3A_5 = arith.addi %scan3A_3, %scan3A_4 : i32
    %scan3A_6 = arith.constant 1 : i32
    scf.for %scan3A_13 = %scan3A_3 to %scan3A_5 step %scan3A_6  : i32 {
      %dma_start3A = arith.constant 0 : i32
      %dma_start3A_14 = tpu.memref_slice %arg7[%scan3A_13, %dma_start3A] : memref<80x128xi32, #tpu.memory_space<vmem>> -> memref<1x128xi32, #tpu.memory_space<vmem>>
      %dma_start3A_15 = tpu.memref_squeeze %dma_start3A_14 : memref<1x128xi32, #tpu.memory_space<vmem>> -> memref<128xi32, #tpu.memory_space<vmem>>
      %dma_start3A_16 = arith.constant 0 : i32
      %dma_start3A_17 = arith.constant 0 : i32
      %dma_start3A_18 = tpu.memref_slice %arg2[%dma_start3A_16, %dma_start3A_17] : memref<10000x128xf32, #tpu.memory_space<hbm>> -> memref<10000x128xf32, #tpu.memory_space<hbm>>
      tpu.enqueue_indirect_dma source(%dma_start3A_18 : memref<10000x128xf32, #tpu.memory_space<hbm>>) target(%arg9 : memref<128x128xf32, #tpu.memory_space<vmem>>) offsets(%dma_start3A_15 : memref<128xi32, #tpu.memory_space<vmem>>) semaphore(%arg11 : memref<!tpu.dma_semaphore, #tpu.memory_space<semaphore_mem>>)
      %dma_wait3A = arith.constant 0 : i32
      %dma_wait3A_19 = tpu.memref_slice %arg7[%scan3A_13, %dma_wait3A] : memref<80x128xi32, #tpu.memory_space<vmem>> -> memref<1x128xi32, #tpu.memory_space<vmem>>
      %dma_wait3A_20 = tpu.memref_squeeze %dma_wait3A_19 : memref<1x128xi32, #tpu.memory_space<vmem>> -> memref<128xi32, #tpu.memory_space<vmem>>
      %dma_wait3A_21 = arith.constant 0 : i32
      %dma_wait3A_22 = arith.constant 0 : i32
      %dma_wait3A_23 = tpu.memref_slice %arg2[%dma_wait3A_21, %dma_wait3A_22] : memref<10000x128xf32, #tpu.memory_space<hbm>> -> memref<10000x128xf32, #tpu.memory_space<hbm>>
      tpu.wait_indirect_dma semaphore(%arg11 : memref<!tpu.dma_semaphore, #tpu.memory_space<semaphore_mem>>) src(%dma_wait3A_23 : memref<10000x128xf32, #tpu.memory_space<hbm>>) dst(%arg9 : memref<128x128xf32, #tpu.memory_space<vmem>>)
      "tpu.region"() ({
        %run_scoped3A = tpu.sem_alloc : memref<!tpu.dma_semaphore, #tpu.memory_space<semaphore_mem>>
        %dma_start3A_24 = arith.constant 0 : i32
        %dma_start3A_25 = tpu.memref_slice %arg8[%scan3A_13, %dma_start3A_24] : memref<80x128xi32, #tpu.memory_space<vmem>> -> memref<1x128xi32, #tpu.memory_space<vmem>>
        %dma_start3A_26 = tpu.memref_squeeze %dma_start3A_25 : memref<1x128xi32, #tpu.memory_space<vmem>> -> memref<128xi32, #tpu.memory_space<vmem>>
        %dma_start3A_27 = arith.constant 0 : i32
        %dma_start3A_28 = arith.constant 0 : i32
        %dma_start3A_29 = tpu.memref_slice %arg10[%dma_start3A_27, %dma_start3A_28] : memref<10240x128xf32, #tpu.memory_space<vmem_shared>> -> memref<10240x128xf32, #tpu.memory_space<vmem_shared>>
        tpu.enqueue_indirect_dma source(%arg9 : memref<128x128xf32, #tpu.memory_space<vmem>>) target(%dma_start3A_29 : memref<10240x128xf32, #tpu.memory_space<vmem_shared>>) offsets(%dma_start3A_26 : memref<128xi32, #tpu.memory_space<vmem>>) semaphore(%run_scoped3A : memref<!tpu.dma_semaphore, #tpu.memory_space<semaphore_mem>>) {add = true}
        %dma_wait3A_30 = arith.constant 0 : i32
        %dma_wait3A_31 = tpu.memref_slice %arg8[%scan3A_13, %dma_wait3A_30] : memref<80x128xi32, #tpu.memory_space<vmem>> -> memref<1x128xi32, #tpu.memory_space<vmem>>
        %dma_wait3A_32 = tpu.memref_squeeze %dma_wait3A_31 : memref<1x128xi32, #tpu.memory_space<vmem>> -> memref<128xi32, #tpu.memory_space<vmem>>
        %dma_wait3A_33 = arith.constant 0 : i32
        %dma_wait3A_34 = arith.constant 0 : i32
        %dma_wait3A_35 = tpu.memref_slice %arg10[%dma_wait3A_33, %dma_wait3A_34] : memref<10240x128xf32, #tpu.memory_space<vmem_shared>> -> memref<10240x128xf32, #tpu.memory_space<vmem_shared>>
        tpu.wait_indirect_dma semaphore(%run_scoped3A : memref<!tpu.dma_semaphore, #tpu.memory_space<semaphore_mem>>) src(%arg9 : memref<128x128xf32, #tpu.memory_space<vmem>>) dst(%dma_wait3A_35 : memref<10240x128xf32, #tpu.memory_space<vmem_shared>>)
        tpu.yield
      }) : () -> ()
    }
    %scan3A_7 = arith.constant 80 : i32
    %barrier3A_8 = arith.constant 0 : index
    tpu.barrier barrier_id(%barrier3A_8)
    %mul3A_9 = arith.constant 640 : i32
    %mul3A_10 = arith.muli %arg1, %mul3A_9 : i32
    %mul3A_11 = arith.constant 640 : i32
    %mul3A_12 = arith.muli %arg1, %mul3A_11 : i32
    "tpu.region"() ({
      %run_scoped3A = tpu.sem_alloc : memref<!tpu.dma_semaphore, #tpu.memory_space<semaphore_mem>>
      %dma_start3A = arith.constant 0 : i32
      %dma_start3A_13 = tpu.memref_slice %arg6[%arg0, %mul3A_12, %dma_start3A] : memref<2x10240x128xf32, #tpu.memory_space<hbm>> -> memref<1x640x128xf32, #tpu.memory_space<hbm>>
      %dma_start3A_14 = tpu.memref_squeeze %dma_start3A_13 : memref<1x640x128xf32, #tpu.memory_space<hbm>> -> memref<640x128xf32, #tpu.memory_space<hbm>>
      %dma_start3A_15 = arith.constant 0 : i32
      %dma_start3A_16 = tpu.memref_slice %arg10[%mul3A_10, %dma_start3A_15] : memref<10240x128xf32, #tpu.memory_space<vmem_shared>> -> memref<640x128xf32, #tpu.memory_space<vmem_shared>>
      tpu.enqueue_dma source(%dma_start3A_16 : memref<640x128xf32, #tpu.memory_space<vmem_shared>>) target(%dma_start3A_14 : memref<640x128xf32, #tpu.memory_space<hbm>>) target_semaphore(%run_scoped3A : memref<!tpu.dma_semaphore, #tpu.memory_space<semaphore_mem>>)
      %dma_wait3A = arith.constant 0 : i32
      %dma_wait3A_17 = tpu.memref_slice %arg6[%arg0, %mul3A_12, %dma_wait3A] : memref<2x10240x128xf32, #tpu.memory_space<hbm>> -> memref<1x640x128xf32, #tpu.memory_space<hbm>>
      %dma_wait3A_18 = tpu.memref_squeeze %dma_wait3A_17 : memref<1x640x128xf32, #tpu.memory_space<hbm>> -> memref<640x128xf32, #tpu.memory_space<hbm>>
      %dma_wait3A_19 = arith.constant 0 : i32
      %dma_wait3A_20 = tpu.memref_slice %arg10[%mul3A_10, %dma_wait3A_19] : memref<10240x128xf32, #tpu.memory_space<vmem_shared>> -> memref<640x128xf32, #tpu.memory_space<vmem_shared>>
      tpu.wait_dma2 semaphore(%run_scoped3A : memref<!tpu.dma_semaphore, #tpu.memory_space<semaphore_mem>>) src(%dma_wait3A_20 : memref<640x128xf32, #tpu.memory_space<vmem_shared>>) dst(%dma_wait3A_18 : memref<640x128xf32, #tpu.memory_space<hbm>>)
      tpu.yield
    }) : () -> ()
    return
  }
}

module attributes {stable_mosaic.version = 14 : i64} {
  func.func @_mm_body(%arg0: i32, %arg1: memref<2000x128xf32, #tpu.memory_space<vmem>>, %arg2: memref<128x128xf32, #tpu.memory_space<vmem>>, %arg3: memref<2000x128xf32, #tpu.memory_space<vmem>>) attributes {dimension_semantics = [#tpu.dimension_semantics<arbitrary>], iteration_bounds = array<i64: 5>, scalar_prefetch = 0 : i64, scratch_operands = 0 : i64, tpu.core_type = #tpu.core_type<tc>, window_params = [{transform_indices = @transform_0, window_bounds = array<i64: 2000, 128>}, {pipeline_mode = #tpu.pipeline_mode<synchronous>, transform_indices = @transform_1, window_bounds = array<i64: 128, 128>}, {transform_indices = @transform_2, window_bounds = array<i64: 2000, 128>}]} {
    %get3A = arith.constant 0 : index
    %get3A_0 = arith.constant 0 : index
    %get3A_1 = vector.load %arg1[%get3A, %get3A_0] : memref<2000x128xf32, #tpu.memory_space<vmem>>, vector<2000x128xf32>
    %get3A_2 = arith.constant 0 : index
    %get3A_3 = arith.constant 0 : index
    %get3A_4 = vector.load %arg2[%get3A_2, %get3A_3] : memref<128x128xf32, #tpu.memory_space<vmem>>, vector<128x128xf32>
    %dot_general3A = arith.constant dense<0.000000e+00> : vector<2000x128xf32>
    %dot_general3A_5 = tpu.matmul %get3A_1, %get3A_4, %dot_general3A {dimension_numbers = #tpu.dot_dimension_numbers<[1], [0], [0], [1], [0, 0, 1, 1], [], []>, transpose_lhs_hint = false} : vector<2000x128xf32>, vector<128x128xf32>, vector<2000x128xf32> -> vector<2000x128xf32>
    %swap3A = arith.constant 0 : index
    %swap3A_6 = arith.constant 0 : index
    %swap3A_7 = vector.load %arg3[%swap3A, %swap3A_6] : memref<2000x128xf32, #tpu.memory_space<vmem>>, vector<2000x128xf32>
    tpu.vector_store %arg3[%swap3A, %swap3A_6], %dot_general3A_5 {strides = array<i32>} : memref<2000x128xf32, #tpu.memory_space<vmem>>, vector<2000x128xf32>,
    return
  }
  func.func @transform_0(%arg0: i32) -> (i32, i32) {
    %c0_i32 = arith.constant 0 : i32
    %c0_i32_0 = arith.constant 0 : i32
    return %arg0, %c0_i32 : i32, i32
  }
  func.func @transform_1(%arg0: i32) -> (i32, i32) {
    %c0_i32 = arith.constant 0 : i32
    %c0_i32_0 = arith.constant 0 : i32
    %c0_i32_1 = arith.constant 0 : i32
    return %c0_i32, %c0_i32_0 : i32, i32
  }
  func.func @transform_2(%arg0: i32) -> (i32, i32) {
    %c0_i32 = arith.constant 0 : i32
    %c0_i32_0 = arith.constant 0 : i32
    return %arg0, %c0_i32 : i32, i32
  }
}

module attributes {stable_mosaic.version = 14 : i64} {
  func.func @_step_body(%arg0: i32, %arg1: memref<2x2000x128xf32, #tpu.memory_space<vmem>>, %arg2: memref<2000x128xf32, #tpu.memory_space<vmem>>, %arg3: memref<128x384xf32, #tpu.memory_space<vmem>>, %arg4: memref<128x384xf32, #tpu.memory_space<vmem>>, %arg5: memref<1x384xf32, #tpu.memory_space<vmem>>, %arg6: memref<1x384xf32, #tpu.memory_space<vmem>>, %arg7: memref<128x128xf32, #tpu.memory_space<vmem>>, %arg8: memref<2000x128xf32, #tpu.memory_space<vmem>>, %arg9: memref<2000x128xf32, #tpu.memory_space<vmem>>) attributes {dimension_semantics = [#tpu.dimension_semantics<arbitrary>], iteration_bounds = array<i64: 5>, scalar_prefetch = 0 : i64, scratch_operands = 0 : i64, tpu.core_type = #tpu.core_type<tc>, window_params = [{transform_indices = @transform_0, window_bounds = array<i64: 2, 2000, 128>}, {transform_indices = @transform_1, window_bounds = array<i64: 2000, 128>}, {pipeline_mode = #tpu.pipeline_mode<synchronous>, transform_indices = @transform_2, window_bounds = array<i64: 128, 384>}, {pipeline_mode = #tpu.pipeline_mode<synchronous>, transform_indices = @transform_3, window_bounds = array<i64: 128, 384>}, {pipeline_mode = #tpu.pipeline_mode<synchronous>, transform_indices = @transform_4, window_bounds = array<i64: 1, 384>}, {pipeline_mode = #tpu.pipeline_mode<synchronous>, transform_indices = @transform_5, window_bounds = array<i64: 1, 384>}, {pipeline_mode = #tpu.pipeline_mode<synchronous>, transform_indices = @transform_6, window_bounds = array<i64: 128, 128>}, {transform_indices = @transform_7, window_bounds = array<i64: 2000, 128>}, {transform_indices = @transform_8, window_bounds = array<i64: 2000, 128>}]} {
    %get3A = arith.constant 0 : index
    %get3A_0 = arith.constant 0 : index
    %get3A_1 = arith.constant 0 : index
    %get3A_2 = vector.load %arg1[%get3A, %get3A_0, %get3A_1] : memref<2x2000x128xf32, #tpu.memory_space<vmem>>, vector<1x2000x128xf32>
    %get3A_3 = vector.shape_cast %get3A_2 : vector<1x2000x128xf32> to vector<2000x128xf32>
    %get3A_4 = arith.constant 1 : index
    %get3A_5 = arith.constant 0 : index
    %get3A_6 = arith.constant 0 : index
    %get3A_7 = vector.load %arg1[%get3A_4, %get3A_5, %get3A_6] : memref<2x2000x128xf32, #tpu.memory_space<vmem>>, vector<1x2000x128xf32>
    %get3A_8 = vector.shape_cast %get3A_7 : vector<1x2000x128xf32> to vector<2000x128xf32>
    %add3A = arith.addf %get3A_3, %get3A_8 : vector<2000x128xf32>
    %get3A_9 = arith.constant 0 : index
    %get3A_10 = arith.constant 0 : index
    %get3A_11 = vector.load %arg2[%get3A_9, %get3A_10] : memref<2000x128xf32, #tpu.memory_space<vmem>>, vector<2000x128xf32>
    %get3A_12 = arith.constant 0 : index
    %get3A_13 = arith.constant 0 : index
    %get3A_14 = vector.load %arg3[%get3A_12, %get3A_13] : memref<128x384xf32, #tpu.memory_space<vmem>>, vector<128x384xf32>
    %dot_general3A = arith.constant dense<0.000000e+00> : vector<2000x384xf32>
    %dot_general3A_15 = tpu.matmul %add3A, %get3A_14, %dot_general3A {dimension_numbers = #tpu.dot_dimension_numbers<[1], [0], [0], [1], [0, 0, 1, 1], [], []>, transpose_lhs_hint = false} : vector<2000x128xf32>, vector<128x384xf32>, vector<2000x384xf32> -> vector<2000x384xf32>
    %get3A_16 = arith.constant 0 : index
    %get3A_17 = arith.constant 0 : index
    %get3A_18 = vector.load %arg5[%get3A_16, %get3A_17] : memref<1x384xf32, #tpu.memory_space<vmem>>, vector<1x384xf32>
    %add3A_19 = vector.broadcast %get3A_18 : vector<1x384xf32> to vector<2000x384xf32>
    %add3A_20 = arith.addf %dot_general3A_15, %add3A_19 : vector<2000x384xf32>
    %get3A_21 = arith.constant 0 : index
    %get3A_22 = arith.constant 0 : index
    %get3A_23 = vector.load %arg4[%get3A_21, %get3A_22] : memref<128x384xf32, #tpu.memory_space<vmem>>, vector<128x384xf32>
    %dot_general3A_24 = arith.constant dense<0.000000e+00> : vector<2000x384xf32>
    %dot_general3A_25 = tpu.matmul %get3A_11, %get3A_23, %dot_general3A_24 {dimension_numbers = #tpu.dot_dimension_numbers<[1], [0], [0], [1], [0, 0, 1, 1], [], []>, transpose_lhs_hint = false} : vector<2000x128xf32>, vector<128x384xf32>, vector<2000x384xf32> -> vector<2000x384xf32>
    %get3A_26 = arith.constant 0 : index
    %get3A_27 = arith.constant 0 : index
    %get3A_28 = vector.load %arg6[%get3A_26, %get3A_27] : memref<1x384xf32, #tpu.memory_space<vmem>>, vector<1x384xf32>
    %add3A_29 = vector.broadcast %get3A_28 : vector<1x384xf32> to vector<2000x384xf32>
    %add3A_30 = arith.addf %dot_general3A_25, %add3A_29 : vector<2000x384xf32>
    %slice3A = vector.extract_strided_slice %add3A_20 {offsets = [0, 0], sizes = [2000, 128], strides = [1, 1]} : vector<2000x384xf32> to vector<2000x128xf32>
    %slice3A_31 = vector.extract_strided_slice %add3A_30 {offsets = [0, 0], sizes = [2000, 128], strides = [1, 1]} : vector<2000x384xf32> to vector<2000x128xf32>
    %add3A_32 = arith.addf %slice3A, %slice3A_31 : vector<2000x128xf32>
    %logistic3A = arith.negf %add3A_32 : vector<2000x128xf32>
    %logistic3A_33 = math.exp %logistic3A : vector<2000x128xf32>
    %logistic3A_34 = arith.constant 1.000000e+00 : f32
    %logistic3A_35 = vector.broadcast %logistic3A_34 : f32 to vector<2000x128xf32>
    %logistic3A_36 = arith.addf %logistic3A_35, %logistic3A_33 : vector<2000x128xf32>
    %logistic3A_37 = arith.divf %logistic3A_35, %logistic3A_36 : vector<2000x128xf32>
    %slice3A_38 = vector.extract_strided_slice %add3A_20 {offsets = [0, 128], sizes = [2000, 128], strides = [1, 1]} : vector<2000x384xf32> to vector<2000x128xf32>
    %slice3A_39 = vector.extract_strided_slice %add3A_30 {offsets = [0, 128], sizes = [2000, 128], strides = [1, 1]} : vector<2000x384xf32> to vector<2000x128xf32>
    %add3A_40 = arith.addf %slice3A_38, %slice3A_39 : vector<2000x128xf32>
    %logistic3A_41 = arith.negf %add3A_40 : vector<2000x128xf32>
    %logistic3A_42 = math.exp %logistic3A_41 : vector<2000x128xf32>
    %logistic3A_43 = arith.constant 1.000000e+00 : f32
    %logistic3A_44 = vector.broadcast %logistic3A_43 : f32 to vector<2000x128xf32>
    %logistic3A_45 = arith.addf %logistic3A_44, %logistic3A_42 : vector<2000x128xf32>
    %logistic3A_46 = arith.divf %logistic3A_44, %logistic3A_45 : vector<2000x128xf32>
    %slice3A_47 = vector.extract_strided_slice %add3A_20 {offsets = [0, 256], sizes = [2000, 128], strides = [1, 1]} : vector<2000x384xf32> to vector<2000x128xf32>
    %slice3A_48 = vector.extract_strided_slice %add3A_30 {offsets = [0, 256], sizes = [2000, 128], strides = [1, 1]} : vector<2000x384xf32> to vector<2000x128xf32>
    %mul3A = arith.mulf %logistic3A_37, %slice3A_48 : vector<2000x128xf32>
    %add3A_49 = arith.addf %slice3A_47, %mul3A : vector<2000x128xf32>
    %tanh3A = math.tanh %add3A_49 : vector<2000x128xf32>
    %sub3A = arith.constant 1.000000e+00 : f32
    %sub3A_50 = vector.broadcast %sub3A : f32 to vector<2000x128xf32>
    %sub3A_51 = arith.subf %sub3A_50, %logistic3A_46 : vector<2000x128xf32>
    %mul3A_52 = arith.mulf %sub3A_51, %tanh3A : vector<2000x128xf32>
    %mul3A_53 = arith.mulf %logistic3A_46, %get3A_11 : vector<2000x128xf32>
    %add3A_54 = arith.addf %mul3A_52, %mul3A_53 : vector<2000x128xf32>
    %swap3A = arith.constant 0 : index
    %swap3A_55 = arith.constant 0 : index
    %swap3A_56 = vector.load %arg8[%swap3A, %swap3A_55] : memref<2000x128xf32, #tpu.memory_space<vmem>>, vector<2000x128xf32>
    tpu.vector_store %arg8[%swap3A, %swap3A_55], %add3A_54 {strides = array<i32>} : memref<2000x128xf32, #tpu.memory_space<vmem>>, vector<2000x128xf32>,
    %get3A_57 = arith.constant 0 : index
    %get3A_58 = arith.constant 0 : index
    %get3A_59 = vector.load %arg7[%get3A_57, %get3A_58] : memref<128x128xf32, #tpu.memory_space<vmem>>, vector<128x128xf32>
    %dot_general3A_60 = arith.constant dense<0.000000e+00> : vector<2000x128xf32>
    %dot_general3A_61 = tpu.matmul %add3A_54, %get3A_59, %dot_general3A_60 {dimension_numbers = #tpu.dot_dimension_numbers<[1], [0], [0], [1], [0, 0, 1, 1], [], []>, transpose_lhs_hint = false} : vector<2000x128xf32>, vector<128x128xf32>, vector<2000x128xf32> -> vector<2000x128xf32>
    %swap3A_62 = arith.constant 0 : index
    %swap3A_63 = arith.constant 0 : index
    %swap3A_64 = vector.load %arg9[%swap3A_62, %swap3A_63] : memref<2000x128xf32, #tpu.memory_space<vmem>>, vector<2000x128xf32>
    tpu.vector_store %arg9[%swap3A_62, %swap3A_63], %dot_general3A_61 {strides = array<i32>} : memref<2000x128xf32, #tpu.memory_space<vmem>>, vector<2000x128xf32>,
    return
  }
  func.func @transform_0(%arg0: i32) -> (i32, i32, i32) {
    %c0_i32 = arith.constant 0 : i32
    %c0_i32_0 = arith.constant 0 : i32
    %c0_i32_1 = arith.constant 0 : i32
    return %c0_i32, %arg0, %c0_i32_0 : i32, i32, i32
  }
  func.func @transform_1(%arg0: i32) -> (i32, i32) {
    %c0_i32 = arith.constant 0 : i32
    %c0_i32_0 = arith.constant 0 : i32
    return %arg0, %c0_i32 : i32, i32
  }
  func.func @transform_2(%arg0: i32) -> (i32, i32) {
    %c0_i32 = arith.constant 0 : i32
    %c0_i32_0 = arith.constant 0 : i32
    %c0_i32_1 = arith.constant 0 : i32
    return %c0_i32, %c0_i32_0 : i32, i32
  }
  func.func @transform_3(%arg0: i32) -> (i32, i32) {
    %c0_i32 = arith.constant 0 : i32
    %c0_i32_0 = arith.constant 0 : i32
    %c0_i32_1 = arith.constant 0 : i32
    return %c0_i32, %c0_i32_0 : i32, i32
  }
  func.func @transform_4(%arg0: i32) -> (i32, i32) {
    %c0_i32 = arith.constant 0 : i32
    %c0_i32_0 = arith.constant 0 : i32
    %c0_i32_1 = arith.constant 0 : i32
    return %c0_i32, %c0_i32_0 : i32, i32
  }
  func.func @transform_5(%arg0: i32) -> (i32, i32) {
    %c0_i32 = arith.constant 0 : i32
    %c0_i32_0 = arith.constant 0 : i32
    %c0_i32_1 = arith.constant 0 : i32
    return %c0_i32, %c0_i32_0 : i32, i32
  }
  func.func @transform_6(%arg0: i32) -> (i32, i32) {
    %c0_i32 = arith.constant 0 : i32
    %c0_i32_0 = arith.constant 0 : i32
    %c0_i32_1 = arith.constant 0 : i32
    return %c0_i32, %c0_i32_0 : i32, i32
  }
  func.func @transform_7(%arg0: i32) -> (i32, i32) {
    %c0_i32 = arith.constant 0 : i32
    %c0_i32_0 = arith.constant 0 : i32
    return %arg0, %c0_i32 : i32, i32
  }
  func.func @transform_8(%arg0: i32) -> (i32, i32) {
    %c0_i32 = arith.constant 0 : i32
    %c0_i32_0 = arith.constant 0 : i32
    return %arg0, %c0_i32 : i32, i32
  }
}

module attributes {stable_mosaic.version = 14 : i64} {
  func.func @_final_body(%arg0: i32, %arg1: memref<2x2000x128xf32, #tpu.memory_space<vmem>>, %arg2: memref<2000x128xf32, #tpu.memory_space<vmem>>, %arg3: memref<128x384xf32, #tpu.memory_space<vmem>>, %arg4: memref<128x384xf32, #tpu.memory_space<vmem>>, %arg5: memref<1x384xf32, #tpu.memory_space<vmem>>, %arg6: memref<1x384xf32, #tpu.memory_space<vmem>>, %arg7: memref<2000x128xf32, #tpu.memory_space<vmem>>) attributes {dimension_semantics = [#tpu.dimension_semantics<arbitrary>], iteration_bounds = array<i64: 5>, scalar_prefetch = 0 : i64, scratch_operands = 0 : i64, tpu.core_type = #tpu.core_type<tc>, window_params = [{transform_indices = @transform_0, window_bounds = array<i64: 2, 2000, 128>}, {transform_indices = @transform_1, window_bounds = array<i64: 2000, 128>}, {pipeline_mode = #tpu.pipeline_mode<synchronous>, transform_indices = @transform_2, window_bounds = array<i64: 128, 384>}, {pipeline_mode = #tpu.pipeline_mode<synchronous>, transform_indices = @transform_3, window_bounds = array<i64: 128, 384>}, {pipeline_mode = #tpu.pipeline_mode<synchronous>, transform_indices = @transform_4, window_bounds = array<i64: 1, 384>}, {pipeline_mode = #tpu.pipeline_mode<synchronous>, transform_indices = @transform_5, window_bounds = array<i64: 1, 384>}, {transform_indices = @transform_6, window_bounds = array<i64: 2000, 128>}]} {
    %get3A = arith.constant 0 : index
    %get3A_0 = arith.constant 0 : index
    %get3A_1 = arith.constant 0 : index
    %get3A_2 = vector.load %arg1[%get3A, %get3A_0, %get3A_1] : memref<2x2000x128xf32, #tpu.memory_space<vmem>>, vector<1x2000x128xf32>
    %get3A_3 = vector.shape_cast %get3A_2 : vector<1x2000x128xf32> to vector<2000x128xf32>
    %get3A_4 = arith.constant 1 : index
    %get3A_5 = arith.constant 0 : index
    %get3A_6 = arith.constant 0 : index
    %get3A_7 = vector.load %arg1[%get3A_4, %get3A_5, %get3A_6] : memref<2x2000x128xf32, #tpu.memory_space<vmem>>, vector<1x2000x128xf32>
    %get3A_8 = vector.shape_cast %get3A_7 : vector<1x2000x128xf32> to vector<2000x128xf32>
    %add3A = arith.addf %get3A_3, %get3A_8 : vector<2000x128xf32>
    %get3A_9 = arith.constant 0 : index
    %get3A_10 = arith.constant 0 : index
    %get3A_11 = vector.load %arg2[%get3A_9, %get3A_10] : memref<2000x128xf32, #tpu.memory_space<vmem>>, vector<2000x128xf32>
    %get3A_12 = arith.constant 0 : index
    %get3A_13 = arith.constant 0 : index
    %get3A_14 = vector.load %arg3[%get3A_12, %get3A_13] : memref<128x384xf32, #tpu.memory_space<vmem>>, vector<128x384xf32>
    %dot_general3A = arith.constant dense<0.000000e+00> : vector<2000x384xf32>
    %dot_general3A_15 = tpu.matmul %add3A, %get3A_14, %dot_general3A {dimension_numbers = #tpu.dot_dimension_numbers<[1], [0], [0], [1], [0, 0, 1, 1], [], []>, transpose_lhs_hint = false} : vector<2000x128xf32>, vector<128x384xf32>, vector<2000x384xf32> -> vector<2000x384xf32>
    %get3A_16 = arith.constant 0 : index
    %get3A_17 = arith.constant 0 : index
    %get3A_18 = vector.load %arg5[%get3A_16, %get3A_17] : memref<1x384xf32, #tpu.memory_space<vmem>>, vector<1x384xf32>
    %add3A_19 = vector.broadcast %get3A_18 : vector<1x384xf32> to vector<2000x384xf32>
    %add3A_20 = arith.addf %dot_general3A_15, %add3A_19 : vector<2000x384xf32>
    %get3A_21 = arith.constant 0 : index
    %get3A_22 = arith.constant 0 : index
    %get3A_23 = vector.load %arg4[%get3A_21, %get3A_22] : memref<128x384xf32, #tpu.memory_space<vmem>>, vector<128x384xf32>
    %dot_general3A_24 = arith.constant dense<0.000000e+00> : vector<2000x384xf32>
    %dot_general3A_25 = tpu.matmul %get3A_11, %get3A_23, %dot_general3A_24 {dimension_numbers = #tpu.dot_dimension_numbers<[1], [0], [0], [1], [0, 0, 1, 1], [], []>, transpose_lhs_hint = false} : vector<2000x128xf32>, vector<128x384xf32>, vector<2000x384xf32> -> vector<2000x384xf32>
    %get3A_26 = arith.constant 0 : index
    %get3A_27 = arith.constant 0 : index
    %get3A_28 = vector.load %arg6[%get3A_26, %get3A_27] : memref<1x384xf32, #tpu.memory_space<vmem>>, vector<1x384xf32>
    %add3A_29 = vector.broadcast %get3A_28 : vector<1x384xf32> to vector<2000x384xf32>
    %add3A_30 = arith.addf %dot_general3A_25, %add3A_29 : vector<2000x384xf32>
    %slice3A = vector.extract_strided_slice %add3A_20 {offsets = [0, 0], sizes = [2000, 128], strides = [1, 1]} : vector<2000x384xf32> to vector<2000x128xf32>
    %slice3A_31 = vector.extract_strided_slice %add3A_30 {offsets = [0, 0], sizes = [2000, 128], strides = [1, 1]} : vector<2000x384xf32> to vector<2000x128xf32>
    %add3A_32 = arith.addf %slice3A, %slice3A_31 : vector<2000x128xf32>
    %logistic3A = arith.negf %add3A_32 : vector<2000x128xf32>
    %logistic3A_33 = math.exp %logistic3A : vector<2000x128xf32>
    %logistic3A_34 = arith.constant 1.000000e+00 : f32
    %logistic3A_35 = vector.broadcast %logistic3A_34 : f32 to vector<2000x128xf32>
    %logistic3A_36 = arith.addf %logistic3A_35, %logistic3A_33 : vector<2000x128xf32>
    %logistic3A_37 = arith.divf %logistic3A_35, %logistic3A_36 : vector<2000x128xf32>
    %slice3A_38 = vector.extract_strided_slice %add3A_20 {offsets = [0, 128], sizes = [2000, 128], strides = [1, 1]} : vector<2000x384xf32> to vector<2000x128xf32>
    %slice3A_39 = vector.extract_strided_slice %add3A_30 {offsets = [0, 128], sizes = [2000, 128], strides = [1, 1]} : vector<2000x384xf32> to vector<2000x128xf32>
    %add3A_40 = arith.addf %slice3A_38, %slice3A_39 : vector<2000x128xf32>
    %logistic3A_41 = arith.negf %add3A_40 : vector<2000x128xf32>
    %logistic3A_42 = math.exp %logistic3A_41 : vector<2000x128xf32>
    %logistic3A_43 = arith.constant 1.000000e+00 : f32
    %logistic3A_44 = vector.broadcast %logistic3A_43 : f32 to vector<2000x128xf32>
    %logistic3A_45 = arith.addf %logistic3A_44, %logistic3A_42 : vector<2000x128xf32>
    %logistic3A_46 = arith.divf %logistic3A_44, %logistic3A_45 : vector<2000x128xf32>
    %slice3A_47 = vector.extract_strided_slice %add3A_20 {offsets = [0, 256], sizes = [2000, 128], strides = [1, 1]} : vector<2000x384xf32> to vector<2000x128xf32>
    %slice3A_48 = vector.extract_strided_slice %add3A_30 {offsets = [0, 256], sizes = [2000, 128], strides = [1, 1]} : vector<2000x384xf32> to vector<2000x128xf32>
    %mul3A = arith.mulf %logistic3A_37, %slice3A_48 : vector<2000x128xf32>
    %add3A_49 = arith.addf %slice3A_47, %mul3A : vector<2000x128xf32>
    %tanh3A = math.tanh %add3A_49 : vector<2000x128xf32>
    %sub3A = arith.constant 1.000000e+00 : f32
    %sub3A_50 = vector.broadcast %sub3A : f32 to vector<2000x128xf32>
    %sub3A_51 = arith.subf %sub3A_50, %logistic3A_46 : vector<2000x128xf32>
    %mul3A_52 = arith.mulf %sub3A_51, %tanh3A : vector<2000x128xf32>
    %mul3A_53 = arith.mulf %logistic3A_46, %get3A_11 : vector<2000x128xf32>
    %add3A_54 = arith.addf %mul3A_52, %mul3A_53 : vector<2000x128xf32>
    %max3A = arith.constant 0.000000e+00 : f32
    %max3A_55 = vector.broadcast %max3A : f32 to vector<2000x128xf32>
    %max3A_56 = arith.maximumf %add3A_54, %max3A_55 : vector<2000x128xf32>
    %swap3A = arith.constant 0 : index
    %swap3A_57 = arith.constant 0 : index
    %swap3A_58 = vector.load %arg7[%swap3A, %swap3A_57] : memref<2000x128xf32, #tpu.memory_space<vmem>>, vector<2000x128xf32>
    tpu.vector_store %arg7[%swap3A, %swap3A_57], %max3A_56 {strides = array<i32>} : memref<2000x128xf32, #tpu.memory_space<vmem>>, vector<2000x128xf32>,
    return
  }
  func.func @transform_0(%arg0: i32) -> (i32, i32, i32) {
    %c0_i32 = arith.constant 0 : i32
    %c0_i32_0 = arith.constant 0 : i32
    %c0_i32_1 = arith.constant 0 : i32
    return %c0_i32, %arg0, %c0_i32_0 : i32, i32, i32
  }
  func.func @transform_1(%arg0: i32) -> (i32, i32) {
    %c0_i32 = arith.constant 0 : i32
    %c0_i32_0 = arith.constant 0 : i32
    return %arg0, %c0_i32 : i32, i32
  }
  func.func @transform_2(%arg0: i32) -> (i32, i32) {
    %c0_i32 = arith.constant 0 : i32
    %c0_i32_0 = arith.constant 0 : i32
    %c0_i32_1 = arith.constant 0 : i32
    return %c0_i32, %c0_i32_0 : i32, i32
  }
  func.func @transform_3(%arg0: i32) -> (i32, i32) {
    %c0_i32 = arith.constant 0 : i32
    %c0_i32_0 = arith.constant 0 : i32
    %c0_i32_1 = arith.constant 0 : i32
    return %c0_i32, %c0_i32_0 : i32, i32
  }
  func.func @transform_4(%arg0: i32) -> (i32, i32) {
    %c0_i32 = arith.constant 0 : i32
    %c0_i32_0 = arith.constant 0 : i32
    %c0_i32_1 = arith.constant 0 : i32
    return %c0_i32, %c0_i32_0 : i32, i32
  }
  func.func @transform_5(%arg0: i32) -> (i32, i32) {
    %c0_i32 = arith.constant 0 : i32
    %c0_i32_0 = arith.constant 0 : i32
    %c0_i32_1 = arith.constant 0 : i32
    return %c0_i32, %c0_i32_0 : i32, i32
  }
  func.func @transform_6(%arg0: i32) -> (i32, i32) {
    %c0_i32 = arith.constant 0 : i32
    %c0_i32_0 = arith.constant 0 : i32
    return %arg0, %c0_i32 : i32, i32
  }
}

</mosaic_0001>

<sc_bundles>
// kernel: kernel.23.cloned.1.call-start
scs
__scs_entry_jumppad:
0x0: {  	(pc) =	sbr.rel $0x88, $3  }
0x1: {  	(tag) =	ssettag $0x0;
	lr =	simm.s32 $0x1  }
0x2: {  	[smem:$0x3F9A] =	sst lr;
	_ =	strace $0xD0000000  }
0x3: {  	_ = 	snop  }
0x4: {  	_ = 	snop  }
0x5: {  	_ = 	snop  }
0x6: {  	_ = 	snop  }
0x7: {  	_ = 	snop  }
__scs_overlays_trampoline_lowered:
0x8: {  	[smem:$0x3FA9] =	sst s0  }
0x9: {  	[smem:$0x3FAA] =	sst s1  }
0xa: {  	[smem:$0x3FAB] =	sst s2  }
0xb: {  	[smem:$0x3FAC] =	sst s3  }
0xc: {  	[smem:$0x3FAD] =	sst s4  }
0xd: {  	[smem:$0x3FAE] =	sst s5  }
0xe: {  	[smem:$0x3FAF] =	sst s6  }
0xf: {  	[smem:$0x3FB0] =	sst s7  }
0x10: {  	[smem:$0x3FB1] =	sst s8  }
0x11: {  	[smem:$0x3FB2] =	sst s9;
	s0 =	simm.s32 @!p0 $0x0  }
0x12: {  	s1 =	sld [smem:$0x3F98];
	s0 =	simm.s32 @p0 $0x1  }
0x13: {  	[smem:$0x3FB3] =	sst s0;
	s0 =	simm.s32 @!p1 $0x0  }
0x14: {  	s2 =	sld [smem:$0x3F97];
	s0 =	simm.s32 @p1 $0x1  }
0x15: {  	[smem:$0x3FB4] =	sst s0;
	s0 =	simm.s32 @!p2 $0x0  }
0x16: {  	s3 =	sld [smem:$0x3FDB];
	s0 =	simm.s32 @p2 $0x1  }
0x17: {  	s4 =	simm.s32 $0x1BF5;
	[smem:$0x3FB6] =	sst s0  }
0x18: {  	s0 =	sld [smem:$0x3F99];
	_ =	swait.ge [sflag:s4], $0x0  }
0x19: {  	s7 =	sld [smem:$0x3F9A]  }
0x1a: {  	s8 =	sadd.s32 $0xFFFFE003, lr  }
0x1b: {  	s9 =	sadd.s32 $0xFFFFFEF7, lr;
	s5 =	simm.s32 $0xFFFFFFFF;
	p2 =	slt.u32 s8, $0xFFFFF086  }
0x1c: {  	p1 =	slt.u32 s9, $0xF7A;
	s5 =	simm.s32 @!p2 $0x0  }
0x1d: {  	s5 =	simm.s32 @p1 $0x1;
	p0 =	seq.s32 s7, s2  }
0x1e: {  	s7 =	smul.u32 @!p0 $0xF7A, s2;
	p2 =	seq.s32 @!p0 s5, $0x0  }
0x1f: {  	s9 =	smul.u32 $0xF7A, s1;
	s8 =	simm.s32 @!p0 $0x1BF5;
	p2 =	por !p2, p0  }
0x20: {  	[sflag:s8] =	ssyncset.s32 @!p0 $0xFFFFF086;
	s6 =	sadd.s32 @!p0 s3, s7;
	s7 =	simm.s32 @!p0 $0x108  }
0x21: {  	s3 =	sadd.s32 s3, s9;
	s6 =	sadd.s32 @!p0 $0x88, s6;
	s7 =	simm.s32 @p2 $0x1082  }
0x22: {  	[simem:s7], [sflag:s8] =	dma.local @!p0 [hbm:s6], $0xF7A  }
0x23: {  	s9 =	sor.u32 $0xD0000000, s2;
	s6 =	simm.s32 $0x108;
	_ =	swait.ge @!p0 [sflag:s8], $0x0  }
0x24: {  	s3 =	sadd.s32 $0x88, s3;
	s6 =	simm.s32 @!p1 $0x1082;
	[sflag:s4] =	ssyncset.s32 $0xFFFFF086  }
0x25: {  	[simem:s6], [sflag:s4] =	dma.local [hbm:s3], $0xF7A  }
0x26: {  	[smem:$0x3F9A] =	sst s1;
	(tag) =	ssettag s2;
	_ =	strace s9  }
0x27: {  	s1 =	sld [smem:$0x3FAA]  }
0x28: {  	s2 =	sld [smem:$0x3FAB]  }
0x29: {  	s4 =	sld [smem:$0x3FAD]  }
0x2a: {  	p0 =	seq.s32 s5, $0x0;
	s5 =	sld [smem:$0x3FAE]  }
0x2b: {  	s6 =	sld [smem:$0x3FAF]  }
0x2c: {  	s7 =	sld [smem:$0x3FB0]  }
0x2d: {  	s3 =	simm.s32 $0x108;
	s8 =	sld [smem:$0x3FB1]  }
0x2e: {  	s3 =	simm.s32 @!p0 $0x1082;
	s9 =	sld [smem:$0x3FB2]  }
0x2f: {  	lr =	sadd.s32 s0, s3;
	s0 =	sld [smem:$0x3FA9]  }
0x30: {  	s3 =	sld [smem:$0x3FAC]  }
0x31: {  	[smem:$0x3FB5] =	sst s10  }
0x32: {  	s10 =	sld [smem:$0x3FB3];
	_ =	sdelay $0x3  }
0x33: {  	p0 =	seq.s32 s10, $0x1;
	s10 =	sld [smem:$0x3FB5];
	_ =	sdelay $0x3  }
0x34: {  	[smem:$0x3FB5] =	sst s10  }
0x35: {  	s10 =	sld [smem:$0x3FB4];
	_ =	sdelay $0x3  }
0x36: {  	p1 =	seq.s32 s10, $0x1;
	s10 =	sld [smem:$0x3FB5];
	_ =	sdelay $0x3  }
0x37: {  	[smem:$0x3FB5] =	sst s10  }
0x38: {  	s10 =	sld [smem:$0x3FB6]  }
0x39: {  	_ = 	snop;
	(pc) =	sbr.ind lr, $3  }
0x3a: {  	_ = 	snop  }
0x3b: {  	_ = 	snop  }
0x3c: {  	p2 =	seq.s32 s10, $0x1;
	s10 =	sld [smem:$0x3FB5]  }
0x3d: {  	_ =	shalt  }
0x3e: {  	_ =	shalt  }
0x3f: {  	_ =	shalt  }
0x40: {  	_ =	shalt  }
0x41: {  	_ =	shalt  }
0x42: {  	_ =	shalt  }
0x43: {  	_ =	shalt  }
0x44: {  	_ =	shalt  }
0x45: {  	_ =	shalt  }
0x46: {  	_ =	shalt  }
0x47: {  	_ =	shalt  }
0x48: {  	_ =	shalt  }
0x49: {  	_ =	shalt  }
0x4a: {  	_ =	shalt  }
0x4b: {  	_ =	shalt  }
0x4c: {  	_ =	shalt  }
0x4d: {  	_ =	shalt  }
0x4e: {  	_ =	shalt  }
0x4f: {  	_ =	shalt  }
0x50: {  	_ =	shalt  }
0x51: {  	_ =	shalt  }
0x52: {  	_ =	shalt  }
0x53: {  	_ =	shalt  }
0x54: {  	_ =	shalt  }
0x55: {  	_ =	shalt  }
0x56: {  	_ =	shalt  }
0x57: {  	_ =	shalt  }
0x58: {  	_ =	shalt  }
0x59: {  	_ =	shalt  }
0x5a: {  	_ =	shalt  }
0x5b: {  	_ =	shalt  }
0x5c: {  	_ =	shalt  }
0x5d: {  	_ =	shalt  }
0x5e: {  	_ =	shalt  }
0x5f: {  	_ =	shalt  }
0x60: {  	_ =	shalt  }
0x61: {  	_ =	shalt  }
0x62: {  	_ =	shalt  }
0x63: {  	_ =	shalt  }
0x64: {  	_ =	shalt  }
0x65: {  	_ =	shalt  }
0x66: {  	_ =	shalt  }
0x67: {  	_ =	shalt  }
0x68: {  	_ =	shalt  }
0x69: {  	_ =	shalt  }
0x6a: {  	_ =	shalt  }
0x6b: {  	_ =	shalt  }
0x6c: {  	_ =	shalt  }
0x6d: {  	_ =	shalt  }
0x6e: {  	_ =	shalt  }
0x6f: {  	_ =	shalt  }
0x70: {  	_ =	shalt  }
0x71: {  	_ =	shalt  }
0x72: {  	_ =	shalt  }
0x73: {  	_ =	shalt  }
0x74: {  	_ =	shalt  }
0x75: {  	_ =	shalt  }
0x76: {  	_ =	shalt  }
0x77: {  	_ =	shalt  }
0x78: {  	_ =	shalt  }
0x79: {  	_ =	shalt  }
0x7a: {  	_ =	shalt  }
0x7b: {  	_ =	shalt  }
0x7c: {  	_ =	shalt  }
0x7d: {  	_ =	shalt  }
0x7e: {  	_ =	shalt  }
0x7f: {  	_ =	shalt  }
0x80: {  	_ =	shalt  }
0x81: {  	_ =	shalt  }
0x82: {  	_ =	shalt  }
0x83: {  	_ =	shalt  }
0x84: {  	_ =	shalt  }
0x85: {  	_ =	shalt  }
0x86: {  	_ =	shalt  }
0x87: {  	_ =	shalt  }
.Lfunc_end0:
.L_simem_size_0:
called_computation_lowered:
.L_overlay_start_0:
0x88: {  	s2 =	sld [smem:$0x3FD9]  }
0x89: {  	s3 =	sld [smem:$0x3FFE];
	_ =	sdelay $0x1  }
0x8a: {  	s1 =	srdreg.scid  }
0x8b: {  	s0 =	sand.u32 $0x1, s1  }
0x8c: {  	s17 =	sshll.u32 s0, $0xA;
	s2 =	sadd.s32 s3, s2  }
0x8d: {  	s2 =	sadd.s32 s2, s17  }
0x8e: {  	[smem:$0x3FC1] =	sst s2  }
0x8f: {  	_ = 	snop  }
0x90: {  	s2 =	sld [smem:$0x3FD0];
	(tm) =	ssettm $0x1  }
0x91: {  	s18 =	sld [smem:$0x3FFB];
	_ =	sdelay $0x3  }
0x92: {  	_ =	strace s18  }
0x93: {  	s3 =	sld [smem:$0x3FFC];
	_ =	sdelay $0x3  }
0x94: {  	_ =	strace s3  }
0x95: {  	s3 =	sld [smem:$0x3FFD];
	_ =	sdelay $0x3  }
0x96: {  	_ =	strace s3  }
0x97: {  	_ =	strace $0x8FFFFFFF  }
0x98: {  	s19 =	sld [smem:$0x3FDB];
	_ =	sdelay $0x1  }
0x99: {  	s4 =	simm.s32 $_scs_section_size  }
0x9a: {  	s5 =	simm.s32 $_size__tile_overlayer_lowered;
	s6 =	simm.s32 $_tile_overlayer_lowered  }
0x9b: {  	s22 =	simm.s32 $0x1BFF;
	s21 =	sshll.u32 s6, $0x1;
	s3 =	sadd.s32 s4, s19  }
0x9c: {  	s7 =	simm.s32 $0x0;
	s20 =	sshll.u32 s5, $0x1;
	s5 =	sadd.s32 s21, s3  }
0x9d: {  	[timem:s7], [sflag:s22] =	dma.local [hbm:s5], s20  }
0x9e: {  	_ =	swait.ge [sflag:s22], s20  }
0x9f: {  	s4 =	ssub.s32 $0x0, s20;
	[sflag:s22] =	ssyncset.done $0x0  }
0xa0: {  	[sflag:s22] =	ssyncadd.s32 s4;
	_ =	sdelay $0x1  }
0xa1: {  	s23 =	simm.s32 $0x1B8B  }
0xa2: {  	_ =	swait.ge [sflag:s23], $0x1  }
0xa3: {  	[sflag:s23] =	ssyncset.done $0x0  }
0xa4: {  	s25 =	simm.s32 $0x1B8E;
	s24 =	sld [smem:$0x3FFE];
	[sflag:s23] =	ssyncadd.s32 $0xFFFFFFFF  }
0xa5: {  	s26 =	simm.s32 $execute0_lowered;
	[smem:$0x3FD2] =	sst s25  }
0xa6: {  	s5 =	sshll.u32 s26, $0x1;
	_ =	strace $0x80000046;
	[dreg:$0x1] =	wrdreg $0xFFFFFFFF  }
0xa7: {  	s28 =	simm.s32 $_size_execute0_lowered;
	s3 =	sadd.s32 s3, s5;
	[dreg:$0x0] =	wrdreg $0x0  }
0xa8: {  	s5 =	sshll.u32 s28, $0x1;
	[dreg:$0x2] =	wrdreg s3  }
0xa9: {  	[dreg:$0x3] =	wrdreg s5  }
0xaa: {  	[dreg:$0x4] =	wrdreg $0xC0  }
0xab: {  	_ =	task [dreg:s7], $0x5FFFF  }
0xac: {  	[dreg:$0x1] =	wrdreg $0xFFFFFFFF  }
0xad: {  	[dreg:$0x0] =	wrdreg $0x60  }
0xae: {  	[dreg:$0x2] =	wrdreg s2  }
0xaf: {  	[dreg:$0x3] =	wrdreg s24  }
0xb0: {  	[dreg:$0x4] =	wrdreg $0x90000  }
0xb1: {  	[dreg:$0x5] =	wrdreg $0x9  }
0xb2: {  	_ =	task.clear_ibuf [dreg:s7], $0x6FFFF;
	_ =	strace $0x90000046  }
0xb3: {  	s29 =	simm.s32 $0x9;
	_ =	strace $0x80000048  }
0xb4: {  	_ =	swait.ge [sflag:s29], $0x1  }
0xb5: {  	[sflag:s29] =	ssyncadd.s32 $0xFFFFFFFF  }
0xb6: {  	_ =	strace $0x90000048  }
0xb7: {  	_ =	sfence  }
0xb8: {  	s30 =	sld [smem:$0x0];
	_ =	sdelay $0x2  }
0xb9: {  	s31 =	sshll.u32 s1, $0xD;
	s1 =	sshrl.u32 s1, $0x2  }
0xba: {  	s3 =	sand.u32 $0x4000, s31;
	s1 =	sadd.s32 s1, s30  }
0xbb: {  	s0 =	sor.u32 s3, s0;
	s1 =	sshll.u32 s1, $0x11  }
0xbc: {  	s0 =	sor.u32 s1, s0  }
0xbd: {  	s0 =	sadd.s32 $0x8F2B, s0  }
0xbe: {  	[sflag:s0] =	ssyncadd.remote.s32 $0x1  }
0xbf: {  	_ =	sfence.sel $0xFFFF  }
0xc0: {  	[dreg:$0x0] =	wrdreg $0xFFFFFFFF;
	(pc) =	sbr.abs _section_cstart, $3  }
0xc1: {  	[dreg:$0x1] =	wrdreg $0xFFFFFFFF  }
0xc2: {  	_ =	task.clear_ibuf [dreg:s7], $0x2FFFF;
	_ =	strace $0x9FFFFFFF  }
0xc3: {  	(tm) =	ssettm $0x7FFFFFFF  }
tec
execute0_lowered:
.L_overlay_start_1:
0x0: {  	(tag) =	ssettag $0x1  }
0x1: {  	s1 =	rddreg [dreg:$0x0]  }
0x2: {  	s2 =	srdreg.scid;
	s7 =	rddreg [dreg:$0x1]  }
0x3: {  	s0 =	stileid.u32;
	s3 =	rddreg [dreg:$0x2];
	s4 =	simm.s32 $0x0  }
0x4: {  	s14 =	simm.s32 $0x80;
	s15 =	simm.s32 $0x5000;
	s16 =	simm.s32 $0x1  }
0x5: {  	s17 =	simm.s32 $0x0;
	s6 =	sand.u32 $0x1, s2;
	s9 =	smul.u32 $0x14000, s0  }
0x6: {  	s26 =	sshll.u32 s0, $0x1;
	[smem:$0x7FF] =	sst s4;
	s28 =	smul.u32 $0x50000, s0  }
0x7: {  	s31 =	sshll.u32 s0, $0x6;
	s2 =	sor.u32 s6, s26;
	s8 =	smul.u32 $0x140000, s6  }
0x8: {  	s6 =	ssub.s32 $0x2, s6;
	s5 =	smul.u32 $0x500, s2;
	s2 =	rddreg [dreg:$0x3]  }
0x9: {  	_ =	strace $0x80000047;
	s29 =	sshrl.u32 s6, $0x1;
	s30 =	sshrl.u32 s28, $0x2  }
0xa: {  	s8 =	sadd.s32 s9, s8;
	s12 =	ssub.s32 s6, s29;
	s13 =	sadd.s32 s30, s3  }
0xb: {  	s6 =	sor.u32 $0x1C02, s31;
	s10 =	sadd.s32 s5, s7;
	s8 =	sshrl.u32 s8, $0x3  }
0xc: {  	s5 =	sadd.s32 $0x1B800, s7;
	s11 =	sadd.s32 s8, s7;
	s7 =	sadd.s32 $0x11800, s10  }
0xd: {  	s8 =	sadd.s32 $0x7800, s10;
	s10 =	smax.u32 s12, $0x1;
	s12 =	simm.s32 $0x2  }
0xe: {  	s9 =	sadd.s32 $0x1E000, s11;
	s11 =	sshrl.u32 s13, $0x3;
	s13 =	simm.s32 $0x2800  }
.LBB2_1:
0xf: {  	[spmem:s11], [sflag:s6] =	dma.local [hbm:s5], $0x2800  }
0x10: {  	_ =	swait.ge [sflag:s12], $0x2800  }
0x11: {  	[sflag:s12] =	ssyncset.done $0x0  }
0x12: {  	[sflag:s12] =	ssyncadd.s32 $0xFFFFD800  }
0x13: {  	[bflag:$0x0] =	sbarrier.arrive $0xFFFF  }
0x14: {  	[tilespmem:s4], [sflag:$0x2] =	stream.linear.gather [hbm4b:s7+s4], $0x2800, $0x38;
	[tilespmem:$0x1D000] =	vst v63  }
0x15: {  	_ =	swait.ge [sflag:s12], $0x2800  }
0x16: {  	[sflag:s12] =	ssyncset.done $0x0  }
0x17: {  	[sflag:s12] =	ssyncadd.s32 $0xFFFFD800  }
0x18: {  	[tilespmem:s13], [sflag:$0x2] =	stream.linear.gather [hbm4b:s8+s4], $0x2800, $0x38;
	[tilespmem:$0x1D000] =	vst v63  }
0x19: {  	_ =	swait.ge [sflag:s12], $0x2800  }
0x1a: {  	[sflag:s12] =	ssyncset.done $0x0  }
0x1b: {  	s18 =	simm.s32 $0x0;
	[sflag:s12] =	ssyncadd.s32 $0xFFFFD800  }
0x1c: {  	[tilespmem:s15], [sflag:$0x1] =	stream.indirect.gather [hbm4b:s1+s14], $0x80, s18, s14, $0xb8;
	[tilespmem:$0x1D000] =	vst v63  }
0x1d: {  	_ =	swait.ge [sflag:s16], $0x4000  }
0x1e: {  	[sflag:s16] =	ssyncset.done $0x0  }
0x1f: {  	s31 =	simm.s32 $0x2800;
	[sflag:s16] =	ssyncadd.s32 $0xFFFFC000  }
0x20: {  	[spmem:s3] =	stream.indirect.scatter.add.f32 [tilespmem:s15], [sflag:$0x2], $0x80, s31, s14, $0xb8;
	[tilespmem:$0x1D000] =	vst v63  }
0x21: {  	_ =	swait.ge [sflag:s12], $0x4000  }
0x22: {  	s19 =	simm.s32 $0x400;
	s18 =	simm.s32 $0x200;
	[sflag:s12] =	ssyncset.done $0x0  }
.LBB2_2:
0x23: {  	s20 =	sshra.s32 s18, $0x2  }
0x24: {  	[sflag:s12] =	ssyncadd.s32 $0xFFFFC000;
	s18 =	smov.u32 s19;
	s21 =	sadd.s32 $0x200, s19  }
0x25: {  	[tilespmem:s15], [sflag:$0x1] =	stream.indirect.gather [hbm4b:s1+s14], $0x80, s20, s14, $0xb8;
	[tilespmem:$0x1D000] =	vst v63  }
0x26: {  	p0 =	sne.s32 s19, $0x9E00;
	_ =	swait.ge [sflag:s16], $0x4000  }
.Ltmp0:
0x27: {  	[sflag:s16] =	ssyncset.done $0x0;
	(pc) =	sbr.rel @p0 .LBB2_2-.Ltmp0, $4  }
0x28: {  	s19 =	sadd.s32 $0x2800, s20;
	[sflag:s16] =	ssyncadd.s32 $0xFFFFC000  }
0x29: {  	[spmem:s3] =	stream.indirect.scatter.add.f32 [tilespmem:s15], [sflag:$0x2], $0x80, s19, s14, $0xb8;
	[tilespmem:$0x1D000] =	vst v63  }
0x2a: {  	_ =	swait.ge [sflag:s12], $0x4000  }
0x2b: {  	s19 =	smov.u32 s21;
	[sflag:s12] =	ssyncset.done $0x0  }
0x2c: {  	s18 =	sshra.s32 s18, $0x2;
	[sflag:s12] =	ssyncadd.s32 $0xFFFFC000  }
0x2d: {  	[tilespmem:s15], [sflag:$0x1] =	stream.indirect.gather [hbm4b:s1+s14], $0x80, s18, s14, $0xb8;
	[tilespmem:$0x1D000] =	vst v63  }
0x2e: {  	_ =	swait.ge [sflag:s16], $0x4000  }
0x2f: {  	[sflag:s16] =	ssyncset.done $0x0  }
0x30: {  	s18 =	sadd.s32 $0x2800, s18;
	[sflag:s16] =	ssyncadd.s32 $0xFFFFC000  }
0x31: {  	[spmem:s3] =	stream.indirect.scatter.add.f32 [tilespmem:s15], [sflag:$0x2], $0x80, s18, s14, $0xb8;
	[tilespmem:$0x1D000] =	vst v63  }
0x32: {  	_ =	swait.ge [sflag:s12], $0x4000  }
0x33: {  	s17 =	sadd.s32 $0x1, s17;
	[sflag:s12] =	ssyncset.done $0x0  }
0x34: {  	p0 =	sne.s32 s17, s10;
	[sflag:s12] =	ssyncadd.s32 $0xFFFFC000  }
.Ltmp1:
0x35: {  	[bflag:$0x0] =	sbarrier.arrive $0xFFFF;
	(pc) =	sbr.rel @p0 .LBB2_1-.Ltmp1, $4  }
0x36: {  	[hbm:s9], [sflag:s6] =	dma.local [spmem:s11], $0x2800  }
0x37: {  	_ =	swait.ge [sflag:s12], $0x2800  }
0x38: {  	[sflag:s12] =	ssyncset.done $0x0  }
0x39: {  	[sflag:s12] =	ssyncadd.s32 $0xFFFFD800  }
0x3a: {  	_ =	sfence.sel $0x180000  }
0x3b: {  	[bflag:$0x0] =	sbarrier.arrive $0xFFFF  }
0x3c: {  	p0 =	sne.s32 s0, $0x0;
	_ =	strace $0x90000047  }
0x3d: {  	s0 =	sadd.s32 @!p0 $0x100000, s2;
	[bflag:$0x2] =	sbarrier.arrive $0xFFFF  }
0x3e: {  	[sflag:s0] =	ssyncadd.tile.s32 @!p0 $0x1;
	_ =	shalt  }
.Lfunc_end2:
_tile_overlayer_lowered:
.L_overlay_start_2:
0x3f: {  	(tag) =	ssettag $0x2  }
0x40: {  	s0 =	rddreg [dreg:$0x0];
	s2 =	stileid.u32  }
0x41: {  	s1 =	rddreg [dreg:$0x1];
	p0 =	sne.s32 s2, $0x0  }
0x42: {  	s3 =	rddreg [dreg:$0x2];
	[bflag:$0x3] =	sbarrier.arrive $0xFFFF;
	s2 =	simm.s32 @!p0 $0x1C02  }
0x43: {  	[timem:s3], [sflag:s2] =	dma.local @!p0 [hbm:s0], s1  }
0x44: {  	s0 =	simm.s32 @!p0 $0x2  }
0x45: {  	_ =	swait.ge @!p0 [sflag:s0], s1  }
0x46: {  	s1 =	ssub.s32 @!p0 $0x0, s1;
	[sflag:s0] =	ssyncset.done @!p0 $0x0  }
0x47: {  	[sflag:s0] =	ssyncadd.s32 @!p0 s1  }
0x48: {  	[bflag:$0x3] =	sbarrier.arrive $0xFFFF  }
0x49: {  	_ =	shalt  }

// kernel: kernel.26.cloned.1.call-start
scs
__scs_entry_jumppad:
0x0: {  	(pc) =	sbr.rel $0x88, $3  }
0x1: {  	(tag) =	ssettag $0x0;
	lr =	simm.s32 $0x1  }
0x2: {  	[smem:$0x3F9A] =	sst lr;
	_ =	strace $0xD0000000  }
0x3: {  	_ = 	snop  }
0x4: {  	_ = 	snop  }
0x5: {  	_ = 	snop  }
0x6: {  	_ = 	snop  }
0x7: {  	_ = 	snop  }
__scs_overlays_trampoline_lowered:
0x8: {  	[smem:$0x3FA9] =	sst s0  }
0x9: {  	[smem:$0x3FAA] =	sst s1  }
0xa: {  	[smem:$0x3FAB] =	sst s2  }
0xb: {  	[smem:$0x3FAC] =	sst s3  }
0xc: {  	[smem:$0x3FAD] =	sst s4  }
0xd: {  	[smem:$0x3FAE] =	sst s5  }
0xe: {  	[smem:$0x3FAF] =	sst s6  }
0xf: {  	[smem:$0x3FB0] =	sst s7  }
0x10: {  	[smem:$0x3FB1] =	sst s8  }
0x11: {  	[smem:$0x3FB2] =	sst s9;
	s0 =	simm.s32 @!p0 $0x0  }
0x12: {  	s1 =	sld [smem:$0x3F98];
	s0 =	simm.s32 @p0 $0x1  }
0x13: {  	[smem:$0x3FB3] =	sst s0;
	s0 =	simm.s32 @!p1 $0x0  }
0x14: {  	s2 =	sld [smem:$0x3F97];
	s0 =	simm.s32 @p1 $0x1  }
0x15: {  	[smem:$0x3FB4] =	sst s0;
	s0 =	simm.s32 @!p2 $0x0  }
0x16: {  	s3 =	sld [smem:$0x3FDB];
	s0 =	simm.s32 @p2 $0x1  }
0x17: {  	s4 =	simm.s32 $0x1BF5;
	[smem:$0x3FB6] =	sst s0  }
0x18: {  	s0 =	sld [smem:$0x3F99];
	_ =	swait.ge [sflag:s4], $0x0  }
0x19: {  	s7 =	sld [smem:$0x3F9A]  }
0x1a: {  	s8 =	sadd.s32 $0xFFFFE003, lr  }
0x1b: {  	s9 =	sadd.s32 $0xFFFFFEF7, lr;
	s5 =	simm.s32 $0xFFFFFFFF;
	p2 =	slt.u32 s8, $0xFFFFF086  }
0x1c: {  	p1 =	slt.u32 s9, $0xF7A;
	s5 =	simm.s32 @!p2 $0x0  }
0x1d: {  	s5 =	simm.s32 @p1 $0x1;
	p0 =	seq.s32 s7, s2  }
0x1e: {  	s7 =	smul.u32 @!p0 $0xF7A, s2;
	p2 =	seq.s32 @!p0 s5, $0x0  }
0x1f: {  	s9 =	smul.u32 $0xF7A, s1;
	s8 =	simm.s32 @!p0 $0x1BF5;
	p2 =	por !p2, p0  }
0x20: {  	[sflag:s8] =	ssyncset.s32 @!p0 $0xFFFFF086;
	s6 =	sadd.s32 @!p0 s3, s7;
	s7 =	simm.s32 @!p0 $0x108  }
0x21: {  	s3 =	sadd.s32 s3, s9;
	s6 =	sadd.s32 @!p0 $0x88, s6;
	s7 =	simm.s32 @p2 $0x1082  }
0x22: {  	[simem:s7], [sflag:s8] =	dma.local @!p0 [hbm:s6], $0xF7A  }
0x23: {  	s9 =	sor.u32 $0xD0000000, s2;
	s6 =	simm.s32 $0x108;
	_ =	swait.ge @!p0 [sflag:s8], $0x0  }
0x24: {  	s3 =	sadd.s32 $0x88, s3;
	s6 =	simm.s32 @!p1 $0x1082;
	[sflag:s4] =	ssyncset.s32 $0xFFFFF086  }
0x25: {  	[simem:s6], [sflag:s4] =	dma.local [hbm:s3], $0xF7A  }
0x26: {  	[smem:$0x3F9A] =	sst s1;
	(tag) =	ssettag s2;
	_ =	strace s9  }
0x27: {  	s1 =	sld [smem:$0x3FAA]  }
0x28: {  	s2 =	sld [smem:$0x3FAB]  }
0x29: {  	s4 =	sld [smem:$0x3FAD]  }
0x2a: {  	p0 =	seq.s32 s5, $0x0;
	s5 =	sld [smem:$0x3FAE]  }
0x2b: {  	s6 =	sld [smem:$0x3FAF]  }
0x2c: {  	s7 =	sld [smem:$0x3FB0]  }
0x2d: {  	s3 =	simm.s32 $0x108;
	s8 =	sld [smem:$0x3FB1]  }
0x2e: {  	s3 =	simm.s32 @!p0 $0x1082;
	s9 =	sld [smem:$0x3FB2]  }
0x2f: {  	lr =	sadd.s32 s0, s3;
	s0 =	sld [smem:$0x3FA9]  }
0x30: {  	s3 =	sld [smem:$0x3FAC]  }
0x31: {  	[smem:$0x3FB5] =	sst s10  }
0x32: {  	s10 =	sld [smem:$0x3FB3];
	_ =	sdelay $0x3  }
0x33: {  	p0 =	seq.s32 s10, $0x1;
	s10 =	sld [smem:$0x3FB5];
	_ =	sdelay $0x3  }
0x34: {  	[smem:$0x3FB5] =	sst s10  }
0x35: {  	s10 =	sld [smem:$0x3FB4];
	_ =	sdelay $0x3  }
0x36: {  	p1 =	seq.s32 s10, $0x1;
	s10 =	sld [smem:$0x3FB5];
	_ =	sdelay $0x3  }
0x37: {  	[smem:$0x3FB5] =	sst s10  }
0x38: {  	s10 =	sld [smem:$0x3FB6]  }
0x39: {  	_ = 	snop;
	(pc) =	sbr.ind lr, $3  }
0x3a: {  	_ = 	snop  }
0x3b: {  	_ = 	snop  }
0x3c: {  	p2 =	seq.s32 s10, $0x1;
	s10 =	sld [smem:$0x3FB5]  }
0x3d: {  	_ =	shalt  }
0x3e: {  	_ =	shalt  }
0x3f: {  	_ =	shalt  }
0x40: {  	_ =	shalt  }
0x41: {  	_ =	shalt  }
0x42: {  	_ =	shalt  }
0x43: {  	_ =	shalt  }
0x44: {  	_ =	shalt  }
0x45: {  	_ =	shalt  }
0x46: {  	_ =	shalt  }
0x47: {  	_ =	shalt  }
0x48: {  	_ =	shalt  }
0x49: {  	_ =	shalt  }
0x4a: {  	_ =	shalt  }
0x4b: {  	_ =	shalt  }
0x4c: {  	_ =	shalt  }
0x4d: {  	_ =	shalt  }
0x4e: {  	_ =	shalt  }
0x4f: {  	_ =	shalt  }
0x50: {  	_ =	shalt  }
0x51: {  	_ =	shalt  }
0x52: {  	_ =	shalt  }
0x53: {  	_ =	shalt  }
0x54: {  	_ =	shalt  }
0x55: {  	_ =	shalt  }
0x56: {  	_ =	shalt  }
0x57: {  	_ =	shalt  }
0x58: {  	_ =	shalt  }
0x59: {  	_ =	shalt  }
0x5a: {  	_ =	shalt  }
0x5b: {  	_ =	shalt  }
0x5c: {  	_ =	shalt  }
0x5d: {  	_ =	shalt  }
0x5e: {  	_ =	shalt  }
0x5f: {  	_ =	shalt  }
0x60: {  	_ =	shalt  }
0x61: {  	_ =	shalt  }
0x62: {  	_ =	shalt  }
0x63: {  	_ =	shalt  }
0x64: {  	_ =	shalt  }
0x65: {  	_ =	shalt  }
0x66: {  	_ =	shalt  }
0x67: {  	_ =	shalt  }
0x68: {  	_ =	shalt  }
0x69: {  	_ =	shalt  }
0x6a: {  	_ =	shalt  }
0x6b: {  	_ =	shalt  }
0x6c: {  	_ =	shalt  }
0x6d: {  	_ =	shalt  }
0x6e: {  	_ =	shalt  }
0x6f: {  	_ =	shalt  }
0x70: {  	_ =	shalt  }
0x71: {  	_ =	shalt  }
0x72: {  	_ =	shalt  }
0x73: {  	_ =	shalt  }
0x74: {  	_ =	shalt  }
0x75: {  	_ =	shalt  }
0x76: {  	_ =	shalt  }
0x77: {  	_ =	shalt  }
0x78: {  	_ =	shalt  }
0x79: {  	_ =	shalt  }
0x7a: {  	_ =	shalt  }
0x7b: {  	_ =	shalt  }
0x7c: {  	_ =	shalt  }
0x7d: {  	_ =	shalt  }
0x7e: {  	_ =	shalt  }
0x7f: {  	_ =	shalt  }
0x80: {  	_ =	shalt  }
0x81: {  	_ =	shalt  }
0x82: {  	_ =	shalt  }
0x83: {  	_ =	shalt  }
0x84: {  	_ =	shalt  }
0x85: {  	_ =	shalt  }
0x86: {  	_ =	shalt  }
0x87: {  	_ =	shalt  }
.Lfunc_end0:
.L_simem_size_0:
called_computation.1_lowered:
.L_overlay_start_0:
0x88: {  	s2 =	sld [smem:$0x3FD9]  }
0x89: {  	s3 =	sld [smem:$0x3FFE];
	_ =	sdelay $0x1  }
0x8a: {  	s1 =	srdreg.scid  }
0x8b: {  	s0 =	sand.u32 $0x1, s1  }
0x8c: {  	s17 =	sshll.u32 s0, $0xA;
	s2 =	sadd.s32 s3, s2  }
0x8d: {  	s2 =	sadd.s32 s2, s17  }
0x8e: {  	[smem:$0x3FC1] =	sst s2  }
0x8f: {  	_ = 	snop  }
0x90: {  	s2 =	sld [smem:$0x3FD0];
	(tm) =	ssettm $0x1  }
0x91: {  	s18 =	sld [smem:$0x3FFB];
	_ =	sdelay $0x3  }
0x92: {  	_ =	strace s18  }
0x93: {  	s3 =	sld [smem:$0x3FFC];
	_ =	sdelay $0x3  }
0x94: {  	_ =	strace s3  }
0x95: {  	s3 =	sld [smem:$0x3FFD];
	_ =	sdelay $0x3  }
0x96: {  	_ =	strace s3  }
0x97: {  	_ =	strace $0x8FFFFFFF  }
0x98: {  	s19 =	sld [smem:$0x3FDB];
	_ =	sdelay $0x1  }
0x99: {  	s4 =	simm.s32 $_scs_section_size  }
0x9a: {  	s5 =	simm.s32 $_size__tile_overlayer_lowered;
	s6 =	simm.s32 $_tile_overlayer_lowered  }
0x9b: {  	s22 =	simm.s32 $0x1BFF;
	s21 =	sshll.u32 s6, $0x1;
	s3 =	sadd.s32 s4, s19  }
0x9c: {  	s7 =	simm.s32 $0x0;
	s20 =	sshll.u32 s5, $0x1;
	s5 =	sadd.s32 s21, s3  }
0x9d: {  	[timem:s7], [sflag:s22] =	dma.local [hbm:s5], s20  }
0x9e: {  	_ =	swait.ge [sflag:s22], s20  }
0x9f: {  	s4 =	ssub.s32 $0x0, s20;
	[sflag:s22] =	ssyncset.done $0x0  }
0xa0: {  	[sflag:s22] =	ssyncadd.s32 s4;
	_ =	sdelay $0x1  }
0xa1: {  	s23 =	simm.s32 $0x1B8B  }
0xa2: {  	_ =	swait.ge [sflag:s23], $0x1  }
0xa3: {  	[sflag:s23] =	ssyncset.done $0x0  }
0xa4: {  	s25 =	simm.s32 $0x1B8E;
	s24 =	sld [smem:$0x3FFE];
	[sflag:s23] =	ssyncadd.s32 $0xFFFFFFFF  }
0xa5: {  	s26 =	simm.s32 $execute0_lowered;
	[smem:$0x3FD2] =	sst s25  }
0xa6: {  	s5 =	sshll.u32 s26, $0x1;
	_ =	strace $0x80000049;
	[dreg:$0x1] =	wrdreg $0xFFFFFFFF  }
0xa7: {  	s28 =	simm.s32 $_size_execute0_lowered;
	s3 =	sadd.s32 s3, s5;
	[dreg:$0x0] =	wrdreg $0x0  }
0xa8: {  	s5 =	sshll.u32 s28, $0x1;
	[dreg:$0x2] =	wrdreg s3  }
0xa9: {  	[dreg:$0x3] =	wrdreg s5  }
0xaa: {  	[dreg:$0x4] =	wrdreg $0xC0  }
0xab: {  	_ =	task [dreg:s7], $0x5FFFF  }
0xac: {  	[dreg:$0x1] =	wrdreg $0xFFFFFFFF  }
0xad: {  	[dreg:$0x0] =	wrdreg $0x60  }
0xae: {  	[dreg:$0x2] =	wrdreg s2  }
0xaf: {  	[dreg:$0x3] =	wrdreg s24  }
0xb0: {  	[dreg:$0x4] =	wrdreg $0x90000  }
0xb1: {  	[dreg:$0x5] =	wrdreg $0x9  }
0xb2: {  	_ =	task.clear_ibuf [dreg:s7], $0x6FFFF;
	_ =	strace $0x90000049  }
0xb3: {  	s29 =	simm.s32 $0x9;
	_ =	strace $0x8000004B  }
0xb4: {  	_ =	swait.ge [sflag:s29], $0x1  }
0xb5: {  	[sflag:s29] =	ssyncadd.s32 $0xFFFFFFFF  }
0xb6: {  	_ =	strace $0x9000004B  }
0xb7: {  	_ =	sfence  }
0xb8: {  	s30 =	sld [smem:$0x0];
	_ =	sdelay $0x2  }
0xb9: {  	s31 =	sshll.u32 s1, $0xD;
	s1 =	sshrl.u32 s1, $0x2  }
0xba: {  	s3 =	sand.u32 $0x4000, s31;
	s1 =	sadd.s32 s1, s30  }
0xbb: {  	s0 =	sor.u32 s3, s0;
	s1 =	sshll.u32 s1, $0x11  }
0xbc: {  	s0 =	sor.u32 s1, s0  }
0xbd: {  	s0 =	sadd.s32 $0x8F2B, s0  }
0xbe: {  	[sflag:s0] =	ssyncadd.remote.s32 $0x1  }
0xbf: {  	_ =	sfence.sel $0xFFFF  }
0xc0: {  	[dreg:$0x0] =	wrdreg $0xFFFFFFFF;
	(pc) =	sbr.abs _section_cstart, $3  }
0xc1: {  	[dreg:$0x1] =	wrdreg $0xFFFFFFFF  }
0xc2: {  	_ =	task.clear_ibuf [dreg:s7], $0x2FFFF;
	_ =	strace $0x9FFFFFFF  }
0xc3: {  	(tm) =	ssettm $0x7FFFFFFF  }
tec
execute0_lowered:
.L_overlay_start_1:
0x0: {  	(tag) =	ssettag $0x1  }
0x1: {  	s1 =	rddreg [dreg:$0x0]  }
0x2: {  	s2 =	srdreg.scid;
	s7 =	rddreg [dreg:$0x1]  }
0x3: {  	s0 =	stileid.u32;
	s3 =	rddreg [dreg:$0x2];
	s4 =	simm.s32 $0x0  }
0x4: {  	s14 =	simm.s32 $0x80;
	s15 =	simm.s32 $0x5000;
	s16 =	simm.s32 $0x1  }
0x5: {  	s17 =	simm.s32 $0x0;
	s6 =	sand.u32 $0x1, s2;
	s9 =	smul.u32 $0x14000, s0  }
0x6: {  	s26 =	sshll.u32 s0, $0x1;
	[smem:$0x7FF] =	sst s4;
	s28 =	smul.u32 $0x50000, s0  }
0x7: {  	s31 =	sshll.u32 s0, $0x6;
	s2 =	sor.u32 s6, s26;
	s8 =	smul.u32 $0x140000, s6  }
0x8: {  	s6 =	ssub.s32 $0x2, s6;
	s5 =	smul.u32 $0x500, s2;
	s2 =	rddreg [dreg:$0x3]  }
0x9: {  	_ =	strace $0x8000004A;
	s29 =	sshrl.u32 s6, $0x1;
	s30 =	sshrl.u32 s28, $0x2  }
0xa: {  	s8 =	sadd.s32 s9, s8;
	s12 =	ssub.s32 s6, s29;
	s13 =	sadd.s32 s30, s3  }
0xb: {  	s6 =	sor.u32 $0x1C02, s31;
	s10 =	sadd.s32 s5, s7;
	s8 =	sshrl.u32 s8, $0x3  }
0xc: {  	s5 =	sadd.s32 $0x1B800, s7;
	s11 =	sadd.s32 s8, s7;
	s7 =	sadd.s32 $0x11800, s10  }
0xd: {  	s8 =	sadd.s32 $0x7800, s10;
	s10 =	smax.u32 s12, $0x1;
	s12 =	simm.s32 $0x2  }
0xe: {  	s9 =	sadd.s32 $0x1E000, s11;
	s11 =	sshrl.u32 s13, $0x3;
	s13 =	simm.s32 $0x2800  }
.LBB2_1:
0xf: {  	[spmem:s11], [sflag:s6] =	dma.local [hbm:s5], $0x2800  }
0x10: {  	_ =	swait.ge [sflag:s12], $0x2800  }
0x11: {  	[sflag:s12] =	ssyncset.done $0x0  }
0x12: {  	[sflag:s12] =	ssyncadd.s32 $0xFFFFD800  }
0x13: {  	[bflag:$0x0] =	sbarrier.arrive $0xFFFF  }
0x14: {  	[tilespmem:s4], [sflag:$0x2] =	stream.linear.gather [hbm4b:s7+s4], $0x2800, $0x38;
	[tilespmem:$0x1D000] =	vst v63  }
0x15: {  	_ =	swait.ge [sflag:s12], $0x2800  }
0x16: {  	[sflag:s12] =	ssyncset.done $0x0  }
0x17: {  	[sflag:s12] =	ssyncadd.s32 $0xFFFFD800  }
0x18: {  	[tilespmem:s13], [sflag:$0x2] =	stream.linear.gather [hbm4b:s8+s4], $0x2800, $0x38;
	[tilespmem:$0x1D000] =	vst v63  }
0x19: {  	_ =	swait.ge [sflag:s12], $0x2800  }
0x1a: {  	[sflag:s12] =	ssyncset.done $0x0  }
0x1b: {  	s18 =	simm.s32 $0x0;
	[sflag:s12] =	ssyncadd.s32 $0xFFFFD800  }
0x1c: {  	[tilespmem:s15], [sflag:$0x1] =	stream.indirect.gather [hbm4b:s1+s14], $0x80, s18, s14, $0xb8;
	[tilespmem:$0x1D000] =	vst v63  }
0x1d: {  	_ =	swait.ge [sflag:s16], $0x4000  }
0x1e: {  	[sflag:s16] =	ssyncset.done $0x0  }
0x1f: {  	s31 =	simm.s32 $0x2800;
	[sflag:s16] =	ssyncadd.s32 $0xFFFFC000  }
0x20: {  	[spmem:s3] =	stream.indirect.scatter.add.f32 [tilespmem:s15], [sflag:$0x2], $0x80, s31, s14, $0xb8;
	[tilespmem:$0x1D000] =	vst v63  }
0x21: {  	_ =	swait.ge [sflag:s12], $0x4000  }
0x22: {  	s19 =	simm.s32 $0x400;
	s18 =	simm.s32 $0x200;
	[sflag:s12] =	ssyncset.done $0x0  }
.LBB2_2:
0x23: {  	s20 =	sshra.s32 s18, $0x2  }
0x24: {  	[sflag:s12] =	ssyncadd.s32 $0xFFFFC000;
	s18 =	smov.u32 s19;
	s21 =	sadd.s32 $0x200, s19  }
0x25: {  	[tilespmem:s15], [sflag:$0x1] =	stream.indirect.gather [hbm4b:s1+s14], $0x80, s20, s14, $0xb8;
	[tilespmem:$0x1D000] =	vst v63  }
0x26: {  	p0 =	sne.s32 s19, $0x9E00;
	_ =	swait.ge [sflag:s16], $0x4000  }
.Ltmp0:
0x27: {  	[sflag:s16] =	ssyncset.done $0x0;
	(pc) =	sbr.rel @p0 .LBB2_2-.Ltmp0, $4  }
0x28: {  	s19 =	sadd.s32 $0x2800, s20;
	[sflag:s16] =	ssyncadd.s32 $0xFFFFC000  }
0x29: {  	[spmem:s3] =	stream.indirect.scatter.add.f32 [tilespmem:s15], [sflag:$0x2], $0x80, s19, s14, $0xb8;
	[tilespmem:$0x1D000] =	vst v63  }
0x2a: {  	_ =	swait.ge [sflag:s12], $0x4000  }
0x2b: {  	s19 =	smov.u32 s21;
	[sflag:s12] =	ssyncset.done $0x0  }
0x2c: {  	s18 =	sshra.s32 s18, $0x2;
	[sflag:s12] =	ssyncadd.s32 $0xFFFFC000  }
0x2d: {  	[tilespmem:s15], [sflag:$0x1] =	stream.indirect.gather [hbm4b:s1+s14], $0x80, s18, s14, $0xb8;
	[tilespmem:$0x1D000] =	vst v63  }
0x2e: {  	_ =	swait.ge [sflag:s16], $0x4000  }
0x2f: {  	[sflag:s16] =	ssyncset.done $0x0  }
0x30: {  	s18 =	sadd.s32 $0x2800, s18;
	[sflag:s16] =	ssyncadd.s32 $0xFFFFC000  }
0x31: {  	[spmem:s3] =	stream.indirect.scatter.add.f32 [tilespmem:s15], [sflag:$0x2], $0x80, s18, s14, $0xb8;
	[tilespmem:$0x1D000] =	vst v63  }
0x32: {  	_ =	swait.ge [sflag:s12], $0x4000  }
0x33: {  	s17 =	sadd.s32 $0x1, s17;
	[sflag:s12] =	ssyncset.done $0x0  }
0x34: {  	p0 =	sne.s32 s17, s10;
	[sflag:s12] =	ssyncadd.s32 $0xFFFFC000  }
.Ltmp1:
0x35: {  	[bflag:$0x0] =	sbarrier.arrive $0xFFFF;
	(pc) =	sbr.rel @p0 .LBB2_1-.Ltmp1, $4  }
0x36: {  	[hbm:s9], [sflag:s6] =	dma.local [spmem:s11], $0x2800  }
0x37: {  	_ =	swait.ge [sflag:s12], $0x2800  }
0x38: {  	[sflag:s12] =	ssyncset.done $0x0  }
0x39: {  	[sflag:s12] =	ssyncadd.s32 $0xFFFFD800  }
0x3a: {  	_ =	sfence.sel $0x180000  }
0x3b: {  	[bflag:$0x0] =	sbarrier.arrive $0xFFFF  }
0x3c: {  	p0 =	sne.s32 s0, $0x0;
	_ =	strace $0x9000004A  }
0x3d: {  	s0 =	sadd.s32 @!p0 $0x100000, s2;
	[bflag:$0x2] =	sbarrier.arrive $0xFFFF  }
0x3e: {  	[sflag:s0] =	ssyncadd.tile.s32 @!p0 $0x1;
	_ =	shalt  }
.Lfunc_end2:
_tile_overlayer_lowered:
.L_overlay_start_2:
0x3f: {  	(tag) =	ssettag $0x2  }
0x40: {  	s0 =	rddreg [dreg:$0x0];
	s2 =	stileid.u32  }
0x41: {  	s1 =	rddreg [dreg:$0x1];
	p0 =	sne.s32 s2, $0x0  }
0x42: {  	s3 =	rddreg [dreg:$0x2];
	[bflag:$0x3] =	sbarrier.arrive $0xFFFF;
	s2 =	simm.s32 @!p0 $0x1C02  }
0x43: {  	[timem:s3], [sflag:s2] =	dma.local @!p0 [hbm:s0], s1  }
0x44: {  	s0 =	simm.s32 @!p0 $0x2  }
0x45: {  	_ =	swait.ge @!p0 [sflag:s0], s1  }
0x46: {  	s1 =	ssub.s32 @!p0 $0x0, s1;
	[sflag:s0] =	ssyncset.done @!p0 $0x0  }
0x47: {  	[sflag:s0] =	ssyncadd.s32 @!p0 s1  }
0x48: {  	[bflag:$0x3] =	sbarrier.arrive $0xFFFF  }
0x49: {  	_ =	shalt  }

// kernel: kernel.29.cloned.1.call-start
scs
__scs_entry_jumppad:
0x0: {  	(pc) =	sbr.rel $0x88, $3  }
0x1: {  	(tag) =	ssettag $0x0;
	lr =	simm.s32 $0x1  }
0x2: {  	[smem:$0x3F9A] =	sst lr;
	_ =	strace $0xD0000000  }
0x3: {  	_ = 	snop  }
0x4: {  	_ = 	snop  }
0x5: {  	_ = 	snop  }
0x6: {  	_ = 	snop  }
0x7: {  	_ = 	snop  }
__scs_overlays_trampoline_lowered:
0x8: {  	[smem:$0x3FA9] =	sst s0  }
0x9: {  	[smem:$0x3FAA] =	sst s1  }
0xa: {  	[smem:$0x3FAB] =	sst s2  }
0xb: {  	[smem:$0x3FAC] =	sst s3  }
0xc: {  	[smem:$0x3FAD] =	sst s4  }
0xd: {  	[smem:$0x3FAE] =	sst s5  }
0xe: {  	[smem:$0x3FAF] =	sst s6  }
0xf: {  	[smem:$0x3FB0] =	sst s7  }
0x10: {  	[smem:$0x3FB1] =	sst s8  }
0x11: {  	[smem:$0x3FB2] =	sst s9;
	s0 =	simm.s32 @!p0 $0x0  }
0x12: {  	s1 =	sld [smem:$0x3F98];
	s0 =	simm.s32 @p0 $0x1  }
0x13: {  	[smem:$0x3FB3] =	sst s0;
	s0 =	simm.s32 @!p1 $0x0  }
0x14: {  	s2 =	sld [smem:$0x3F97];
	s0 =	simm.s32 @p1 $0x1  }
0x15: {  	[smem:$0x3FB4] =	sst s0;
	s0 =	simm.s32 @!p2 $0x0  }
0x16: {  	s3 =	sld [smem:$0x3FDB];
	s0 =	simm.s32 @p2 $0x1  }
0x17: {  	s4 =	simm.s32 $0x1BF5;
	[smem:$0x3FB6] =	sst s0  }
0x18: {  	s0 =	sld [smem:$0x3F99];
	_ =	swait.ge [sflag:s4], $0x0  }
0x19: {  	s7 =	sld [smem:$0x3F9A]  }
0x1a: {  	s8 =	sadd.s32 $0xFFFFE003, lr  }
0x1b: {  	s9 =	sadd.s32 $0xFFFFFEF7, lr;
	s5 =	simm.s32 $0xFFFFFFFF;
	p2 =	slt.u32 s8, $0xFFFFF086  }
0x1c: {  	p1 =	slt.u32 s9, $0xF7A;
	s5 =	simm.s32 @!p2 $0x0  }
0x1d: {  	s5 =	simm.s32 @p1 $0x1;
	p0 =	seq.s32 s7, s2  }
0x1e: {  	s7 =	smul.u32 @!p0 $0xF7A, s2;
	p2 =	seq.s32 @!p0 s5, $0x0  }
0x1f: {  	s9 =	smul.u32 $0xF7A, s1;
	s8 =	simm.s32 @!p0 $0x1BF5;
	p2 =	por !p2, p0  }
0x20: {  	[sflag:s8] =	ssyncset.s32 @!p0 $0xFFFFF086;
	s6 =	sadd.s32 @!p0 s3, s7;
	s7 =	simm.s32 @!p0 $0x108  }
0x21: {  	s3 =	sadd.s32 s3, s9;
	s6 =	sadd.s32 @!p0 $0x88, s6;
	s7 =	simm.s32 @p2 $0x1082  }
0x22: {  	[simem:s7], [sflag:s8] =	dma.local @!p0 [hbm:s6], $0xF7A  }
0x23: {  	s9 =	sor.u32 $0xD0000000, s2;
	s6 =	simm.s32 $0x108;
	_ =	swait.ge @!p0 [sflag:s8], $0x0  }
0x24: {  	s3 =	sadd.s32 $0x88, s3;
	s6 =	simm.s32 @!p1 $0x1082;
	[sflag:s4] =	ssyncset.s32 $0xFFFFF086  }
0x25: {  	[simem:s6], [sflag:s4] =	dma.local [hbm:s3], $0xF7A  }
0x26: {  	[smem:$0x3F9A] =	sst s1;
	(tag) =	ssettag s2;
	_ =	strace s9  }
0x27: {  	s1 =	sld [smem:$0x3FAA]  }
0x28: {  	s2 =	sld [smem:$0x3FAB]  }
0x29: {  	s4 =	sld [smem:$0x3FAD]  }
0x2a: {  	p0 =	seq.s32 s5, $0x0;
	s5 =	sld [smem:$0x3FAE]  }
0x2b: {  	s6 =	sld [smem:$0x3FAF]  }
0x2c: {  	s7 =	sld [smem:$0x3FB0]  }
0x2d: {  	s3 =	simm.s32 $0x108;
	s8 =	sld [smem:$0x3FB1]  }
0x2e: {  	s3 =	simm.s32 @!p0 $0x1082;
	s9 =	sld [smem:$0x3FB2]  }
0x2f: {  	lr =	sadd.s32 s0, s3;
	s0 =	sld [smem:$0x3FA9]  }
0x30: {  	s3 =	sld [smem:$0x3FAC]  }
0x31: {  	[smem:$0x3FB5] =	sst s10  }
0x32: {  	s10 =	sld [smem:$0x3FB3];
	_ =	sdelay $0x3  }
0x33: {  	p0 =	seq.s32 s10, $0x1;
	s10 =	sld [smem:$0x3FB5];
	_ =	sdelay $0x3  }
0x34: {  	[smem:$0x3FB5] =	sst s10  }
0x35: {  	s10 =	sld [smem:$0x3FB4];
	_ =	sdelay $0x3  }
0x36: {  	p1 =	seq.s32 s10, $0x1;
	s10 =	sld [smem:$0x3FB5];
	_ =	sdelay $0x3  }
0x37: {  	[smem:$0x3FB5] =	sst s10  }
0x38: {  	s10 =	sld [smem:$0x3FB6]  }
0x39: {  	_ = 	snop;
	(pc) =	sbr.ind lr, $3  }
0x3a: {  	_ = 	snop  }
0x3b: {  	_ = 	snop  }
0x3c: {  	p2 =	seq.s32 s10, $0x1;
	s10 =	sld [smem:$0x3FB5]  }
0x3d: {  	_ =	shalt  }
0x3e: {  	_ =	shalt  }
0x3f: {  	_ =	shalt  }
0x40: {  	_ =	shalt  }
0x41: {  	_ =	shalt  }
0x42: {  	_ =	shalt  }
0x43: {  	_ =	shalt  }
0x44: {  	_ =	shalt  }
0x45: {  	_ =	shalt  }
0x46: {  	_ =	shalt  }
0x47: {  	_ =	shalt  }
0x48: {  	_ =	shalt  }
0x49: {  	_ =	shalt  }
0x4a: {  	_ =	shalt  }
0x4b: {  	_ =	shalt  }
0x4c: {  	_ =	shalt  }
0x4d: {  	_ =	shalt  }
0x4e: {  	_ =	shalt  }
0x4f: {  	_ =	shalt  }
0x50: {  	_ =	shalt  }
0x51: {  	_ =	shalt  }
0x52: {  	_ =	shalt  }
0x53: {  	_ =	shalt  }
0x54: {  	_ =	shalt  }
0x55: {  	_ =	shalt  }
0x56: {  	_ =	shalt  }
0x57: {  	_ =	shalt  }
0x58: {  	_ =	shalt  }
0x59: {  	_ =	shalt  }
0x5a: {  	_ =	shalt  }
0x5b: {  	_ =	shalt  }
0x5c: {  	_ =	shalt  }
0x5d: {  	_ =	shalt  }
0x5e: {  	_ =	shalt  }
0x5f: {  	_ =	shalt  }
0x60: {  	_ =	shalt  }
0x61: {  	_ =	shalt  }
0x62: {  	_ =	shalt  }
0x63: {  	_ =	shalt  }
0x64: {  	_ =	shalt  }
0x65: {  	_ =	shalt  }
0x66: {  	_ =	shalt  }
0x67: {  	_ =	shalt  }
0x68: {  	_ =	shalt  }
0x69: {  	_ =	shalt  }
0x6a: {  	_ =	shalt  }
0x6b: {  	_ =	shalt  }
0x6c: {  	_ =	shalt  }
0x6d: {  	_ =	shalt  }
0x6e: {  	_ =	shalt  }
0x6f: {  	_ =	shalt  }
0x70: {  	_ =	shalt  }
0x71: {  	_ =	shalt  }
0x72: {  	_ =	shalt  }
0x73: {  	_ =	shalt  }
0x74: {  	_ =	shalt  }
0x75: {  	_ =	shalt  }
0x76: {  	_ =	shalt  }
0x77: {  	_ =	shalt  }
0x78: {  	_ =	shalt  }
0x79: {  	_ =	shalt  }
0x7a: {  	_ =	shalt  }
0x7b: {  	_ =	shalt  }
0x7c: {  	_ =	shalt  }
0x7d: {  	_ =	shalt  }
0x7e: {  	_ =	shalt  }
0x7f: {  	_ =	shalt  }
0x80: {  	_ =	shalt  }
0x81: {  	_ =	shalt  }
0x82: {  	_ =	shalt  }
0x83: {  	_ =	shalt  }
0x84: {  	_ =	shalt  }
0x85: {  	_ =	shalt  }
0x86: {  	_ =	shalt  }
0x87: {  	_ =	shalt  }
.Lfunc_end0:
.L_simem_size_0:
called_computation.2_lowered:
.L_overlay_start_0:
0x88: {  	s2 =	sld [smem:$0x3FD9]  }
0x89: {  	s3 =	sld [smem:$0x3FFE];
	_ =	sdelay $0x1  }
0x8a: {  	s1 =	srdreg.scid  }
0x8b: {  	s0 =	sand.u32 $0x1, s1  }
0x8c: {  	s17 =	sshll.u32 s0, $0xA;
	s2 =	sadd.s32 s3, s2  }
0x8d: {  	s2 =	sadd.s32 s2, s17  }
0x8e: {  	[smem:$0x3FC1] =	sst s2  }
0x8f: {  	_ = 	snop  }
0x90: {  	s2 =	sld [smem:$0x3FD0];
	(tm) =	ssettm $0x1  }
0x91: {  	s18 =	sld [smem:$0x3FFB];
	_ =	sdelay $0x3  }
0x92: {  	_ =	strace s18  }
0x93: {  	s3 =	sld [smem:$0x3FFC];
	_ =	sdelay $0x3  }
0x94: {  	_ =	strace s3  }
0x95: {  	s3 =	sld [smem:$0x3FFD];
	_ =	sdelay $0x3  }
0x96: {  	_ =	strace s3  }
0x97: {  	_ =	strace $0x8FFFFFFF  }
0x98: {  	s19 =	sld [smem:$0x3FDB];
	_ =	sdelay $0x1  }
0x99: {  	s4 =	simm.s32 $_scs_section_size  }
0x9a: {  	s5 =	simm.s32 $_size__tile_overlayer_lowered;
	s6 =	simm.s32 $_tile_overlayer_lowered  }
0x9b: {  	s22 =	simm.s32 $0x1BFF;
	s21 =	sshll.u32 s6, $0x1;
	s3 =	sadd.s32 s4, s19  }
0x9c: {  	s7 =	simm.s32 $0x0;
	s20 =	sshll.u32 s5, $0x1;
	s5 =	sadd.s32 s21, s3  }
0x9d: {  	[timem:s7], [sflag:s22] =	dma.local [hbm:s5], s20  }
0x9e: {  	_ =	swait.ge [sflag:s22], s20  }
0x9f: {  	s4 =	ssub.s32 $0x0, s20;
	[sflag:s22] =	ssyncset.done $0x0  }
0xa0: {  	[sflag:s22] =	ssyncadd.s32 s4;
	_ =	sdelay $0x1  }
0xa1: {  	s23 =	simm.s32 $0x1B8B  }
0xa2: {  	_ =	swait.ge [sflag:s23], $0x1  }
0xa3: {  	[sflag:s23] =	ssyncset.done $0x0  }
0xa4: {  	s25 =	simm.s32 $0x1B8E;
	s24 =	sld [smem:$0x3FFE];
	[sflag:s23] =	ssyncadd.s32 $0xFFFFFFFF  }
0xa5: {  	s26 =	simm.s32 $execute0_lowered;
	[smem:$0x3FD2] =	sst s25  }
0xa6: {  	s5 =	sshll.u32 s26, $0x1;
	_ =	strace $0x8000004C;
	[dreg:$0x1] =	wrdreg $0xFFFFFFFF  }
0xa7: {  	s28 =	simm.s32 $_size_execute0_lowered;
	s3 =	sadd.s32 s3, s5;
	[dreg:$0x0] =	wrdreg $0x0  }
0xa8: {  	s5 =	sshll.u32 s28, $0x1;
	[dreg:$0x2] =	wrdreg s3  }
0xa9: {  	[dreg:$0x3] =	wrdreg s5  }
0xaa: {  	[dreg:$0x4] =	wrdreg $0xC0  }
0xab: {  	_ =	task [dreg:s7], $0x5FFFF  }
0xac: {  	[dreg:$0x1] =	wrdreg $0xFFFFFFFF  }
0xad: {  	[dreg:$0x0] =	wrdreg $0x60  }
0xae: {  	[dreg:$0x2] =	wrdreg s2  }
0xaf: {  	[dreg:$0x3] =	wrdreg s24  }
0xb0: {  	[dreg:$0x4] =	wrdreg $0x90000  }
0xb1: {  	[dreg:$0x5] =	wrdreg $0x9  }
0xb2: {  	_ =	task.clear_ibuf [dreg:s7], $0x6FFFF;
	_ =	strace $0x9000004C  }
0xb3: {  	s29 =	simm.s32 $0x9;
	_ =	strace $0x8000004E  }
0xb4: {  	_ =	swait.ge [sflag:s29], $0x1  }
0xb5: {  	[sflag:s29] =	ssyncadd.s32 $0xFFFFFFFF  }
0xb6: {  	_ =	strace $0x9000004E  }
0xb7: {  	_ =	sfence  }
0xb8: {  	s30 =	sld [smem:$0x0];
	_ =	sdelay $0x2  }
0xb9: {  	s31 =	sshll.u32 s1, $0xD;
	s1 =	sshrl.u32 s1, $0x2  }
0xba: {  	s3 =	sand.u32 $0x4000, s31;
	s1 =	sadd.s32 s1, s30  }
0xbb: {  	s0 =	sor.u32 s3, s0;
	s1 =	sshll.u32 s1, $0x11  }
0xbc: {  	s0 =	sor.u32 s1, s0  }
0xbd: {  	s0 =	sadd.s32 $0x8F2B, s0  }
0xbe: {  	[sflag:s0] =	ssyncadd.remote.s32 $0x1  }
0xbf: {  	_ =	sfence.sel $0xFFFF  }
0xc0: {  	[dreg:$0x0] =	wrdreg $0xFFFFFFFF;
	(pc) =	sbr.abs _section_cstart, $3  }
0xc1: {  	[dreg:$0x1] =	wrdreg $0xFFFFFFFF  }
0xc2: {  	_ =	task.clear_ibuf [dreg:s7], $0x2FFFF;
	_ =	strace $0x9FFFFFFF  }
0xc3: {  	(tm) =	ssettm $0x7FFFFFFF  }
tec
execute0_lowered:
.L_overlay_start_1:
0x0: {  	(tag) =	ssettag $0x1  }
0x1: {  	s1 =	rddreg [dreg:$0x0]  }
0x2: {  	s2 =	srdreg.scid;
	s7 =	rddreg [dreg:$0x1]  }
0x3: {  	s0 =	stileid.u32;
	s3 =	rddreg [dreg:$0x2];
	s4 =	simm.s32 $0x0  }
0x4: {  	s14 =	simm.s32 $0x80;
	s15 =	simm.s32 $0x5000;
	s16 =	simm.s32 $0x1  }
0x5: {  	s17 =	simm.s32 $0x0;
	s6 =	sand.u32 $0x1, s2;
	s9 =	smul.u32 $0x14000, s0  }
0x6: {  	s26 =	sshll.u32 s0, $0x1;
	[smem:$0x7FF] =	sst s4;
	s28 =	smul.u32 $0x50000, s0  }
0x7: {  	s31 =	sshll.u32 s0, $0x6;
	s2 =	sor.u32 s6, s26;
	s8 =	smul.u32 $0x140000, s6  }
0x8: {  	s6 =	ssub.s32 $0x2, s6;
	s5 =	smul.u32 $0x500, s2;
	s2 =	rddreg [dreg:$0x3]  }
0x9: {  	_ =	strace $0x8000004D;
	s29 =	sshrl.u32 s6, $0x1;
	s30 =	sshrl.u32 s28, $0x2  }
0xa: {  	s8 =	sadd.s32 s9, s8;
	s12 =	ssub.s32 s6, s29;
	s13 =	sadd.s32 s30, s3  }
0xb: {  	s6 =	sor.u32 $0x1C02, s31;
	s10 =	sadd.s32 s5, s7;
	s8 =	sshrl.u32 s8, $0x3  }
0xc: {  	s5 =	sadd.s32 $0x1B800, s7;
	s11 =	sadd.s32 s8, s7;
	s7 =	sadd.s32 $0x11800, s10  }
0xd: {  	s8 =	sadd.s32 $0x7800, s10;
	s10 =	smax.u32 s12, $0x1;
	s12 =	simm.s32 $0x2  }
0xe: {  	s9 =	sadd.s32 $0x1E000, s11;
	s11 =	sshrl.u32 s13, $0x3;
	s13 =	simm.s32 $0x2800  }
.LBB2_1:
0xf: {  	[spmem:s11], [sflag:s6] =	dma.local [hbm:s5], $0x2800  }
0x10: {  	_ =	swait.ge [sflag:s12], $0x2800  }
0x11: {  	[sflag:s12] =	ssyncset.done $0x0  }
0x12: {  	[sflag:s12] =	ssyncadd.s32 $0xFFFFD800  }
0x13: {  	[bflag:$0x0] =	sbarrier.arrive $0xFFFF  }
0x14: {  	[tilespmem:s4], [sflag:$0x2] =	stream.linear.gather [hbm4b:s7+s4], $0x2800, $0x38;
	[tilespmem:$0x1D000] =	vst v63  }
0x15: {  	_ =	swait.ge [sflag:s12], $0x2800  }
0x16: {  	[sflag:s12] =	ssyncset.done $0x0  }
0x17: {  	[sflag:s12] =	ssyncadd.s32 $0xFFFFD800  }
0x18: {  	[tilespmem:s13], [sflag:$0x2] =	stream.linear.gather [hbm4b:s8+s4], $0x2800, $0x38;
	[tilespmem:$0x1D000] =	vst v63  }
0x19: {  	_ =	swait.ge [sflag:s12], $0x2800  }
0x1a: {  	[sflag:s12] =	ssyncset.done $0x0  }
0x1b: {  	s18 =	simm.s32 $0x0;
	[sflag:s12] =	ssyncadd.s32 $0xFFFFD800  }
0x1c: {  	[tilespmem:s15], [sflag:$0x1] =	stream.indirect.gather [hbm4b:s1+s14], $0x80, s18, s14, $0xb8;
	[tilespmem:$0x1D000] =	vst v63  }
0x1d: {  	_ =	swait.ge [sflag:s16], $0x4000  }
0x1e: {  	[sflag:s16] =	ssyncset.done $0x0  }
0x1f: {  	s31 =	simm.s32 $0x2800;
	[sflag:s16] =	ssyncadd.s32 $0xFFFFC000  }
0x20: {  	[spmem:s3] =	stream.indirect.scatter.add.f32 [tilespmem:s15], [sflag:$0x2], $0x80, s31, s14, $0xb8;
	[tilespmem:$0x1D000] =	vst v63  }
0x21: {  	_ =	swait.ge [sflag:s12], $0x4000  }
0x22: {  	s19 =	simm.s32 $0x400;
	s18 =	simm.s32 $0x200;
	[sflag:s12] =	ssyncset.done $0x0  }
.LBB2_2:
0x23: {  	s20 =	sshra.s32 s18, $0x2  }
0x24: {  	[sflag:s12] =	ssyncadd.s32 $0xFFFFC000;
	s18 =	smov.u32 s19;
	s21 =	sadd.s32 $0x200, s19  }
0x25: {  	[tilespmem:s15], [sflag:$0x1] =	stream.indirect.gather [hbm4b:s1+s14], $0x80, s20, s14, $0xb8;
	[tilespmem:$0x1D000] =	vst v63  }
0x26: {  	p0 =	sne.s32 s19, $0x9E00;
	_ =	swait.ge [sflag:s16], $0x4000  }
.Ltmp0:
0x27: {  	[sflag:s16] =	ssyncset.done $0x0;
	(pc) =	sbr.rel @p0 .LBB2_2-.Ltmp0, $4  }
0x28: {  	s19 =	sadd.s32 $0x2800, s20;
	[sflag:s16] =	ssyncadd.s32 $0xFFFFC000  }
0x29: {  	[spmem:s3] =	stream.indirect.scatter.add.f32 [tilespmem:s15], [sflag:$0x2], $0x80, s19, s14, $0xb8;
	[tilespmem:$0x1D000] =	vst v63  }
0x2a: {  	_ =	swait.ge [sflag:s12], $0x4000  }
0x2b: {  	s19 =	smov.u32 s21;
	[sflag:s12] =	ssyncset.done $0x0  }
0x2c: {  	s18 =	sshra.s32 s18, $0x2;
	[sflag:s12] =	ssyncadd.s32 $0xFFFFC000  }
0x2d: {  	[tilespmem:s15], [sflag:$0x1] =	stream.indirect.gather [hbm4b:s1+s14], $0x80, s18, s14, $0xb8;
	[tilespmem:$0x1D000] =	vst v63  }
0x2e: {  	_ =	swait.ge [sflag:s16], $0x4000  }
0x2f: {  	[sflag:s16] =	ssyncset.done $0x0  }
0x30: {  	s18 =	sadd.s32 $0x2800, s18;
	[sflag:s16] =	ssyncadd.s32 $0xFFFFC000  }
0x31: {  	[spmem:s3] =	stream.indirect.scatter.add.f32 [tilespmem:s15], [sflag:$0x2], $0x80, s18, s14, $0xb8;
	[tilespmem:$0x1D000] =	vst v63  }
0x32: {  	_ =	swait.ge [sflag:s12], $0x4000  }
0x33: {  	s17 =	sadd.s32 $0x1, s17;
	[sflag:s12] =	ssyncset.done $0x0  }
0x34: {  	p0 =	sne.s32 s17, s10;
	[sflag:s12] =	ssyncadd.s32 $0xFFFFC000  }
.Ltmp1:
0x35: {  	[bflag:$0x0] =	sbarrier.arrive $0xFFFF;
	(pc) =	sbr.rel @p0 .LBB2_1-.Ltmp1, $4  }
0x36: {  	[hbm:s9], [sflag:s6] =	dma.local [spmem:s11], $0x2800  }
0x37: {  	_ =	swait.ge [sflag:s12], $0x2800  }
0x38: {  	[sflag:s12] =	ssyncset.done $0x0  }
0x39: {  	[sflag:s12] =	ssyncadd.s32 $0xFFFFD800  }
0x3a: {  	_ =	sfence.sel $0x180000  }
0x3b: {  	[bflag:$0x0] =	sbarrier.arrive $0xFFFF  }
0x3c: {  	p0 =	sne.s32 s0, $0x0;
	_ =	strace $0x9000004D  }
0x3d: {  	s0 =	sadd.s32 @!p0 $0x100000, s2;
	[bflag:$0x2] =	sbarrier.arrive $0xFFFF  }
0x3e: {  	[sflag:s0] =	ssyncadd.tile.s32 @!p0 $0x1;
	_ =	shalt  }
.Lfunc_end2:
_tile_overlayer_lowered:
.L_overlay_start_2:
0x3f: {  	(tag) =	ssettag $0x2  }
0x40: {  	s0 =	rddreg [dreg:$0x0];
	s2 =	stileid.u32  }
0x41: {  	s1 =	rddreg [dreg:$0x1];
	p0 =	sne.s32 s2, $0x0  }
0x42: {  	s3 =	rddreg [dreg:$0x2];
	[bflag:$0x3] =	sbarrier.arrive $0xFFFF;
	s2 =	simm.s32 @!p0 $0x1C02  }
0x43: {  	[timem:s3], [sflag:s2] =	dma.local @!p0 [hbm:s0], s1  }
0x44: {  	s0 =	simm.s32 @!p0 $0x2  }
0x45: {  	_ =	swait.ge @!p0 [sflag:s0], s1  }
0x46: {  	s1 =	ssub.s32 @!p0 $0x0, s1;
	[sflag:s0] =	ssyncset.done @!p0 $0x0  }
0x47: {  	[sflag:s0] =	ssyncadd.s32 @!p0 s1  }
0x48: {  	[bflag:$0x3] =	sbarrier.arrive $0xFFFF  }
0x49: {  	_ =	shalt  }

// kernel: kernel.32.cloned.1.call-start
scs
__scs_entry_jumppad:
0x0: {  	(pc) =	sbr.rel $0x88, $3  }
0x1: {  	(tag) =	ssettag $0x0;
	lr =	simm.s32 $0x1  }
0x2: {  	[smem:$0x3F9A] =	sst lr;
	_ =	strace $0xD0000000  }
0x3: {  	_ = 	snop  }
0x4: {  	_ = 	snop  }
0x5: {  	_ = 	snop  }
0x6: {  	_ = 	snop  }
0x7: {  	_ = 	snop  }
__scs_overlays_trampoline_lowered:
0x8: {  	[smem:$0x3FA9] =	sst s0  }
0x9: {  	[smem:$0x3FAA] =	sst s1  }
0xa: {  	[smem:$0x3FAB] =	sst s2  }
0xb: {  	[smem:$0x3FAC] =	sst s3  }
0xc: {  	[smem:$0x3FAD] =	sst s4  }
0xd: {  	[smem:$0x3FAE] =	sst s5  }
0xe: {  	[smem:$0x3FAF] =	sst s6  }
0xf: {  	[smem:$0x3FB0] =	sst s7  }
0x10: {  	[smem:$0x3FB1] =	sst s8  }
0x11: {  	[smem:$0x3FB2] =	sst s9;
	s0 =	simm.s32 @!p0 $0x0  }
0x12: {  	s1 =	sld [smem:$0x3F98];
	s0 =	simm.s32 @p0 $0x1  }
0x13: {  	[smem:$0x3FB3] =	sst s0;
	s0 =	simm.s32 @!p1 $0x0  }
0x14: {  	s2 =	sld [smem:$0x3F97];
	s0 =	simm.s32 @p1 $0x1  }
0x15: {  	[smem:$0x3FB4] =	sst s0;
	s0 =	simm.s32 @!p2 $0x0  }
0x16: {  	s3 =	sld [smem:$0x3FDB];
	s0 =	simm.s32 @p2 $0x1  }
0x17: {  	s4 =	simm.s32 $0x1BF5;
	[smem:$0x3FB6] =	sst s0  }
0x18: {  	s0 =	sld [smem:$0x3F99];
	_ =	swait.ge [sflag:s4], $0x0  }
0x19: {  	s7 =	sld [smem:$0x3F9A]  }
0x1a: {  	s8 =	sadd.s32 $0xFFFFE003, lr  }
0x1b: {  	s9 =	sadd.s32 $0xFFFFFEF7, lr;
	s5 =	simm.s32 $0xFFFFFFFF;
	p2 =	slt.u32 s8, $0xFFFFF086  }
0x1c: {  	p1 =	slt.u32 s9, $0xF7A;
	s5 =	simm.s32 @!p2 $0x0  }
0x1d: {  	s5 =	simm.s32 @p1 $0x1;
	p0 =	seq.s32 s7, s2  }
0x1e: {  	s7 =	smul.u32 @!p0 $0xF7A, s2;
	p2 =	seq.s32 @!p0 s5, $0x0  }
0x1f: {  	s9 =	smul.u32 $0xF7A, s1;
	s8 =	simm.s32 @!p0 $0x1BF5;
	p2 =	por !p2, p0  }
0x20: {  	[sflag:s8] =	ssyncset.s32 @!p0 $0xFFFFF086;
	s6 =	sadd.s32 @!p0 s3, s7;
	s7 =	simm.s32 @!p0 $0x108  }
0x21: {  	s3 =	sadd.s32 s3, s9;
	s6 =	sadd.s32 @!p0 $0x88, s6;
	s7 =	simm.s32 @p2 $0x1082  }
0x22: {  	[simem:s7], [sflag:s8] =	dma.local @!p0 [hbm:s6], $0xF7A  }
0x23: {  	s9 =	sor.u32 $0xD0000000, s2;
	s6 =	simm.s32 $0x108;
	_ =	swait.ge @!p0 [sflag:s8], $0x0  }
0x24: {  	s3 =	sadd.s32 $0x88, s3;
	s6 =	simm.s32 @!p1 $0x1082;
	[sflag:s4] =	ssyncset.s32 $0xFFFFF086  }
0x25: {  	[simem:s6], [sflag:s4] =	dma.local [hbm:s3], $0xF7A  }
0x26: {  	[smem:$0x3F9A] =	sst s1;
	(tag) =	ssettag s2;
	_ =	strace s9  }
0x27: {  	s1 =	sld [smem:$0x3FAA]  }
0x28: {  	s2 =	sld [smem:$0x3FAB]  }
0x29: {  	s4 =	sld [smem:$0x3FAD]  }
0x2a: {  	p0 =	seq.s32 s5, $0x0;
	s5 =	sld [smem:$0x3FAE]  }
0x2b: {  	s6 =	sld [smem:$0x3FAF]  }
0x2c: {  	s7 =	sld [smem:$0x3FB0]  }
0x2d: {  	s3 =	simm.s32 $0x108;
	s8 =	sld [smem:$0x3FB1]  }
0x2e: {  	s3 =	simm.s32 @!p0 $0x1082;
	s9 =	sld [smem:$0x3FB2]  }
0x2f: {  	lr =	sadd.s32 s0, s3;
	s0 =	sld [smem:$0x3FA9]  }
0x30: {  	s3 =	sld [smem:$0x3FAC]  }
0x31: {  	[smem:$0x3FB5] =	sst s10  }
0x32: {  	s10 =	sld [smem:$0x3FB3];
	_ =	sdelay $0x3  }
0x33: {  	p0 =	seq.s32 s10, $0x1;
	s10 =	sld [smem:$0x3FB5];
	_ =	sdelay $0x3  }
0x34: {  	[smem:$0x3FB5] =	sst s10  }
0x35: {  	s10 =	sld [smem:$0x3FB4];
	_ =	sdelay $0x3  }
0x36: {  	p1 =	seq.s32 s10, $0x1;
	s10 =	sld [smem:$0x3FB5];
	_ =	sdelay $0x3  }
0x37: {  	[smem:$0x3FB5] =	sst s10  }
0x38: {  	s10 =	sld [smem:$0x3FB6]  }
0x39: {  	_ = 	snop;
	(pc) =	sbr.ind lr, $3  }
0x3a: {  	_ = 	snop  }
0x3b: {  	_ = 	snop  }
0x3c: {  	p2 =	seq.s32 s10, $0x1;
	s10 =	sld [smem:$0x3FB5]  }
0x3d: {  	_ =	shalt  }
0x3e: {  	_ =	shalt  }
0x3f: {  	_ =	shalt  }
0x40: {  	_ =	shalt  }
0x41: {  	_ =	shalt  }
0x42: {  	_ =	shalt  }
0x43: {  	_ =	shalt  }
0x44: {  	_ =	shalt  }
0x45: {  	_ =	shalt  }
0x46: {  	_ =	shalt  }
0x47: {  	_ =	shalt  }
0x48: {  	_ =	shalt  }
0x49: {  	_ =	shalt  }
0x4a: {  	_ =	shalt  }
0x4b: {  	_ =	shalt  }
0x4c: {  	_ =	shalt  }
0x4d: {  	_ =	shalt  }
0x4e: {  	_ =	shalt  }
0x4f: {  	_ =	shalt  }
0x50: {  	_ =	shalt  }
0x51: {  	_ =	shalt  }
0x52: {  	_ =	shalt  }
0x53: {  	_ =	shalt  }
0x54: {  	_ =	shalt  }
0x55: {  	_ =	shalt  }
0x56: {  	_ =	shalt  }
0x57: {  	_ =	shalt  }
0x58: {  	_ =	shalt  }
0x59: {  	_ =	shalt  }
0x5a: {  	_ =	shalt  }
0x5b: {  	_ =	shalt  }
0x5c: {  	_ =	shalt  }
0x5d: {  	_ =	shalt  }
0x5e: {  	_ =	shalt  }
0x5f: {  	_ =	shalt  }
0x60: {  	_ =	shalt  }
0x61: {  	_ =	shalt  }
0x62: {  	_ =	shalt  }
0x63: {  	_ =	shalt  }
0x64: {  	_ =	shalt  }
0x65: {  	_ =	shalt  }
0x66: {  	_ =	shalt  }
0x67: {  	_ =	shalt  }
0x68: {  	_ =	shalt  }
0x69: {  	_ =	shalt  }
0x6a: {  	_ =	shalt  }
0x6b: {  	_ =	shalt  }
0x6c: {  	_ =	shalt  }
0x6d: {  	_ =	shalt  }
0x6e: {  	_ =	shalt  }
0x6f: {  	_ =	shalt  }
0x70: {  	_ =	shalt  }
0x71: {  	_ =	shalt  }
0x72: {  	_ =	shalt  }
0x73: {  	_ =	shalt  }
0x74: {  	_ =	shalt  }
0x75: {  	_ =	shalt  }
0x76: {  	_ =	shalt  }
0x77: {  	_ =	shalt  }
0x78: {  	_ =	shalt  }
0x79: {  	_ =	shalt  }
0x7a: {  	_ =	shalt  }
0x7b: {  	_ =	shalt  }
0x7c: {  	_ =	shalt  }
0x7d: {  	_ =	shalt  }
0x7e: {  	_ =	shalt  }
0x7f: {  	_ =	shalt  }
0x80: {  	_ =	shalt  }
0x81: {  	_ =	shalt  }
0x82: {  	_ =	shalt  }
0x83: {  	_ =	shalt  }
0x84: {  	_ =	shalt  }
0x85: {  	_ =	shalt  }
0x86: {  	_ =	shalt  }
0x87: {  	_ =	shalt  }
.Lfunc_end0:
.L_simem_size_0:
called_computation.3_lowered:
.L_overlay_start_0:
0x88: {  	s2 =	sld [smem:$0x3FD9]  }
0x89: {  	s3 =	sld [smem:$0x3FFE];
	_ =	sdelay $0x1  }
0x8a: {  	s1 =	srdreg.scid  }
0x8b: {  	s0 =	sand.u32 $0x1, s1  }
0x8c: {  	s17 =	sshll.u32 s0, $0xA;
	s2 =	sadd.s32 s3, s2  }
0x8d: {  	s2 =	sadd.s32 s2, s17  }
0x8e: {  	[smem:$0x3FC1] =	sst s2  }
0x8f: {  	_ = 	snop  }
0x90: {  	s2 =	sld [smem:$0x3FD0];
	(tm) =	ssettm $0x1  }
0x91: {  	s18 =	sld [smem:$0x3FFB];
	_ =	sdelay $0x3  }
0x92: {  	_ =	strace s18  }
0x93: {  	s3 =	sld [smem:$0x3FFC];
	_ =	sdelay $0x3  }
0x94: {  	_ =	strace s3  }
0x95: {  	s3 =	sld [smem:$0x3FFD];
	_ =	sdelay $0x3  }
0x96: {  	_ =	strace s3  }
0x97: {  	_ =	strace $0x8FFFFFFF  }
0x98: {  	s19 =	sld [smem:$0x3FDB];
	_ =	sdelay $0x1  }
0x99: {  	s4 =	simm.s32 $_scs_section_size  }
0x9a: {  	s5 =	simm.s32 $_size__tile_overlayer_lowered;
	s6 =	simm.s32 $_tile_overlayer_lowered  }
0x9b: {  	s22 =	simm.s32 $0x1BFF;
	s21 =	sshll.u32 s6, $0x1;
	s3 =	sadd.s32 s4, s19  }
0x9c: {  	s7 =	simm.s32 $0x0;
	s20 =	sshll.u32 s5, $0x1;
	s5 =	sadd.s32 s21, s3  }
0x9d: {  	[timem:s7], [sflag:s22] =	dma.local [hbm:s5], s20  }
0x9e: {  	_ =	swait.ge [sflag:s22], s20  }
0x9f: {  	s4 =	ssub.s32 $0x0, s20;
	[sflag:s22] =	ssyncset.done $0x0  }
0xa0: {  	[sflag:s22] =	ssyncadd.s32 s4;
	_ =	sdelay $0x1  }
0xa1: {  	s23 =	simm.s32 $0x1B8B  }
0xa2: {  	_ =	swait.ge [sflag:s23], $0x1  }
0xa3: {  	[sflag:s23] =	ssyncset.done $0x0  }
0xa4: {  	s25 =	simm.s32 $0x1B8E;
	s24 =	sld [smem:$0x3FFE];
	[sflag:s23] =	ssyncadd.s32 $0xFFFFFFFF  }
0xa5: {  	s26 =	simm.s32 $execute0_lowered;
	[smem:$0x3FD2] =	sst s25  }
0xa6: {  	s5 =	sshll.u32 s26, $0x1;
	_ =	strace $0x8000004F;
	[dreg:$0x1] =	wrdreg $0xFFFFFFFF  }
0xa7: {  	s28 =	simm.s32 $_size_execute0_lowered;
	s3 =	sadd.s32 s3, s5;
	[dreg:$0x0] =	wrdreg $0x0  }
0xa8: {  	s5 =	sshll.u32 s28, $0x1;
	[dreg:$0x2] =	wrdreg s3  }
0xa9: {  	[dreg:$0x3] =	wrdreg s5  }
0xaa: {  	[dreg:$0x4] =	wrdreg $0xC0  }
0xab: {  	_ =	task [dreg:s7], $0x5FFFF  }
0xac: {  	[dreg:$0x1] =	wrdreg $0xFFFFFFFF  }
0xad: {  	[dreg:$0x0] =	wrdreg $0x60  }
0xae: {  	[dreg:$0x2] =	wrdreg s2  }
0xaf: {  	[dreg:$0x3] =	wrdreg s24  }
0xb0: {  	[dreg:$0x4] =	wrdreg $0x90000  }
0xb1: {  	[dreg:$0x5] =	wrdreg $0x9  }
0xb2: {  	_ =	task.clear_ibuf [dreg:s7], $0x6FFFF;
	_ =	strace $0x9000004F  }
0xb3: {  	s29 =	simm.s32 $0x9;
	_ =	strace $0x80000051  }
0xb4: {  	_ =	swait.ge [sflag:s29], $0x1  }
0xb5: {  	[sflag:s29] =	ssyncadd.s32 $0xFFFFFFFF  }
0xb6: {  	_ =	strace $0x90000051  }
0xb7: {  	_ =	sfence  }
0xb8: {  	s30 =	sld [smem:$0x0];
	_ =	sdelay $0x2  }
0xb9: {  	s31 =	sshll.u32 s1, $0xD;
	s1 =	sshrl.u32 s1, $0x2  }
0xba: {  	s3 =	sand.u32 $0x4000, s31;
	s1 =	sadd.s32 s1, s30  }
0xbb: {  	s0 =	sor.u32 s3, s0;
	s1 =	sshll.u32 s1, $0x11  }
0xbc: {  	s0 =	sor.u32 s1, s0  }
0xbd: {  	s0 =	sadd.s32 $0x8F2B, s0  }
0xbe: {  	[sflag:s0] =	ssyncadd.remote.s32 $0x1  }
0xbf: {  	_ =	sfence.sel $0xFFFF  }
0xc0: {  	[dreg:$0x0] =	wrdreg $0xFFFFFFFF;
	(pc) =	sbr.abs _section_cstart, $3  }
0xc1: {  	[dreg:$0x1] =	wrdreg $0xFFFFFFFF  }
0xc2: {  	_ =	task.clear_ibuf [dreg:s7], $0x2FFFF;
	_ =	strace $0x9FFFFFFF  }
0xc3: {  	(tm) =	ssettm $0x7FFFFFFF  }
tec
execute0_lowered:
.L_overlay_start_1:
0x0: {  	(tag) =	ssettag $0x1  }
0x1: {  	s1 =	rddreg [dreg:$0x0]  }
0x2: {  	s2 =	srdreg.scid;
	s7 =	rddreg [dreg:$0x1]  }
0x3: {  	s0 =	stileid.u32;
	s3 =	rddreg [dreg:$0x2];
	s4 =	simm.s32 $0x0  }
0x4: {  	s14 =	simm.s32 $0x80;
	s15 =	simm.s32 $0x5000;
	s16 =	simm.s32 $0x1  }
0x5: {  	s17 =	simm.s32 $0x0;
	s6 =	sand.u32 $0x1, s2;
	s9 =	smul.u32 $0x14000, s0  }
0x6: {  	s26 =	sshll.u32 s0, $0x1;
	[smem:$0x7FF] =	sst s4;
	s28 =	smul.u32 $0x50000, s0  }
0x7: {  	s31 =	sshll.u32 s0, $0x6;
	s2 =	sor.u32 s6, s26;
	s8 =	smul.u32 $0x140000, s6  }
0x8: {  	s6 =	ssub.s32 $0x2, s6;
	s5 =	smul.u32 $0x500, s2;
	s2 =	rddreg [dreg:$0x3]  }
0x9: {  	_ =	strace $0x80000050;
	s29 =	sshrl.u32 s6, $0x1;
	s30 =	sshrl.u32 s28, $0x2  }
0xa: {  	s8 =	sadd.s32 s9, s8;
	s12 =	ssub.s32 s6, s29;
	s13 =	sadd.s32 s30, s3  }
0xb: {  	s6 =	sor.u32 $0x1C02, s31;
	s10 =	sadd.s32 s5, s7;
	s8 =	sshrl.u32 s8, $0x3  }
0xc: {  	s5 =	sadd.s32 $0x1B800, s7;
	s11 =	sadd.s32 s8, s7;
	s7 =	sadd.s32 $0x11800, s10  }
0xd: {  	s8 =	sadd.s32 $0x7800, s10;
	s10 =	smax.u32 s12, $0x1;
	s12 =	simm.s32 $0x2  }
0xe: {  	s9 =	sadd.s32 $0x1E000, s11;
	s11 =	sshrl.u32 s13, $0x3;
	s13 =	simm.s32 $0x2800  }
.LBB2_1:
0xf: {  	[spmem:s11], [sflag:s6] =	dma.local [hbm:s5], $0x2800  }
0x10: {  	_ =	swait.ge [sflag:s12], $0x2800  }
0x11: {  	[sflag:s12] =	ssyncset.done $0x0  }
0x12: {  	[sflag:s12] =	ssyncadd.s32 $0xFFFFD800  }
0x13: {  	[bflag:$0x0] =	sbarrier.arrive $0xFFFF  }
0x14: {  	[tilespmem:s4], [sflag:$0x2] =	stream.linear.gather [hbm4b:s7+s4], $0x2800, $0x38;
	[tilespmem:$0x1D000] =	vst v63  }
0x15: {  	_ =	swait.ge [sflag:s12], $0x2800  }
0x16: {  	[sflag:s12] =	ssyncset.done $0x0  }
0x17: {  	[sflag:s12] =	ssyncadd.s32 $0xFFFFD800  }
0x18: {  	[tilespmem:s13], [sflag:$0x2] =	stream.linear.gather [hbm4b:s8+s4], $0x2800, $0x38;
	[tilespmem:$0x1D000] =	vst v63  }
0x19: {  	_ =	swait.ge [sflag:s12], $0x2800  }
0x1a: {  	[sflag:s12] =	ssyncset.done $0x0  }
0x1b: {  	s18 =	simm.s32 $0x0;
	[sflag:s12] =	ssyncadd.s32 $0xFFFFD800  }
0x1c: {  	[tilespmem:s15], [sflag:$0x1] =	stream.indirect.gather [hbm4b:s1+s14], $0x80, s18, s14, $0xb8;
	[tilespmem:$0x1D000] =	vst v63  }
0x1d: {  	_ =	swait.ge [sflag:s16], $0x4000  }
0x1e: {  	[sflag:s16] =	ssyncset.done $0x0  }
0x1f: {  	s31 =	simm.s32 $0x2800;
	[sflag:s16] =	ssyncadd.s32 $0xFFFFC000  }
0x20: {  	[spmem:s3] =	stream.indirect.scatter.add.f32 [tilespmem:s15], [sflag:$0x2], $0x80, s31, s14, $0xb8;
	[tilespmem:$0x1D000] =	vst v63  }
0x21: {  	_ =	swait.ge [sflag:s12], $0x4000  }
0x22: {  	s19 =	simm.s32 $0x400;
	s18 =	simm.s32 $0x200;
	[sflag:s12] =	ssyncset.done $0x0  }
.LBB2_2:
0x23: {  	s20 =	sshra.s32 s18, $0x2  }
0x24: {  	[sflag:s12] =	ssyncadd.s32 $0xFFFFC000;
	s18 =	smov.u32 s19;
	s21 =	sadd.s32 $0x200, s19  }
0x25: {  	[tilespmem:s15], [sflag:$0x1] =	stream.indirect.gather [hbm4b:s1+s14], $0x80, s20, s14, $0xb8;
	[tilespmem:$0x1D000] =	vst v63  }
0x26: {  	p0 =	sne.s32 s19, $0x9E00;
	_ =	swait.ge [sflag:s16], $0x4000  }
.Ltmp0:
0x27: {  	[sflag:s16] =	ssyncset.done $0x0;
	(pc) =	sbr.rel @p0 .LBB2_2-.Ltmp0, $4  }
0x28: {  	s19 =	sadd.s32 $0x2800, s20;
	[sflag:s16] =	ssyncadd.s32 $0xFFFFC000  }
0x29: {  	[spmem:s3] =	stream.indirect.scatter.add.f32 [tilespmem:s15], [sflag:$0x2], $0x80, s19, s14, $0xb8;
	[tilespmem:$0x1D000] =	vst v63  }
0x2a: {  	_ =	swait.ge [sflag:s12], $0x4000  }
0x2b: {  	s19 =	smov.u32 s21;
	[sflag:s12] =	ssyncset.done $0x0  }
0x2c: {  	s18 =	sshra.s32 s18, $0x2;
	[sflag:s12] =	ssyncadd.s32 $0xFFFFC000  }
0x2d: {  	[tilespmem:s15], [sflag:$0x1] =	stream.indirect.gather [hbm4b:s1+s14], $0x80, s18, s14, $0xb8;
	[tilespmem:$0x1D000] =	vst v63  }
0x2e: {  	_ =	swait.ge [sflag:s16], $0x4000  }
0x2f: {  	[sflag:s16] =	ssyncset.done $0x0  }
0x30: {  	s18 =	sadd.s32 $0x2800, s18;
	[sflag:s16] =	ssyncadd.s32 $0xFFFFC000  }
0x31: {  	[spmem:s3] =	stream.indirect.scatter.add.f32 [tilespmem:s15], [sflag:$0x2], $0x80, s18, s14, $0xb8;
	[tilespmem:$0x1D000] =	vst v63  }
0x32: {  	_ =	swait.ge [sflag:s12], $0x4000  }
0x33: {  	s17 =	sadd.s32 $0x1, s17;
	[sflag:s12] =	ssyncset.done $0x0  }
0x34: {  	p0 =	sne.s32 s17, s10;
	[sflag:s12] =	ssyncadd.s32 $0xFFFFC000  }
.Ltmp1:
0x35: {  	[bflag:$0x0] =	sbarrier.arrive $0xFFFF;
	(pc) =	sbr.rel @p0 .LBB2_1-.Ltmp1, $4  }
0x36: {  	[hbm:s9], [sflag:s6] =	dma.local [spmem:s11], $0x2800  }
0x37: {  	_ =	swait.ge [sflag:s12], $0x2800  }
0x38: {  	[sflag:s12] =	ssyncset.done $0x0  }
0x39: {  	[sflag:s12] =	ssyncadd.s32 $0xFFFFD800  }
0x3a: {  	_ =	sfence.sel $0x180000  }
0x3b: {  	[bflag:$0x0] =	sbarrier.arrive $0xFFFF  }
0x3c: {  	p0 =	sne.s32 s0, $0x0;
	_ =	strace $0x90000050  }
0x3d: {  	s0 =	sadd.s32 @!p0 $0x100000, s2;
	[bflag:$0x2] =	sbarrier.arrive $0xFFFF  }
0x3e: {  	[sflag:s0] =	ssyncadd.tile.s32 @!p0 $0x1;
	_ =	shalt  }
.Lfunc_end2:
_tile_overlayer_lowered:
.L_overlay_start_2:
0x3f: {  	(tag) =	ssettag $0x2  }
0x40: {  	s0 =	rddreg [dreg:$0x0];
	s2 =	stileid.u32  }
0x41: {  	s1 =	rddreg [dreg:$0x1];
	p0 =	sne.s32 s2, $0x0  }
0x42: {  	s3 =	rddreg [dreg:$0x2];
	[bflag:$0x3] =	sbarrier.arrive $0xFFFF;
	s2 =	simm.s32 @!p0 $0x1C02  }
0x43: {  	[timem:s3], [sflag:s2] =	dma.local @!p0 [hbm:s0], s1  }
0x44: {  	s0 =	simm.s32 @!p0 $0x2  }
0x45: {  	_ =	swait.ge @!p0 [sflag:s0], s1  }
0x46: {  	s1 =	ssub.s32 @!p0 $0x0, s1;
	[sflag:s0] =	ssyncset.done @!p0 $0x0  }
0x47: {  	[sflag:s0] =	ssyncadd.s32 @!p0 s1  }
0x48: {  	[bflag:$0x3] =	sbarrier.arrive $0xFFFF  }
0x49: {  	_ =	shalt  }

// kernel: kernel.35.cloned.1.call-start
scs
__scs_entry_jumppad:
0x0: {  	(pc) =	sbr.rel $0x88, $3  }
0x1: {  	(tag) =	ssettag $0x0;
	lr =	simm.s32 $0x1  }
0x2: {  	[smem:$0x3F9A] =	sst lr;
	_ =	strace $0xD0000000  }
0x3: {  	_ = 	snop  }
0x4: {  	_ = 	snop  }
0x5: {  	_ = 	snop  }
0x6: {  	_ = 	snop  }
0x7: {  	_ = 	snop  }
__scs_overlays_trampoline_lowered:
0x8: {  	[smem:$0x3FA9] =	sst s0  }
0x9: {  	[smem:$0x3FAA] =	sst s1  }
0xa: {  	[smem:$0x3FAB] =	sst s2  }
0xb: {  	[smem:$0x3FAC] =	sst s3  }
0xc: {  	[smem:$0x3FAD] =	sst s4  }
0xd: {  	[smem:$0x3FAE] =	sst s5  }
0xe: {  	[smem:$0x3FAF] =	sst s6  }
0xf: {  	[smem:$0x3FB0] =	sst s7  }
0x10: {  	[smem:$0x3FB1] =	sst s8  }
0x11: {  	[smem:$0x3FB2] =	sst s9;
	s0 =	simm.s32 @!p0 $0x0  }
0x12: {  	s1 =	sld [smem:$0x3F98];
	s0 =	simm.s32 @p0 $0x1  }
0x13: {  	[smem:$0x3FB3] =	sst s0;
	s0 =	simm.s32 @!p1 $0x0  }
0x14: {  	s2 =	sld [smem:$0x3F97];
	s0 =	simm.s32 @p1 $0x1  }
0x15: {  	[smem:$0x3FB4] =	sst s0;
	s0 =	simm.s32 @!p2 $0x0  }
0x16: {  	s3 =	sld [smem:$0x3FDB];
	s0 =	simm.s32 @p2 $0x1  }
0x17: {  	s4 =	simm.s32 $0x1BF5;
	[smem:$0x3FB6] =	sst s0  }
0x18: {  	s0 =	sld [smem:$0x3F99];
	_ =	swait.ge [sflag:s4], $0x0  }
0x19: {  	s7 =	sld [smem:$0x3F9A]  }
0x1a: {  	s8 =	sadd.s32 $0xFFFFE003, lr  }
0x1b: {  	s9 =	sadd.s32 $0xFFFFFEF7, lr;
	s5 =	simm.s32 $0xFFFFFFFF;
	p2 =	slt.u32 s8, $0xFFFFF086  }
0x1c: {  	p1 =	slt.u32 s9, $0xF7A;
	s5 =	simm.s32 @!p2 $0x0  }
0x1d: {  	s5 =	simm.s32 @p1 $0x1;
	p0 =	seq.s32 s7, s2  }
0x1e: {  	s7 =	smul.u32 @!p0 $0xF7A, s2;
	p2 =	seq.s32 @!p0 s5, $0x0  }
0x1f: {  	s9 =	smul.u32 $0xF7A, s1;
	s8 =	simm.s32 @!p0 $0x1BF5;
	p2 =	por !p2, p0  }
0x20: {  	[sflag:s8] =	ssyncset.s32 @!p0 $0xFFFFF086;
	s6 =	sadd.s32 @!p0 s3, s7;
	s7 =	simm.s32 @!p0 $0x108  }
0x21: {  	s3 =	sadd.s32 s3, s9;
	s6 =	sadd.s32 @!p0 $0x88, s6;
	s7 =	simm.s32 @p2 $0x1082  }
0x22: {  	[simem:s7], [sflag:s8] =	dma.local @!p0 [hbm:s6], $0xF7A  }
0x23: {  	s9 =	sor.u32 $0xD0000000, s2;
	s6 =	simm.s32 $0x108;
	_ =	swait.ge @!p0 [sflag:s8], $0x0  }
0x24: {  	s3 =	sadd.s32 $0x88, s3;
	s6 =	simm.s32 @!p1 $0x1082;
	[sflag:s4] =	ssyncset.s32 $0xFFFFF086  }
0x25: {  	[simem:s6], [sflag:s4] =	dma.local [hbm:s3], $0xF7A  }
0x26: {  	[smem:$0x3F9A] =	sst s1;
	(tag) =	ssettag s2;
	_ =	strace s9  }
0x27: {  	s1 =	sld [smem:$0x3FAA]  }
0x28: {  	s2 =	sld [smem:$0x3FAB]  }
0x29: {  	s4 =	sld [smem:$0x3FAD]  }
0x2a: {  	p0 =	seq.s32 s5, $0x0;
	s5 =	sld [smem:$0x3FAE]  }
0x2b: {  	s6 =	sld [smem:$0x3FAF]  }
0x2c: {  	s7 =	sld [smem:$0x3FB0]  }
0x2d: {  	s3 =	simm.s32 $0x108;
	s8 =	sld [smem:$0x3FB1]  }
0x2e: {  	s3 =	simm.s32 @!p0 $0x1082;
	s9 =	sld [smem:$0x3FB2]  }
0x2f: {  	lr =	sadd.s32 s0, s3;
	s0 =	sld [smem:$0x3FA9]  }
0x30: {  	s3 =	sld [smem:$0x3FAC]  }
0x31: {  	[smem:$0x3FB5] =	sst s10  }
0x32: {  	s10 =	sld [smem:$0x3FB3];
	_ =	sdelay $0x3  }
0x33: {  	p0 =	seq.s32 s10, $0x1;
	s10 =	sld [smem:$0x3FB5];
	_ =	sdelay $0x3  }
0x34: {  	[smem:$0x3FB5] =	sst s10  }
0x35: {  	s10 =	sld [smem:$0x3FB4];
	_ =	sdelay $0x3  }
0x36: {  	p1 =	seq.s32 s10, $0x1;
	s10 =	sld [smem:$0x3FB5];
	_ =	sdelay $0x3  }
0x37: {  	[smem:$0x3FB5] =	sst s10  }
0x38: {  	s10 =	sld [smem:$0x3FB6]  }
0x39: {  	_ = 	snop;
	(pc) =	sbr.ind lr, $3  }
0x3a: {  	_ = 	snop  }
0x3b: {  	_ = 	snop  }
0x3c: {  	p2 =	seq.s32 s10, $0x1;
	s10 =	sld [smem:$0x3FB5]  }
0x3d: {  	_ =	shalt  }
0x3e: {  	_ =	shalt  }
0x3f: {  	_ =	shalt  }
0x40: {  	_ =	shalt  }
0x41: {  	_ =	shalt  }
0x42: {  	_ =	shalt  }
0x43: {  	_ =	shalt  }
0x44: {  	_ =	shalt  }
0x45: {  	_ =	shalt  }
0x46: {  	_ =	shalt  }
0x47: {  	_ =	shalt  }
0x48: {  	_ =	shalt  }
0x49: {  	_ =	shalt  }
0x4a: {  	_ =	shalt  }
0x4b: {  	_ =	shalt  }
0x4c: {  	_ =	shalt  }
0x4d: {  	_ =	shalt  }
0x4e: {  	_ =	shalt  }
0x4f: {  	_ =	shalt  }
0x50: {  	_ =	shalt  }
0x51: {  	_ =	shalt  }
0x52: {  	_ =	shalt  }
0x53: {  	_ =	shalt  }
0x54: {  	_ =	shalt  }
0x55: {  	_ =	shalt  }
0x56: {  	_ =	shalt  }
0x57: {  	_ =	shalt  }
0x58: {  	_ =	shalt  }
0x59: {  	_ =	shalt  }
0x5a: {  	_ =	shalt  }
0x5b: {  	_ =	shalt  }
0x5c: {  	_ =	shalt  }
0x5d: {  	_ =	shalt  }
0x5e: {  	_ =	shalt  }
0x5f: {  	_ =	shalt  }
0x60: {  	_ =	shalt  }
0x61: {  	_ =	shalt  }
0x62: {  	_ =	shalt  }
0x63: {  	_ =	shalt  }
0x64: {  	_ =	shalt  }
0x65: {  	_ =	shalt  }
0x66: {  	_ =	shalt  }
0x67: {  	_ =	shalt  }
0x68: {  	_ =	shalt  }
0x69: {  	_ =	shalt  }
0x6a: {  	_ =	shalt  }
0x6b: {  	_ =	shalt  }
0x6c: {  	_ =	shalt  }
0x6d: {  	_ =	shalt  }
0x6e: {  	_ =	shalt  }
0x6f: {  	_ =	shalt  }
0x70: {  	_ =	shalt  }
0x71: {  	_ =	shalt  }
0x72: {  	_ =	shalt  }
0x73: {  	_ =	shalt  }
0x74: {  	_ =	shalt  }
0x75: {  	_ =	shalt  }
0x76: {  	_ =	shalt  }
0x77: {  	_ =	shalt  }
0x78: {  	_ =	shalt  }
0x79: {  	_ =	shalt  }
0x7a: {  	_ =	shalt  }
0x7b: {  	_ =	shalt  }
0x7c: {  	_ =	shalt  }
0x7d: {  	_ =	shalt  }
0x7e: {  	_ =	shalt  }
0x7f: {  	_ =	shalt  }
0x80: {  	_ =	shalt  }
0x81: {  	_ =	shalt  }
0x82: {  	_ =	shalt  }
0x83: {  	_ =	shalt  }
0x84: {  	_ =	shalt  }
0x85: {  	_ =	shalt  }
0x86: {  	_ =	shalt  }
0x87: {  	_ =	shalt  }
.Lfunc_end0:
.L_simem_size_0:
called_computation.4_lowered:
.L_overlay_start_0:
0x88: {  	s2 =	sld [smem:$0x3FD9]  }
0x89: {  	s3 =	sld [smem:$0x3FFE];
	_ =	sdelay $0x1  }
0x8a: {  	s1 =	srdreg.scid  }
0x8b: {  	s0 =	sand.u32 $0x1, s1  }
0x8c: {  	s17 =	sshll.u32 s0, $0xA;
	s2 =	sadd.s32 s3, s2  }
0x8d: {  	s2 =	sadd.s32 s2, s17  }
0x8e: {  	[smem:$0x3FC1] =	sst s2  }
0x8f: {  	_ = 	snop  }
0x90: {  	s2 =	sld [smem:$0x3FD0];
	(tm) =	ssettm $0x1  }
0x91: {  	s18 =	sld [smem:$0x3FFB];
	_ =	sdelay $0x3  }
0x92: {  	_ =	strace s18  }
0x93: {  	s3 =	sld [smem:$0x3FFC];
	_ =	sdelay $0x3  }
0x94: {  	_ =	strace s3  }
0x95: {  	s3 =	sld [smem:$0x3FFD];
	_ =	sdelay $0x3  }
0x96: {  	_ =	strace s3  }
0x97: {  	_ =	strace $0x8FFFFFFF  }
0x98: {  	s19 =	sld [smem:$0x3FDB];
	_ =	sdelay $0x1  }
0x99: {  	s4 =	simm.s32 $_scs_section_size  }
0x9a: {  	s5 =	simm.s32 $_size__tile_overlayer_lowered;
	s6 =	simm.s32 $_tile_overlayer_lowered  }
0x9b: {  	s22 =	simm.s32 $0x1BFF;
	s21 =	sshll.u32 s6, $0x1;
	s3 =	sadd.s32 s4, s19  }
0x9c: {  	s7 =	simm.s32 $0x0;
	s20 =	sshll.u32 s5, $0x1;
	s5 =	sadd.s32 s21, s3  }
0x9d: {  	[timem:s7], [sflag:s22] =	dma.local [hbm:s5], s20  }
0x9e: {  	_ =	swait.ge [sflag:s22], s20  }
0x9f: {  	s4 =	ssub.s32 $0x0, s20;
	[sflag:s22] =	ssyncset.done $0x0  }
0xa0: {  	[sflag:s22] =	ssyncadd.s32 s4;
	_ =	sdelay $0x1  }
0xa1: {  	s23 =	simm.s32 $0x1B8B  }
0xa2: {  	_ =	swait.ge [sflag:s23], $0x1  }
0xa3: {  	[sflag:s23] =	ssyncset.done $0x0  }
0xa4: {  	s25 =	simm.s32 $0x1B8E;
	s24 =	sld [smem:$0x3FFE];
	[sflag:s23] =	ssyncadd.s32 $0xFFFFFFFF  }
0xa5: {  	s26 =	simm.s32 $execute0_lowered;
	[smem:$0x3FD2] =	sst s25  }
0xa6: {  	s5 =	sshll.u32 s26, $0x1;
	_ =	strace $0x80000052;
	[dreg:$0x1] =	wrdreg $0xFFFFFFFF  }
0xa7: {  	s28 =	simm.s32 $_size_execute0_lowered;
	s3 =	sadd.s32 s3, s5;
	[dreg:$0x0] =	wrdreg $0x0  }
0xa8: {  	s5 =	sshll.u32 s28, $0x1;
	[dreg:$0x2] =	wrdreg s3  }
0xa9: {  	[dreg:$0x3] =	wrdreg s5  }
0xaa: {  	[dreg:$0x4] =	wrdreg $0xC0  }
0xab: {  	_ =	task [dreg:s7], $0x5FFFF  }
0xac: {  	[dreg:$0x1] =	wrdreg $0xFFFFFFFF  }
0xad: {  	[dreg:$0x0] =	wrdreg $0x60  }
0xae: {  	[dreg:$0x2] =	wrdreg s2  }
0xaf: {  	[dreg:$0x3] =	wrdreg s24  }
0xb0: {  	[dreg:$0x4] =	wrdreg $0x90000  }
0xb1: {  	[dreg:$0x5] =	wrdreg $0x9  }
0xb2: {  	_ =	task.clear_ibuf [dreg:s7], $0x6FFFF;
	_ =	strace $0x90000052  }
0xb3: {  	s29 =	simm.s32 $0x9;
	_ =	strace $0x80000054  }
0xb4: {  	_ =	swait.ge [sflag:s29], $0x1  }
0xb5: {  	[sflag:s29] =	ssyncadd.s32 $0xFFFFFFFF  }
0xb6: {  	_ =	strace $0x90000054  }
0xb7: {  	_ =	sfence  }
0xb8: {  	s30 =	sld [smem:$0x0];
	_ =	sdelay $0x2  }
0xb9: {  	s31 =	sshll.u32 s1, $0xD;
	s1 =	sshrl.u32 s1, $0x2  }
0xba: {  	s3 =	sand.u32 $0x4000, s31;
	s1 =	sadd.s32 s1, s30  }
0xbb: {  	s0 =	sor.u32 s3, s0;
	s1 =	sshll.u32 s1, $0x11  }
0xbc: {  	s0 =	sor.u32 s1, s0  }
0xbd: {  	s0 =	sadd.s32 $0x8F2B, s0  }
0xbe: {  	[sflag:s0] =	ssyncadd.remote.s32 $0x1  }
0xbf: {  	_ =	sfence.sel $0xFFFF  }
0xc0: {  	[dreg:$0x0] =	wrdreg $0xFFFFFFFF;
	(pc) =	sbr.abs _section_cstart, $3  }
0xc1: {  	[dreg:$0x1] =	wrdreg $0xFFFFFFFF  }
0xc2: {  	_ =	task.clear_ibuf [dreg:s7], $0x2FFFF;
	_ =	strace $0x9FFFFFFF  }
0xc3: {  	(tm) =	ssettm $0x7FFFFFFF  }
tec
execute0_lowered:
.L_overlay_start_1:
0x0: {  	(tag) =	ssettag $0x1  }
0x1: {  	s1 =	rddreg [dreg:$0x0]  }
0x2: {  	s2 =	srdreg.scid;
	s7 =	rddreg [dreg:$0x1]  }
0x3: {  	s0 =	stileid.u32;
	s3 =	rddreg [dreg:$0x2];
	s4 =	simm.s32 $0x0  }
0x4: {  	s14 =	simm.s32 $0x80;
	s15 =	simm.s32 $0x5000;
	s16 =	simm.s32 $0x1  }
0x5: {  	s17 =	simm.s32 $0x0;
	s6 =	sand.u32 $0x1, s2;
	s9 =	smul.u32 $0x14000, s0  }
0x6: {  	s26 =	sshll.u32 s0, $0x1;
	[smem:$0x7FF] =	sst s4;
	s28 =	smul.u32 $0x50000, s0  }
0x7: {  	s31 =	sshll.u32 s0, $0x6;
	s2 =	sor.u32 s6, s26;
	s8 =	smul.u32 $0x140000, s6  }
0x8: {  	s6 =	ssub.s32 $0x2, s6;
	s5 =	smul.u32 $0x500, s2;
	s2 =	rddreg [dreg:$0x3]  }
0x9: {  	_ =	strace $0x80000053;
	s29 =	sshrl.u32 s6, $0x1;
	s30 =	sshrl.u32 s28, $0x2  }
0xa: {  	s8 =	sadd.s32 s9, s8;
	s12 =	ssub.s32 s6, s29;
	s13 =	sadd.s32 s30, s3  }
0xb: {  	s6 =	sor.u32 $0x1C02, s31;
	s10 =	sadd.s32 s5, s7;
	s8 =	sshrl.u32 s8, $0x3  }
0xc: {  	s5 =	sadd.s32 $0x1B800, s7;
	s11 =	sadd.s32 s8, s7;
	s7 =	sadd.s32 $0x11800, s10  }
0xd: {  	s8 =	sadd.s32 $0x7800, s10;
	s10 =	smax.u32 s12, $0x1;
	s12 =	simm.s32 $0x2  }
0xe: {  	s9 =	sadd.s32 $0x1E000, s11;
	s11 =	sshrl.u32 s13, $0x3;
	s13 =	simm.s32 $0x2800  }
.LBB2_1:
0xf: {  	[spmem:s11], [sflag:s6] =	dma.local [hbm:s5], $0x2800  }
0x10: {  	_ =	swait.ge [sflag:s12], $0x2800  }
0x11: {  	[sflag:s12] =	ssyncset.done $0x0  }
0x12: {  	[sflag:s12] =	ssyncadd.s32 $0xFFFFD800  }
0x13: {  	[bflag:$0x0] =	sbarrier.arrive $0xFFFF  }
0x14: {  	[tilespmem:s4], [sflag:$0x2] =	stream.linear.gather [hbm4b:s7+s4], $0x2800, $0x38;
	[tilespmem:$0x1D000] =	vst v63  }
0x15: {  	_ =	swait.ge [sflag:s12], $0x2800  }
0x16: {  	[sflag:s12] =	ssyncset.done $0x0  }
0x17: {  	[sflag:s12] =	ssyncadd.s32 $0xFFFFD800  }
0x18: {  	[tilespmem:s13], [sflag:$0x2] =	stream.linear.gather [hbm4b:s8+s4], $0x2800, $0x38;
	[tilespmem:$0x1D000] =	vst v63  }
0x19: {  	_ =	swait.ge [sflag:s12], $0x2800  }
0x1a: {  	[sflag:s12] =	ssyncset.done $0x0  }
0x1b: {  	s18 =	simm.s32 $0x0;
	[sflag:s12] =	ssyncadd.s32 $0xFFFFD800  }
0x1c: {  	[tilespmem:s15], [sflag:$0x1] =	stream.indirect.gather [hbm4b:s1+s14], $0x80, s18, s14, $0xb8;
	[tilespmem:$0x1D000] =	vst v63  }
0x1d: {  	_ =	swait.ge [sflag:s16], $0x4000  }
0x1e: {  	[sflag:s16] =	ssyncset.done $0x0  }
0x1f: {  	s31 =	simm.s32 $0x2800;
	[sflag:s16] =	ssyncadd.s32 $0xFFFFC000  }
0x20: {  	[spmem:s3] =	stream.indirect.scatter.add.f32 [tilespmem:s15], [sflag:$0x2], $0x80, s31, s14, $0xb8;
	[tilespmem:$0x1D000] =	vst v63  }
0x21: {  	_ =	swait.ge [sflag:s12], $0x4000  }
0x22: {  	s19 =	simm.s32 $0x400;
	s18 =	simm.s32 $0x200;
	[sflag:s12] =	ssyncset.done $0x0  }
.LBB2_2:
0x23: {  	s20 =	sshra.s32 s18, $0x2  }
0x24: {  	[sflag:s12] =	ssyncadd.s32 $0xFFFFC000;
	s18 =	smov.u32 s19;
	s21 =	sadd.s32 $0x200, s19  }
0x25: {  	[tilespmem:s15], [sflag:$0x1] =	stream.indirect.gather [hbm4b:s1+s14], $0x80, s20, s14, $0xb8;
	[tilespmem:$0x1D000] =	vst v63  }
0x26: {  	p0 =	sne.s32 s19, $0x9E00;
	_ =	swait.ge [sflag:s16], $0x4000  }
.Ltmp0:
0x27: {  	[sflag:s16] =	ssyncset.done $0x0;
	(pc) =	sbr.rel @p0 .LBB2_2-.Ltmp0, $4  }
0x28: {  	s19 =	sadd.s32 $0x2800, s20;
	[sflag:s16] =	ssyncadd.s32 $0xFFFFC000  }
0x29: {  	[spmem:s3] =	stream.indirect.scatter.add.f32 [tilespmem:s15], [sflag:$0x2], $0x80, s19, s14, $0xb8;
	[tilespmem:$0x1D000] =	vst v63  }
0x2a: {  	_ =	swait.ge [sflag:s12], $0x4000  }
0x2b: {  	s19 =	smov.u32 s21;
	[sflag:s12] =	ssyncset.done $0x0  }
0x2c: {  	s18 =	sshra.s32 s18, $0x2;
	[sflag:s12] =	ssyncadd.s32 $0xFFFFC000  }
0x2d: {  	[tilespmem:s15], [sflag:$0x1] =	stream.indirect.gather [hbm4b:s1+s14], $0x80, s18, s14, $0xb8;
	[tilespmem:$0x1D000] =	vst v63  }
0x2e: {  	_ =	swait.ge [sflag:s16], $0x4000  }
0x2f: {  	[sflag:s16] =	ssyncset.done $0x0  }
0x30: {  	s18 =	sadd.s32 $0x2800, s18;
	[sflag:s16] =	ssyncadd.s32 $0xFFFFC000  }
0x31: {  	[spmem:s3] =	stream.indirect.scatter.add.f32 [tilespmem:s15], [sflag:$0x2], $0x80, s18, s14, $0xb8;
	[tilespmem:$0x1D000] =	vst v63  }
0x32: {  	_ =	swait.ge [sflag:s12], $0x4000  }
0x33: {  	s17 =	sadd.s32 $0x1, s17;
	[sflag:s12] =	ssyncset.done $0x0  }
0x34: {  	p0 =	sne.s32 s17, s10;
	[sflag:s12] =	ssyncadd.s32 $0xFFFFC000  }
.Ltmp1:
0x35: {  	[bflag:$0x0] =	sbarrier.arrive $0xFFFF;
	(pc) =	sbr.rel @p0 .LBB2_1-.Ltmp1, $4  }
0x36: {  	[hbm:s9], [sflag:s6] =	dma.local [spmem:s11], $0x2800  }
0x37: {  	_ =	swait.ge [sflag:s12], $0x2800  }
0x38: {  	[sflag:s12] =	ssyncset.done $0x0  }
0x39: {  	[sflag:s12] =	ssyncadd.s32 $0xFFFFD800  }
0x3a: {  	_ =	sfence.sel $0x180000  }
0x3b: {  	[bflag:$0x0] =	sbarrier.arrive $0xFFFF  }
0x3c: {  	p0 =	sne.s32 s0, $0x0;
	_ =	strace $0x90000053  }
0x3d: {  	s0 =	sadd.s32 @!p0 $0x100000, s2;
	[bflag:$0x2] =	sbarrier.arrive $0xFFFF  }
0x3e: {  	[sflag:s0] =	ssyncadd.tile.s32 @!p0 $0x1;
	_ =	shalt  }
.Lfunc_end2:
_tile_overlayer_lowered:
.L_overlay_start_2:
0x3f: {  	(tag) =	ssettag $0x2  }
0x40: {  	s0 =	rddreg [dreg:$0x0];
	s2 =	stileid.u32  }
0x41: {  	s1 =	rddreg [dreg:$0x1];
	p0 =	sne.s32 s2, $0x0  }
0x42: {  	s3 =	rddreg [dreg:$0x2];
	[bflag:$0x3] =	sbarrier.arrive $0xFFFF;
	s2 =	simm.s32 @!p0 $0x1C02  }
0x43: {  	[timem:s3], [sflag:s2] =	dma.local @!p0 [hbm:s0], s1  }
0x44: {  	s0 =	simm.s32 @!p0 $0x2  }
0x45: {  	_ =	swait.ge @!p0 [sflag:s0], s1  }
0x46: {  	s1 =	ssub.s32 @!p0 $0x0, s1;
	[sflag:s0] =	ssyncset.done @!p0 $0x0  }
0x47: {  	[sflag:s0] =	ssyncadd.s32 @!p0 s1  }
0x48: {  	[bflag:$0x3] =	sbarrier.arrive $0xFFFF  }
0x49: {  	_ =	shalt  }

// kernel: kernel.38.cloned.1.call-start
scs
__scs_entry_jumppad:
0x0: {  	(pc) =	sbr.rel $0x88, $3  }
0x1: {  	(tag) =	ssettag $0x0;
	lr =	simm.s32 $0x1  }
0x2: {  	[smem:$0x3F9A] =	sst lr;
	_ =	strace $0xD0000000  }
0x3: {  	_ = 	snop  }
0x4: {  	_ = 	snop  }
0x5: {  	_ = 	snop  }
0x6: {  	_ = 	snop  }
0x7: {  	_ = 	snop  }
__scs_overlays_trampoline_lowered:
0x8: {  	[smem:$0x3FA9] =	sst s0  }
0x9: {  	[smem:$0x3FAA] =	sst s1  }
0xa: {  	[smem:$0x3FAB] =	sst s2  }
0xb: {  	[smem:$0x3FAC] =	sst s3  }
0xc: {  	[smem:$0x3FAD] =	sst s4  }
0xd: {  	[smem:$0x3FAE] =	sst s5  }
0xe: {  	[smem:$0x3FAF] =	sst s6  }
0xf: {  	[smem:$0x3FB0] =	sst s7  }
0x10: {  	[smem:$0x3FB1] =	sst s8  }
0x11: {  	[smem:$0x3FB2] =	sst s9;
	s0 =	simm.s32 @!p0 $0x0  }
0x12: {  	s1 =	sld [smem:$0x3F98];
	s0 =	simm.s32 @p0 $0x1  }
0x13: {  	[smem:$0x3FB3] =	sst s0;
	s0 =	simm.s32 @!p1 $0x0  }
0x14: {  	s2 =	sld [smem:$0x3F97];
	s0 =	simm.s32 @p1 $0x1  }
0x15: {  	[smem:$0x3FB4] =	sst s0;
	s0 =	simm.s32 @!p2 $0x0  }
0x16: {  	s3 =	sld [smem:$0x3FDB];
	s0 =	simm.s32 @p2 $0x1  }
0x17: {  	s4 =	simm.s32 $0x1BF5;
	[smem:$0x3FB6] =	sst s0  }
0x18: {  	s0 =	sld [smem:$0x3F99];
	_ =	swait.ge [sflag:s4], $0x0  }
0x19: {  	s7 =	sld [smem:$0x3F9A]  }
0x1a: {  	s8 =	sadd.s32 $0xFFFFE003, lr  }
0x1b: {  	s9 =	sadd.s32 $0xFFFFFEF7, lr;
	s5 =	simm.s32 $0xFFFFFFFF;
	p2 =	slt.u32 s8, $0xFFFFF086  }
0x1c: {  	p1 =	slt.u32 s9, $0xF7A;
	s5 =	simm.s32 @!p2 $0x0  }
0x1d: {  	s5 =	simm.s32 @p1 $0x1;
	p0 =	seq.s32 s7, s2  }
0x1e: {  	s7 =	smul.u32 @!p0 $0xF7A, s2;
	p2 =	seq.s32 @!p0 s5, $0x0  }
0x1f: {  	s9 =	smul.u32 $0xF7A, s1;
	s8 =	simm.s32 @!p0 $0x1BF5;
	p2 =	por !p2, p0  }
0x20: {  	[sflag:s8] =	ssyncset.s32 @!p0 $0xFFFFF086;
	s6 =	sadd.s32 @!p0 s3, s7;
	s7 =	simm.s32 @!p0 $0x108  }
0x21: {  	s3 =	sadd.s32 s3, s9;
	s6 =	sadd.s32 @!p0 $0x88, s6;
	s7 =	simm.s32 @p2 $0x1082  }
0x22: {  	[simem:s7], [sflag:s8] =	dma.local @!p0 [hbm:s6], $0xF7A  }
0x23: {  	s9 =	sor.u32 $0xD0000000, s2;
	s6 =	simm.s32 $0x108;
	_ =	swait.ge @!p0 [sflag:s8], $0x0  }
0x24: {  	s3 =	sadd.s32 $0x88, s3;
	s6 =	simm.s32 @!p1 $0x1082;
	[sflag:s4] =	ssyncset.s32 $0xFFFFF086  }
0x25: {  	[simem:s6], [sflag:s4] =	dma.local [hbm:s3], $0xF7A  }
0x26: {  	[smem:$0x3F9A] =	sst s1;
	(tag) =	ssettag s2;
	_ =	strace s9  }
0x27: {  	s1 =	sld [smem:$0x3FAA]  }
0x28: {  	s2 =	sld [smem:$0x3FAB]  }
0x29: {  	s4 =	sld [smem:$0x3FAD]  }
0x2a: {  	p0 =	seq.s32 s5, $0x0;
	s5 =	sld [smem:$0x3FAE]  }
0x2b: {  	s6 =	sld [smem:$0x3FAF]  }
0x2c: {  	s7 =	sld [smem:$0x3FB0]  }
0x2d: {  	s3 =	simm.s32 $0x108;
	s8 =	sld [smem:$0x3FB1]  }
0x2e: {  	s3 =	simm.s32 @!p0 $0x1082;
	s9 =	sld [smem:$0x3FB2]  }
0x2f: {  	lr =	sadd.s32 s0, s3;
	s0 =	sld [smem:$0x3FA9]  }
0x30: {  	s3 =	sld [smem:$0x3FAC]  }
0x31: {  	[smem:$0x3FB5] =	sst s10  }
0x32: {  	s10 =	sld [smem:$0x3FB3];
	_ =	sdelay $0x3  }
0x33: {  	p0 =	seq.s32 s10, $0x1;
	s10 =	sld [smem:$0x3FB5];
	_ =	sdelay $0x3  }
0x34: {  	[smem:$0x3FB5] =	sst s10  }
0x35: {  	s10 =	sld [smem:$0x3FB4];
	_ =	sdelay $0x3  }
0x36: {  	p1 =	seq.s32 s10, $0x1;
	s10 =	sld [smem:$0x3FB5];
	_ =	sdelay $0x3  }
0x37: {  	[smem:$0x3FB5] =	sst s10  }
0x38: {  	s10 =	sld [smem:$0x3FB6]  }
0x39: {  	_ = 	snop;
	(pc) =	sbr.ind lr, $3  }
0x3a: {  	_ = 	snop  }
0x3b: {  	_ = 	snop  }
0x3c: {  	p2 =	seq.s32 s10, $0x1;
	s10 =	sld [smem:$0x3FB5]  }
0x3d: {  	_ =	shalt  }
0x3e: {  	_ =	shalt  }
0x3f: {  	_ =	shalt  }
0x40: {  	_ =	shalt  }
0x41: {  	_ =	shalt  }
0x42: {  	_ =	shalt  }
0x43: {  	_ =	shalt  }
0x44: {  	_ =	shalt  }
0x45: {  	_ =	shalt  }
0x46: {  	_ =	shalt  }
0x47: {  	_ =	shalt  }
0x48: {  	_ =	shalt  }
0x49: {  	_ =	shalt  }
0x4a: {  	_ =	shalt  }
0x4b: {  	_ =	shalt  }
0x4c: {  	_ =	shalt  }
0x4d: {  	_ =	shalt  }
0x4e: {  	_ =	shalt  }
0x4f: {  	_ =	shalt  }
0x50: {  	_ =	shalt  }
0x51: {  	_ =	shalt  }
0x52: {  	_ =	shalt  }
0x53: {  	_ =	shalt  }
0x54: {  	_ =	shalt  }
0x55: {  	_ =	shalt  }
0x56: {  	_ =	shalt  }
0x57: {  	_ =	shalt  }
0x58: {  	_ =	shalt  }
0x59: {  	_ =	shalt  }
0x5a: {  	_ =	shalt  }
0x5b: {  	_ =	shalt  }
0x5c: {  	_ =	shalt  }
0x5d: {  	_ =	shalt  }
0x5e: {  	_ =	shalt  }
0x5f: {  	_ =	shalt  }
0x60: {  	_ =	shalt  }
0x61: {  	_ =	shalt  }
0x62: {  	_ =	shalt  }
0x63: {  	_ =	shalt  }
0x64: {  	_ =	shalt  }
0x65: {  	_ =	shalt  }
0x66: {  	_ =	shalt  }
0x67: {  	_ =	shalt  }
0x68: {  	_ =	shalt  }
0x69: {  	_ =	shalt  }
0x6a: {  	_ =	shalt  }
0x6b: {  	_ =	shalt  }
0x6c: {  	_ =	shalt  }
0x6d: {  	_ =	shalt  }
0x6e: {  	_ =	shalt  }
0x6f: {  	_ =	shalt  }
0x70: {  	_ =	shalt  }
0x71: {  	_ =	shalt  }
0x72: {  	_ =	shalt  }
0x73: {  	_ =	shalt  }
0x74: {  	_ =	shalt  }
0x75: {  	_ =	shalt  }
0x76: {  	_ =	shalt  }
0x77: {  	_ =	shalt  }
0x78: {  	_ =	shalt  }
0x79: {  	_ =	shalt  }
0x7a: {  	_ =	shalt  }
0x7b: {  	_ =	shalt  }
0x7c: {  	_ =	shalt  }
0x7d: {  	_ =	shalt  }
0x7e: {  	_ =	shalt  }
0x7f: {  	_ =	shalt  }
0x80: {  	_ =	shalt  }
0x81: {  	_ =	shalt  }
0x82: {  	_ =	shalt  }
0x83: {  	_ =	shalt  }
0x84: {  	_ =	shalt  }
0x85: {  	_ =	shalt  }
0x86: {  	_ =	shalt  }
0x87: {  	_ =	shalt  }
.Lfunc_end0:
.L_simem_size_0:
called_computation.5_lowered:
.L_overlay_start_0:
0x88: {  	s2 =	sld [smem:$0x3FD9]  }
0x89: {  	s3 =	sld [smem:$0x3FFE];
	_ =	sdelay $0x1  }
0x8a: {  	s1 =	srdreg.scid  }
0x8b: {  	s0 =	sand.u32 $0x1, s1  }
0x8c: {  	s17 =	sshll.u32 s0, $0xA;
	s2 =	sadd.s32 s3, s2  }
0x8d: {  	s2 =	sadd.s32 s2, s17  }
0x8e: {  	[smem:$0x3FC1] =	sst s2  }
0x8f: {  	_ = 	snop  }
0x90: {  	s2 =	sld [smem:$0x3FD0];
	(tm) =	ssettm $0x1  }
0x91: {  	s18 =	sld [smem:$0x3FFB];
	_ =	sdelay $0x3  }
0x92: {  	_ =	strace s18  }
0x93: {  	s3 =	sld [smem:$0x3FFC];
	_ =	sdelay $0x3  }
0x94: {  	_ =	strace s3  }
0x95: {  	s3 =	sld [smem:$0x3FFD];
	_ =	sdelay $0x3  }
0x96: {  	_ =	strace s3  }
0x97: {  	_ =	strace $0x8FFFFFFF  }
0x98: {  	s19 =	sld [smem:$0x3FDB];
	_ =	sdelay $0x1  }
0x99: {  	s4 =	simm.s32 $_scs_section_size  }
0x9a: {  	s5 =	simm.s32 $_size__tile_overlayer_lowered;
	s6 =	simm.s32 $_tile_overlayer_lowered  }
0x9b: {  	s22 =	simm.s32 $0x1BFF;
	s21 =	sshll.u32 s6, $0x1;
	s3 =	sadd.s32 s4, s19  }
0x9c: {  	s7 =	simm.s32 $0x0;
	s20 =	sshll.u32 s5, $0x1;
	s5 =	sadd.s32 s21, s3  }
0x9d: {  	[timem:s7], [sflag:s22] =	dma.local [hbm:s5], s20  }
0x9e: {  	_ =	swait.ge [sflag:s22], s20  }
0x9f: {  	s4 =	ssub.s32 $0x0, s20;
	[sflag:s22] =	ssyncset.done $0x0  }
0xa0: {  	[sflag:s22] =	ssyncadd.s32 s4;
	_ =	sdelay $0x1  }
0xa1: {  	s23 =	simm.s32 $0x1B8B  }
0xa2: {  	_ =	swait.ge [sflag:s23], $0x1  }
0xa3: {  	[sflag:s23] =	ssyncset.done $0x0  }
0xa4: {  	s25 =	simm.s32 $0x1B8E;
	s24 =	sld [smem:$0x3FFE];
	[sflag:s23] =	ssyncadd.s32 $0xFFFFFFFF  }
0xa5: {  	s26 =	simm.s32 $execute0_lowered;
	[smem:$0x3FD2] =	sst s25  }
0xa6: {  	s5 =	sshll.u32 s26, $0x1;
	_ =	strace $0x80000055;
	[dreg:$0x1] =	wrdreg $0xFFFFFFFF  }
0xa7: {  	s28 =	simm.s32 $_size_execute0_lowered;
	s3 =	sadd.s32 s3, s5;
	[dreg:$0x0] =	wrdreg $0x0  }
0xa8: {  	s5 =	sshll.u32 s28, $0x1;
	[dreg:$0x2] =	wrdreg s3  }
0xa9: {  	[dreg:$0x3] =	wrdreg s5  }
0xaa: {  	[dreg:$0x4] =	wrdreg $0xC0  }
0xab: {  	_ =	task [dreg:s7], $0x5FFFF  }
0xac: {  	[dreg:$0x1] =	wrdreg $0xFFFFFFFF  }
0xad: {  	[dreg:$0x0] =	wrdreg $0x60  }
0xae: {  	[dreg:$0x2] =	wrdreg s2  }
0xaf: {  	[dreg:$0x3] =	wrdreg s24  }
0xb0: {  	[dreg:$0x4] =	wrdreg $0x90000  }
0xb1: {  	[dreg:$0x5] =	wrdreg $0x9  }
0xb2: {  	_ =	task.clear_ibuf [dreg:s7], $0x6FFFF;
	_ =	strace $0x90000055  }
0xb3: {  	s29 =	simm.s32 $0x9;
	_ =	strace $0x80000057  }
0xb4: {  	_ =	swait.ge [sflag:s29], $0x1  }
0xb5: {  	[sflag:s29] =	ssyncadd.s32 $0xFFFFFFFF  }
0xb6: {  	_ =	strace $0x90000057  }
0xb7: {  	_ =	sfence  }
0xb8: {  	s30 =	sld [smem:$0x0];
	_ =	sdelay $0x2  }
0xb9: {  	s31 =	sshll.u32 s1, $0xD;
	s1 =	sshrl.u32 s1, $0x2  }
0xba: {  	s3 =	sand.u32 $0x4000, s31;
	s1 =	sadd.s32 s1, s30  }
0xbb: {  	s0 =	sor.u32 s3, s0;
	s1 =	sshll.u32 s1, $0x11  }
0xbc: {  	s0 =	sor.u32 s1, s0  }
0xbd: {  	s0 =	sadd.s32 $0x8F2B, s0  }
0xbe: {  	[sflag:s0] =	ssyncadd.remote.s32 $0x1  }
0xbf: {  	_ =	sfence.sel $0xFFFF  }
0xc0: {  	[dreg:$0x0] =	wrdreg $0xFFFFFFFF;
	(pc) =	sbr.abs _section_cstart, $3  }
0xc1: {  	[dreg:$0x1] =	wrdreg $0xFFFFFFFF  }
0xc2: {  	_ =	task.clear_ibuf [dreg:s7], $0x2FFFF;
	_ =	strace $0x9FFFFFFF  }
0xc3: {  	(tm) =	ssettm $0x7FFFFFFF  }
tec
execute0_lowered:
.L_overlay_start_1:
0x0: {  	(tag) =	ssettag $0x1  }
0x1: {  	s1 =	rddreg [dreg:$0x0]  }
0x2: {  	s2 =	srdreg.scid;
	s7 =	rddreg [dreg:$0x1]  }
0x3: {  	s0 =	stileid.u32;
	s3 =	rddreg [dreg:$0x2];
	s4 =	simm.s32 $0x0  }
0x4: {  	s14 =	simm.s32 $0x80;
	s15 =	simm.s32 $0x5000;
	s16 =	simm.s32 $0x1  }
0x5: {  	s17 =	simm.s32 $0x0;
	s6 =	sand.u32 $0x1, s2;
	s9 =	smul.u32 $0x14000, s0  }
0x6: {  	s26 =	sshll.u32 s0, $0x1;
	[smem:$0x7FF] =	sst s4;
	s28 =	smul.u32 $0x50000, s0  }
0x7: {  	s31 =	sshll.u32 s0, $0x6;
	s2 =	sor.u32 s6, s26;
	s8 =	smul.u32 $0x140000, s6  }
0x8: {  	s6 =	ssub.s32 $0x2, s6;
	s5 =	smul.u32 $0x500, s2;
	s2 =	rddreg [dreg:$0x3]  }
0x9: {  	_ =	strace $0x80000056;
	s29 =	sshrl.u32 s6, $0x1;
	s30 =	sshrl.u32 s28, $0x2  }
0xa: {  	s8 =	sadd.s32 s9, s8;
	s12 =	ssub.s32 s6, s29;
	s13 =	sadd.s32 s30, s3  }
0xb: {  	s6 =	sor.u32 $0x1C02, s31;
	s10 =	sadd.s32 s5, s7;
	s8 =	sshrl.u32 s8, $0x3  }
0xc: {  	s5 =	sadd.s32 $0x1B800, s7;
	s11 =	sadd.s32 s8, s7;
	s7 =	sadd.s32 $0x11800, s10  }
0xd: {  	s8 =	sadd.s32 $0x7800, s10;
	s10 =	smax.u32 s12, $0x1;
	s12 =	simm.s32 $0x2  }
0xe: {  	s9 =	sadd.s32 $0x1E000, s11;
	s11 =	sshrl.u32 s13, $0x3;
	s13 =	simm.s32 $0x2800  }
.LBB2_1:
0xf: {  	[spmem:s11], [sflag:s6] =	dma.local [hbm:s5], $0x2800  }
0x10: {  	_ =	swait.ge [sflag:s12], $0x2800  }
0x11: {  	[sflag:s12] =	ssyncset.done $0x0  }
0x12: {  	[sflag:s12] =	ssyncadd.s32 $0xFFFFD800  }
0x13: {  	[bflag:$0x0] =	sbarrier.arrive $0xFFFF  }
0x14: {  	[tilespmem:s4], [sflag:$0x2] =	stream.linear.gather [hbm4b:s7+s4], $0x2800, $0x38;
	[tilespmem:$0x1D000] =	vst v63  }
0x15: {  	_ =	swait.ge [sflag:s12], $0x2800  }
0x16: {  	[sflag:s12] =	ssyncset.done $0x0  }
0x17: {  	[sflag:s12] =	ssyncadd.s32 $0xFFFFD800  }
0x18: {  	[tilespmem:s13], [sflag:$0x2] =	stream.linear.gather [hbm4b:s8+s4], $0x2800, $0x38;
	[tilespmem:$0x1D000] =	vst v63  }
0x19: {  	_ =	swait.ge [sflag:s12], $0x2800  }
0x1a: {  	[sflag:s12] =	ssyncset.done $0x0  }
0x1b: {  	s18 =	simm.s32 $0x0;
	[sflag:s12] =	ssyncadd.s32 $0xFFFFD800  }
0x1c: {  	[tilespmem:s15], [sflag:$0x1] =	stream.indirect.gather [hbm4b:s1+s14], $0x80, s18, s14, $0xb8;
	[tilespmem:$0x1D000] =	vst v63  }
0x1d: {  	_ =	swait.ge [sflag:s16], $0x4000  }
0x1e: {  	[sflag:s16] =	ssyncset.done $0x0  }
0x1f: {  	s31 =	simm.s32 $0x2800;
	[sflag:s16] =	ssyncadd.s32 $0xFFFFC000  }
0x20: {  	[spmem:s3] =	stream.indirect.scatter.add.f32 [tilespmem:s15], [sflag:$0x2], $0x80, s31, s14, $0xb8;
	[tilespmem:$0x1D000] =	vst v63  }
0x21: {  	_ =	swait.ge [sflag:s12], $0x4000  }
0x22: {  	s19 =	simm.s32 $0x400;
	s18 =	simm.s32 $0x200;
	[sflag:s12] =	ssyncset.done $0x0  }
.LBB2_2:
0x23: {  	s20 =	sshra.s32 s18, $0x2  }
0x24: {  	[sflag:s12] =	ssyncadd.s32 $0xFFFFC000;
	s18 =	smov.u32 s19;
	s21 =	sadd.s32 $0x200, s19  }
0x25: {  	[tilespmem:s15], [sflag:$0x1] =	stream.indirect.gather [hbm4b:s1+s14], $0x80, s20, s14, $0xb8;
	[tilespmem:$0x1D000] =	vst v63  }
0x26: {  	p0 =	sne.s32 s19, $0x9E00;
	_ =	swait.ge [sflag:s16], $0x4000  }
.Ltmp0:
0x27: {  	[sflag:s16] =	ssyncset.done $0x0;
	(pc) =	sbr.rel @p0 .LBB2_2-.Ltmp0, $4  }
0x28: {  	s19 =	sadd.s32 $0x2800, s20;
	[sflag:s16] =	ssyncadd.s32 $0xFFFFC000  }
0x29: {  	[spmem:s3] =	stream.indirect.scatter.add.f32 [tilespmem:s15], [sflag:$0x2], $0x80, s19, s14, $0xb8;
	[tilespmem:$0x1D000] =	vst v63  }
0x2a: {  	_ =	swait.ge [sflag:s12], $0x4000  }
0x2b: {  	s19 =	smov.u32 s21;
	[sflag:s12] =	ssyncset.done $0x0  }
0x2c: {  	s18 =	sshra.s32 s18, $0x2;
	[sflag:s12] =	ssyncadd.s32 $0xFFFFC000  }
0x2d: {  	[tilespmem:s15], [sflag:$0x1] =	stream.indirect.gather [hbm4b:s1+s14], $0x80, s18, s14, $0xb8;
	[tilespmem:$0x1D000] =	vst v63  }
0x2e: {  	_ =	swait.ge [sflag:s16], $0x4000  }
0x2f: {  	[sflag:s16] =	ssyncset.done $0x0  }
0x30: {  	s18 =	sadd.s32 $0x2800, s18;
	[sflag:s16] =	ssyncadd.s32 $0xFFFFC000  }
0x31: {  	[spmem:s3] =	stream.indirect.scatter.add.f32 [tilespmem:s15], [sflag:$0x2], $0x80, s18, s14, $0xb8;
	[tilespmem:$0x1D000] =	vst v63  }
0x32: {  	_ =	swait.ge [sflag:s12], $0x4000  }
0x33: {  	s17 =	sadd.s32 $0x1, s17;
	[sflag:s12] =	ssyncset.done $0x0  }
0x34: {  	p0 =	sne.s32 s17, s10;
	[sflag:s12] =	ssyncadd.s32 $0xFFFFC000  }
.Ltmp1:
0x35: {  	[bflag:$0x0] =	sbarrier.arrive $0xFFFF;
	(pc) =	sbr.rel @p0 .LBB2_1-.Ltmp1, $4  }
0x36: {  	[hbm:s9], [sflag:s6] =	dma.local [spmem:s11], $0x2800  }
0x37: {  	_ =	swait.ge [sflag:s12], $0x2800  }
0x38: {  	[sflag:s12] =	ssyncset.done $0x0  }
0x39: {  	[sflag:s12] =	ssyncadd.s32 $0xFFFFD800  }
0x3a: {  	_ =	sfence.sel $0x180000  }
0x3b: {  	[bflag:$0x0] =	sbarrier.arrive $0xFFFF  }
0x3c: {  	p0 =	sne.s32 s0, $0x0;
	_ =	strace $0x90000056  }
0x3d: {  	s0 =	sadd.s32 @!p0 $0x100000, s2;
	[bflag:$0x2] =	sbarrier.arrive $0xFFFF  }
0x3e: {  	[sflag:s0] =	ssyncadd.tile.s32 @!p0 $0x1;
	_ =	shalt  }
.Lfunc_end2:
_tile_overlayer_lowered:
.L_overlay_start_2:
0x3f: {  	(tag) =	ssettag $0x2  }
0x40: {  	s0 =	rddreg [dreg:$0x0];
	s2 =	stileid.u32  }
0x41: {  	s1 =	rddreg [dreg:$0x1];
	p0 =	sne.s32 s2, $0x0  }
0x42: {  	s3 =	rddreg [dreg:$0x2];
	[bflag:$0x3] =	sbarrier.arrive $0xFFFF;
	s2 =	simm.s32 @!p0 $0x1C02  }
0x43: {  	[timem:s3], [sflag:s2] =	dma.local @!p0 [hbm:s0], s1  }
0x44: {  	s0 =	simm.s32 @!p0 $0x2  }
0x45: {  	_ =	swait.ge @!p0 [sflag:s0], s1  }
0x46: {  	s1 =	ssub.s32 @!p0 $0x0, s1;
	[sflag:s0] =	ssyncset.done @!p0 $0x0  }
0x47: {  	[sflag:s0] =	ssyncadd.s32 @!p0 s1  }
0x48: {  	[bflag:$0x3] =	sbarrier.arrive $0xFFFF  }
0x49: {  	_ =	shalt  }

// kernel: kernel.41.cloned.1.call-start
scs
__scs_entry_jumppad:
0x0: {  	(pc) =	sbr.rel $0x88, $3  }
0x1: {  	(tag) =	ssettag $0x0;
	lr =	simm.s32 $0x1  }
0x2: {  	[smem:$0x3F9A] =	sst lr;
	_ =	strace $0xD0000000  }
0x3: {  	_ = 	snop  }
0x4: {  	_ = 	snop  }
0x5: {  	_ = 	snop  }
0x6: {  	_ = 	snop  }
0x7: {  	_ = 	snop  }
__scs_overlays_trampoline_lowered:
0x8: {  	[smem:$0x3FA9] =	sst s0  }
0x9: {  	[smem:$0x3FAA] =	sst s1  }
0xa: {  	[smem:$0x3FAB] =	sst s2  }
0xb: {  	[smem:$0x3FAC] =	sst s3  }
0xc: {  	[smem:$0x3FAD] =	sst s4  }
0xd: {  	[smem:$0x3FAE] =	sst s5  }
0xe: {  	[smem:$0x3FAF] =	sst s6  }
0xf: {  	[smem:$0x3FB0] =	sst s7  }
0x10: {  	[smem:$0x3FB1] =	sst s8  }
0x11: {  	[smem:$0x3FB2] =	sst s9;
	s0 =	simm.s32 @!p0 $0x0  }
0x12: {  	s1 =	sld [smem:$0x3F98];
	s0 =	simm.s32 @p0 $0x1  }
0x13: {  	[smem:$0x3FB3] =	sst s0;
	s0 =	simm.s32 @!p1 $0x0  }
0x14: {  	s2 =	sld [smem:$0x3F97];
	s0 =	simm.s32 @p1 $0x1  }
0x15: {  	[smem:$0x3FB4] =	sst s0;
	s0 =	simm.s32 @!p2 $0x0  }
0x16: {  	s3 =	sld [smem:$0x3FDB];
	s0 =	simm.s32 @p2 $0x1  }
0x17: {  	s4 =	simm.s32 $0x1BF5;
	[smem:$0x3FB6] =	sst s0  }
0x18: {  	s0 =	sld [smem:$0x3F99];
	_ =	swait.ge [sflag:s4], $0x0  }
0x19: {  	s7 =	sld [smem:$0x3F9A]  }
0x1a: {  	s8 =	sadd.s32 $0xFFFFE003, lr  }
0x1b: {  	s9 =	sadd.s32 $0xFFFFFEF7, lr;
	s5 =	simm.s32 $0xFFFFFFFF;
	p2 =	slt.u32 s8, $0xFFFFF086  }
0x1c: {  	p1 =	slt.u32 s9, $0xF7A;
	s5 =	simm.s32 @!p2 $0x0  }
0x1d: {  	s5 =	simm.s32 @p1 $0x1;
	p0 =	seq.s32 s7, s2  }
0x1e: {  	s7 =	smul.u32 @!p0 $0xF7A, s2;
	p2 =	seq.s32 @!p0 s5, $0x0  }
0x1f: {  	s9 =	smul.u32 $0xF7A, s1;
	s8 =	simm.s32 @!p0 $0x1BF5;
	p2 =	por !p2, p0  }
0x20: {  	[sflag:s8] =	ssyncset.s32 @!p0 $0xFFFFF086;
	s6 =	sadd.s32 @!p0 s3, s7;
	s7 =	simm.s32 @!p0 $0x108  }
0x21: {  	s3 =	sadd.s32 s3, s9;
	s6 =	sadd.s32 @!p0 $0x88, s6;
	s7 =	simm.s32 @p2 $0x1082  }
0x22: {  	[simem:s7], [sflag:s8] =	dma.local @!p0 [hbm:s6], $0xF7A  }
0x23: {  	s9 =	sor.u32 $0xD0000000, s2;
	s6 =	simm.s32 $0x108;
	_ =	swait.ge @!p0 [sflag:s8], $0x0  }
0x24: {  	s3 =	sadd.s32 $0x88, s3;
	s6 =	simm.s32 @!p1 $0x1082;
	[sflag:s4] =	ssyncset.s32 $0xFFFFF086  }
0x25: {  	[simem:s6], [sflag:s4] =	dma.local [hbm:s3], $0xF7A  }
0x26: {  	[smem:$0x3F9A] =	sst s1;
	(tag) =	ssettag s2;
	_ =	strace s9  }
0x27: {  	s1 =	sld [smem:$0x3FAA]  }
0x28: {  	s2 =	sld [smem:$0x3FAB]  }
0x29: {  	s4 =	sld [smem:$0x3FAD]  }
0x2a: {  	p0 =	seq.s32 s5, $0x0;
	s5 =	sld [smem:$0x3FAE]  }
0x2b: {  	s6 =	sld [smem:$0x3FAF]  }
0x2c: {  	s7 =	sld [smem:$0x3FB0]  }
0x2d: {  	s3 =	simm.s32 $0x108;
	s8 =	sld [smem:$0x3FB1]  }
0x2e: {  	s3 =	simm.s32 @!p0 $0x1082;
	s9 =	sld [smem:$0x3FB2]  }
0x2f: {  	lr =	sadd.s32 s0, s3;
	s0 =	sld [smem:$0x3FA9]  }
0x30: {  	s3 =	sld [smem:$0x3FAC]  }
0x31: {  	[smem:$0x3FB5] =	sst s10  }
0x32: {  	s10 =	sld [smem:$0x3FB3];
	_ =	sdelay $0x3  }
0x33: {  	p0 =	seq.s32 s10, $0x1;
	s10 =	sld [smem:$0x3FB5];
	_ =	sdelay $0x3  }
0x34: {  	[smem:$0x3FB5] =	sst s10  }
0x35: {  	s10 =	sld [smem:$0x3FB4];
	_ =	sdelay $0x3  }
0x36: {  	p1 =	seq.s32 s10, $0x1;
	s10 =	sld [smem:$0x3FB5];
	_ =	sdelay $0x3  }
0x37: {  	[smem:$0x3FB5] =	sst s10  }
0x38: {  	s10 =	sld [smem:$0x3FB6]  }
0x39: {  	_ = 	snop;
	(pc) =	sbr.ind lr, $3  }
0x3a: {  	_ = 	snop  }
0x3b: {  	_ = 	snop  }
0x3c: {  	p2 =	seq.s32 s10, $0x1;
	s10 =	sld [smem:$0x3FB5]  }
0x3d: {  	_ =	shalt  }
0x3e: {  	_ =	shalt  }
0x3f: {  	_ =	shalt  }
0x40: {  	_ =	shalt  }
0x41: {  	_ =	shalt  }
0x42: {  	_ =	shalt  }
0x43: {  	_ =	shalt  }
0x44: {  	_ =	shalt  }
0x45: {  	_ =	shalt  }
0x46: {  	_ =	shalt  }
0x47: {  	_ =	shalt  }
0x48: {  	_ =	shalt  }
0x49: {  	_ =	shalt  }
0x4a: {  	_ =	shalt  }
0x4b: {  	_ =	shalt  }
0x4c: {  	_ =	shalt  }
0x4d: {  	_ =	shalt  }
0x4e: {  	_ =	shalt  }
0x4f: {  	_ =	shalt  }
0x50: {  	_ =	shalt  }
0x51: {  	_ =	shalt  }
0x52: {  	_ =	shalt  }
0x53: {  	_ =	shalt  }
0x54: {  	_ =	shalt  }
0x55: {  	_ =	shalt  }
0x56: {  	_ =	shalt  }
0x57: {  	_ =	shalt  }
0x58: {  	_ =	shalt  }
0x59: {  	_ =	shalt  }
0x5a: {  	_ =	shalt  }
0x5b: {  	_ =	shalt  }
0x5c: {  	_ =	shalt  }
0x5d: {  	_ =	shalt  }
0x5e: {  	_ =	shalt  }
0x5f: {  	_ =	shalt  }
0x60: {  	_ =	shalt  }
0x61: {  	_ =	shalt  }
0x62: {  	_ =	shalt  }
0x63: {  	_ =	shalt  }
0x64: {  	_ =	shalt  }
0x65: {  	_ =	shalt  }
0x66: {  	_ =	shalt  }
0x67: {  	_ =	shalt  }
0x68: {  	_ =	shalt  }
0x69: {  	_ =	shalt  }
0x6a: {  	_ =	shalt  }
0x6b: {  	_ =	shalt  }
0x6c: {  	_ =	shalt  }
0x6d: {  	_ =	shalt  }
0x6e: {  	_ =	shalt  }
0x6f: {  	_ =	shalt  }
0x70: {  	_ =	shalt  }
0x71: {  	_ =	shalt  }
0x72: {  	_ =	shalt  }
0x73: {  	_ =	shalt  }
0x74: {  	_ =	shalt  }
0x75: {  	_ =	shalt  }
0x76: {  	_ =	shalt  }
0x77: {  	_ =	shalt  }
0x78: {  	_ =	shalt  }
0x79: {  	_ =	shalt  }
0x7a: {  	_ =	shalt  }
0x7b: {  	_ =	shalt  }
0x7c: {  	_ =	shalt  }
0x7d: {  	_ =	shalt  }
0x7e: {  	_ =	shalt  }
0x7f: {  	_ =	shalt  }
0x80: {  	_ =	shalt  }
0x81: {  	_ =	shalt  }
0x82: {  	_ =	shalt  }
0x83: {  	_ =	shalt  }
0x84: {  	_ =	shalt  }
0x85: {  	_ =	shalt  }
0x86: {  	_ =	shalt  }
0x87: {  	_ =	shalt  }
.Lfunc_end0:
.L_simem_size_0:
called_computation.6_lowered:
.L_overlay_start_0:
0x88: {  	s2 =	sld [smem:$0x3FD9]  }
0x89: {  	s3 =	sld [smem:$0x3FFE];
	_ =	sdelay $0x1  }
0x8a: {  	s1 =	srdreg.scid  }
0x8b: {  	s0 =	sand.u32 $0x1, s1  }
0x8c: {  	s17 =	sshll.u32 s0, $0xA;
	s2 =	sadd.s32 s3, s2  }
0x8d: {  	s2 =	sadd.s32 s2, s17  }
0x8e: {  	[smem:$0x3FC1] =	sst s2  }
0x8f: {  	_ = 	snop  }
0x90: {  	s2 =	sld [smem:$0x3FD0];
	(tm) =	ssettm $0x1  }
0x91: {  	s18 =	sld [smem:$0x3FFB];
	_ =	sdelay $0x3  }
0x92: {  	_ =	strace s18  }
0x93: {  	s3 =	sld [smem:$0x3FFC];
	_ =	sdelay $0x3  }
0x94: {  	_ =	strace s3  }
0x95: {  	s3 =	sld [smem:$0x3FFD];
	_ =	sdelay $0x3  }
0x96: {  	_ =	strace s3  }
0x97: {  	_ =	strace $0x8FFFFFFF  }
0x98: {  	s19 =	sld [smem:$0x3FDB];
	_ =	sdelay $0x1  }
0x99: {  	s4 =	simm.s32 $_scs_section_size  }
0x9a: {  	s5 =	simm.s32 $_size__tile_overlayer_lowered;
	s6 =	simm.s32 $_tile_overlayer_lowered  }
0x9b: {  	s22 =	simm.s32 $0x1BFF;
	s21 =	sshll.u32 s6, $0x1;
	s3 =	sadd.s32 s4, s19  }
0x9c: {  	s7 =	simm.s32 $0x0;
	s20 =	sshll.u32 s5, $0x1;
	s5 =	sadd.s32 s21, s3  }
0x9d: {  	[timem:s7], [sflag:s22] =	dma.local [hbm:s5], s20  }
0x9e: {  	_ =	swait.ge [sflag:s22], s20  }
0x9f: {  	s4 =	ssub.s32 $0x0, s20;
	[sflag:s22] =	ssyncset.done $0x0  }
0xa0: {  	[sflag:s22] =	ssyncadd.s32 s4;
	_ =	sdelay $0x1  }
0xa1: {  	s23 =	simm.s32 $0x1B8B  }
0xa2: {  	_ =	swait.ge [sflag:s23], $0x1  }
0xa3: {  	[sflag:s23] =	ssyncset.done $0x0  }
0xa4: {  	s25 =	simm.s32 $0x1B8E;
	s24 =	sld [smem:$0x3FFE];
	[sflag:s23] =	ssyncadd.s32 $0xFFFFFFFF  }
0xa5: {  	s26 =	simm.s32 $execute0_lowered;
	[smem:$0x3FD2] =	sst s25  }
0xa6: {  	s5 =	sshll.u32 s26, $0x1;
	_ =	strace $0x80000058;
	[dreg:$0x1] =	wrdreg $0xFFFFFFFF  }
0xa7: {  	s28 =	simm.s32 $_size_execute0_lowered;
	s3 =	sadd.s32 s3, s5;
	[dreg:$0x0] =	wrdreg $0x0  }
0xa8: {  	s5 =	sshll.u32 s28, $0x1;
	[dreg:$0x2] =	wrdreg s3  }
0xa9: {  	[dreg:$0x3] =	wrdreg s5  }
0xaa: {  	[dreg:$0x4] =	wrdreg $0xC0  }
0xab: {  	_ =	task [dreg:s7], $0x5FFFF  }
0xac: {  	[dreg:$0x1] =	wrdreg $0xFFFFFFFF  }
0xad: {  	[dreg:$0x0] =	wrdreg $0x60  }
0xae: {  	[dreg:$0x2] =	wrdreg s2  }
0xaf: {  	[dreg:$0x3] =	wrdreg s24  }
0xb0: {  	[dreg:$0x4] =	wrdreg $0x90000  }
0xb1: {  	[dreg:$0x5] =	wrdreg $0x9  }
0xb2: {  	_ =	task.clear_ibuf [dreg:s7], $0x6FFFF;
	_ =	strace $0x90000058  }
0xb3: {  	s29 =	simm.s32 $0x9;
	_ =	strace $0x8000005A  }
0xb4: {  	_ =	swait.ge [sflag:s29], $0x1  }
0xb5: {  	[sflag:s29] =	ssyncadd.s32 $0xFFFFFFFF  }
0xb6: {  	_ =	strace $0x9000005A  }
0xb7: {  	_ =	sfence  }
0xb8: {  	s30 =	sld [smem:$0x0];
	_ =	sdelay $0x2  }
0xb9: {  	s31 =	sshll.u32 s1, $0xD;
	s1 =	sshrl.u32 s1, $0x2  }
0xba: {  	s3 =	sand.u32 $0x4000, s31;
	s1 =	sadd.s32 s1, s30  }
0xbb: {  	s0 =	sor.u32 s3, s0;
	s1 =	sshll.u32 s1, $0x11  }
0xbc: {  	s0 =	sor.u32 s1, s0  }
0xbd: {  	s0 =	sadd.s32 $0x8F2B, s0  }
0xbe: {  	[sflag:s0] =	ssyncadd.remote.s32 $0x1  }
0xbf: {  	_ =	sfence.sel $0xFFFF  }
0xc0: {  	[dreg:$0x0] =	wrdreg $0xFFFFFFFF;
	(pc) =	sbr.abs _section_cstart, $3  }
0xc1: {  	[dreg:$0x1] =	wrdreg $0xFFFFFFFF  }
0xc2: {  	_ =	task.clear_ibuf [dreg:s7], $0x2FFFF;
	_ =	strace $0x9FFFFFFF  }
0xc3: {  	(tm) =	ssettm $0x7FFFFFFF  }
tec
execute0_lowered:
.L_overlay_start_1:
0x0: {  	(tag) =	ssettag $0x1  }
0x1: {  	s1 =	rddreg [dreg:$0x0]  }
0x2: {  	s2 =	srdreg.scid;
	s7 =	rddreg [dreg:$0x1]  }
0x3: {  	s0 =	stileid.u32;
	s3 =	rddreg [dreg:$0x2];
	s4 =	simm.s32 $0x0  }
0x4: {  	s14 =	simm.s32 $0x80;
	s15 =	simm.s32 $0x5000;
	s16 =	simm.s32 $0x1  }
0x5: {  	s17 =	simm.s32 $0x0;
	s6 =	sand.u32 $0x1, s2;
	s9 =	smul.u32 $0x14000, s0  }
0x6: {  	s26 =	sshll.u32 s0, $0x1;
	[smem:$0x7FF] =	sst s4;
	s28 =	smul.u32 $0x50000, s0  }
0x7: {  	s31 =	sshll.u32 s0, $0x6;
	s2 =	sor.u32 s6, s26;
	s8 =	smul.u32 $0x140000, s6  }
0x8: {  	s6 =	ssub.s32 $0x2, s6;
	s5 =	smul.u32 $0x500, s2;
	s2 =	rddreg [dreg:$0x3]  }
0x9: {  	_ =	strace $0x80000059;
	s29 =	sshrl.u32 s6, $0x1;
	s30 =	sshrl.u32 s28, $0x2  }
0xa: {  	s8 =	sadd.s32 s9, s8;
	s12 =	ssub.s32 s6, s29;
	s13 =	sadd.s32 s30, s3  }
0xb: {  	s6 =	sor.u32 $0x1C02, s31;
	s10 =	sadd.s32 s5, s7;
	s8 =	sshrl.u32 s8, $0x3  }
0xc: {  	s5 =	sadd.s32 $0x1B800, s7;
	s11 =	sadd.s32 s8, s7;
	s7 =	sadd.s32 $0x11800, s10  }
0xd: {  	s8 =	sadd.s32 $0x7800, s10;
	s10 =	smax.u32 s12, $0x1;
	s12 =	simm.s32 $0x2  }
0xe: {  	s9 =	sadd.s32 $0x1E000, s11;
	s11 =	sshrl.u32 s13, $0x3;
	s13 =	simm.s32 $0x2800  }
.LBB2_1:
0xf: {  	[spmem:s11], [sflag:s6] =	dma.local [hbm:s5], $0x2800  }
0x10: {  	_ =	swait.ge [sflag:s12], $0x2800  }
0x11: {  	[sflag:s12] =	ssyncset.done $0x0  }
0x12: {  	[sflag:s12] =	ssyncadd.s32 $0xFFFFD800  }
0x13: {  	[bflag:$0x0] =	sbarrier.arrive $0xFFFF  }
0x14: {  	[tilespmem:s4], [sflag:$0x2] =	stream.linear.gather [hbm4b:s7+s4], $0x2800, $0x38;
	[tilespmem:$0x1D000] =	vst v63  }
0x15: {  	_ =	swait.ge [sflag:s12], $0x2800  }
0x16: {  	[sflag:s12] =	ssyncset.done $0x0  }
0x17: {  	[sflag:s12] =	ssyncadd.s32 $0xFFFFD800  }
0x18: {  	[tilespmem:s13], [sflag:$0x2] =	stream.linear.gather [hbm4b:s8+s4], $0x2800, $0x38;
	[tilespmem:$0x1D000] =	vst v63  }
0x19: {  	_ =	swait.ge [sflag:s12], $0x2800  }
0x1a: {  	[sflag:s12] =	ssyncset.done $0x0  }
0x1b: {  	s18 =	simm.s32 $0x0;
	[sflag:s12] =	ssyncadd.s32 $0xFFFFD800  }
0x1c: {  	[tilespmem:s15], [sflag:$0x1] =	stream.indirect.gather [hbm4b:s1+s14], $0x80, s18, s14, $0xb8;
	[tilespmem:$0x1D000] =	vst v63  }
0x1d: {  	_ =	swait.ge [sflag:s16], $0x4000  }
0x1e: {  	[sflag:s16] =	ssyncset.done $0x0  }
0x1f: {  	s31 =	simm.s32 $0x2800;
	[sflag:s16] =	ssyncadd.s32 $0xFFFFC000  }
0x20: {  	[spmem:s3] =	stream.indirect.scatter.add.f32 [tilespmem:s15], [sflag:$0x2], $0x80, s31, s14, $0xb8;
	[tilespmem:$0x1D000] =	vst v63  }
0x21: {  	_ =	swait.ge [sflag:s12], $0x4000  }
0x22: {  	s19 =	simm.s32 $0x400;
	s18 =	simm.s32 $0x200;
	[sflag:s12] =	ssyncset.done $0x0  }
.LBB2_2:
0x23: {  	s20 =	sshra.s32 s18, $0x2  }
0x24: {  	[sflag:s12] =	ssyncadd.s32 $0xFFFFC000;
	s18 =	smov.u32 s19;
	s21 =	sadd.s32 $0x200, s19  }
0x25: {  	[tilespmem:s15], [sflag:$0x1] =	stream.indirect.gather [hbm4b:s1+s14], $0x80, s20, s14, $0xb8;
	[tilespmem:$0x1D000] =	vst v63  }
0x26: {  	p0 =	sne.s32 s19, $0x9E00;
	_ =	swait.ge [sflag:s16], $0x4000  }
.Ltmp0:
0x27: {  	[sflag:s16] =	ssyncset.done $0x0;
	(pc) =	sbr.rel @p0 .LBB2_2-.Ltmp0, $4  }
0x28: {  	s19 =	sadd.s32 $0x2800, s20;
	[sflag:s16] =	ssyncadd.s32 $0xFFFFC000  }
0x29: {  	[spmem:s3] =	stream.indirect.scatter.add.f32 [tilespmem:s15], [sflag:$0x2], $0x80, s19, s14, $0xb8;
	[tilespmem:$0x1D000] =	vst v63  }
0x2a: {  	_ =	swait.ge [sflag:s12], $0x4000  }
0x2b: {  	s19 =	smov.u32 s21;
	[sflag:s12] =	ssyncset.done $0x0  }
0x2c: {  	s18 =	sshra.s32 s18, $0x2;
	[sflag:s12] =	ssyncadd.s32 $0xFFFFC000  }
0x2d: {  	[tilespmem:s15], [sflag:$0x1] =	stream.indirect.gather [hbm4b:s1+s14], $0x80, s18, s14, $0xb8;
	[tilespmem:$0x1D000] =	vst v63  }
0x2e: {  	_ =	swait.ge [sflag:s16], $0x4000  }
0x2f: {  	[sflag:s16] =	ssyncset.done $0x0  }
0x30: {  	s18 =	sadd.s32 $0x2800, s18;
	[sflag:s16] =	ssyncadd.s32 $0xFFFFC000  }
0x31: {  	[spmem:s3] =	stream.indirect.scatter.add.f32 [tilespmem:s15], [sflag:$0x2], $0x80, s18, s14, $0xb8;
	[tilespmem:$0x1D000] =	vst v63  }
0x32: {  	_ =	swait.ge [sflag:s12], $0x4000  }
0x33: {  	s17 =	sadd.s32 $0x1, s17;
	[sflag:s12] =	ssyncset.done $0x0  }
0x34: {  	p0 =	sne.s32 s17, s10;
	[sflag:s12] =	ssyncadd.s32 $0xFFFFC000  }
.Ltmp1:
0x35: {  	[bflag:$0x0] =	sbarrier.arrive $0xFFFF;
	(pc) =	sbr.rel @p0 .LBB2_1-.Ltmp1, $4  }
0x36: {  	[hbm:s9], [sflag:s6] =	dma.local [spmem:s11], $0x2800  }
0x37: {  	_ =	swait.ge [sflag:s12], $0x2800  }
0x38: {  	[sflag:s12] =	ssyncset.done $0x0  }
0x39: {  	[sflag:s12] =	ssyncadd.s32 $0xFFFFD800  }
0x3a: {  	_ =	sfence.sel $0x180000  }
0x3b: {  	[bflag:$0x0] =	sbarrier.arrive $0xFFFF  }
0x3c: {  	p0 =	sne.s32 s0, $0x0;
	_ =	strace $0x90000059  }
0x3d: {  	s0 =	sadd.s32 @!p0 $0x100000, s2;
	[bflag:$0x2] =	sbarrier.arrive $0xFFFF  }
0x3e: {  	[sflag:s0] =	ssyncadd.tile.s32 @!p0 $0x1;
	_ =	shalt  }
.Lfunc_end2:
_tile_overlayer_lowered:
.L_overlay_start_2:
0x3f: {  	(tag) =	ssettag $0x2  }
0x40: {  	s0 =	rddreg [dreg:$0x0];
	s2 =	stileid.u32  }
0x41: {  	s1 =	rddreg [dreg:$0x1];
	p0 =	sne.s32 s2, $0x0  }
0x42: {  	s3 =	rddreg [dreg:$0x2];
	[bflag:$0x3] =	sbarrier.arrive $0xFFFF;
	s2 =	simm.s32 @!p0 $0x1C02  }
0x43: {  	[timem:s3], [sflag:s2] =	dma.local @!p0 [hbm:s0], s1  }
0x44: {  	s0 =	simm.s32 @!p0 $0x2  }
0x45: {  	_ =	swait.ge @!p0 [sflag:s0], s1  }
0x46: {  	s1 =	ssub.s32 @!p0 $0x0, s1;
	[sflag:s0] =	ssyncset.done @!p0 $0x0  }
0x47: {  	[sflag:s0] =	ssyncadd.s32 @!p0 s1  }
0x48: {  	[bflag:$0x3] =	sbarrier.arrive $0xFFFF  }
0x49: {  	_ =	shalt  }

// kernel: kernel.44.cloned.1.call-start
scs
__scs_entry_jumppad:
0x0: {  	(pc) =	sbr.rel $0x88, $3  }
0x1: {  	(tag) =	ssettag $0x0;
	lr =	simm.s32 $0x1  }
0x2: {  	[smem:$0x3F9A] =	sst lr;
	_ =	strace $0xD0000000  }
0x3: {  	_ = 	snop  }
0x4: {  	_ = 	snop  }
0x5: {  	_ = 	snop  }
0x6: {  	_ = 	snop  }
0x7: {  	_ = 	snop  }
__scs_overlays_trampoline_lowered:
0x8: {  	[smem:$0x3FA9] =	sst s0  }
0x9: {  	[smem:$0x3FAA] =	sst s1  }
0xa: {  	[smem:$0x3FAB] =	sst s2  }
0xb: {  	[smem:$0x3FAC] =	sst s3  }
0xc: {  	[smem:$0x3FAD] =	sst s4  }
0xd: {  	[smem:$0x3FAE] =	sst s5  }
0xe: {  	[smem:$0x3FAF] =	sst s6  }
0xf: {  	[smem:$0x3FB0] =	sst s7  }
0x10: {  	[smem:$0x3FB1] =	sst s8  }
0x11: {  	[smem:$0x3FB2] =	sst s9;
	s0 =	simm.s32 @!p0 $0x0  }
0x12: {  	s1 =	sld [smem:$0x3F98];
	s0 =	simm.s32 @p0 $0x1  }
0x13: {  	[smem:$0x3FB3] =	sst s0;
	s0 =	simm.s32 @!p1 $0x0  }
0x14: {  	s2 =	sld [smem:$0x3F97];
	s0 =	simm.s32 @p1 $0x1  }
0x15: {  	[smem:$0x3FB4] =	sst s0;
	s0 =	simm.s32 @!p2 $0x0  }
0x16: {  	s3 =	sld [smem:$0x3FDB];
	s0 =	simm.s32 @p2 $0x1  }
0x17: {  	s4 =	simm.s32 $0x1BF5;
	[smem:$0x3FB6] =	sst s0  }
0x18: {  	s0 =	sld [smem:$0x3F99];
	_ =	swait.ge [sflag:s4], $0x0  }
0x19: {  	s7 =	sld [smem:$0x3F9A]  }
0x1a: {  	s8 =	sadd.s32 $0xFFFFE003, lr  }
0x1b: {  	s9 =	sadd.s32 $0xFFFFFEF7, lr;
	s5 =	simm.s32 $0xFFFFFFFF;
	p2 =	slt.u32 s8, $0xFFFFF086  }
0x1c: {  	p1 =	slt.u32 s9, $0xF7A;
	s5 =	simm.s32 @!p2 $0x0  }
0x1d: {  	s5 =	simm.s32 @p1 $0x1;
	p0 =	seq.s32 s7, s2  }
0x1e: {  	s7 =	smul.u32 @!p0 $0xF7A, s2;
	p2 =	seq.s32 @!p0 s5, $0x0  }
0x1f: {  	s9 =	smul.u32 $0xF7A, s1;
	s8 =	simm.s32 @!p0 $0x1BF5;
	p2 =	por !p2, p0  }
0x20: {  	[sflag:s8] =	ssyncset.s32 @!p0 $0xFFFFF086;
	s6 =	sadd.s32 @!p0 s3, s7;
	s7 =	simm.s32 @!p0 $0x108  }
0x21: {  	s3 =	sadd.s32 s3, s9;
	s6 =	sadd.s32 @!p0 $0x88, s6;
	s7 =	simm.s32 @p2 $0x1082  }
0x22: {  	[simem:s7], [sflag:s8] =	dma.local @!p0 [hbm:s6], $0xF7A  }
0x23: {  	s9 =	sor.u32 $0xD0000000, s2;
	s6 =	simm.s32 $0x108;
	_ =	swait.ge @!p0 [sflag:s8], $0x0  }
0x24: {  	s3 =	sadd.s32 $0x88, s3;
	s6 =	simm.s32 @!p1 $0x1082;
	[sflag:s4] =	ssyncset.s32 $0xFFFFF086  }
0x25: {  	[simem:s6], [sflag:s4] =	dma.local [hbm:s3], $0xF7A  }
0x26: {  	[smem:$0x3F9A] =	sst s1;
	(tag) =	ssettag s2;
	_ =	strace s9  }
0x27: {  	s1 =	sld [smem:$0x3FAA]  }
0x28: {  	s2 =	sld [smem:$0x3FAB]  }
0x29: {  	s4 =	sld [smem:$0x3FAD]  }
0x2a: {  	p0 =	seq.s32 s5, $0x0;
	s5 =	sld [smem:$0x3FAE]  }
0x2b: {  	s6 =	sld [smem:$0x3FAF]  }
0x2c: {  	s7 =	sld [smem:$0x3FB0]  }
0x2d: {  	s3 =	simm.s32 $0x108;
	s8 =	sld [smem:$0x3FB1]  }
0x2e: {  	s3 =	simm.s32 @!p0 $0x1082;
	s9 =	sld [smem:$0x3FB2]  }
0x2f: {  	lr =	sadd.s32 s0, s3;
	s0 =	sld [smem:$0x3FA9]  }
0x30: {  	s3 =	sld [smem:$0x3FAC]  }
0x31: {  	[smem:$0x3FB5] =	sst s10  }
0x32: {  	s10 =	sld [smem:$0x3FB3];
	_ =	sdelay $0x3  }
0x33: {  	p0 =	seq.s32 s10, $0x1;
	s10 =	sld [smem:$0x3FB5];
	_ =	sdelay $0x3  }
0x34: {  	[smem:$0x3FB5] =	sst s10  }
0x35: {  	s10 =	sld [smem:$0x3FB4];
	_ =	sdelay $0x3  }
0x36: {  	p1 =	seq.s32 s10, $0x1;
	s10 =	sld [smem:$0x3FB5];
	_ =	sdelay $0x3  }
0x37: {  	[smem:$0x3FB5] =	sst s10  }
0x38: {  	s10 =	sld [smem:$0x3FB6]  }
0x39: {  	_ = 	snop;
	(pc) =	sbr.ind lr, $3  }
0x3a: {  	_ = 	snop  }
0x3b: {  	_ = 	snop  }
0x3c: {  	p2 =	seq.s32 s10, $0x1;
	s10 =	sld [smem:$0x3FB5]  }
0x3d: {  	_ =	shalt  }
0x3e: {  	_ =	shalt  }
0x3f: {  	_ =	shalt  }
0x40: {  	_ =	shalt  }
0x41: {  	_ =	shalt  }
0x42: {  	_ =	shalt  }
0x43: {  	_ =	shalt  }
0x44: {  	_ =	shalt  }
0x45: {  	_ =	shalt  }
0x46: {  	_ =	shalt  }
0x47: {  	_ =	shalt  }
0x48: {  	_ =	shalt  }
0x49: {  	_ =	shalt  }
0x4a: {  	_ =	shalt  }
0x4b: {  	_ =	shalt  }
0x4c: {  	_ =	shalt  }
0x4d: {  	_ =	shalt  }
0x4e: {  	_ =	shalt  }
0x4f: {  	_ =	shalt  }
0x50: {  	_ =	shalt  }
0x51: {  	_ =	shalt  }
0x52: {  	_ =	shalt  }
0x53: {  	_ =	shalt  }
0x54: {  	_ =	shalt  }
0x55: {  	_ =	shalt  }
0x56: {  	_ =	shalt  }
0x57: {  	_ =	shalt  }
0x58: {  	_ =	shalt  }
0x59: {  	_ =	shalt  }
0x5a: {  	_ =	shalt  }
0x5b: {  	_ =	shalt  }
0x5c: {  	_ =	shalt  }
0x5d: {  	_ =	shalt  }
0x5e: {  	_ =	shalt  }
0x5f: {  	_ =	shalt  }
0x60: {  	_ =	shalt  }
0x61: {  	_ =	shalt  }
0x62: {  	_ =	shalt  }
0x63: {  	_ =	shalt  }
0x64: {  	_ =	shalt  }
0x65: {  	_ =	shalt  }
0x66: {  	_ =	shalt  }
0x67: {  	_ =	shalt  }
0x68: {  	_ =	shalt  }
0x69: {  	_ =	shalt  }
0x6a: {  	_ =	shalt  }
0x6b: {  	_ =	shalt  }
0x6c: {  	_ =	shalt  }
0x6d: {  	_ =	shalt  }
0x6e: {  	_ =	shalt  }
0x6f: {  	_ =	shalt  }
0x70: {  	_ =	shalt  }
0x71: {  	_ =	shalt  }
0x72: {  	_ =	shalt  }
0x73: {  	_ =	shalt  }
0x74: {  	_ =	shalt  }
0x75: {  	_ =	shalt  }
0x76: {  	_ =	shalt  }
0x77: {  	_ =	shalt  }
0x78: {  	_ =	shalt  }
0x79: {  	_ =	shalt  }
0x7a: {  	_ =	shalt  }
0x7b: {  	_ =	shalt  }
0x7c: {  	_ =	shalt  }
0x7d: {  	_ =	shalt  }
0x7e: {  	_ =	shalt  }
0x7f: {  	_ =	shalt  }
0x80: {  	_ =	shalt  }
0x81: {  	_ =	shalt  }
0x82: {  	_ =	shalt  }
0x83: {  	_ =	shalt  }
0x84: {  	_ =	shalt  }
0x85: {  	_ =	shalt  }
0x86: {  	_ =	shalt  }
0x87: {  	_ =	shalt  }
.Lfunc_end0:
.L_simem_size_0:
called_computation.7_lowered:
.L_overlay_start_0:
0x88: {  	s2 =	sld [smem:$0x3FD9]  }
0x89: {  	s3 =	sld [smem:$0x3FFE];
	_ =	sdelay $0x1  }
0x8a: {  	s1 =	srdreg.scid  }
0x8b: {  	s0 =	sand.u32 $0x1, s1  }
0x8c: {  	s17 =	sshll.u32 s0, $0xA;
	s2 =	sadd.s32 s3, s2  }
0x8d: {  	s2 =	sadd.s32 s2, s17  }
0x8e: {  	[smem:$0x3FC1] =	sst s2  }
0x8f: {  	_ = 	snop  }
0x90: {  	s2 =	sld [smem:$0x3FD0];
	(tm) =	ssettm $0x1  }
0x91: {  	s18 =	sld [smem:$0x3FFB];
	_ =	sdelay $0x3  }
0x92: {  	_ =	strace s18  }
0x93: {  	s3 =	sld [smem:$0x3FFC];
	_ =	sdelay $0x3  }
0x94: {  	_ =	strace s3  }
0x95: {  	s3 =	sld [smem:$0x3FFD];
	_ =	sdelay $0x3  }
0x96: {  	_ =	strace s3  }
0x97: {  	_ =	strace $0x8FFFFFFF  }
0x98: {  	s19 =	sld [smem:$0x3FDB];
	_ =	sdelay $0x1  }
0x99: {  	s4 =	simm.s32 $_scs_section_size  }
0x9a: {  	s5 =	simm.s32 $_size__tile_overlayer_lowered;
	s6 =	simm.s32 $_tile_overlayer_lowered  }
0x9b: {  	s22 =	simm.s32 $0x1BFF;
	s21 =	sshll.u32 s6, $0x1;
	s3 =	sadd.s32 s4, s19  }
0x9c: {  	s7 =	simm.s32 $0x0;
	s20 =	sshll.u32 s5, $0x1;
	s5 =	sadd.s32 s21, s3  }
0x9d: {  	[timem:s7], [sflag:s22] =	dma.local [hbm:s5], s20  }
0x9e: {  	_ =	swait.ge [sflag:s22], s20  }
0x9f: {  	s4 =	ssub.s32 $0x0, s20;
	[sflag:s22] =	ssyncset.done $0x0  }
0xa0: {  	[sflag:s22] =	ssyncadd.s32 s4;
	_ =	sdelay $0x1  }
0xa1: {  	s23 =	simm.s32 $0x1B8B  }
0xa2: {  	_ =	swait.ge [sflag:s23], $0x1  }
0xa3: {  	[sflag:s23] =	ssyncset.done $0x0  }
0xa4: {  	s25 =	simm.s32 $0x1B8E;
	s24 =	sld [smem:$0x3FFE];
	[sflag:s23] =	ssyncadd.s32 $0xFFFFFFFF  }
0xa5: {  	s26 =	simm.s32 $execute0_lowered;
	[smem:$0x3FD2] =	sst s25  }
0xa6: {  	s5 =	sshll.u32 s26, $0x1;
	_ =	strace $0x8000005B;
	[dreg:$0x1] =	wrdreg $0xFFFFFFFF  }
0xa7: {  	s28 =	simm.s32 $_size_execute0_lowered;
	s3 =	sadd.s32 s3, s5;
	[dreg:$0x0] =	wrdreg $0x0  }
0xa8: {  	s5 =	sshll.u32 s28, $0x1;
	[dreg:$0x2] =	wrdreg s3  }
0xa9: {  	[dreg:$0x3] =	wrdreg s5  }
0xaa: {  	[dreg:$0x4] =	wrdreg $0xC0  }
0xab: {  	_ =	task [dreg:s7], $0x5FFFF  }
0xac: {  	[dreg:$0x1] =	wrdreg $0xFFFFFFFF  }
0xad: {  	[dreg:$0x0] =	wrdreg $0x60  }
0xae: {  	[dreg:$0x2] =	wrdreg s2  }
0xaf: {  	[dreg:$0x3] =	wrdreg s24  }
0xb0: {  	[dreg:$0x4] =	wrdreg $0x90000  }
0xb1: {  	[dreg:$0x5] =	wrdreg $0x9  }
0xb2: {  	_ =	task.clear_ibuf [dreg:s7], $0x6FFFF;
	_ =	strace $0x9000005B  }
0xb3: {  	s29 =	simm.s32 $0x9;
	_ =	strace $0x8000005D  }
0xb4: {  	_ =	swait.ge [sflag:s29], $0x1  }
0xb5: {  	[sflag:s29] =	ssyncadd.s32 $0xFFFFFFFF  }
0xb6: {  	_ =	strace $0x9000005D  }
0xb7: {  	_ =	sfence  }
0xb8: {  	s30 =	sld [smem:$0x0];
	_ =	sdelay $0x2  }
0xb9: {  	s31 =	sshll.u32 s1, $0xD;
	s1 =	sshrl.u32 s1, $0x2  }
0xba: {  	s3 =	sand.u32 $0x4000, s31;
	s1 =	sadd.s32 s1, s30  }
0xbb: {  	s0 =	sor.u32 s3, s0;
	s1 =	sshll.u32 s1, $0x11  }
0xbc: {  	s0 =	sor.u32 s1, s0  }
0xbd: {  	s0 =	sadd.s32 $0x8F2B, s0  }
0xbe: {  	[sflag:s0] =	ssyncadd.remote.s32 $0x1  }
0xbf: {  	_ =	sfence.sel $0xFFFF  }
0xc0: {  	[dreg:$0x0] =	wrdreg $0xFFFFFFFF;
	(pc) =	sbr.abs _section_cstart, $3  }
0xc1: {  	[dreg:$0x1] =	wrdreg $0xFFFFFFFF  }
0xc2: {  	_ =	task.clear_ibuf [dreg:s7], $0x2FFFF;
	_ =	strace $0x9FFFFFFF  }
0xc3: {  	(tm) =	ssettm $0x7FFFFFFF  }
tec
execute0_lowered:
.L_overlay_start_1:
0x0: {  	(tag) =	ssettag $0x1  }
0x1: {  	s1 =	rddreg [dreg:$0x0]  }
0x2: {  	s2 =	srdreg.scid;
	s7 =	rddreg [dreg:$0x1]  }
0x3: {  	s0 =	stileid.u32;
	s3 =	rddreg [dreg:$0x2];
	s4 =	simm.s32 $0x0  }
0x4: {  	s14 =	simm.s32 $0x80;
	s15 =	simm.s32 $0x5000;
	s16 =	simm.s32 $0x1  }
0x5: {  	s17 =	simm.s32 $0x0;
	s6 =	sand.u32 $0x1, s2;
	s9 =	smul.u32 $0x14000, s0  }
0x6: {  	s26 =	sshll.u32 s0, $0x1;
	[smem:$0x7FF] =	sst s4;
	s28 =	smul.u32 $0x50000, s0  }
0x7: {  	s31 =	sshll.u32 s0, $0x6;
	s2 =	sor.u32 s6, s26;
	s8 =	smul.u32 $0x140000, s6  }
0x8: {  	s6 =	ssub.s32 $0x2, s6;
	s5 =	smul.u32 $0x500, s2;
	s2 =	rddreg [dreg:$0x3]  }
0x9: {  	_ =	strace $0x8000005C;
	s29 =	sshrl.u32 s6, $0x1;
	s30 =	sshrl.u32 s28, $0x2  }
0xa: {  	s8 =	sadd.s32 s9, s8;
	s12 =	ssub.s32 s6, s29;
	s13 =	sadd.s32 s30, s3  }
0xb: {  	s6 =	sor.u32 $0x1C02, s31;
	s10 =	sadd.s32 s5, s7;
	s8 =	sshrl.u32 s8, $0x3  }
0xc: {  	s5 =	sadd.s32 $0x1B800, s7;
	s11 =	sadd.s32 s8, s7;
	s7 =	sadd.s32 $0x11800, s10  }
0xd: {  	s8 =	sadd.s32 $0x7800, s10;
	s10 =	smax.u32 s12, $0x1;
	s12 =	simm.s32 $0x2  }
0xe: {  	s9 =	sadd.s32 $0x1E000, s11;
	s11 =	sshrl.u32 s13, $0x3;
	s13 =	simm.s32 $0x2800  }
.LBB2_1:
0xf: {  	[spmem:s11], [sflag:s6] =	dma.local [hbm:s5], $0x2800  }
0x10: {  	_ =	swait.ge [sflag:s12], $0x2800  }
0x11: {  	[sflag:s12] =	ssyncset.done $0x0  }
0x12: {  	[sflag:s12] =	ssyncadd.s32 $0xFFFFD800  }
0x13: {  	[bflag:$0x0] =	sbarrier.arrive $0xFFFF  }
0x14: {  	[tilespmem:s4], [sflag:$0x2] =	stream.linear.gather [hbm4b:s7+s4], $0x2800, $0x38;
	[tilespmem:$0x1D000] =	vst v63  }
0x15: {  	_ =	swait.ge [sflag:s12], $0x2800  }
0x16: {  	[sflag:s12] =	ssyncset.done $0x0  }
0x17: {  	[sflag:s12] =	ssyncadd.s32 $0xFFFFD800  }
0x18: {  	[tilespmem:s13], [sflag:$0x2] =	stream.linear.gather [hbm4b:s8+s4], $0x2800, $0x38;
	[tilespmem:$0x1D000] =	vst v63  }
0x19: {  	_ =	swait.ge [sflag:s12], $0x2800  }
0x1a: {  	[sflag:s12] =	ssyncset.done $0x0  }
0x1b: {  	s18 =	simm.s32 $0x0;
	[sflag:s12] =	ssyncadd.s32 $0xFFFFD800  }
0x1c: {  	[tilespmem:s15], [sflag:$0x1] =	stream.indirect.gather [hbm4b:s1+s14], $0x80, s18, s14, $0xb8;
	[tilespmem:$0x1D000] =	vst v63  }
0x1d: {  	_ =	swait.ge [sflag:s16], $0x4000  }
0x1e: {  	[sflag:s16] =	ssyncset.done $0x0  }
0x1f: {  	s31 =	simm.s32 $0x2800;
	[sflag:s16] =	ssyncadd.s32 $0xFFFFC000  }
0x20: {  	[spmem:s3] =	stream.indirect.scatter.add.f32 [tilespmem:s15], [sflag:$0x2], $0x80, s31, s14, $0xb8;
	[tilespmem:$0x1D000] =	vst v63  }
0x21: {  	_ =	swait.ge [sflag:s12], $0x4000  }
0x22: {  	s19 =	simm.s32 $0x400;
	s18 =	simm.s32 $0x200;
	[sflag:s12] =	ssyncset.done $0x0  }
.LBB2_2:
0x23: {  	s20 =	sshra.s32 s18, $0x2  }
0x24: {  	[sflag:s12] =	ssyncadd.s32 $0xFFFFC000;
	s18 =	smov.u32 s19;
	s21 =	sadd.s32 $0x200, s19  }
0x25: {  	[tilespmem:s15], [sflag:$0x1] =	stream.indirect.gather [hbm4b:s1+s14], $0x80, s20, s14, $0xb8;
	[tilespmem:$0x1D000] =	vst v63  }
0x26: {  	p0 =	sne.s32 s19, $0x9E00;
	_ =	swait.ge [sflag:s16], $0x4000  }
.Ltmp0:
0x27: {  	[sflag:s16] =	ssyncset.done $0x0;
	(pc) =	sbr.rel @p0 .LBB2_2-.Ltmp0, $4  }
0x28: {  	s19 =	sadd.s32 $0x2800, s20;
	[sflag:s16] =	ssyncadd.s32 $0xFFFFC000  }
0x29: {  	[spmem:s3] =	stream.indirect.scatter.add.f32 [tilespmem:s15], [sflag:$0x2], $0x80, s19, s14, $0xb8;
	[tilespmem:$0x1D000] =	vst v63  }
0x2a: {  	_ =	swait.ge [sflag:s12], $0x4000  }
0x2b: {  	s19 =	smov.u32 s21;
	[sflag:s12] =	ssyncset.done $0x0  }
0x2c: {  	s18 =	sshra.s32 s18, $0x2;
	[sflag:s12] =	ssyncadd.s32 $0xFFFFC000  }
0x2d: {  	[tilespmem:s15], [sflag:$0x1] =	stream.indirect.gather [hbm4b:s1+s14], $0x80, s18, s14, $0xb8;
	[tilespmem:$0x1D000] =	vst v63  }
0x2e: {  	_ =	swait.ge [sflag:s16], $0x4000  }
0x2f: {  	[sflag:s16] =	ssyncset.done $0x0  }
0x30: {  	s18 =	sadd.s32 $0x2800, s18;
	[sflag:s16] =	ssyncadd.s32 $0xFFFFC000  }
0x31: {  	[spmem:s3] =	stream.indirect.scatter.add.f32 [tilespmem:s15], [sflag:$0x2], $0x80, s18, s14, $0xb8;
	[tilespmem:$0x1D000] =	vst v63  }
0x32: {  	_ =	swait.ge [sflag:s12], $0x4000  }
0x33: {  	s17 =	sadd.s32 $0x1, s17;
	[sflag:s12] =	ssyncset.done $0x0  }
0x34: {  	p0 =	sne.s32 s17, s10;
	[sflag:s12] =	ssyncadd.s32 $0xFFFFC000  }
.Ltmp1:
0x35: {  	[bflag:$0x0] =	sbarrier.arrive $0xFFFF;
	(pc) =	sbr.rel @p0 .LBB2_1-.Ltmp1, $4  }
0x36: {  	[hbm:s9], [sflag:s6] =	dma.local [spmem:s11], $0x2800  }
0x37: {  	_ =	swait.ge [sflag:s12], $0x2800  }
0x38: {  	[sflag:s12] =	ssyncset.done $0x0  }
0x39: {  	[sflag:s12] =	ssyncadd.s32 $0xFFFFD800  }
0x3a: {  	_ =	sfence.sel $0x180000  }
0x3b: {  	[bflag:$0x0] =	sbarrier.arrive $0xFFFF  }
0x3c: {  	p0 =	sne.s32 s0, $0x0;
	_ =	strace $0x9000005C  }
0x3d: {  	s0 =	sadd.s32 @!p0 $0x100000, s2;
	[bflag:$0x2] =	sbarrier.arrive $0xFFFF  }
0x3e: {  	[sflag:s0] =	ssyncadd.tile.s32 @!p0 $0x1;
	_ =	shalt  }
.Lfunc_end2:
_tile_overlayer_lowered:
.L_overlay_start_2:
0x3f: {  	(tag) =	ssettag $0x2  }
0x40: {  	s0 =	rddreg [dreg:$0x0];
	s2 =	stileid.u32  }
0x41: {  	s1 =	rddreg [dreg:$0x1];
	p0 =	sne.s32 s2, $0x0  }
0x42: {  	s3 =	rddreg [dreg:$0x2];
	[bflag:$0x3] =	sbarrier.arrive $0xFFFF;
	s2 =	simm.s32 @!p0 $0x1C02  }
0x43: {  	[timem:s3], [sflag:s2] =	dma.local @!p0 [hbm:s0], s1  }
0x44: {  	s0 =	simm.s32 @!p0 $0x2  }
0x45: {  	_ =	swait.ge @!p0 [sflag:s0], s1  }
0x46: {  	s1 =	ssub.s32 @!p0 $0x0, s1;
	[sflag:s0] =	ssyncset.done @!p0 $0x0  }
0x47: {  	[sflag:s0] =	ssyncadd.s32 @!p0 s1  }
0x48: {  	[bflag:$0x3] =	sbarrier.arrive $0xFFFF  }
0x49: {  	_ =	shalt  }

// kernel: kernel.47.cloned.1.call-start
scs
__scs_entry_jumppad:
0x0: {  	(pc) =	sbr.rel $0x88, $3  }
0x1: {  	(tag) =	ssettag $0x0;
	lr =	simm.s32 $0x1  }
0x2: {  	[smem:$0x3F9A] =	sst lr;
	_ =	strace $0xD0000000  }
0x3: {  	_ = 	snop  }
0x4: {  	_ = 	snop  }
0x5: {  	_ = 	snop  }
0x6: {  	_ = 	snop  }
0x7: {  	_ = 	snop  }
__scs_overlays_trampoline_lowered:
0x8: {  	[smem:$0x3FA9] =	sst s0  }
0x9: {  	[smem:$0x3FAA] =	sst s1  }
0xa: {  	[smem:$0x3FAB] =	sst s2  }
0xb: {  	[smem:$0x3FAC] =	sst s3  }
0xc: {  	[smem:$0x3FAD] =	sst s4  }
0xd: {  	[smem:$0x3FAE] =	sst s5  }
0xe: {  	[smem:$0x3FAF] =	sst s6  }
0xf: {  	[smem:$0x3FB0] =	sst s7  }
0x10: {  	[smem:$0x3FB1] =	sst s8  }
0x11: {  	[smem:$0x3FB2] =	sst s9;
	s0 =	simm.s32 @!p0 $0x0  }
0x12: {  	s1 =	sld [smem:$0x3F98];
	s0 =	simm.s32 @p0 $0x1  }
0x13: {  	[smem:$0x3FB3] =	sst s0;
	s0 =	simm.s32 @!p1 $0x0  }
0x14: {  	s2 =	sld [smem:$0x3F97];
	s0 =	simm.s32 @p1 $0x1  }
0x15: {  	[smem:$0x3FB4] =	sst s0;
	s0 =	simm.s32 @!p2 $0x0  }
0x16: {  	s3 =	sld [smem:$0x3FDB];
	s0 =	simm.s32 @p2 $0x1  }
0x17: {  	s4 =	simm.s32 $0x1BF5;
	[smem:$0x3FB6] =	sst s0  }
0x18: {  	s0 =	sld [smem:$0x3F99];
	_ =	swait.ge [sflag:s4], $0x0  }
0x19: {  	s7 =	sld [smem:$0x3F9A]  }
0x1a: {  	s8 =	sadd.s32 $0xFFFFE003, lr  }
0x1b: {  	s9 =	sadd.s32 $0xFFFFFEF7, lr;
	s5 =	simm.s32 $0xFFFFFFFF;
	p2 =	slt.u32 s8, $0xFFFFF086  }
0x1c: {  	p1 =	slt.u32 s9, $0xF7A;
	s5 =	simm.s32 @!p2 $0x0  }
0x1d: {  	s5 =	simm.s32 @p1 $0x1;
	p0 =	seq.s32 s7, s2  }
0x1e: {  	s7 =	smul.u32 @!p0 $0xF7A, s2;
	p2 =	seq.s32 @!p0 s5, $0x0  }
0x1f: {  	s9 =	smul.u32 $0xF7A, s1;
	s8 =	simm.s32 @!p0 $0x1BF5;
	p2 =	por !p2, p0  }
0x20: {  	[sflag:s8] =	ssyncset.s32 @!p0 $0xFFFFF086;
	s6 =	sadd.s32 @!p0 s3, s7;
	s7 =	simm.s32 @!p0 $0x108  }
0x21: {  	s3 =	sadd.s32 s3, s9;
	s6 =	sadd.s32 @!p0 $0x88, s6;
	s7 =	simm.s32 @p2 $0x1082  }
0x22: {  	[simem:s7], [sflag:s8] =	dma.local @!p0 [hbm:s6], $0xF7A  }
0x23: {  	s9 =	sor.u32 $0xD0000000, s2;
	s6 =	simm.s32 $0x108;
	_ =	swait.ge @!p0 [sflag:s8], $0x0  }
0x24: {  	s3 =	sadd.s32 $0x88, s3;
	s6 =	simm.s32 @!p1 $0x1082;
	[sflag:s4] =	ssyncset.s32 $0xFFFFF086  }
0x25: {  	[simem:s6], [sflag:s4] =	dma.local [hbm:s3], $0xF7A  }
0x26: {  	[smem:$0x3F9A] =	sst s1;
	(tag) =	ssettag s2;
	_ =	strace s9  }
0x27: {  	s1 =	sld [smem:$0x3FAA]  }
0x28: {  	s2 =	sld [smem:$0x3FAB]  }
0x29: {  	s4 =	sld [smem:$0x3FAD]  }
0x2a: {  	p0 =	seq.s32 s5, $0x0;
	s5 =	sld [smem:$0x3FAE]  }
0x2b: {  	s6 =	sld [smem:$0x3FAF]  }
0x2c: {  	s7 =	sld [smem:$0x3FB0]  }
0x2d: {  	s3 =	simm.s32 $0x108;
	s8 =	sld [smem:$0x3FB1]  }
0x2e: {  	s3 =	simm.s32 @!p0 $0x1082;
	s9 =	sld [smem:$0x3FB2]  }
0x2f: {  	lr =	sadd.s32 s0, s3;
	s0 =	sld [smem:$0x3FA9]  }
0x30: {  	s3 =	sld [smem:$0x3FAC]  }
0x31: {  	[smem:$0x3FB5] =	sst s10  }
0x32: {  	s10 =	sld [smem:$0x3FB3];
	_ =	sdelay $0x3  }
0x33: {  	p0 =	seq.s32 s10, $0x1;
	s10 =	sld [smem:$0x3FB5];
	_ =	sdelay $0x3  }
0x34: {  	[smem:$0x3FB5] =	sst s10  }
0x35: {  	s10 =	sld [smem:$0x3FB4];
	_ =	sdelay $0x3  }
0x36: {  	p1 =	seq.s32 s10, $0x1;
	s10 =	sld [smem:$0x3FB5];
	_ =	sdelay $0x3  }
0x37: {  	[smem:$0x3FB5] =	sst s10  }
0x38: {  	s10 =	sld [smem:$0x3FB6]  }
0x39: {  	_ = 	snop;
	(pc) =	sbr.ind lr, $3  }
0x3a: {  	_ = 	snop  }
0x3b: {  	_ = 	snop  }
0x3c: {  	p2 =	seq.s32 s10, $0x1;
	s10 =	sld [smem:$0x3FB5]  }
0x3d: {  	_ =	shalt  }
0x3e: {  	_ =	shalt  }
0x3f: {  	_ =	shalt  }
0x40: {  	_ =	shalt  }
0x41: {  	_ =	shalt  }
0x42: {  	_ =	shalt  }
0x43: {  	_ =	shalt  }
0x44: {  	_ =	shalt  }
0x45: {  	_ =	shalt  }
0x46: {  	_ =	shalt  }
0x47: {  	_ =	shalt  }
0x48: {  	_ =	shalt  }
0x49: {  	_ =	shalt  }
0x4a: {  	_ =	shalt  }
0x4b: {  	_ =	shalt  }
0x4c: {  	_ =	shalt  }
0x4d: {  	_ =	shalt  }
0x4e: {  	_ =	shalt  }
0x4f: {  	_ =	shalt  }
0x50: {  	_ =	shalt  }
0x51: {  	_ =	shalt  }
0x52: {  	_ =	shalt  }
0x53: {  	_ =	shalt  }
0x54: {  	_ =	shalt  }
0x55: {  	_ =	shalt  }
0x56: {  	_ =	shalt  }
0x57: {  	_ =	shalt  }
0x58: {  	_ =	shalt  }
0x59: {  	_ =	shalt  }
0x5a: {  	_ =	shalt  }
0x5b: {  	_ =	shalt  }
0x5c: {  	_ =	shalt  }
0x5d: {  	_ =	shalt  }
0x5e: {  	_ =	shalt  }
0x5f: {  	_ =	shalt  }
0x60: {  	_ =	shalt  }
0x61: {  	_ =	shalt  }
0x62: {  	_ =	shalt  }
0x63: {  	_ =	shalt  }
0x64: {  	_ =	shalt  }
0x65: {  	_ =	shalt  }
0x66: {  	_ =	shalt  }
0x67: {  	_ =	shalt  }
0x68: {  	_ =	shalt  }
0x69: {  	_ =	shalt  }
0x6a: {  	_ =	shalt  }
0x6b: {  	_ =	shalt  }
0x6c: {  	_ =	shalt  }
0x6d: {  	_ =	shalt  }
0x6e: {  	_ =	shalt  }
0x6f: {  	_ =	shalt  }
0x70: {  	_ =	shalt  }
0x71: {  	_ =	shalt  }
0x72: {  	_ =	shalt  }
0x73: {  	_ =	shalt  }
0x74: {  	_ =	shalt  }
0x75: {  	_ =	shalt  }
0x76: {  	_ =	shalt  }
0x77: {  	_ =	shalt  }
0x78: {  	_ =	shalt  }
0x79: {  	_ =	shalt  }
0x7a: {  	_ =	shalt  }
0x7b: {  	_ =	shalt  }
0x7c: {  	_ =	shalt  }
0x7d: {  	_ =	shalt  }
0x7e: {  	_ =	shalt  }
0x7f: {  	_ =	shalt  }
0x80: {  	_ =	shalt  }
0x81: {  	_ =	shalt  }
0x82: {  	_ =	shalt  }
0x83: {  	_ =	shalt  }
0x84: {  	_ =	shalt  }
0x85: {  	_ =	shalt  }
0x86: {  	_ =	shalt  }
0x87: {  	_ =	shalt  }
.Lfunc_end0:
.L_simem_size_0:
called_computation.8_lowered:
.L_overlay_start_0:
0x88: {  	s2 =	sld [smem:$0x3FD9]  }
0x89: {  	s3 =	sld [smem:$0x3FFE];
	_ =	sdelay $0x1  }
0x8a: {  	s1 =	srdreg.scid  }
0x8b: {  	s0 =	sand.u32 $0x1, s1  }
0x8c: {  	s17 =	sshll.u32 s0, $0xA;
	s2 =	sadd.s32 s3, s2  }
0x8d: {  	s2 =	sadd.s32 s2, s17  }
0x8e: {  	[smem:$0x3FC1] =	sst s2  }
0x8f: {  	_ = 	snop  }
0x90: {  	s2 =	sld [smem:$0x3FD0];
	(tm) =	ssettm $0x1  }
0x91: {  	s18 =	sld [smem:$0x3FFB];
	_ =	sdelay $0x3  }
0x92: {  	_ =	strace s18  }
0x93: {  	s3 =	sld [smem:$0x3FFC];
	_ =	sdelay $0x3  }
0x94: {  	_ =	strace s3  }
0x95: {  	s3 =	sld [smem:$0x3FFD];
	_ =	sdelay $0x3  }
0x96: {  	_ =	strace s3  }
0x97: {  	_ =	strace $0x8FFFFFFF  }
0x98: {  	s19 =	sld [smem:$0x3FDB];
	_ =	sdelay $0x1  }
0x99: {  	s4 =	simm.s32 $_scs_section_size  }
0x9a: {  	s5 =	simm.s32 $_size__tile_overlayer_lowered;
	s6 =	simm.s32 $_tile_overlayer_lowered  }
0x9b: {  	s22 =	simm.s32 $0x1BFF;
	s21 =	sshll.u32 s6, $0x1;
	s3 =	sadd.s32 s4, s19  }
0x9c: {  	s7 =	simm.s32 $0x0;
	s20 =	sshll.u32 s5, $0x1;
	s5 =	sadd.s32 s21, s3  }
0x9d: {  	[timem:s7], [sflag:s22] =	dma.local [hbm:s5], s20  }
0x9e: {  	_ =	swait.ge [sflag:s22], s20  }
0x9f: {  	s4 =	ssub.s32 $0x0, s20;
	[sflag:s22] =	ssyncset.done $0x0  }
0xa0: {  	[sflag:s22] =	ssyncadd.s32 s4;
	_ =	sdelay $0x1  }
0xa1: {  	s23 =	simm.s32 $0x1B8B  }
0xa2: {  	_ =	swait.ge [sflag:s23], $0x1  }
0xa3: {  	[sflag:s23] =	ssyncset.done $0x0  }
0xa4: {  	s25 =	simm.s32 $0x1B8E;
	s24 =	sld [smem:$0x3FFE];
	[sflag:s23] =	ssyncadd.s32 $0xFFFFFFFF  }
0xa5: {  	s26 =	simm.s32 $execute0_lowered;
	[smem:$0x3FD2] =	sst s25  }
0xa6: {  	s5 =	sshll.u32 s26, $0x1;
	_ =	strace $0x8000005E;
	[dreg:$0x1] =	wrdreg $0xFFFFFFFF  }
0xa7: {  	s28 =	simm.s32 $_size_execute0_lowered;
	s3 =	sadd.s32 s3, s5;
	[dreg:$0x0] =	wrdreg $0x0  }
0xa8: {  	s5 =	sshll.u32 s28, $0x1;
	[dreg:$0x2] =	wrdreg s3  }
0xa9: {  	[dreg:$0x3] =	wrdreg s5  }
0xaa: {  	[dreg:$0x4] =	wrdreg $0xC0  }
0xab: {  	_ =	task [dreg:s7], $0x5FFFF  }
0xac: {  	[dreg:$0x1] =	wrdreg $0xFFFFFFFF  }
0xad: {  	[dreg:$0x0] =	wrdreg $0x60  }
0xae: {  	[dreg:$0x2] =	wrdreg s2  }
0xaf: {  	[dreg:$0x3] =	wrdreg s24  }
0xb0: {  	[dreg:$0x4] =	wrdreg $0x90000  }
0xb1: {  	[dreg:$0x5] =	wrdreg $0x9  }
0xb2: {  	_ =	task.clear_ibuf [dreg:s7], $0x6FFFF;
	_ =	strace $0x9000005E  }
0xb3: {  	s29 =	simm.s32 $0x9;
	_ =	strace $0x80000060  }
0xb4: {  	_ =	swait.ge [sflag:s29], $0x1  }
0xb5: {  	[sflag:s29] =	ssyncadd.s32 $0xFFFFFFFF  }
0xb6: {  	_ =	strace $0x90000060  }
0xb7: {  	_ =	sfence  }
0xb8: {  	s30 =	sld [smem:$0x0];
	_ =	sdelay $0x2  }
0xb9: {  	s31 =	sshll.u32 s1, $0xD;
	s1 =	sshrl.u32 s1, $0x2  }
0xba: {  	s3 =	sand.u32 $0x4000, s31;
	s1 =	sadd.s32 s1, s30  }
0xbb: {  	s0 =	sor.u32 s3, s0;
	s1 =	sshll.u32 s1, $0x11  }
0xbc: {  	s0 =	sor.u32 s1, s0  }
0xbd: {  	s0 =	sadd.s32 $0x8F2B, s0  }
0xbe: {  	[sflag:s0] =	ssyncadd.remote.s32 $0x1  }
0xbf: {  	_ =	sfence.sel $0xFFFF  }
0xc0: {  	[dreg:$0x0] =	wrdreg $0xFFFFFFFF;
	(pc) =	sbr.abs _section_cstart, $3  }
0xc1: {  	[dreg:$0x1] =	wrdreg $0xFFFFFFFF  }
0xc2: {  	_ =	task.clear_ibuf [dreg:s7], $0x2FFFF;
	_ =	strace $0x9FFFFFFF  }
0xc3: {  	(tm) =	ssettm $0x7FFFFFFF  }
tec
execute0_lowered:
.L_overlay_start_1:
0x0: {  	(tag) =	ssettag $0x1  }
0x1: {  	s1 =	rddreg [dreg:$0x0]  }
0x2: {  	s2 =	srdreg.scid;
	s7 =	rddreg [dreg:$0x1]  }
0x3: {  	s0 =	stileid.u32;
	s3 =	rddreg [dreg:$0x2];
	s4 =	simm.s32 $0x0  }
0x4: {  	s14 =	simm.s32 $0x80;
	s15 =	simm.s32 $0x5000;
	s16 =	simm.s32 $0x1  }
0x5: {  	s17 =	simm.s32 $0x0;
	s6 =	sand.u32 $0x1, s2;
	s9 =	smul.u32 $0x14000, s0  }
0x6: {  	s26 =	sshll.u32 s0, $0x1;
	[smem:$0x7FF] =	sst s4;
	s28 =	smul.u32 $0x50000, s0  }
0x7: {  	s31 =	sshll.u32 s0, $0x6;
	s2 =	sor.u32 s6, s26;
	s8 =	smul.u32 $0x140000, s6  }
0x8: {  	s6 =	ssub.s32 $0x2, s6;
	s5 =	smul.u32 $0x500, s2;
	s2 =	rddreg [dreg:$0x3]  }
0x9: {  	_ =	strace $0x8000005F;
	s29 =	sshrl.u32 s6, $0x1;
	s30 =	sshrl.u32 s28, $0x2  }
0xa: {  	s8 =	sadd.s32 s9, s8;
	s12 =	ssub.s32 s6, s29;
	s13 =	sadd.s32 s30, s3  }
0xb: {  	s6 =	sor.u32 $0x1C02, s31;
	s10 =	sadd.s32 s5, s7;
	s8 =	sshrl.u32 s8, $0x3  }
0xc: {  	s5 =	sadd.s32 $0x1B800, s7;
	s11 =	sadd.s32 s8, s7;
	s7 =	sadd.s32 $0x11800, s10  }
0xd: {  	s8 =	sadd.s32 $0x7800, s10;
	s10 =	smax.u32 s12, $0x1;
	s12 =	simm.s32 $0x2  }
0xe: {  	s9 =	sadd.s32 $0x1E000, s11;
	s11 =	sshrl.u32 s13, $0x3;
	s13 =	simm.s32 $0x2800  }
.LBB2_1:
0xf: {  	[spmem:s11], [sflag:s6] =	dma.local [hbm:s5], $0x2800  }
0x10: {  	_ =	swait.ge [sflag:s12], $0x2800  }
0x11: {  	[sflag:s12] =	ssyncset.done $0x0  }
0x12: {  	[sflag:s12] =	ssyncadd.s32 $0xFFFFD800  }
0x13: {  	[bflag:$0x0] =	sbarrier.arrive $0xFFFF  }
0x14: {  	[tilespmem:s4], [sflag:$0x2] =	stream.linear.gather [hbm4b:s7+s4], $0x2800, $0x38;
	[tilespmem:$0x1D000] =	vst v63  }
0x15: {  	_ =	swait.ge [sflag:s12], $0x2800  }
0x16: {  	[sflag:s12] =	ssyncset.done $0x0  }
0x17: {  	[sflag:s12] =	ssyncadd.s32 $0xFFFFD800  }
0x18: {  	[tilespmem:s13], [sflag:$0x2] =	stream.linear.gather [hbm4b:s8+s4], $0x2800, $0x38;
	[tilespmem:$0x1D000] =	vst v63  }
0x19: {  	_ =	swait.ge [sflag:s12], $0x2800  }
0x1a: {  	[sflag:s12] =	ssyncset.done $0x0  }
0x1b: {  	s18 =	simm.s32 $0x0;
	[sflag:s12] =	ssyncadd.s32 $0xFFFFD800  }
0x1c: {  	[tilespmem:s15], [sflag:$0x1] =	stream.indirect.gather [hbm4b:s1+s14], $0x80, s18, s14, $0xb8;
	[tilespmem:$0x1D000] =	vst v63  }
0x1d: {  	_ =	swait.ge [sflag:s16], $0x4000  }
0x1e: {  	[sflag:s16] =	ssyncset.done $0x0  }
0x1f: {  	s31 =	simm.s32 $0x2800;
	[sflag:s16] =	ssyncadd.s32 $0xFFFFC000  }
0x20: {  	[spmem:s3] =	stream.indirect.scatter.add.f32 [tilespmem:s15], [sflag:$0x2], $0x80, s31, s14, $0xb8;
	[tilespmem:$0x1D000] =	vst v63  }
0x21: {  	_ =	swait.ge [sflag:s12], $0x4000  }
0x22: {  	s19 =	simm.s32 $0x400;
	s18 =	simm.s32 $0x200;
	[sflag:s12] =	ssyncset.done $0x0  }
.LBB2_2:
0x23: {  	s20 =	sshra.s32 s18, $0x2  }
0x24: {  	[sflag:s12] =	ssyncadd.s32 $0xFFFFC000;
	s18 =	smov.u32 s19;
	s21 =	sadd.s32 $0x200, s19  }
0x25: {  	[tilespmem:s15], [sflag:$0x1] =	stream.indirect.gather [hbm4b:s1+s14], $0x80, s20, s14, $0xb8;
	[tilespmem:$0x1D000] =	vst v63  }
0x26: {  	p0 =	sne.s32 s19, $0x9E00;
	_ =	swait.ge [sflag:s16], $0x4000  }
.Ltmp0:
0x27: {  	[sflag:s16] =	ssyncset.done $0x0;
	(pc) =	sbr.rel @p0 .LBB2_2-.Ltmp0, $4  }
0x28: {  	s19 =	sadd.s32 $0x2800, s20;
	[sflag:s16] =	ssyncadd.s32 $0xFFFFC000  }
0x29: {  	[spmem:s3] =	stream.indirect.scatter.add.f32 [tilespmem:s15], [sflag:$0x2], $0x80, s19, s14, $0xb8;
	[tilespmem:$0x1D000] =	vst v63  }
0x2a: {  	_ =	swait.ge [sflag:s12], $0x4000  }
0x2b: {  	s19 =	smov.u32 s21;
	[sflag:s12] =	ssyncset.done $0x0  }
0x2c: {  	s18 =	sshra.s32 s18, $0x2;
	[sflag:s12] =	ssyncadd.s32 $0xFFFFC000  }
0x2d: {  	[tilespmem:s15], [sflag:$0x1] =	stream.indirect.gather [hbm4b:s1+s14], $0x80, s18, s14, $0xb8;
	[tilespmem:$0x1D000] =	vst v63  }
0x2e: {  	_ =	swait.ge [sflag:s16], $0x4000  }
0x2f: {  	[sflag:s16] =	ssyncset.done $0x0  }
0x30: {  	s18 =	sadd.s32 $0x2800, s18;
	[sflag:s16] =	ssyncadd.s32 $0xFFFFC000  }
0x31: {  	[spmem:s3] =	stream.indirect.scatter.add.f32 [tilespmem:s15], [sflag:$0x2], $0x80, s18, s14, $0xb8;
	[tilespmem:$0x1D000] =	vst v63  }
0x32: {  	_ =	swait.ge [sflag:s12], $0x4000  }
0x33: {  	s17 =	sadd.s32 $0x1, s17;
	[sflag:s12] =	ssyncset.done $0x0  }
0x34: {  	p0 =	sne.s32 s17, s10;
	[sflag:s12] =	ssyncadd.s32 $0xFFFFC000  }
.Ltmp1:
0x35: {  	[bflag:$0x0] =	sbarrier.arrive $0xFFFF;
	(pc) =	sbr.rel @p0 .LBB2_1-.Ltmp1, $4  }
0x36: {  	[hbm:s9], [sflag:s6] =	dma.local [spmem:s11], $0x2800  }
0x37: {  	_ =	swait.ge [sflag:s12], $0x2800  }
0x38: {  	[sflag:s12] =	ssyncset.done $0x0  }
0x39: {  	[sflag:s12] =	ssyncadd.s32 $0xFFFFD800  }
0x3a: {  	_ =	sfence.sel $0x180000  }
0x3b: {  	[bflag:$0x0] =	sbarrier.arrive $0xFFFF  }
0x3c: {  	p0 =	sne.s32 s0, $0x0;
	_ =	strace $0x9000005F  }
0x3d: {  	s0 =	sadd.s32 @!p0 $0x100000, s2;
	[bflag:$0x2] =	sbarrier.arrive $0xFFFF  }
0x3e: {  	[sflag:s0] =	ssyncadd.tile.s32 @!p0 $0x1;
	_ =	shalt  }
.Lfunc_end2:
_tile_overlayer_lowered:
.L_overlay_start_2:
0x3f: {  	(tag) =	ssettag $0x2  }
0x40: {  	s0 =	rddreg [dreg:$0x0];
	s2 =	stileid.u32  }
0x41: {  	s1 =	rddreg [dreg:$0x1];
	p0 =	sne.s32 s2, $0x0  }
0x42: {  	s3 =	rddreg [dreg:$0x2];
	[bflag:$0x3] =	sbarrier.arrive $0xFFFF;
	s2 =	simm.s32 @!p0 $0x1C02  }
0x43: {  	[timem:s3], [sflag:s2] =	dma.local @!p0 [hbm:s0], s1  }
0x44: {  	s0 =	simm.s32 @!p0 $0x2  }
0x45: {  	_ =	swait.ge @!p0 [sflag:s0], s1  }
0x46: {  	s1 =	ssub.s32 @!p0 $0x0, s1;
	[sflag:s0] =	ssyncset.done @!p0 $0x0  }
0x47: {  	[sflag:s0] =	ssyncadd.s32 @!p0 s1  }
0x48: {  	[bflag:$0x3] =	sbarrier.arrive $0xFFFF  }
0x49: {  	_ =	shalt  }

// kernel: kernel.50.cloned.1.call-start
scs
__scs_entry_jumppad:
0x0: {  	(pc) =	sbr.rel $0x88, $3  }
0x1: {  	(tag) =	ssettag $0x0;
	lr =	simm.s32 $0x1  }
0x2: {  	[smem:$0x3F9A] =	sst lr;
	_ =	strace $0xD0000000  }
0x3: {  	_ = 	snop  }
0x4: {  	_ = 	snop  }
0x5: {  	_ = 	snop  }
0x6: {  	_ = 	snop  }
0x7: {  	_ = 	snop  }
__scs_overlays_trampoline_lowered:
0x8: {  	[smem:$0x3FA9] =	sst s0  }
0x9: {  	[smem:$0x3FAA] =	sst s1  }
0xa: {  	[smem:$0x3FAB] =	sst s2  }
0xb: {  	[smem:$0x3FAC] =	sst s3  }
0xc: {  	[smem:$0x3FAD] =	sst s4  }
0xd: {  	[smem:$0x3FAE] =	sst s5  }
0xe: {  	[smem:$0x3FAF] =	sst s6  }
0xf: {  	[smem:$0x3FB0] =	sst s7  }
0x10: {  	[smem:$0x3FB1] =	sst s8  }
0x11: {  	[smem:$0x3FB2] =	sst s9;
	s0 =	simm.s32 @!p0 $0x0  }
0x12: {  	s1 =	sld [smem:$0x3F98];
	s0 =	simm.s32 @p0 $0x1  }
0x13: {  	[smem:$0x3FB3] =	sst s0;
	s0 =	simm.s32 @!p1 $0x0  }
0x14: {  	s2 =	sld [smem:$0x3F97];
	s0 =	simm.s32 @p1 $0x1  }
0x15: {  	[smem:$0x3FB4] =	sst s0;
	s0 =	simm.s32 @!p2 $0x0  }
0x16: {  	s3 =	sld [smem:$0x3FDB];
	s0 =	simm.s32 @p2 $0x1  }
0x17: {  	s4 =	simm.s32 $0x1BF5;
	[smem:$0x3FB6] =	sst s0  }
0x18: {  	s0 =	sld [smem:$0x3F99];
	_ =	swait.ge [sflag:s4], $0x0  }
0x19: {  	s7 =	sld [smem:$0x3F9A]  }
0x1a: {  	s8 =	sadd.s32 $0xFFFFE003, lr  }
0x1b: {  	s9 =	sadd.s32 $0xFFFFFEF7, lr;
	s5 =	simm.s32 $0xFFFFFFFF;
	p2 =	slt.u32 s8, $0xFFFFF086  }
0x1c: {  	p1 =	slt.u32 s9, $0xF7A;
	s5 =	simm.s32 @!p2 $0x0  }
0x1d: {  	s5 =	simm.s32 @p1 $0x1;
	p0 =	seq.s32 s7, s2  }
0x1e: {  	s7 =	smul.u32 @!p0 $0xF7A, s2;
	p2 =	seq.s32 @!p0 s5, $0x0  }
0x1f: {  	s9 =	smul.u32 $0xF7A, s1;
	s8 =	simm.s32 @!p0 $0x1BF5;
	p2 =	por !p2, p0  }
0x20: {  	[sflag:s8] =	ssyncset.s32 @!p0 $0xFFFFF086;
	s6 =	sadd.s32 @!p0 s3, s7;
	s7 =	simm.s32 @!p0 $0x108  }
0x21: {  	s3 =	sadd.s32 s3, s9;
	s6 =	sadd.s32 @!p0 $0x88, s6;
	s7 =	simm.s32 @p2 $0x1082  }
0x22: {  	[simem:s7], [sflag:s8] =	dma.local @!p0 [hbm:s6], $0xF7A  }
0x23: {  	s9 =	sor.u32 $0xD0000000, s2;
	s6 =	simm.s32 $0x108;
	_ =	swait.ge @!p0 [sflag:s8], $0x0  }
0x24: {  	s3 =	sadd.s32 $0x88, s3;
	s6 =	simm.s32 @!p1 $0x1082;
	[sflag:s4] =	ssyncset.s32 $0xFFFFF086  }
0x25: {  	[simem:s6], [sflag:s4] =	dma.local [hbm:s3], $0xF7A  }
0x26: {  	[smem:$0x3F9A] =	sst s1;
	(tag) =	ssettag s2;
	_ =	strace s9  }
0x27: {  	s1 =	sld [smem:$0x3FAA]  }
0x28: {  	s2 =	sld [smem:$0x3FAB]  }
0x29: {  	s4 =	sld [smem:$0x3FAD]  }
0x2a: {  	p0 =	seq.s32 s5, $0x0;
	s5 =	sld [smem:$0x3FAE]  }
0x2b: {  	s6 =	sld [smem:$0x3FAF]  }
0x2c: {  	s7 =	sld [smem:$0x3FB0]  }
0x2d: {  	s3 =	simm.s32 $0x108;
	s8 =	sld [smem:$0x3FB1]  }
0x2e: {  	s3 =	simm.s32 @!p0 $0x1082;
	s9 =	sld [smem:$0x3FB2]  }
0x2f: {  	lr =	sadd.s32 s0, s3;
	s0 =	sld [smem:$0x3FA9]  }
0x30: {  	s3 =	sld [smem:$0x3FAC]  }
0x31: {  	[smem:$0x3FB5] =	sst s10  }
0x32: {  	s10 =	sld [smem:$0x3FB3];
	_ =	sdelay $0x3  }
0x33: {  	p0 =	seq.s32 s10, $0x1;
	s10 =	sld [smem:$0x3FB5];
	_ =	sdelay $0x3  }
0x34: {  	[smem:$0x3FB5] =	sst s10  }
0x35: {  	s10 =	sld [smem:$0x3FB4];
	_ =	sdelay $0x3  }
0x36: {  	p1 =	seq.s32 s10, $0x1;
	s10 =	sld [smem:$0x3FB5];
	_ =	sdelay $0x3  }
0x37: {  	[smem:$0x3FB5] =	sst s10  }
0x38: {  	s10 =	sld [smem:$0x3FB6]  }
0x39: {  	_ = 	snop;
	(pc) =	sbr.ind lr, $3  }
0x3a: {  	_ = 	snop  }
0x3b: {  	_ = 	snop  }
0x3c: {  	p2 =	seq.s32 s10, $0x1;
	s10 =	sld [smem:$0x3FB5]  }
0x3d: {  	_ =	shalt  }
0x3e: {  	_ =	shalt  }
0x3f: {  	_ =	shalt  }
0x40: {  	_ =	shalt  }
0x41: {  	_ =	shalt  }
0x42: {  	_ =	shalt  }
0x43: {  	_ =	shalt  }
0x44: {  	_ =	shalt  }
0x45: {  	_ =	shalt  }
0x46: {  	_ =	shalt  }
0x47: {  	_ =	shalt  }
0x48: {  	_ =	shalt  }
0x49: {  	_ =	shalt  }
0x4a: {  	_ =	shalt  }
0x4b: {  	_ =	shalt  }
0x4c: {  	_ =	shalt  }
0x4d: {  	_ =	shalt  }
0x4e: {  	_ =	shalt  }
0x4f: {  	_ =	shalt  }
0x50: {  	_ =	shalt  }
0x51: {  	_ =	shalt  }
0x52: {  	_ =	shalt  }
0x53: {  	_ =	shalt  }
0x54: {  	_ =	shalt  }
0x55: {  	_ =	shalt  }
0x56: {  	_ =	shalt  }
0x57: {  	_ =	shalt  }
0x58: {  	_ =	shalt  }
0x59: {  	_ =	shalt  }
0x5a: {  	_ =	shalt  }
0x5b: {  	_ =	shalt  }
0x5c: {  	_ =	shalt  }
0x5d: {  	_ =	shalt  }
0x5e: {  	_ =	shalt  }
0x5f: {  	_ =	shalt  }
0x60: {  	_ =	shalt  }
0x61: {  	_ =	shalt  }
0x62: {  	_ =	shalt  }
0x63: {  	_ =	shalt  }
0x64: {  	_ =	shalt  }
0x65: {  	_ =	shalt  }
0x66: {  	_ =	shalt  }
0x67: {  	_ =	shalt  }
0x68: {  	_ =	shalt  }
0x69: {  	_ =	shalt  }
0x6a: {  	_ =	shalt  }
0x6b: {  	_ =	shalt  }
0x6c: {  	_ =	shalt  }
0x6d: {  	_ =	shalt  }
0x6e: {  	_ =	shalt  }
0x6f: {  	_ =	shalt  }
0x70: {  	_ =	shalt  }
0x71: {  	_ =	shalt  }
0x72: {  	_ =	shalt  }
0x73: {  	_ =	shalt  }
0x74: {  	_ =	shalt  }
0x75: {  	_ =	shalt  }
0x76: {  	_ =	shalt  }
0x77: {  	_ =	shalt  }
0x78: {  	_ =	shalt  }
0x79: {  	_ =	shalt  }
0x7a: {  	_ =	shalt  }
0x7b: {  	_ =	shalt  }
0x7c: {  	_ =	shalt  }
0x7d: {  	_ =	shalt  }
0x7e: {  	_ =	shalt  }
0x7f: {  	_ =	shalt  }
0x80: {  	_ =	shalt  }
0x81: {  	_ =	shalt  }
0x82: {  	_ =	shalt  }
0x83: {  	_ =	shalt  }
0x84: {  	_ =	shalt  }
0x85: {  	_ =	shalt  }
0x86: {  	_ =	shalt  }
0x87: {  	_ =	shalt  }
.Lfunc_end0:
.L_simem_size_0:
called_computation.9_lowered:
.L_overlay_start_0:
0x88: {  	s2 =	sld [smem:$0x3FD9]  }
0x89: {  	s3 =	sld [smem:$0x3FFE];
	_ =	sdelay $0x1  }
0x8a: {  	s1 =	srdreg.scid  }
0x8b: {  	s0 =	sand.u32 $0x1, s1  }
0x8c: {  	s17 =	sshll.u32 s0, $0xA;
	s2 =	sadd.s32 s3, s2  }
0x8d: {  	s2 =	sadd.s32 s2, s17  }
0x8e: {  	[smem:$0x3FC1] =	sst s2  }
0x8f: {  	_ = 	snop  }
0x90: {  	s2 =	sld [smem:$0x3FD0];
	(tm) =	ssettm $0x1  }
0x91: {  	s18 =	sld [smem:$0x3FFB];
	_ =	sdelay $0x3  }
0x92: {  	_ =	strace s18  }
0x93: {  	s3 =	sld [smem:$0x3FFC];
	_ =	sdelay $0x3  }
0x94: {  	_ =	strace s3  }
0x95: {  	s3 =	sld [smem:$0x3FFD];
	_ =	sdelay $0x3  }
0x96: {  	_ =	strace s3  }
0x97: {  	_ =	strace $0x8FFFFFFF  }
0x98: {  	s19 =	sld [smem:$0x3FDB];
	_ =	sdelay $0x1  }
0x99: {  	s4 =	simm.s32 $_scs_section_size  }
0x9a: {  	s5 =	simm.s32 $_size__tile_overlayer_lowered;
	s6 =	simm.s32 $_tile_overlayer_lowered  }
0x9b: {  	s22 =	simm.s32 $0x1BFF;
	s21 =	sshll.u32 s6, $0x1;
	s3 =	sadd.s32 s4, s19  }
0x9c: {  	s7 =	simm.s32 $0x0;
	s20 =	sshll.u32 s5, $0x1;
	s5 =	sadd.s32 s21, s3  }
0x9d: {  	[timem:s7], [sflag:s22] =	dma.local [hbm:s5], s20  }
0x9e: {  	_ =	swait.ge [sflag:s22], s20  }
0x9f: {  	s4 =	ssub.s32 $0x0, s20;
	[sflag:s22] =	ssyncset.done $0x0  }
0xa0: {  	[sflag:s22] =	ssyncadd.s32 s4;
	_ =	sdelay $0x1  }
0xa1: {  	s23 =	simm.s32 $0x1B8B  }
0xa2: {  	_ =	swait.ge [sflag:s23], $0x1  }
0xa3: {  	[sflag:s23] =	ssyncset.done $0x0  }
0xa4: {  	s25 =	simm.s32 $0x1B8E;
	s24 =	sld [smem:$0x3FFE];
	[sflag:s23] =	ssyncadd.s32 $0xFFFFFFFF  }
0xa5: {  	s26 =	simm.s32 $execute0_lowered;
	[smem:$0x3FD2] =	sst s25  }
0xa6: {  	s5 =	sshll.u32 s26, $0x1;
	_ =	strace $0x80000061;
	[dreg:$0x1] =	wrdreg $0xFFFFFFFF  }
0xa7: {  	s28 =	simm.s32 $_size_execute0_lowered;
	s3 =	sadd.s32 s3, s5;
	[dreg:$0x0] =	wrdreg $0x0  }
0xa8: {  	s5 =	sshll.u32 s28, $0x1;
	[dreg:$0x2] =	wrdreg s3  }
0xa9: {  	[dreg:$0x3] =	wrdreg s5  }
0xaa: {  	[dreg:$0x4] =	wrdreg $0xC0  }
0xab: {  	_ =	task [dreg:s7], $0x5FFFF  }
0xac: {  	[dreg:$0x1] =	wrdreg $0xFFFFFFFF  }
0xad: {  	[dreg:$0x0] =	wrdreg $0x60  }
0xae: {  	[dreg:$0x2] =	wrdreg s2  }
0xaf: {  	[dreg:$0x3] =	wrdreg s24  }
0xb0: {  	[dreg:$0x4] =	wrdreg $0x90000  }
0xb1: {  	[dreg:$0x5] =	wrdreg $0x9  }
0xb2: {  	_ =	task.clear_ibuf [dreg:s7], $0x6FFFF;
	_ =	strace $0x90000061  }
0xb3: {  	s29 =	simm.s32 $0x9;
	_ =	strace $0x80000063  }
0xb4: {  	_ =	swait.ge [sflag:s29], $0x1  }
0xb5: {  	[sflag:s29] =	ssyncadd.s32 $0xFFFFFFFF  }
0xb6: {  	_ =	strace $0x90000063  }
0xb7: {  	_ =	sfence  }
0xb8: {  	s30 =	sld [smem:$0x0];
	_ =	sdelay $0x2  }
0xb9: {  	s31 =	sshll.u32 s1, $0xD;
	s1 =	sshrl.u32 s1, $0x2  }
0xba: {  	s3 =	sand.u32 $0x4000, s31;
	s1 =	sadd.s32 s1, s30  }
0xbb: {  	s0 =	sor.u32 s3, s0;
	s1 =	sshll.u32 s1, $0x11  }
0xbc: {  	s0 =	sor.u32 s1, s0  }
0xbd: {  	s0 =	sadd.s32 $0x8F2B, s0  }
0xbe: {  	[sflag:s0] =	ssyncadd.remote.s32 $0x1  }
0xbf: {  	_ =	sfence.sel $0xFFFF  }
0xc0: {  	[dreg:$0x0] =	wrdreg $0xFFFFFFFF;
	(pc) =	sbr.abs _section_cstart, $3  }
0xc1: {  	[dreg:$0x1] =	wrdreg $0xFFFFFFFF  }
0xc2: {  	_ =	task.clear_ibuf [dreg:s7], $0x2FFFF;
	_ =	strace $0x9FFFFFFF  }
0xc3: {  	(tm) =	ssettm $0x7FFFFFFF  }
tec
execute0_lowered:
.L_overlay_start_1:
0x0: {  	(tag) =	ssettag $0x1  }
0x1: {  	s1 =	rddreg [dreg:$0x0]  }
0x2: {  	s2 =	srdreg.scid;
	s7 =	rddreg [dreg:$0x1]  }
0x3: {  	s0 =	stileid.u32;
	s3 =	rddreg [dreg:$0x2];
	s4 =	simm.s32 $0x0  }
0x4: {  	s14 =	simm.s32 $0x80;
	s15 =	simm.s32 $0x5000;
	s16 =	simm.s32 $0x1  }
0x5: {  	s17 =	simm.s32 $0x0;
	s6 =	sand.u32 $0x1, s2;
	s9 =	smul.u32 $0x14000, s0  }
0x6: {  	s26 =	sshll.u32 s0, $0x1;
	[smem:$0x7FF] =	sst s4;
	s28 =	smul.u32 $0x50000, s0  }
0x7: {  	s31 =	sshll.u32 s0, $0x6;
	s2 =	sor.u32 s6, s26;
	s8 =	smul.u32 $0x140000, s6  }
0x8: {  	s6 =	ssub.s32 $0x2, s6;
	s5 =	smul.u32 $0x500, s2;
	s2 =	rddreg [dreg:$0x3]  }
0x9: {  	_ =	strace $0x80000062;
	s29 =	sshrl.u32 s6, $0x1;
	s30 =	sshrl.u32 s28, $0x2  }
0xa: {  	s8 =	sadd.s32 s9, s8;
	s12 =	ssub.s32 s6, s29;
	s13 =	sadd.s32 s30, s3  }
0xb: {  	s6 =	sor.u32 $0x1C02, s31;
	s10 =	sadd.s32 s5, s7;
	s8 =	sshrl.u32 s8, $0x3  }
0xc: {  	s5 =	sadd.s32 $0x1B800, s7;
	s11 =	sadd.s32 s8, s7;
	s7 =	sadd.s32 $0x11800, s10  }
0xd: {  	s8 =	sadd.s32 $0x7800, s10;
	s10 =	smax.u32 s12, $0x1;
	s12 =	simm.s32 $0x2  }
0xe: {  	s9 =	sadd.s32 $0x1E000, s11;
	s11 =	sshrl.u32 s13, $0x3;
	s13 =	simm.s32 $0x2800  }
.LBB2_1:
0xf: {  	[spmem:s11], [sflag:s6] =	dma.local [hbm:s5], $0x2800  }
0x10: {  	_ =	swait.ge [sflag:s12], $0x2800  }
0x11: {  	[sflag:s12] =	ssyncset.done $0x0  }
0x12: {  	[sflag:s12] =	ssyncadd.s32 $0xFFFFD800  }
0x13: {  	[bflag:$0x0] =	sbarrier.arrive $0xFFFF  }
0x14: {  	[tilespmem:s4], [sflag:$0x2] =	stream.linear.gather [hbm4b:s7+s4], $0x2800, $0x38;
	[tilespmem:$0x1D000] =	vst v63  }
0x15: {  	_ =	swait.ge [sflag:s12], $0x2800  }
0x16: {  	[sflag:s12] =	ssyncset.done $0x0  }
0x17: {  	[sflag:s12] =	ssyncadd.s32 $0xFFFFD800  }
0x18: {  	[tilespmem:s13], [sflag:$0x2] =	stream.linear.gather [hbm4b:s8+s4], $0x2800, $0x38;
	[tilespmem:$0x1D000] =	vst v63  }
0x19: {  	_ =	swait.ge [sflag:s12], $0x2800  }
0x1a: {  	[sflag:s12] =	ssyncset.done $0x0  }
0x1b: {  	s18 =	simm.s32 $0x0;
	[sflag:s12] =	ssyncadd.s32 $0xFFFFD800  }
0x1c: {  	[tilespmem:s15], [sflag:$0x1] =	stream.indirect.gather [hbm4b:s1+s14], $0x80, s18, s14, $0xb8;
	[tilespmem:$0x1D000] =	vst v63  }
0x1d: {  	_ =	swait.ge [sflag:s16], $0x4000  }
0x1e: {  	[sflag:s16] =	ssyncset.done $0x0  }
0x1f: {  	s31 =	simm.s32 $0x2800;
	[sflag:s16] =	ssyncadd.s32 $0xFFFFC000  }
0x20: {  	[spmem:s3] =	stream.indirect.scatter.add.f32 [tilespmem:s15], [sflag:$0x2], $0x80, s31, s14, $0xb8;
	[tilespmem:$0x1D000] =	vst v63  }
0x21: {  	_ =	swait.ge [sflag:s12], $0x4000  }
0x22: {  	s19 =	simm.s32 $0x400;
	s18 =	simm.s32 $0x200;
	[sflag:s12] =	ssyncset.done $0x0  }
.LBB2_2:
0x23: {  	s20 =	sshra.s32 s18, $0x2  }
0x24: {  	[sflag:s12] =	ssyncadd.s32 $0xFFFFC000;
	s18 =	smov.u32 s19;
	s21 =	sadd.s32 $0x200, s19  }
0x25: {  	[tilespmem:s15], [sflag:$0x1] =	stream.indirect.gather [hbm4b:s1+s14], $0x80, s20, s14, $0xb8;
	[tilespmem:$0x1D000] =	vst v63  }
0x26: {  	p0 =	sne.s32 s19, $0x9E00;
	_ =	swait.ge [sflag:s16], $0x4000  }
.Ltmp0:
0x27: {  	[sflag:s16] =	ssyncset.done $0x0;
	(pc) =	sbr.rel @p0 .LBB2_2-.Ltmp0, $4  }
0x28: {  	s19 =	sadd.s32 $0x2800, s20;
	[sflag:s16] =	ssyncadd.s32 $0xFFFFC000  }
0x29: {  	[spmem:s3] =	stream.indirect.scatter.add.f32 [tilespmem:s15], [sflag:$0x2], $0x80, s19, s14, $0xb8;
	[tilespmem:$0x1D000] =	vst v63  }
0x2a: {  	_ =	swait.ge [sflag:s12], $0x4000  }
0x2b: {  	s19 =	smov.u32 s21;
	[sflag:s12] =	ssyncset.done $0x0  }
0x2c: {  	s18 =	sshra.s32 s18, $0x2;
	[sflag:s12] =	ssyncadd.s32 $0xFFFFC000  }
0x2d: {  	[tilespmem:s15], [sflag:$0x1] =	stream.indirect.gather [hbm4b:s1+s14], $0x80, s18, s14, $0xb8;
	[tilespmem:$0x1D000] =	vst v63  }
0x2e: {  	_ =	swait.ge [sflag:s16], $0x4000  }
0x2f: {  	[sflag:s16] =	ssyncset.done $0x0  }
0x30: {  	s18 =	sadd.s32 $0x2800, s18;
	[sflag:s16] =	ssyncadd.s32 $0xFFFFC000  }
0x31: {  	[spmem:s3] =	stream.indirect.scatter.add.f32 [tilespmem:s15], [sflag:$0x2], $0x80, s18, s14, $0xb8;
	[tilespmem:$0x1D000] =	vst v63  }
0x32: {  	_ =	swait.ge [sflag:s12], $0x4000  }
0x33: {  	s17 =	sadd.s32 $0x1, s17;
	[sflag:s12] =	ssyncset.done $0x0  }
0x34: {  	p0 =	sne.s32 s17, s10;
	[sflag:s12] =	ssyncadd.s32 $0xFFFFC000  }
.Ltmp1:
0x35: {  	[bflag:$0x0] =	sbarrier.arrive $0xFFFF;
	(pc) =	sbr.rel @p0 .LBB2_1-.Ltmp1, $4  }
0x36: {  	[hbm:s9], [sflag:s6] =	dma.local [spmem:s11], $0x2800  }
0x37: {  	_ =	swait.ge [sflag:s12], $0x2800  }
0x38: {  	[sflag:s12] =	ssyncset.done $0x0  }
0x39: {  	[sflag:s12] =	ssyncadd.s32 $0xFFFFD800  }
0x3a: {  	_ =	sfence.sel $0x180000  }
0x3b: {  	[bflag:$0x0] =	sbarrier.arrive $0xFFFF  }
0x3c: {  	p0 =	sne.s32 s0, $0x0;
	_ =	strace $0x90000062  }
0x3d: {  	s0 =	sadd.s32 @!p0 $0x100000, s2;
	[bflag:$0x2] =	sbarrier.arrive $0xFFFF  }
0x3e: {  	[sflag:s0] =	ssyncadd.tile.s32 @!p0 $0x1;
	_ =	shalt  }
.Lfunc_end2:
_tile_overlayer_lowered:
.L_overlay_start_2:
0x3f: {  	(tag) =	ssettag $0x2  }
0x40: {  	s0 =	rddreg [dreg:$0x0];
	s2 =	stileid.u32  }
0x41: {  	s1 =	rddreg [dreg:$0x1];
	p0 =	sne.s32 s2, $0x0  }
0x42: {  	s3 =	rddreg [dreg:$0x2];
	[bflag:$0x3] =	sbarrier.arrive $0xFFFF;
	s2 =	simm.s32 @!p0 $0x1C02  }
0x43: {  	[timem:s3], [sflag:s2] =	dma.local @!p0 [hbm:s0], s1  }
0x44: {  	s0 =	simm.s32 @!p0 $0x2  }
0x45: {  	_ =	swait.ge @!p0 [sflag:s0], s1  }
0x46: {  	s1 =	ssub.s32 @!p0 $0x0, s1;
	[sflag:s0] =	ssyncset.done @!p0 $0x0  }
0x47: {  	[sflag:s0] =	ssyncadd.s32 @!p0 s1  }
0x48: {  	[bflag:$0x3] =	sbarrier.arrive $0xFFFF  }
0x49: {  	_ =	shalt  }

</sc_bundles>
